<compile_context>
chip_gen: v7x
topology: tpu7x:2x2x1
jax: 0.10.2.dev20260603
libtpu: 0.0.44.dev20260713+nightly
codegen_flags: <defaults>
</compile_context>

<pallas_src>
import functools

import jax
import jax.numpy as jnp
from jax import lax
from jax.experimental import pallas as pl
from jax.experimental.pallas import tpu as pltpu
from jax.experimental.pallas import tpu_sc as plsc

_MU = 0.02
_NBINS = 10
_ALPHA = 0.75
_N = 8388608
_COLS = 128
_ROWS = _N // _COLS

_SC_ROWS = 8192
_TC_ROWS = _ROWS - _SC_ROWS

_BLK = 4096
_CH = 8
_UNROLL = 16
_NCH = _BLK // (_CH * _UNROLL)

_NW = 32
_L = 16
_SC_N = _SC_ROWS * _COLS
_PER_W = _SC_N // _NW
_SC_CHUNK = 16384
_SC_NCHUNK = max(1, _PER_W // _SC_CHUNK)
_SC_U = 16



def _tc_body(p_ref, t_ref, out_ref, acc_ref):
    step = pl.program_id(0)

    @pl.when(step == 0)
    def _init():
        for k in range(2 * _NBINS + 1):
            acc_ref[k] = jnp.float32(0.0)

    zero = jnp.zeros((_CH, _COLS), jnp.float32)

    def chunk(i, carry):
        cnt, s, ov = carry
        cnt = list(cnt)
        s = list(s)
        for u in range(_UNROLL):
            base = (i * _UNROLL + u) * _CH
            p = p_ref[pl.ds(base, _CH), :]
            t = t_ref[pl.ds(base, _CH), :]
            d = jnp.abs(p - t)
            loss = jnp.where(d < _MU, (0.5 / _MU) * d * d, d - 0.5 * _MU)
            g = jnp.abs(jnp.tanh(p) - jnp.tanh(t))
            bf = jnp.trunc(g * _NBINS)
            for k in range(_NBINS - 1):
                m = bf == jnp.float32(k)
                cnt[k] = cnt[k] + jnp.where(m, 1.0, 0.0)
                s[k] = s[k] + jnp.where(m, loss, 0.0)
            m9 = bf >= jnp.float32(_NBINS - 1)
            cnt[9] = cnt[9] + jnp.where(m9, 1.0, 0.0)
            s[9] = s[9] + jnp.where(m9, loss, 0.0)
            ov = ov + jnp.where(bf >= jnp.float32(_NBINS), 1.0, 0.0)
        return tuple(cnt), tuple(s), ov

    init = (tuple(zero for _ in range(_NBINS)),
            tuple(zero for _ in range(_NBINS)), zero)
    cnt, s, ov = lax.fori_loop(0, _NCH, chunk, init)

    for k in range(_NBINS):
        acc_ref[k] += jnp.sum(cnt[k])
        acc_ref[_NBINS + k] += jnp.sum(s[k])
    acc_ref[2 * _NBINS] += jnp.sum(ov)

    @pl.when(step == pl.num_programs(0) - 1)
    def _finish():
        for k in range(2 * _NBINS + 1):
            out_ref[k] = acc_ref[k]


def _tc_partials(p2, t2):
    grid = _TC_ROWS // _BLK
    return pl.pallas_call(
        _tc_body,
        grid=(grid,),
        in_specs=[
            pl.BlockSpec((_BLK, _COLS), lambda i: (i, 0)),
            pl.BlockSpec((_BLK, _COLS), lambda i: (i, 0)),
        ],
        out_specs=pl.BlockSpec(memory_space=pltpu.SMEM),
        out_shape=jax.ShapeDtypeStruct((2 * _NBINS + 1,), jnp.float32),
        scratch_shapes=[pltpu.SMEM((2 * _NBINS + 1,), jnp.float32)],
    )(p2, t2)



def _sc_tec_body(p_hbm, t_hbm, out_hbm, pb0, tb0, pb1, tb1, acc, sem0, sem1):
    c = lax.axis_index("c")
    s = lax.axis_index("s")
    wid = s * 2 + c
    base = wid * _PER_W

    for r in range(2 * _NBINS):
        acc[pl.ds(r * _L, _L)] = jnp.zeros((_L,), jnp.float32)
    lane = lax.iota(jnp.int32, _L)
    ones = jnp.ones((_L,), jnp.float32)

    pbufs = (pb0, pb1)
    tbufs = (tb0, tb1)
    sems = (sem0, sem1)

    def issue(ci, b):
        off = base + ci * _SC_CHUNK
        hp = pltpu.async_copy(p_hbm.at[pl.ds(off, _SC_CHUNK)], pbufs[b], sems[b])
        ht = pltpu.async_copy(t_hbm.at[pl.ds(off, _SC_CHUNK)], tbufs[b], sems[b])
        return hp, ht

    def process(pb, tb):
        def it(j, carry):
            for u in range(_SC_U):
                off = (j * _SC_U + u) * _L
                p = pb[pl.ds(off, _L)]
                t = tb[pl.ds(off, _L)]
                d = jnp.abs(p - t)
                loss = jnp.where(d < _MU, (0.5 / _MU) * d * d, d - 0.5 * _MU)
                u = jnp.exp(jnp.minimum(p + p, 60.0))
                v = jnp.exp(jnp.minimum(t + t, 60.0))
                gs = jnp.abs((2.0 * _NBINS) * (u - v)) / ((u + 1.0) * (v + 1.0))
                bf = gs.astype(jnp.int32)
                bl = jnp.minimum(bf, _NBINS - 1)
                flat = bl * _L + lane
                plsc.addupdate_scatter(acc, [flat + _NBINS * _L], loss)
                plsc.addupdate_scatter(acc, [flat], ones,
                                       mask=bf < _NBINS)
            return carry
        lax.fori_loop(0, _SC_CHUNK // (_L * _SC_U), it, 0)

    h = issue(0, 0)
    for ci in range(_SC_NCHUNK):
        b = ci % 2
        hp, ht = h
        hp.wait()
        ht.wait()
        if ci + 1 < _SC_NCHUNK:
            h = issue(ci + 1, (ci + 1) % 2)
        process(pbufs[b], tbufs[b])

    pltpu.sync_copy(acc, out_hbm.at[wid])


def _sc_partials(p_flat, t_flat):
    mesh = plsc.VectorSubcoreMesh(core_axis_name="c", subcore_axis_name="s")
    k = functools.partial(
        pl.kernel,
        mesh=mesh,
        out_type=jax.ShapeDtypeStruct((_NW, 2 * _NBINS * _L), jnp.float32),
        scratch_types=[
            pltpu.VMEM((_SC_CHUNK,), jnp.float32),
            pltpu.VMEM((_SC_CHUNK,), jnp.float32),
            pltpu.VMEM((_SC_CHUNK,), jnp.float32),
            pltpu.VMEM((_SC_CHUNK,), jnp.float32),
            pltpu.VMEM((2 * _NBINS * _L,), jnp.float32),
            pltpu.SemaphoreType.DMA,
            pltpu.SemaphoreType.DMA,
        ],
        compiler_params=pltpu.CompilerParams(needs_layout_passes=False),
    )(_sc_tec_body)
    return k(p_flat, t_flat)



def kernel(pred, target):
    cnt = jnp.zeros((_NBINS,), jnp.float32)
    ssum = jnp.zeros((_NBINS,), jnp.float32)

    if _SC_ROWS > 0:
        sc_out = _sc_partials(pred[_N - _SC_N:], target[_N - _SC_N:])

    if _TC_ROWS > 0:
        ntc = _TC_ROWS * _COLS
        tc = _tc_partials(pred[:ntc].reshape(_TC_ROWS, _COLS),
                          target[:ntc].reshape(_TC_ROWS, _COLS))
        tc_cnt = tc[:_NBINS]
        tc_cnt = tc_cnt.at[_NBINS - 1].add(-tc[2 * _NBINS])
        cnt = cnt + tc_cnt
        ssum = ssum + tc[_NBINS:2 * _NBINS]

    if _SC_ROWS > 0:
        sc = sc_out
        sc = sc.reshape(_NW, 2 * _NBINS, _L)
        cnt = cnt + jnp.sum(sc[:, :_NBINS, :], axis=(0, 2))
        ssum = ssum + jnp.sum(sc[:, _NBINS:, :], axis=(0, 2))

    w = jnp.maximum(cnt, 1.0) ** (-_ALPHA)
    return jnp.sum(w * ssum) / _N

# --- scband reference (transcript-rebuilt; emitter-appended) ---
"""Pipeline reference for scband-ghmrloss-16183436771679 (READ-ONLY COPY).

The authoritative reference and input builder live on the scoring server;
editing this copy changes nothing except your own understanding.
"""

import jax, jax.numpy as jnp
import numpy as np

MU = 0.02
BINS = 10
ALPHA = 0.75
N = 8388608


def setup_inputs(seed: int = 0) -> dict:
    key = jax.random.key(seed)
    k1, k2 = jax.random.split(key)
    pred = jax.random.normal(k1, (N,), dtype=jnp.float32)
    target = jax.random.normal(k2, (N,), dtype=jnp.float32)
    return {"pred": pred, "target": target}


def reference(pred, target):
    edges = jnp.arange(0, BINS + 1, dtype=jnp.float32) / BINS
    # smooth-L1-like regression loss (ASL1 from GHM paper)
    diff = jnp.abs(pred - target)
    loss = jnp.where(diff < MU, 0.5 * diff * diff / MU, diff - 0.5 * MU)
    # gradient norm proxy
    g = jnp.abs(jnp.tanh(pred) - jnp.tanh(target))
    g_norm = jnp.abs(g)
    # histogram over gradient-norm bins (faithful to the per-bin loop:
    # samples with g_norm >= 1.0 fall in no bin, matching the torch code)
    tot = jnp.stack([
        jnp.sum(((g_norm >= edges[i]) & (g_norm < edges[i + 1])).astype(jnp.float32))
        for i in range(BINS)
    ])
    tot = jnp.clip(tot, 1.0, None)
    w = tot ** (-ALPHA)
    bin_idx = jnp.clip(jnp.floor(g * BINS).astype(jnp.int32), 0, BINS - 1)
    sample_weights = jnp.take(w, bin_idx)
    weighted_loss = loss * sample_weights
    return jnp.mean(weighted_loss)

if __name__ == "__main__":
    import jax
    _d = setup_inputs()
    print(jax.jit(kernel)(*tuple(_d.values())))

</pallas_src>

<mosaic_0001>
#map = affine_map<(d0, d1) -> (0)>
#map1 = affine_map<(d0, d1) -> (0, 0)>
module attributes {stable_mosaic.version = 14 : i64} {
  func.func @_sc_tec_body(%arg0: i32, %arg1: i32, %arg2: memref<1048576xf32, #tpu.memory_space<hbm>>, %arg3: memref<1048576xf32, #tpu.memory_space<hbm>>, %arg4: memref<32x320xf32, #tpu.memory_space<hbm>>, %arg5: memref<16384xf32, #tpu.memory_space<vmem>>, %arg6: memref<16384xf32, #tpu.memory_space<vmem>>, %arg7: memref<16384xf32, #tpu.memory_space<vmem>>, %arg8: memref<16384xf32, #tpu.memory_space<vmem>>, %arg9: memref<320xf32, #tpu.memory_space<vmem>>, %arg10: memref<!tpu.dma_semaphore, #tpu.memory_space<semaphore_mem>>, %arg11: memref<!tpu.dma_semaphore, #tpu.memory_space<semaphore_mem>>) attributes {dimension_semantics = [#tpu.dimension_semantics<core_parallel>, #tpu.dimension_semantics<subcore_parallel>], iteration_bounds = array<i64: 2, 16>, scalar_prefetch = 0 : i64, scratch_operands = 7 : i64, tpu.core_type = #tpu.core_type<sc_vector_subcore>, window_params = [{transform_indices = #map}, {transform_indices = #map}, {transform_indices = #map1}]} {
    %mul3A = arith.constant 2 : i32
    %mul3A_0 = arith.muli %arg1, %mul3A : i32
    %add3A = arith.addi %mul3A_0, %arg0 : i32
    %mul3A_1 = arith.constant 32768 : i32
    %mul3A_2 = arith.muli %add3A, %mul3A_1 : i32
    %broadcast_in_dim3A = arith.constant 0.000000e+00 : f32
    %broadcast_in_dim3A_3 = vector.broadcast %broadcast_in_dim3A : f32 to vector<16xf32>
    %swap3A = arith.constant 0 : index
    %swap3A_4 = tpu.vector_load %arg9[%swap3A] {strides = array<i32>} : memref<320xf32, #tpu.memory_space<vmem>>, vector<16xf32>,
    tpu.vector_store %arg9[%swap3A], %broadcast_in_dim3A_3 {strides = array<i32>} : memref<320xf32, #tpu.memory_space<vmem>>, vector<16xf32>,
    %broadcast_in_dim3A_5 = arith.constant 0.000000e+00 : f32
    %broadcast_in_dim3A_6 = vector.broadcast %broadcast_in_dim3A_5 : f32 to vector<16xf32>
    %swap3A_7 = arith.constant 16 : index
    %swap3A_8 = tpu.vector_load %arg9[%swap3A_7] {strides = array<i32>} : memref<320xf32, #tpu.memory_space<vmem>>, vector<16xf32>,
    tpu.vector_store %arg9[%swap3A_7], %broadcast_in_dim3A_6 {strides = array<i32>} : memref<320xf32, #tpu.memory_space<vmem>>, vector<16xf32>,
    %broadcast_in_dim3A_9 = arith.constant 0.000000e+00 : f32
    %broadcast_in_dim3A_10 = vector.broadcast %broadcast_in_dim3A_9 : f32 to vector<16xf32>
    %swap3A_11 = arith.constant 32 : index
    %swap3A_12 = tpu.vector_load %arg9[%swap3A_11] {strides = array<i32>} : memref<320xf32, #tpu.memory_space<vmem>>, vector<16xf32>,
    tpu.vector_store %arg9[%swap3A_11], %broadcast_in_dim3A_10 {strides = array<i32>} : memref<320xf32, #tpu.memory_space<vmem>>, vector<16xf32>,
    %broadcast_in_dim3A_13 = arith.constant 0.000000e+00 : f32
    %broadcast_in_dim3A_14 = vector.broadcast %broadcast_in_dim3A_13 : f32 to vector<16xf32>
    %swap3A_15 = arith.constant 48 : index
    %swap3A_16 = tpu.vector_load %arg9[%swap3A_15] {strides = array<i32>} : memref<320xf32, #tpu.memory_space<vmem>>, vector<16xf32>,
    tpu.vector_store %arg9[%swap3A_15], %broadcast_in_dim3A_14 {strides = array<i32>} : memref<320xf32, #tpu.memory_space<vmem>>, vector<16xf32>,
    %broadcast_in_dim3A_17 = arith.constant 0.000000e+00 : f32
    %broadcast_in_dim3A_18 = vector.broadcast %broadcast_in_dim3A_17 : f32 to vector<16xf32>
    %swap3A_19 = arith.constant 64 : index
    %swap3A_20 = tpu.vector_load %arg9[%swap3A_19] {strides = array<i32>} : memref<320xf32, #tpu.memory_space<vmem>>, vector<16xf32>,
    tpu.vector_store %arg9[%swap3A_19], %broadcast_in_dim3A_18 {strides = array<i32>} : memref<320xf32, #tpu.memory_space<vmem>>, vector<16xf32>,
    %broadcast_in_dim3A_21 = arith.constant 0.000000e+00 : f32
    %broadcast_in_dim3A_22 = vector.broadcast %broadcast_in_dim3A_21 : f32 to vector<16xf32>
    %swap3A_23 = arith.constant 80 : index
    %swap3A_24 = tpu.vector_load %arg9[%swap3A_23] {strides = array<i32>} : memref<320xf32, #tpu.memory_space<vmem>>, vector<16xf32>,
    tpu.vector_store %arg9[%swap3A_23], %broadcast_in_dim3A_22 {strides = array<i32>} : memref<320xf32, #tpu.memory_space<vmem>>, vector<16xf32>,
    %broadcast_in_dim3A_25 = arith.constant 0.000000e+00 : f32
    %broadcast_in_dim3A_26 = vector.broadcast %broadcast_in_dim3A_25 : f32 to vector<16xf32>
    %swap3A_27 = arith.constant 96 : index
    %swap3A_28 = tpu.vector_load %arg9[%swap3A_27] {strides = array<i32>} : memref<320xf32, #tpu.memory_space<vmem>>, vector<16xf32>,
    tpu.vector_store %arg9[%swap3A_27], %broadcast_in_dim3A_26 {strides = array<i32>} : memref<320xf32, #tpu.memory_space<vmem>>, vector<16xf32>,
    %broadcast_in_dim3A_29 = arith.constant 0.000000e+00 : f32
    %broadcast_in_dim3A_30 = vector.broadcast %broadcast_in_dim3A_29 : f32 to vector<16xf32>
    %swap3A_31 = arith.constant 112 : index
    %swap3A_32 = tpu.vector_load %arg9[%swap3A_31] {strides = array<i32>} : memref<320xf32, #tpu.memory_space<vmem>>, vector<16xf32>,
    tpu.vector_store %arg9[%swap3A_31], %broadcast_in_dim3A_30 {strides = array<i32>} : memref<320xf32, #tpu.memory_space<vmem>>, vector<16xf32>,
    %broadcast_in_dim3A_33 = arith.constant 0.000000e+00 : f32
    %broadcast_in_dim3A_34 = vector.broadcast %broadcast_in_dim3A_33 : f32 to vector<16xf32>
    %swap3A_35 = arith.constant 128 : index
    %swap3A_36 = tpu.vector_load %arg9[%swap3A_35] {strides = array<i32>} : memref<320xf32, #tpu.memory_space<vmem>>, vector<16xf32>,
    tpu.vector_store %arg9[%swap3A_35], %broadcast_in_dim3A_34 {strides = array<i32>} : memref<320xf32, #tpu.memory_space<vmem>>, vector<16xf32>,
    %broadcast_in_dim3A_37 = arith.constant 0.000000e+00 : f32
    %broadcast_in_dim3A_38 = vector.broadcast %broadcast_in_dim3A_37 : f32 to vector<16xf32>
    %swap3A_39 = arith.constant 144 : index
    %swap3A_40 = tpu.vector_load %arg9[%swap3A_39] {strides = array<i32>} : memref<320xf32, #tpu.memory_space<vmem>>, vector<16xf32>,
    tpu.vector_store %arg9[%swap3A_39], %broadcast_in_dim3A_38 {strides = array<i32>} : memref<320xf32, #tpu.memory_space<vmem>>, vector<16xf32>,
    %broadcast_in_dim3A_41 = arith.constant 0.000000e+00 : f32
    %broadcast_in_dim3A_42 = vector.broadcast %broadcast_in_dim3A_41 : f32 to vector<16xf32>
    %swap3A_43 = arith.constant 160 : index
    %swap3A_44 = tpu.vector_load %arg9[%swap3A_43] {strides = array<i32>} : memref<320xf32, #tpu.memory_space<vmem>>, vector<16xf32>,
    tpu.vector_store %arg9[%swap3A_43], %broadcast_in_dim3A_42 {strides = array<i32>} : memref<320xf32, #tpu.memory_space<vmem>>, vector<16xf32>,
    %broadcast_in_dim3A_45 = arith.constant 0.000000e+00 : f32
    %broadcast_in_dim3A_46 = vector.broadcast %broadcast_in_dim3A_45 : f32 to vector<16xf32>
    %swap3A_47 = arith.constant 176 : index
    %swap3A_48 = tpu.vector_load %arg9[%swap3A_47] {strides = array<i32>} : memref<320xf32, #tpu.memory_space<vmem>>, vector<16xf32>,
    tpu.vector_store %arg9[%swap3A_47], %broadcast_in_dim3A_46 {strides = array<i32>} : memref<320xf32, #tpu.memory_space<vmem>>, vector<16xf32>,
    %broadcast_in_dim3A_49 = arith.constant 0.000000e+00 : f32
    %broadcast_in_dim3A_50 = vector.broadcast %broadcast_in_dim3A_49 : f32 to vector<16xf32>
    %swap3A_51 = arith.constant 192 : index
    %swap3A_52 = tpu.vector_load %arg9[%swap3A_51] {strides = array<i32>} : memref<320xf32, #tpu.memory_space<vmem>>, vector<16xf32>,
    tpu.vector_store %arg9[%swap3A_51], %broadcast_in_dim3A_50 {strides = array<i32>} : memref<320xf32, #tpu.memory_space<vmem>>, vector<16xf32>,
    %broadcast_in_dim3A_53 = arith.constant 0.000000e+00 : f32
    %broadcast_in_dim3A_54 = vector.broadcast %broadcast_in_dim3A_53 : f32 to vector<16xf32>
    %swap3A_55 = arith.constant 208 : index
    %swap3A_56 = tpu.vector_load %arg9[%swap3A_55] {strides = array<i32>} : memref<320xf32, #tpu.memory_space<vmem>>, vector<16xf32>,
    tpu.vector_store %arg9[%swap3A_55], %broadcast_in_dim3A_54 {strides = array<i32>} : memref<320xf32, #tpu.memory_space<vmem>>, vector<16xf32>,
    %broadcast_in_dim3A_57 = arith.constant 0.000000e+00 : f32
    %broadcast_in_dim3A_58 = vector.broadcast %broadcast_in_dim3A_57 : f32 to vector<16xf32>
    %swap3A_59 = arith.constant 224 : index
    %swap3A_60 = tpu.vector_load %arg9[%swap3A_59] {strides = array<i32>} : memref<320xf32, #tpu.memory_space<vmem>>, vector<16xf32>,
    tpu.vector_store %arg9[%swap3A_59], %broadcast_in_dim3A_58 {strides = array<i32>} : memref<320xf32, #tpu.memory_space<vmem>>, vector<16xf32>,
    %broadcast_in_dim3A_61 = arith.constant 0.000000e+00 : f32
    %broadcast_in_dim3A_62 = vector.broadcast %broadcast_in_dim3A_61 : f32 to vector<16xf32>
    %swap3A_63 = arith.constant 240 : index
    %swap3A_64 = tpu.vector_load %arg9[%swap3A_63] {strides = array<i32>} : memref<320xf32, #tpu.memory_space<vmem>>, vector<16xf32>,
    tpu.vector_store %arg9[%swap3A_63], %broadcast_in_dim3A_62 {strides = array<i32>} : memref<320xf32, #tpu.memory_space<vmem>>, vector<16xf32>,
    %broadcast_in_dim3A_65 = arith.constant 0.000000e+00 : f32
    %broadcast_in_dim3A_66 = vector.broadcast %broadcast_in_dim3A_65 : f32 to vector<16xf32>
    %swap3A_67 = arith.constant 256 : index
    %swap3A_68 = tpu.vector_load %arg9[%swap3A_67] {strides = array<i32>} : memref<320xf32, #tpu.memory_space<vmem>>, vector<16xf32>,
    tpu.vector_store %arg9[%swap3A_67], %broadcast_in_dim3A_66 {strides = array<i32>} : memref<320xf32, #tpu.memory_space<vmem>>, vector<16xf32>,
    %broadcast_in_dim3A_69 = arith.constant 0.000000e+00 : f32
    %broadcast_in_dim3A_70 = vector.broadcast %broadcast_in_dim3A_69 : f32 to vector<16xf32>
    %swap3A_71 = arith.constant 272 : index
    %swap3A_72 = tpu.vector_load %arg9[%swap3A_71] {strides = array<i32>} : memref<320xf32, #tpu.memory_space<vmem>>, vector<16xf32>,
    tpu.vector_store %arg9[%swap3A_71], %broadcast_in_dim3A_70 {strides = array<i32>} : memref<320xf32, #tpu.memory_space<vmem>>, vector<16xf32>,
    %broadcast_in_dim3A_73 = arith.constant 0.000000e+00 : f32
    %broadcast_in_dim3A_74 = vector.broadcast %broadcast_in_dim3A_73 : f32 to vector<16xf32>
    %swap3A_75 = arith.constant 288 : index
    %swap3A_76 = tpu.vector_load %arg9[%swap3A_75] {strides = array<i32>} : memref<320xf32, #tpu.memory_space<vmem>>, vector<16xf32>,
    tpu.vector_store %arg9[%swap3A_75], %broadcast_in_dim3A_74 {strides = array<i32>} : memref<320xf32, #tpu.memory_space<vmem>>, vector<16xf32>,
    %broadcast_in_dim3A_77 = arith.constant 0.000000e+00 : f32
    %broadcast_in_dim3A_78 = vector.broadcast %broadcast_in_dim3A_77 : f32 to vector<16xf32>
    %swap3A_79 = arith.constant 304 : index
    %swap3A_80 = tpu.vector_load %arg9[%swap3A_79] {strides = array<i32>} : memref<320xf32, #tpu.memory_space<vmem>>, vector<16xf32>,
    tpu.vector_store %arg9[%swap3A_79], %broadcast_in_dim3A_78 {strides = array<i32>} : memref<320xf32, #tpu.memory_space<vmem>>, vector<16xf32>,
    %iota3A = tpu.iota {dimensions = array<i32: 0>} : vector<16xi32>
    %broadcast_in_dim3A_81 = arith.constant 1.000000e+00 : f32
    %broadcast_in_dim3A_82 = vector.broadcast %broadcast_in_dim3A_81 : f32 to vector<16xf32>
    %add3A_83 = arith.constant 0 : i32
    %add3A_84 = arith.addi %mul3A_2, %add3A_83 : i32
    %dma_start3A = tpu.memref_slice %arg2[%add3A_84] : memref<1048576xf32, #tpu.memory_space<hbm>> -> memref<16384xf32, #tpu.memory_space<hbm>>
    %dma_start3A_85 = tpu.memref_slice %arg2[%add3A_84] : memref<1048576xf32, #tpu.memory_space<hbm>> -> memref<16384xf32, #tpu.memory_space<hbm>>
    tpu.enqueue_dma source(%dma_start3A_85 : memref<16384xf32, #tpu.memory_space<hbm>>) target(%arg5 : memref<16384xf32, #tpu.memory_space<vmem>>) target_semaphore(%arg10 : memref<!tpu.dma_semaphore, #tpu.memory_space<semaphore_mem>>)
    %dma_start3A_86 = tpu.memref_slice %arg3[%add3A_84] : memref<1048576xf32, #tpu.memory_space<hbm>> -> memref<16384xf32, #tpu.memory_space<hbm>>
    %dma_start3A_87 = tpu.memref_slice %arg3[%add3A_84] : memref<1048576xf32, #tpu.memory_space<hbm>> -> memref<16384xf32, #tpu.memory_space<hbm>>
    tpu.enqueue_dma source(%dma_start3A_87 : memref<16384xf32, #tpu.memory_space<hbm>>) target(%arg6 : memref<16384xf32, #tpu.memory_space<vmem>>) target_semaphore(%arg10 : memref<!tpu.dma_semaphore, #tpu.memory_space<semaphore_mem>>)
    %dma_wait3A = tpu.memref_slice %arg2[%add3A_84] : memref<1048576xf32, #tpu.memory_space<hbm>> -> memref<16384xf32, #tpu.memory_space<hbm>>
    %dma_wait3A_88 = tpu.memref_slice %arg2[%add3A_84] : memref<1048576xf32, #tpu.memory_space<hbm>> -> memref<16384xf32, #tpu.memory_space<hbm>>
    tpu.wait_dma2 semaphore(%arg10 : memref<!tpu.dma_semaphore, #tpu.memory_space<semaphore_mem>>) src(%dma_wait3A_88 : memref<16384xf32, #tpu.memory_space<hbm>>) dst(%arg5 : memref<16384xf32, #tpu.memory_space<vmem>>)
    %dma_wait3A_89 = tpu.memref_slice %arg3[%add3A_84] : memref<1048576xf32, #tpu.memory_space<hbm>> -> memref<16384xf32, #tpu.memory_space<hbm>>
    %dma_wait3A_90 = tpu.memref_slice %arg3[%add3A_84] : memref<1048576xf32, #tpu.memory_space<hbm>> -> memref<16384xf32, #tpu.memory_space<hbm>>
    tpu.wait_dma2 semaphore(%arg10 : memref<!tpu.dma_semaphore, #tpu.memory_space<semaphore_mem>>) src(%dma_wait3A_90 : memref<16384xf32, #tpu.memory_space<hbm>>) dst(%arg6 : memref<16384xf32, #tpu.memory_space<vmem>>)
    %add3A_91 = arith.constant 16384 : i32
    %add3A_92 = arith.addi %mul3A_2, %add3A_91 : i32
    %dma_start3A_93 = tpu.memref_slice %arg2[%add3A_92] : memref<1048576xf32, #tpu.memory_space<hbm>> -> memref<16384xf32, #tpu.memory_space<hbm>>
    %dma_start3A_94 = tpu.memref_slice %arg2[%add3A_92] : memref<1048576xf32, #tpu.memory_space<hbm>> -> memref<16384xf32, #tpu.memory_space<hbm>>
    tpu.enqueue_dma source(%dma_start3A_94 : memref<16384xf32, #tpu.memory_space<hbm>>) target(%arg7 : memref<16384xf32, #tpu.memory_space<vmem>>) target_semaphore(%arg11 : memref<!tpu.dma_semaphore, #tpu.memory_space<semaphore_mem>>)
    %dma_start3A_95 = tpu.memref_slice %arg3[%add3A_92] : memref<1048576xf32, #tpu.memory_space<hbm>> -> memref<16384xf32, #tpu.memory_space<hbm>>
    %dma_start3A_96 = tpu.memref_slice %arg3[%add3A_92] : memref<1048576xf32, #tpu.memory_space<hbm>> -> memref<16384xf32, #tpu.memory_space<hbm>>
    tpu.enqueue_dma source(%dma_start3A_96 : memref<16384xf32, #tpu.memory_space<hbm>>) target(%arg8 : memref<16384xf32, #tpu.memory_space<vmem>>) target_semaphore(%arg11 : memref<!tpu.dma_semaphore, #tpu.memory_space<semaphore_mem>>)
    %scan3A = arith.constant 0 : i32
    %scan3A_97 = arith.constant 0 : i32
    %scan3A_98 = arith.constant 64 : i32
    %scan3A_99 = arith.addi %scan3A_97, %scan3A_98 : i32
    %scan3A_100 = arith.constant 1 : i32
    scf.for %scan3A_112 = %scan3A_97 to %scan3A_99 step %scan3A_100  : i32 {
      %mul3A_113 = arith.constant 16 : i32
      %mul3A_114 = arith.muli %scan3A_112, %mul3A_113 : i32
      %add3A_115 = arith.constant 0 : i32
      %add3A_116 = arith.addi %mul3A_114, %add3A_115 : i32
      %mul3A_117 = arith.constant 16 : i32
      %mul3A_118 = arith.muli %add3A_116, %mul3A_117 : i32
      %get3A = arith.index_cast %mul3A_118 : i32 to index
      %get3A_119 = tpu.vector_load %arg5[%get3A] {strides = array<i32>} : memref<16384xf32, #tpu.memory_space<vmem>>, vector<16xf32>,
      %get3A_120 = arith.index_cast %mul3A_118 : i32 to index
      %get3A_121 = tpu.vector_load %arg6[%get3A_120] {strides = array<i32>} : memref<16384xf32, #tpu.memory_space<vmem>>, vector<16xf32>,
      %sub3A = arith.subf %get3A_119, %get3A_121 : vector<16xf32>
      %abs3A = math.absf %sub3A : vector<16xf32>
      %lt3A = arith.constant 2.000000e-02 : f32
      %lt3A_122 = vector.broadcast %lt3A : f32 to vector<16xf32>
      %lt3A_123 = arith.cmpf olt, %abs3A, %lt3A_122 : vector<16xf32>
      %mul3A_124 = arith.constant 2.500000e+01 : f32
      %mul3A_125 = vector.broadcast %mul3A_124 : f32 to vector<16xf32>
      %mul3A_126 = arith.mulf %mul3A_125, %abs3A : vector<16xf32>
      %mul3A_127 = arith.mulf %mul3A_126, %abs3A : vector<16xf32>
      %sub3A_128 = arith.constant 0.00999999977 : f32
      %sub3A_129 = vector.broadcast %sub3A_128 : f32 to vector<16xf32>
      %sub3A_130 = arith.subf %abs3A, %sub3A_129 : vector<16xf32>
      %select_n3A = arith.select %lt3A_123, %mul3A_127, %sub3A_130 : vector<16xi1>, vector<16xf32>
      %add3A_131 = arith.addf %get3A_119, %get3A_119 : vector<16xf32>
      %min3A = arith.constant 6.000000e+01 : f32
      %min3A_132 = vector.broadcast %min3A : f32 to vector<16xf32>
      %min3A_133 = arith.minimumf %add3A_131, %min3A_132 : vector<16xf32>
      %exp3A = math.exp %min3A_133 : vector<16xf32>
      %add3A_134 = arith.addf %get3A_121, %get3A_121 : vector<16xf32>
      %min3A_135 = arith.constant 6.000000e+01 : f32
      %min3A_136 = vector.broadcast %min3A_135 : f32 to vector<16xf32>
      %min3A_137 = arith.minimumf %add3A_134, %min3A_136 : vector<16xf32>
      %exp3A_138 = math.exp %min3A_137 : vector<16xf32>
      %sub3A_139 = arith.subf %exp3A, %exp3A_138 : vector<16xf32>
      %mul3A_140 = arith.constant 2.000000e+01 : f32
      %mul3A_141 = vector.broadcast %mul3A_140 : f32 to vector<16xf32>
      %mul3A_142 = arith.mulf %mul3A_141, %sub3A_139 : vector<16xf32>
      %abs3A_143 = math.absf %mul3A_142 : vector<16xf32>
      %add3A_144 = arith.constant 1.000000e+00 : f32
      %add3A_145 = vector.broadcast %add3A_144 : f32 to vector<16xf32>
      %add3A_146 = arith.addf %exp3A, %add3A_145 : vector<16xf32>
      %add3A_147 = arith.constant 1.000000e+00 : f32
      %add3A_148 = vector.broadcast %add3A_147 : f32 to vector<16xf32>
      %add3A_149 = arith.addf %exp3A_138, %add3A_148 : vector<16xf32>
      %mul3A_150 = arith.mulf %add3A_146, %add3A_149 : vector<16xf32>
      %div3A = arith.divf %abs3A_143, %mul3A_150 : vector<16xf32>
      %convert_element_type3A = arith.fptosi %div3A : vector<16xf32> to vector<16xi32>
      %min3A_151 = arith.constant 9 : i32
      %min3A_152 = vector.broadcast %min3A_151 : i32 to vector<16xi32>
      %min3A_153 = arith.minsi %convert_element_type3A, %min3A_152 : vector<16xi32>
      %mul3A_154 = arith.constant 16 : i32
      %mul3A_155 = vector.broadcast %mul3A_154 : i32 to vector<16xi32>
      %mul3A_156 = arith.muli %min3A_153, %mul3A_155 : vector<16xi32>
      %add3A_157 = arith.addi %mul3A_156, %iota3A : vector<16xi32>
      %add3A_158 = arith.constant 160 : i32
      %add3A_159 = vector.broadcast %add3A_158 : i32 to vector<16xi32>
      %add3A_160 = arith.addi %add3A_157, %add3A_159 : vector<16xi32>
      tpu.vector_store_idx %arg9[%add3A_160], %select_n3A {add = true} : memref<320xf32, #tpu.memory_space<vmem>>[vector<16xi32>], vector<16xf32>,
      %lt3A_161 = arith.constant 10 : i32
      %lt3A_162 = vector.broadcast %lt3A_161 : i32 to vector<16xi32>
      %lt3A_163 = arith.cmpi slt, %convert_element_type3A, %lt3A_162 : vector<16xi32>
      tpu.vector_store_idx %arg9[%add3A_157], %broadcast_in_dim3A_82 masked %lt3A_163 {add = true} : memref<320xf32, #tpu.memory_space<vmem>>[vector<16xi32>], vector<16xf32>, vector<16xi1>
      %mul3A_164 = arith.constant 16 : i32
      %mul3A_165 = arith.muli %scan3A_112, %mul3A_164 : i32
      %add3A_166 = arith.constant 1 : i32
      %add3A_167 = arith.addi %mul3A_165, %add3A_166 : i32
      %mul3A_168 = arith.constant 16 : i32
      %mul3A_169 = arith.muli %add3A_167, %mul3A_168 : i32
      %get3A_170 = arith.index_cast %mul3A_169 : i32 to index
      %get3A_171 = tpu.vector_load %arg5[%get3A_170] {strides = array<i32>} : memref<16384xf32, #tpu.memory_space<vmem>>, vector<16xf32>,
      %get3A_172 = arith.index_cast %mul3A_169 : i32 to index
      %get3A_173 = tpu.vector_load %arg6[%get3A_172] {strides = array<i32>} : memref<16384xf32, #tpu.memory_space<vmem>>, vector<16xf32>,
      %sub3A_174 = arith.subf %get3A_171, %get3A_173 : vector<16xf32>
      %abs3A_175 = math.absf %sub3A_174 : vector<16xf32>
      %lt3A_176 = arith.constant 2.000000e-02 : f32
      %lt3A_177 = vector.broadcast %lt3A_176 : f32 to vector<16xf32>
      %lt3A_178 = arith.cmpf olt, %abs3A_175, %lt3A_177 : vector<16xf32>
      %mul3A_179 = arith.constant 2.500000e+01 : f32
      %mul3A_180 = vector.broadcast %mul3A_179 : f32 to vector<16xf32>
      %mul3A_181 = arith.mulf %mul3A_180, %abs3A_175 : vector<16xf32>
      %mul3A_182 = arith.mulf %mul3A_181, %abs3A_175 : vector<16xf32>
      %sub3A_183 = arith.constant 0.00999999977 : f32
      %sub3A_184 = vector.broadcast %sub3A_183 : f32 to vector<16xf32>
      %sub3A_185 = arith.subf %abs3A_175, %sub3A_184 : vector<16xf32>
      %select_n3A_186 = arith.select %lt3A_178, %mul3A_182, %sub3A_185 : vector<16xi1>, vector<16xf32>
      %add3A_187 = arith.addf %get3A_171, %get3A_171 : vector<16xf32>
      %min3A_188 = arith.constant 6.000000e+01 : f32
      %min3A_189 = vector.broadcast %min3A_188 : f32 to vector<16xf32>
      %min3A_190 = arith.minimumf %add3A_187, %min3A_189 : vector<16xf32>
      %exp3A_191 = math.exp %min3A_190 : vector<16xf32>
      %add3A_192 = arith.addf %get3A_173, %get3A_173 : vector<16xf32>
      %min3A_193 = arith.constant 6.000000e+01 : f32
      %min3A_194 = vector.broadcast %min3A_193 : f32 to vector<16xf32>
      %min3A_195 = arith.minimumf %add3A_192, %min3A_194 : vector<16xf32>
      %exp3A_196 = math.exp %min3A_195 : vector<16xf32>
      %sub3A_197 = arith.subf %exp3A_191, %exp3A_196 : vector<16xf32>
      %mul3A_198 = arith.constant 2.000000e+01 : f32
      %mul3A_199 = vector.broadcast %mul3A_198 : f32 to vector<16xf32>
      %mul3A_200 = arith.mulf %mul3A_199, %sub3A_197 : vector<16xf32>
      %abs3A_201 = math.absf %mul3A_200 : vector<16xf32>
      %add3A_202 = arith.constant 1.000000e+00 : f32
      %add3A_203 = vector.broadcast %add3A_202 : f32 to vector<16xf32>
      %add3A_204 = arith.addf %exp3A_191, %add3A_203 : vector<16xf32>
      %add3A_205 = arith.constant 1.000000e+00 : f32
      %add3A_206 = vector.broadcast %add3A_205 : f32 to vector<16xf32>
      %add3A_207 = arith.addf %exp3A_196, %add3A_206 : vector<16xf32>
      %mul3A_208 = arith.mulf %add3A_204, %add3A_207 : vector<16xf32>
      %div3A_209 = arith.divf %abs3A_201, %mul3A_208 : vector<16xf32>
      %convert_element_type3A_210 = arith.fptosi %div3A_209 : vector<16xf32> to vector<16xi32>
      %min3A_211 = arith.constant 9 : i32
      %min3A_212 = vector.broadcast %min3A_211 : i32 to vector<16xi32>
      %min3A_213 = arith.minsi %convert_element_type3A_210, %min3A_212 : vector<16xi32>
      %mul3A_214 = arith.constant 16 : i32
      %mul3A_215 = vector.broadcast %mul3A_214 : i32 to vector<16xi32>
      %mul3A_216 = arith.muli %min3A_213, %mul3A_215 : vector<16xi32>
      %add3A_217 = arith.addi %mul3A_216, %iota3A : vector<16xi32>
      %add3A_218 = arith.constant 160 : i32
      %add3A_219 = vector.broadcast %add3A_218 : i32 to vector<16xi32>
      %add3A_220 = arith.addi %add3A_217, %add3A_219 : vector<16xi32>
      tpu.vector_store_idx %arg9[%add3A_220], %select_n3A_186 {add = true} : memref<320xf32, #tpu.memory_space<vmem>>[vector<16xi32>], vector<16xf32>,
      %lt3A_221 = arith.constant 10 : i32
      %lt3A_222 = vector.broadcast %lt3A_221 : i32 to vector<16xi32>
      %lt3A_223 = arith.cmpi slt, %convert_element_type3A_210, %lt3A_222 : vector<16xi32>
      tpu.vector_store_idx %arg9[%add3A_217], %broadcast_in_dim3A_82 masked %lt3A_223 {add = true} : memref<320xf32, #tpu.memory_space<vmem>>[vector<16xi32>], vector<16xf32>, vector<16xi1>
      %mul3A_224 = arith.constant 16 : i32
      %mul3A_225 = arith.muli %scan3A_112, %mul3A_224 : i32
      %add3A_226 = arith.constant 2 : i32
      %add3A_227 = arith.addi %mul3A_225, %add3A_226 : i32
      %mul3A_228 = arith.constant 16 : i32
      %mul3A_229 = arith.muli %add3A_227, %mul3A_228 : i32
      %get3A_230 = arith.index_cast %mul3A_229 : i32 to index
      %get3A_231 = tpu.vector_load %arg5[%get3A_230] {strides = array<i32>} : memref<16384xf32, #tpu.memory_space<vmem>>, vector<16xf32>,
      %get3A_232 = arith.index_cast %mul3A_229 : i32 to index
      %get3A_233 = tpu.vector_load %arg6[%get3A_232] {strides = array<i32>} : memref<16384xf32, #tpu.memory_space<vmem>>, vector<16xf32>,
      %sub3A_234 = arith.subf %get3A_231, %get3A_233 : vector<16xf32>
      %abs3A_235 = math.absf %sub3A_234 : vector<16xf32>
      %lt3A_236 = arith.constant 2.000000e-02 : f32
      %lt3A_237 = vector.broadcast %lt3A_236 : f32 to vector<16xf32>
      %lt3A_238 = arith.cmpf olt, %abs3A_235, %lt3A_237 : vector<16xf32>
      %mul3A_239 = arith.constant 2.500000e+01 : f32
      %mul3A_240 = vector.broadcast %mul3A_239 : f32 to vector<16xf32>
      %mul3A_241 = arith.mulf %mul3A_240, %abs3A_235 : vector<16xf32>
      %mul3A_242 = arith.mulf %mul3A_241, %abs3A_235 : vector<16xf32>
      %sub3A_243 = arith.constant 0.00999999977 : f32
      %sub3A_244 = vector.broadcast %sub3A_243 : f32 to vector<16xf32>
      %sub3A_245 = arith.subf %abs3A_235, %sub3A_244 : vector<16xf32>
      %select_n3A_246 = arith.select %lt3A_238, %mul3A_242, %sub3A_245 : vector<16xi1>, vector<16xf32>
      %add3A_247 = arith.addf %get3A_231, %get3A_231 : vector<16xf32>
      %min3A_248 = arith.constant 6.000000e+01 : f32
      %min3A_249 = vector.broadcast %min3A_248 : f32 to vector<16xf32>
      %min3A_250 = arith.minimumf %add3A_247, %min3A_249 : vector<16xf32>
      %exp3A_251 = math.exp %min3A_250 : vector<16xf32>
      %add3A_252 = arith.addf %get3A_233, %get3A_233 : vector<16xf32>
      %min3A_253 = arith.constant 6.000000e+01 : f32
      %min3A_254 = vector.broadcast %min3A_253 : f32 to vector<16xf32>
      %min3A_255 = arith.minimumf %add3A_252, %min3A_254 : vector<16xf32>
      %exp3A_256 = math.exp %min3A_255 : vector<16xf32>
      %sub3A_257 = arith.subf %exp3A_251, %exp3A_256 : vector<16xf32>
      %mul3A_258 = arith.constant 2.000000e+01 : f32
      %mul3A_259 = vector.broadcast %mul3A_258 : f32 to vector<16xf32>
      %mul3A_260 = arith.mulf %mul3A_259, %sub3A_257 : vector<16xf32>
      %abs3A_261 = math.absf %mul3A_260 : vector<16xf32>
      %add3A_262 = arith.constant 1.000000e+00 : f32
      %add3A_263 = vector.broadcast %add3A_262 : f32 to vector<16xf32>
      %add3A_264 = arith.addf %exp3A_251, %add3A_263 : vector<16xf32>
      %add3A_265 = arith.constant 1.000000e+00 : f32
      %add3A_266 = vector.broadcast %add3A_265 : f32 to vector<16xf32>
      %add3A_267 = arith.addf %exp3A_256, %add3A_266 : vector<16xf32>
      %mul3A_268 = arith.mulf %add3A_264, %add3A_267 : vector<16xf32>
      %div3A_269 = arith.divf %abs3A_261, %mul3A_268 : vector<16xf32>
      %convert_element_type3A_270 = arith.fptosi %div3A_269 : vector<16xf32> to vector<16xi32>
      %min3A_271 = arith.constant 9 : i32
      %min3A_272 = vector.broadcast %min3A_271 : i32 to vector<16xi32>
      %min3A_273 = arith.minsi %convert_element_type3A_270, %min3A_272 : vector<16xi32>
      %mul3A_274 = arith.constant 16 : i32
      %mul3A_275 = vector.broadcast %mul3A_274 : i32 to vector<16xi32>
      %mul3A_276 = arith.muli %min3A_273, %mul3A_275 : vector<16xi32>
      %add3A_277 = arith.addi %mul3A_276, %iota3A : vector<16xi32>
      %add3A_278 = arith.constant 160 : i32
      %add3A_279 = vector.broadcast %add3A_278 : i32 to vector<16xi32>
      %add3A_280 = arith.addi %add3A_277, %add3A_279 : vector<16xi32>
      tpu.vector_store_idx %arg9[%add3A_280], %select_n3A_246 {add = true} : memref<320xf32, #tpu.memory_space<vmem>>[vector<16xi32>], vector<16xf32>,
      %lt3A_281 = arith.constant 10 : i32
      %lt3A_282 = vector.broadcast %lt3A_281 : i32 to vector<16xi32>
      %lt3A_283 = arith.cmpi slt, %convert_element_type3A_270, %lt3A_282 : vector<16xi32>
      tpu.vector_store_idx %arg9[%add3A_277], %broadcast_in_dim3A_82 masked %lt3A_283 {add = true} : memref<320xf32, #tpu.memory_space<vmem>>[vector<16xi32>], vector<16xf32>, vector<16xi1>
      %mul3A_284 = arith.constant 16 : i32
      %mul3A_285 = arith.muli %scan3A_112, %mul3A_284 : i32
      %add3A_286 = arith.constant 3 : i32
      %add3A_287 = arith.addi %mul3A_285, %add3A_286 : i32
      %mul3A_288 = arith.constant 16 : i32
      %mul3A_289 = arith.muli %add3A_287, %mul3A_288 : i32
      %get3A_290 = arith.index_cast %mul3A_289 : i32 to index
      %get3A_291 = tpu.vector_load %arg5[%get3A_290] {strides = array<i32>} : memref<16384xf32, #tpu.memory_space<vmem>>, vector<16xf32>,
      %get3A_292 = arith.index_cast %mul3A_289 : i32 to index
      %get3A_293 = tpu.vector_load %arg6[%get3A_292] {strides = array<i32>} : memref<16384xf32, #tpu.memory_space<vmem>>, vector<16xf32>,
      %sub3A_294 = arith.subf %get3A_291, %get3A_293 : vector<16xf32>
      %abs3A_295 = math.absf %sub3A_294 : vector<16xf32>
      %lt3A_296 = arith.constant 2.000000e-02 : f32
      %lt3A_297 = vector.broadcast %lt3A_296 : f32 to vector<16xf32>
      %lt3A_298 = arith.cmpf olt, %abs3A_295, %lt3A_297 : vector<16xf32>
      %mul3A_299 = arith.constant 2.500000e+01 : f32
      %mul3A_300 = vector.broadcast %mul3A_299 : f32 to vector<16xf32>
      %mul3A_301 = arith.mulf %mul3A_300, %abs3A_295 : vector<16xf32>
      %mul3A_302 = arith.mulf %mul3A_301, %abs3A_295 : vector<16xf32>
      %sub3A_303 = arith.constant 0.00999999977 : f32
      %sub3A_304 = vector.broadcast %sub3A_303 : f32 to vector<16xf32>
      %sub3A_305 = arith.subf %abs3A_295, %sub3A_304 : vector<16xf32>
      %select_n3A_306 = arith.select %lt3A_298, %mul3A_302, %sub3A_305 : vector<16xi1>, vector<16xf32>
      %add3A_307 = arith.addf %get3A_291, %get3A_291 : vector<16xf32>
      %min3A_308 = arith.constant 6.000000e+01 : f32
      %min3A_309 = vector.broadcast %min3A_308 : f32 to vector<16xf32>
      %min3A_310 = arith.minimumf %add3A_307, %min3A_309 : vector<16xf32>
      %exp3A_311 = math.exp %min3A_310 : vector<16xf32>
      %add3A_312 = arith.addf %get3A_293, %get3A_293 : vector<16xf32>
      %min3A_313 = arith.constant 6.000000e+01 : f32
      %min3A_314 = vector.broadcast %min3A_313 : f32 to vector<16xf32>
      %min3A_315 = arith.minimumf %add3A_312, %min3A_314 : vector<16xf32>
      %exp3A_316 = math.exp %min3A_315 : vector<16xf32>
      %sub3A_317 = arith.subf %exp3A_311, %exp3A_316 : vector<16xf32>
      %mul3A_318 = arith.constant 2.000000e+01 : f32
      %mul3A_319 = vector.broadcast %mul3A_318 : f32 to vector<16xf32>
      %mul3A_320 = arith.mulf %mul3A_319, %sub3A_317 : vector<16xf32>
      %abs3A_321 = math.absf %mul3A_320 : vector<16xf32>
      %add3A_322 = arith.constant 1.000000e+00 : f32
      %add3A_323 = vector.broadcast %add3A_322 : f32 to vector<16xf32>
      %add3A_324 = arith.addf %exp3A_311, %add3A_323 : vector<16xf32>
      %add3A_325 = arith.constant 1.000000e+00 : f32
      %add3A_326 = vector.broadcast %add3A_325 : f32 to vector<16xf32>
      %add3A_327 = arith.addf %exp3A_316, %add3A_326 : vector<16xf32>
      %mul3A_328 = arith.mulf %add3A_324, %add3A_327 : vector<16xf32>
      %div3A_329 = arith.divf %abs3A_321, %mul3A_328 : vector<16xf32>
      %convert_element_type3A_330 = arith.fptosi %div3A_329 : vector<16xf32> to vector<16xi32>
      %min3A_331 = arith.constant 9 : i32
      %min3A_332 = vector.broadcast %min3A_331 : i32 to vector<16xi32>
      %min3A_333 = arith.minsi %convert_element_type3A_330, %min3A_332 : vector<16xi32>
      %mul3A_334 = arith.constant 16 : i32
      %mul3A_335 = vector.broadcast %mul3A_334 : i32 to vector<16xi32>
      %mul3A_336 = arith.muli %min3A_333, %mul3A_335 : vector<16xi32>
      %add3A_337 = arith.addi %mul3A_336, %iota3A : vector<16xi32>
      %add3A_338 = arith.constant 160 : i32
      %add3A_339 = vector.broadcast %add3A_338 : i32 to vector<16xi32>
      %add3A_340 = arith.addi %add3A_337, %add3A_339 : vector<16xi32>
      tpu.vector_store_idx %arg9[%add3A_340], %select_n3A_306 {add = true} : memref<320xf32, #tpu.memory_space<vmem>>[vector<16xi32>], vector<16xf32>,
      %lt3A_341 = arith.constant 10 : i32
      %lt3A_342 = vector.broadcast %lt3A_341 : i32 to vector<16xi32>
      %lt3A_343 = arith.cmpi slt, %convert_element_type3A_330, %lt3A_342 : vector<16xi32>
      tpu.vector_store_idx %arg9[%add3A_337], %broadcast_in_dim3A_82 masked %lt3A_343 {add = true} : memref<320xf32, #tpu.memory_space<vmem>>[vector<16xi32>], vector<16xf32>, vector<16xi1>
      %mul3A_344 = arith.constant 16 : i32
      %mul3A_345 = arith.muli %scan3A_112, %mul3A_344 : i32
      %add3A_346 = arith.constant 4 : i32
      %add3A_347 = arith.addi %mul3A_345, %add3A_346 : i32
      %mul3A_348 = arith.constant 16 : i32
      %mul3A_349 = arith.muli %add3A_347, %mul3A_348 : i32
      %get3A_350 = arith.index_cast %mul3A_349 : i32 to index
      %get3A_351 = tpu.vector_load %arg5[%get3A_350] {strides = array<i32>} : memref<16384xf32, #tpu.memory_space<vmem>>, vector<16xf32>,
      %get3A_352 = arith.index_cast %mul3A_349 : i32 to index
      %get3A_353 = tpu.vector_load %arg6[%get3A_352] {strides = array<i32>} : memref<16384xf32, #tpu.memory_space<vmem>>, vector<16xf32>,
      %sub3A_354 = arith.subf %get3A_351, %get3A_353 : vector<16xf32>
      %abs3A_355 = math.absf %sub3A_354 : vector<16xf32>
      %lt3A_356 = arith.constant 2.000000e-02 : f32
      %lt3A_357 = vector.broadcast %lt3A_356 : f32 to vector<16xf32>
      %lt3A_358 = arith.cmpf olt, %abs3A_355, %lt3A_357 : vector<16xf32>
      %mul3A_359 = arith.constant 2.500000e+01 : f32
      %mul3A_360 = vector.broadcast %mul3A_359 : f32 to vector<16xf32>
      %mul3A_361 = arith.mulf %mul3A_360, %abs3A_355 : vector<16xf32>
      %mul3A_362 = arith.mulf %mul3A_361, %abs3A_355 : vector<16xf32>
      %sub3A_363 = arith.constant 0.00999999977 : f32
      %sub3A_364 = vector.broadcast %sub3A_363 : f32 to vector<16xf32>
      %sub3A_365 = arith.subf %abs3A_355, %sub3A_364 : vector<16xf32>
      %select_n3A_366 = arith.select %lt3A_358, %mul3A_362, %sub3A_365 : vector<16xi1>, vector<16xf32>
      %add3A_367 = arith.addf %get3A_351, %get3A_351 : vector<16xf32>
      %min3A_368 = arith.constant 6.000000e+01 : f32
      %min3A_369 = vector.broadcast %min3A_368 : f32 to vector<16xf32>
      %min3A_370 = arith.minimumf %add3A_367, %min3A_369 : vector<16xf32>
      %exp3A_371 = math.exp %min3A_370 : vector<16xf32>
      %add3A_372 = arith.addf %get3A_353, %get3A_353 : vector<16xf32>
      %min3A_373 = arith.constant 6.000000e+01 : f32
      %min3A_374 = vector.broadcast %min3A_373 : f32 to vector<16xf32>
      %min3A_375 = arith.minimumf %add3A_372, %min3A_374 : vector<16xf32>
      %exp3A_376 = math.exp %min3A_375 : vector<16xf32>
      %sub3A_377 = arith.subf %exp3A_371, %exp3A_376 : vector<16xf32>
      %mul3A_378 = arith.constant 2.000000e+01 : f32
      %mul3A_379 = vector.broadcast %mul3A_378 : f32 to vector<16xf32>
      %mul3A_380 = arith.mulf %mul3A_379, %sub3A_377 : vector<16xf32>
      %abs3A_381 = math.absf %mul3A_380 : vector<16xf32>
      %add3A_382 = arith.constant 1.000000e+00 : f32
      %add3A_383 = vector.broadcast %add3A_382 : f32 to vector<16xf32>
      %add3A_384 = arith.addf %exp3A_371, %add3A_383 : vector<16xf32>
      %add3A_385 = arith.constant 1.000000e+00 : f32
      %add3A_386 = vector.broadcast %add3A_385 : f32 to vector<16xf32>
      %add3A_387 = arith.addf %exp3A_376, %add3A_386 : vector<16xf32>
      %mul3A_388 = arith.mulf %add3A_384, %add3A_387 : vector<16xf32>
      %div3A_389 = arith.divf %abs3A_381, %mul3A_388 : vector<16xf32>
      %convert_element_type3A_390 = arith.fptosi %div3A_389 : vector<16xf32> to vector<16xi32>
      %min3A_391 = arith.constant 9 : i32
      %min3A_392 = vector.broadcast %min3A_391 : i32 to vector<16xi32>
      %min3A_393 = arith.minsi %convert_element_type3A_390, %min3A_392 : vector<16xi32>
      %mul3A_394 = arith.constant 16 : i32
      %mul3A_395 = vector.broadcast %mul3A_394 : i32 to vector<16xi32>
      %mul3A_396 = arith.muli %min3A_393, %mul3A_395 : vector<16xi32>
      %add3A_397 = arith.addi %mul3A_396, %iota3A : vector<16xi32>
      %add3A_398 = arith.constant 160 : i32
      %add3A_399 = vector.broadcast %add3A_398 : i32 to vector<16xi32>
      %add3A_400 = arith.addi %add3A_397, %add3A_399 : vector<16xi32>
      tpu.vector_store_idx %arg9[%add3A_400], %select_n3A_366 {add = true} : memref<320xf32, #tpu.memory_space<vmem>>[vector<16xi32>], vector<16xf32>,
      %lt3A_401 = arith.constant 10 : i32
      %lt3A_402 = vector.broadcast %lt3A_401 : i32 to vector<16xi32>
      %lt3A_403 = arith.cmpi slt, %convert_element_type3A_390, %lt3A_402 : vector<16xi32>
      tpu.vector_store_idx %arg9[%add3A_397], %broadcast_in_dim3A_82 masked %lt3A_403 {add = true} : memref<320xf32, #tpu.memory_space<vmem>>[vector<16xi32>], vector<16xf32>, vector<16xi1>
      %mul3A_404 = arith.constant 16 : i32
      %mul3A_405 = arith.muli %scan3A_112, %mul3A_404 : i32
      %add3A_406 = arith.constant 5 : i32
      %add3A_407 = arith.addi %mul3A_405, %add3A_406 : i32
      %mul3A_408 = arith.constant 16 : i32
      %mul3A_409 = arith.muli %add3A_407, %mul3A_408 : i32
      %get3A_410 = arith.index_cast %mul3A_409 : i32 to index
      %get3A_411 = tpu.vector_load %arg5[%get3A_410] {strides = array<i32>} : memref<16384xf32, #tpu.memory_space<vmem>>, vector<16xf32>,
      %get3A_412 = arith.index_cast %mul3A_409 : i32 to index
      %get3A_413 = tpu.vector_load %arg6[%get3A_412] {strides = array<i32>} : memref<16384xf32, #tpu.memory_space<vmem>>, vector<16xf32>,
      %sub3A_414 = arith.subf %get3A_411, %get3A_413 : vector<16xf32>
      %abs3A_415 = math.absf %sub3A_414 : vector<16xf32>
      %lt3A_416 = arith.constant 2.000000e-02 : f32
      %lt3A_417 = vector.broadcast %lt3A_416 : f32 to vector<16xf32>
      %lt3A_418 = arith.cmpf olt, %abs3A_415, %lt3A_417 : vector<16xf32>
      %mul3A_419 = arith.constant 2.500000e+01 : f32
      %mul3A_420 = vector.broadcast %mul3A_419 : f32 to vector<16xf32>
      %mul3A_421 = arith.mulf %mul3A_420, %abs3A_415 : vector<16xf32>
      %mul3A_422 = arith.mulf %mul3A_421, %abs3A_415 : vector<16xf32>
      %sub3A_423 = arith.constant 0.00999999977 : f32
      %sub3A_424 = vector.broadcast %sub3A_423 : f32 to vector<16xf32>
      %sub3A_425 = arith.subf %abs3A_415, %sub3A_424 : vector<16xf32>
      %select_n3A_426 = arith.select %lt3A_418, %mul3A_422, %sub3A_425 : vector<16xi1>, vector<16xf32>
      %add3A_427 = arith.addf %get3A_411, %get3A_411 : vector<16xf32>
      %min3A_428 = arith.constant 6.000000e+01 : f32
      %min3A_429 = vector.broadcast %min3A_428 : f32 to vector<16xf32>
      %min3A_430 = arith.minimumf %add3A_427, %min3A_429 : vector<16xf32>
      %exp3A_431 = math.exp %min3A_430 : vector<16xf32>
      %add3A_432 = arith.addf %get3A_413, %get3A_413 : vector<16xf32>
      %min3A_433 = arith.constant 6.000000e+01 : f32
      %min3A_434 = vector.broadcast %min3A_433 : f32 to vector<16xf32>
      %min3A_435 = arith.minimumf %add3A_432, %min3A_434 : vector<16xf32>
      %exp3A_436 = math.exp %min3A_435 : vector<16xf32>
      %sub3A_437 = arith.subf %exp3A_431, %exp3A_436 : vector<16xf32>
      %mul3A_438 = arith.constant 2.000000e+01 : f32
      %mul3A_439 = vector.broadcast %mul3A_438 : f32 to vector<16xf32>
      %mul3A_440 = arith.mulf %mul3A_439, %sub3A_437 : vector<16xf32>
      %abs3A_441 = math.absf %mul3A_440 : vector<16xf32>
      %add3A_442 = arith.constant 1.000000e+00 : f32
      %add3A_443 = vector.broadcast %add3A_442 : f32 to vector<16xf32>
      %add3A_444 = arith.addf %exp3A_431, %add3A_443 : vector<16xf32>
      %add3A_445 = arith.constant 1.000000e+00 : f32
      %add3A_446 = vector.broadcast %add3A_445 : f32 to vector<16xf32>
      %add3A_447 = arith.addf %exp3A_436, %add3A_446 : vector<16xf32>
      %mul3A_448 = arith.mulf %add3A_444, %add3A_447 : vector<16xf32>
      %div3A_449 = arith.divf %abs3A_441, %mul3A_448 : vector<16xf32>
      %convert_element_type3A_450 = arith.fptosi %div3A_449 : vector<16xf32> to vector<16xi32>
      %min3A_451 = arith.constant 9 : i32
      %min3A_452 = vector.broadcast %min3A_451 : i32 to vector<16xi32>
      %min3A_453 = arith.minsi %convert_element_type3A_450, %min3A_452 : vector<16xi32>
      %mul3A_454 = arith.constant 16 : i32
      %mul3A_455 = vector.broadcast %mul3A_454 : i32 to vector<16xi32>
      %mul3A_456 = arith.muli %min3A_453, %mul3A_455 : vector<16xi32>
      %add3A_457 = arith.addi %mul3A_456, %iota3A : vector<16xi32>
      %add3A_458 = arith.constant 160 : i32
      %add3A_459 = vector.broadcast %add3A_458 : i32 to vector<16xi32>
      %add3A_460 = arith.addi %add3A_457, %add3A_459 : vector<16xi32>
      tpu.vector_store_idx %arg9[%add3A_460], %select_n3A_426 {add = true} : memref<320xf32, #tpu.memory_space<vmem>>[vector<16xi32>], vector<16xf32>,
      %lt3A_461 = arith.constant 10 : i32
      %lt3A_462 = vector.broadcast %lt3A_461 : i32 to vector<16xi32>
      %lt3A_463 = arith.cmpi slt, %convert_element_type3A_450, %lt3A_462 : vector<16xi32>
      tpu.vector_store_idx %arg9[%add3A_457], %broadcast_in_dim3A_82 masked %lt3A_463 {add = true} : memref<320xf32, #tpu.memory_space<vmem>>[vector<16xi32>], vector<16xf32>, vector<16xi1>
      %mul3A_464 = arith.constant 16 : i32
      %mul3A_465 = arith.muli %scan3A_112, %mul3A_464 : i32
      %add3A_466 = arith.constant 6 : i32
      %add3A_467 = arith.addi %mul3A_465, %add3A_466 : i32
      %mul3A_468 = arith.constant 16 : i32
      %mul3A_469 = arith.muli %add3A_467, %mul3A_468 : i32
      %get3A_470 = arith.index_cast %mul3A_469 : i32 to index
      %get3A_471 = tpu.vector_load %arg5[%get3A_470] {strides = array<i32>} : memref<16384xf32, #tpu.memory_space<vmem>>, vector<16xf32>,
      %get3A_472 = arith.index_cast %mul3A_469 : i32 to index
      %get3A_473 = tpu.vector_load %arg6[%get3A_472] {strides = array<i32>} : memref<16384xf32, #tpu.memory_space<vmem>>, vector<16xf32>,
      %sub3A_474 = arith.subf %get3A_471, %get3A_473 : vector<16xf32>
      %abs3A_475 = math.absf %sub3A_474 : vector<16xf32>
      %lt3A_476 = arith.constant 2.000000e-02 : f32
      %lt3A_477 = vector.broadcast %lt3A_476 : f32 to vector<16xf32>
      %lt3A_478 = arith.cmpf olt, %abs3A_475, %lt3A_477 : vector<16xf32>
      %mul3A_479 = arith.constant 2.500000e+01 : f32
      %mul3A_480 = vector.broadcast %mul3A_479 : f32 to vector<16xf32>
      %mul3A_481 = arith.mulf %mul3A_480, %abs3A_475 : vector<16xf32>
      %mul3A_482 = arith.mulf %mul3A_481, %abs3A_475 : vector<16xf32>
      %sub3A_483 = arith.constant 0.00999999977 : f32
      %sub3A_484 = vector.broadcast %sub3A_483 : f32 to vector<16xf32>
      %sub3A_485 = arith.subf %abs3A_475, %sub3A_484 : vector<16xf32>
      %select_n3A_486 = arith.select %lt3A_478, %mul3A_482, %sub3A_485 : vector<16xi1>, vector<16xf32>
      %add3A_487 = arith.addf %get3A_471, %get3A_471 : vector<16xf32>
      %min3A_488 = arith.constant 6.000000e+01 : f32
      %min3A_489 = vector.broadcast %min3A_488 : f32 to vector<16xf32>
      %min3A_490 = arith.minimumf %add3A_487, %min3A_489 : vector<16xf32>
      %exp3A_491 = math.exp %min3A_490 : vector<16xf32>
      %add3A_492 = arith.addf %get3A_473, %get3A_473 : vector<16xf32>
      %min3A_493 = arith.constant 6.000000e+01 : f32
      %min3A_494 = vector.broadcast %min3A_493 : f32 to vector<16xf32>
      %min3A_495 = arith.minimumf %add3A_492, %min3A_494 : vector<16xf32>
      %exp3A_496 = math.exp %min3A_495 : vector<16xf32>
      %sub3A_497 = arith.subf %exp3A_491, %exp3A_496 : vector<16xf32>
      %mul3A_498 = arith.constant 2.000000e+01 : f32
      %mul3A_499 = vector.broadcast %mul3A_498 : f32 to vector<16xf32>
      %mul3A_500 = arith.mulf %mul3A_499, %sub3A_497 : vector<16xf32>
      %abs3A_501 = math.absf %mul3A_500 : vector<16xf32>
      %add3A_502 = arith.constant 1.000000e+00 : f32
      %add3A_503 = vector.broadcast %add3A_502 : f32 to vector<16xf32>
      %add3A_504 = arith.addf %exp3A_491, %add3A_503 : vector<16xf32>
      %add3A_505 = arith.constant 1.000000e+00 : f32
      %add3A_506 = vector.broadcast %add3A_505 : f32 to vector<16xf32>
      %add3A_507 = arith.addf %exp3A_496, %add3A_506 : vector<16xf32>
      %mul3A_508 = arith.mulf %add3A_504, %add3A_507 : vector<16xf32>
      %div3A_509 = arith.divf %abs3A_501, %mul3A_508 : vector<16xf32>
      %convert_element_type3A_510 = arith.fptosi %div3A_509 : vector<16xf32> to vector<16xi32>
      %min3A_511 = arith.constant 9 : i32
      %min3A_512 = vector.broadcast %min3A_511 : i32 to vector<16xi32>
      %min3A_513 = arith.minsi %convert_element_type3A_510, %min3A_512 : vector<16xi32>
      %mul3A_514 = arith.constant 16 : i32
      %mul3A_515 = vector.broadcast %mul3A_514 : i32 to vector<16xi32>
      %mul3A_516 = arith.muli %min3A_513, %mul3A_515 : vector<16xi32>
      %add3A_517 = arith.addi %mul3A_516, %iota3A : vector<16xi32>
      %add3A_518 = arith.constant 160 : i32
      %add3A_519 = vector.broadcast %add3A_518 : i32 to vector<16xi32>
      %add3A_520 = arith.addi %add3A_517, %add3A_519 : vector<16xi32>
      tpu.vector_store_idx %arg9[%add3A_520], %select_n3A_486 {add = true} : memref<320xf32, #tpu.memory_space<vmem>>[vector<16xi32>], vector<16xf32>,
      %lt3A_521 = arith.constant 10 : i32
      %lt3A_522 = vector.broadcast %lt3A_521 : i32 to vector<16xi32>
      %lt3A_523 = arith.cmpi slt, %convert_element_type3A_510, %lt3A_522 : vector<16xi32>
      tpu.vector_store_idx %arg9[%add3A_517], %broadcast_in_dim3A_82 masked %lt3A_523 {add = true} : memref<320xf32, #tpu.memory_space<vmem>>[vector<16xi32>], vector<16xf32>, vector<16xi1>
      %mul3A_524 = arith.constant 16 : i32
      %mul3A_525 = arith.muli %scan3A_112, %mul3A_524 : i32
      %add3A_526 = arith.constant 7 : i32
      %add3A_527 = arith.addi %mul3A_525, %add3A_526 : i32
      %mul3A_528 = arith.constant 16 : i32
      %mul3A_529 = arith.muli %add3A_527, %mul3A_528 : i32
      %get3A_530 = arith.index_cast %mul3A_529 : i32 to index
      %get3A_531 = tpu.vector_load %arg5[%get3A_530] {strides = array<i32>} : memref<16384xf32, #tpu.memory_space<vmem>>, vector<16xf32>,
      %get3A_532 = arith.index_cast %mul3A_529 : i32 to index
      %get3A_533 = tpu.vector_load %arg6[%get3A_532] {strides = array<i32>} : memref<16384xf32, #tpu.memory_space<vmem>>, vector<16xf32>,
      %sub3A_534 = arith.subf %get3A_531, %get3A_533 : vector<16xf32>
      %abs3A_535 = math.absf %sub3A_534 : vector<16xf32>
      %lt3A_536 = arith.constant 2.000000e-02 : f32
      %lt3A_537 = vector.broadcast %lt3A_536 : f32 to vector<16xf32>
      %lt3A_538 = arith.cmpf olt, %abs3A_535, %lt3A_537 : vector<16xf32>
      %mul3A_539 = arith.constant 2.500000e+01 : f32
      %mul3A_540 = vector.broadcast %mul3A_539 : f32 to vector<16xf32>
      %mul3A_541 = arith.mulf %mul3A_540, %abs3A_535 : vector<16xf32>
      %mul3A_542 = arith.mulf %mul3A_541, %abs3A_535 : vector<16xf32>
      %sub3A_543 = arith.constant 0.00999999977 : f32
      %sub3A_544 = vector.broadcast %sub3A_543 : f32 to vector<16xf32>
      %sub3A_545 = arith.subf %abs3A_535, %sub3A_544 : vector<16xf32>
      %select_n3A_546 = arith.select %lt3A_538, %mul3A_542, %sub3A_545 : vector<16xi1>, vector<16xf32>
      %add3A_547 = arith.addf %get3A_531, %get3A_531 : vector<16xf32>
      %min3A_548 = arith.constant 6.000000e+01 : f32
      %min3A_549 = vector.broadcast %min3A_548 : f32 to vector<16xf32>
      %min3A_550 = arith.minimumf %add3A_547, %min3A_549 : vector<16xf32>
      %exp3A_551 = math.exp %min3A_550 : vector<16xf32>
      %add3A_552 = arith.addf %get3A_533, %get3A_533 : vector<16xf32>
      %min3A_553 = arith.constant 6.000000e+01 : f32
      %min3A_554 = vector.broadcast %min3A_553 : f32 to vector<16xf32>
      %min3A_555 = arith.minimumf %add3A_552, %min3A_554 : vector<16xf32>
      %exp3A_556 = math.exp %min3A_555 : vector<16xf32>
      %sub3A_557 = arith.subf %exp3A_551, %exp3A_556 : vector<16xf32>
      %mul3A_558 = arith.constant 2.000000e+01 : f32
      %mul3A_559 = vector.broadcast %mul3A_558 : f32 to vector<16xf32>
      %mul3A_560 = arith.mulf %mul3A_559, %sub3A_557 : vector<16xf32>
      %abs3A_561 = math.absf %mul3A_560 : vector<16xf32>
      %add3A_562 = arith.constant 1.000000e+00 : f32
      %add3A_563 = vector.broadcast %add3A_562 : f32 to vector<16xf32>
      %add3A_564 = arith.addf %exp3A_551, %add3A_563 : vector<16xf32>
      %add3A_565 = arith.constant 1.000000e+00 : f32
      %add3A_566 = vector.broadcast %add3A_565 : f32 to vector<16xf32>
      %add3A_567 = arith.addf %exp3A_556, %add3A_566 : vector<16xf32>
      %mul3A_568 = arith.mulf %add3A_564, %add3A_567 : vector<16xf32>
      %div3A_569 = arith.divf %abs3A_561, %mul3A_568 : vector<16xf32>
      %convert_element_type3A_570 = arith.fptosi %div3A_569 : vector<16xf32> to vector<16xi32>
      %min3A_571 = arith.constant 9 : i32
      %min3A_572 = vector.broadcast %min3A_571 : i32 to vector<16xi32>
      %min3A_573 = arith.minsi %convert_element_type3A_570, %min3A_572 : vector<16xi32>
      %mul3A_574 = arith.constant 16 : i32
      %mul3A_575 = vector.broadcast %mul3A_574 : i32 to vector<16xi32>
      %mul3A_576 = arith.muli %min3A_573, %mul3A_575 : vector<16xi32>
      %add3A_577 = arith.addi %mul3A_576, %iota3A : vector<16xi32>
      %add3A_578 = arith.constant 160 : i32
      %add3A_579 = vector.broadcast %add3A_578 : i32 to vector<16xi32>
      %add3A_580 = arith.addi %add3A_577, %add3A_579 : vector<16xi32>
      tpu.vector_store_idx %arg9[%add3A_580], %select_n3A_546 {add = true} : memref<320xf32, #tpu.memory_space<vmem>>[vector<16xi32>], vector<16xf32>,
      %lt3A_581 = arith.constant 10 : i32
      %lt3A_582 = vector.broadcast %lt3A_581 : i32 to vector<16xi32>
      %lt3A_583 = arith.cmpi slt, %convert_element_type3A_570, %lt3A_582 : vector<16xi32>
      tpu.vector_store_idx %arg9[%add3A_577], %broadcast_in_dim3A_82 masked %lt3A_583 {add = true} : memref<320xf32, #tpu.memory_space<vmem>>[vector<16xi32>], vector<16xf32>, vector<16xi1>
      %mul3A_584 = arith.constant 16 : i32
      %mul3A_585 = arith.muli %scan3A_112, %mul3A_584 : i32
      %add3A_586 = arith.constant 8 : i32
      %add3A_587 = arith.addi %mul3A_585, %add3A_586 : i32
      %mul3A_588 = arith.constant 16 : i32
      %mul3A_589 = arith.muli %add3A_587, %mul3A_588 : i32
      %get3A_590 = arith.index_cast %mul3A_589 : i32 to index
      %get3A_591 = tpu.vector_load %arg5[%get3A_590] {strides = array<i32>} : memref<16384xf32, #tpu.memory_space<vmem>>, vector<16xf32>,
      %get3A_592 = arith.index_cast %mul3A_589 : i32 to index
      %get3A_593 = tpu.vector_load %arg6[%get3A_592] {strides = array<i32>} : memref<16384xf32, #tpu.memory_space<vmem>>, vector<16xf32>,
      %sub3A_594 = arith.subf %get3A_591, %get3A_593 : vector<16xf32>
      %abs3A_595 = math.absf %sub3A_594 : vector<16xf32>
      %lt3A_596 = arith.constant 2.000000e-02 : f32
      %lt3A_597 = vector.broadcast %lt3A_596 : f32 to vector<16xf32>
      %lt3A_598 = arith.cmpf olt, %abs3A_595, %lt3A_597 : vector<16xf32>
      %mul3A_599 = arith.constant 2.500000e+01 : f32
      %mul3A_600 = vector.broadcast %mul3A_599 : f32 to vector<16xf32>
      %mul3A_601 = arith.mulf %mul3A_600, %abs3A_595 : vector<16xf32>
      %mul3A_602 = arith.mulf %mul3A_601, %abs3A_595 : vector<16xf32>
      %sub3A_603 = arith.constant 0.00999999977 : f32
      %sub3A_604 = vector.broadcast %sub3A_603 : f32 to vector<16xf32>
      %sub3A_605 = arith.subf %abs3A_595, %sub3A_604 : vector<16xf32>
      %select_n3A_606 = arith.select %lt3A_598, %mul3A_602, %sub3A_605 : vector<16xi1>, vector<16xf32>
      %add3A_607 = arith.addf %get3A_591, %get3A_591 : vector<16xf32>
      %min3A_608 = arith.constant 6.000000e+01 : f32
      %min3A_609 = vector.broadcast %min3A_608 : f32 to vector<16xf32>
      %min3A_610 = arith.minimumf %add3A_607, %min3A_609 : vector<16xf32>
      %exp3A_611 = math.exp %min3A_610 : vector<16xf32>
      %add3A_612 = arith.addf %get3A_593, %get3A_593 : vector<16xf32>
      %min3A_613 = arith.constant 6.000000e+01 : f32
      %min3A_614 = vector.broadcast %min3A_613 : f32 to vector<16xf32>
      %min3A_615 = arith.minimumf %add3A_612, %min3A_614 : vector<16xf32>
      %exp3A_616 = math.exp %min3A_615 : vector<16xf32>
      %sub3A_617 = arith.subf %exp3A_611, %exp3A_616 : vector<16xf32>
      %mul3A_618 = arith.constant 2.000000e+01 : f32
      %mul3A_619 = vector.broadcast %mul3A_618 : f32 to vector<16xf32>
      %mul3A_620 = arith.mulf %mul3A_619, %sub3A_617 : vector<16xf32>
      %abs3A_621 = math.absf %mul3A_620 : vector<16xf32>
      %add3A_622 = arith.constant 1.000000e+00 : f32
      %add3A_623 = vector.broadcast %add3A_622 : f32 to vector<16xf32>
      %add3A_624 = arith.addf %exp3A_611, %add3A_623 : vector<16xf32>
      %add3A_625 = arith.constant 1.000000e+00 : f32
      %add3A_626 = vector.broadcast %add3A_625 : f32 to vector<16xf32>
      %add3A_627 = arith.addf %exp3A_616, %add3A_626 : vector<16xf32>
      %mul3A_628 = arith.mulf %add3A_624, %add3A_627 : vector<16xf32>
      %div3A_629 = arith.divf %abs3A_621, %mul3A_628 : vector<16xf32>
      %convert_element_type3A_630 = arith.fptosi %div3A_629 : vector<16xf32> to vector<16xi32>
      %min3A_631 = arith.constant 9 : i32
      %min3A_632 = vector.broadcast %min3A_631 : i32 to vector<16xi32>
      %min3A_633 = arith.minsi %convert_element_type3A_630, %min3A_632 : vector<16xi32>
      %mul3A_634 = arith.constant 16 : i32
      %mul3A_635 = vector.broadcast %mul3A_634 : i32 to vector<16xi32>
      %mul3A_636 = arith.muli %min3A_633, %mul3A_635 : vector<16xi32>
      %add3A_637 = arith.addi %mul3A_636, %iota3A : vector<16xi32>
      %add3A_638 = arith.constant 160 : i32
      %add3A_639 = vector.broadcast %add3A_638 : i32 to vector<16xi32>
      %add3A_640 = arith.addi %add3A_637, %add3A_639 : vector<16xi32>
      tpu.vector_store_idx %arg9[%add3A_640], %select_n3A_606 {add = true} : memref<320xf32, #tpu.memory_space<vmem>>[vector<16xi32>], vector<16xf32>,
      %lt3A_641 = arith.constant 10 : i32
      %lt3A_642 = vector.broadcast %lt3A_641 : i32 to vector<16xi32>
      %lt3A_643 = arith.cmpi slt, %convert_element_type3A_630, %lt3A_642 : vector<16xi32>
      tpu.vector_store_idx %arg9[%add3A_637], %broadcast_in_dim3A_82 masked %lt3A_643 {add = true} : memref<320xf32, #tpu.memory_space<vmem>>[vector<16xi32>], vector<16xf32>, vector<16xi1>
      %mul3A_644 = arith.constant 16 : i32
      %mul3A_645 = arith.muli %scan3A_112, %mul3A_644 : i32
      %add3A_646 = arith.constant 9 : i32
      %add3A_647 = arith.addi %mul3A_645, %add3A_646 : i32
      %mul3A_648 = arith.constant 16 : i32
      %mul3A_649 = arith.muli %add3A_647, %mul3A_648 : i32
      %get3A_650 = arith.index_cast %mul3A_649 : i32 to index
      %get3A_651 = tpu.vector_load %arg5[%get3A_650] {strides = array<i32>} : memref<16384xf32, #tpu.memory_space<vmem>>, vector<16xf32>,
      %get3A_652 = arith.index_cast %mul3A_649 : i32 to index
      %get3A_653 = tpu.vector_load %arg6[%get3A_652] {strides = array<i32>} : memref<16384xf32, #tpu.memory_space<vmem>>, vector<16xf32>,
      %sub3A_654 = arith.subf %get3A_651, %get3A_653 : vector<16xf32>
      %abs3A_655 = math.absf %sub3A_654 : vector<16xf32>
      %lt3A_656 = arith.constant 2.000000e-02 : f32
      %lt3A_657 = vector.broadcast %lt3A_656 : f32 to vector<16xf32>
      %lt3A_658 = arith.cmpf olt, %abs3A_655, %lt3A_657 : vector<16xf32>
      %mul3A_659 = arith.constant 2.500000e+01 : f32
      %mul3A_660 = vector.broadcast %mul3A_659 : f32 to vector<16xf32>
      %mul3A_661 = arith.mulf %mul3A_660, %abs3A_655 : vector<16xf32>
      %mul3A_662 = arith.mulf %mul3A_661, %abs3A_655 : vector<16xf32>
      %sub3A_663 = arith.constant 0.00999999977 : f32
      %sub3A_664 = vector.broadcast %sub3A_663 : f32 to vector<16xf32>
      %sub3A_665 = arith.subf %abs3A_655, %sub3A_664 : vector<16xf32>
      %select_n3A_666 = arith.select %lt3A_658, %mul3A_662, %sub3A_665 : vector<16xi1>, vector<16xf32>
      %add3A_667 = arith.addf %get3A_651, %get3A_651 : vector<16xf32>
      %min3A_668 = arith.constant 6.000000e+01 : f32
      %min3A_669 = vector.broadcast %min3A_668 : f32 to vector<16xf32>
      %min3A_670 = arith.minimumf %add3A_667, %min3A_669 : vector<16xf32>
      %exp3A_671 = math.exp %min3A_670 : vector<16xf32>
      %add3A_672 = arith.addf %get3A_653, %get3A_653 : vector<16xf32>
      %min3A_673 = arith.constant 6.000000e+01 : f32
      %min3A_674 = vector.broadcast %min3A_673 : f32 to vector<16xf32>
      %min3A_675 = arith.minimumf %add3A_672, %min3A_674 : vector<16xf32>
      %exp3A_676 = math.exp %min3A_675 : vector<16xf32>
      %sub3A_677 = arith.subf %exp3A_671, %exp3A_676 : vector<16xf32>
      %mul3A_678 = arith.constant 2.000000e+01 : f32
      %mul3A_679 = vector.broadcast %mul3A_678 : f32 to vector<16xf32>
      %mul3A_680 = arith.mulf %mul3A_679, %sub3A_677 : vector<16xf32>
      %abs3A_681 = math.absf %mul3A_680 : vector<16xf32>
      %add3A_682 = arith.constant 1.000000e+00 : f32
      %add3A_683 = vector.broadcast %add3A_682 : f32 to vector<16xf32>
      %add3A_684 = arith.addf %exp3A_671, %add3A_683 : vector<16xf32>
      %add3A_685 = arith.constant 1.000000e+00 : f32
      %add3A_686 = vector.broadcast %add3A_685 : f32 to vector<16xf32>
      %add3A_687 = arith.addf %exp3A_676, %add3A_686 : vector<16xf32>
      %mul3A_688 = arith.mulf %add3A_684, %add3A_687 : vector<16xf32>
      %div3A_689 = arith.divf %abs3A_681, %mul3A_688 : vector<16xf32>
      %convert_element_type3A_690 = arith.fptosi %div3A_689 : vector<16xf32> to vector<16xi32>
      %min3A_691 = arith.constant 9 : i32
      %min3A_692 = vector.broadcast %min3A_691 : i32 to vector<16xi32>
      %min3A_693 = arith.minsi %convert_element_type3A_690, %min3A_692 : vector<16xi32>
      %mul3A_694 = arith.constant 16 : i32
      %mul3A_695 = vector.broadcast %mul3A_694 : i32 to vector<16xi32>
      %mul3A_696 = arith.muli %min3A_693, %mul3A_695 : vector<16xi32>
      %add3A_697 = arith.addi %mul3A_696, %iota3A : vector<16xi32>
      %add3A_698 = arith.constant 160 : i32
      %add3A_699 = vector.broadcast %add3A_698 : i32 to vector<16xi32>
      %add3A_700 = arith.addi %add3A_697, %add3A_699 : vector<16xi32>
      tpu.vector_store_idx %arg9[%add3A_700], %select_n3A_666 {add = true} : memref<320xf32, #tpu.memory_space<vmem>>[vector<16xi32>], vector<16xf32>,
      %lt3A_701 = arith.constant 10 : i32
      %lt3A_702 = vector.broadcast %lt3A_701 : i32 to vector<16xi32>
      %lt3A_703 = arith.cmpi slt, %convert_element_type3A_690, %lt3A_702 : vector<16xi32>
      tpu.vector_store_idx %arg9[%add3A_697], %broadcast_in_dim3A_82 masked %lt3A_703 {add = true} : memref<320xf32, #tpu.memory_space<vmem>>[vector<16xi32>], vector<16xf32>, vector<16xi1>
      %mul3A_704 = arith.constant 16 : i32
      %mul3A_705 = arith.muli %scan3A_112, %mul3A_704 : i32
      %add3A_706 = arith.constant 10 : i32
      %add3A_707 = arith.addi %mul3A_705, %add3A_706 : i32
      %mul3A_708 = arith.constant 16 : i32
      %mul3A_709 = arith.muli %add3A_707, %mul3A_708 : i32
      %get3A_710 = arith.index_cast %mul3A_709 : i32 to index
      %get3A_711 = tpu.vector_load %arg5[%get3A_710] {strides = array<i32>} : memref<16384xf32, #tpu.memory_space<vmem>>, vector<16xf32>,
      %get3A_712 = arith.index_cast %mul3A_709 : i32 to index
      %get3A_713 = tpu.vector_load %arg6[%get3A_712] {strides = array<i32>} : memref<16384xf32, #tpu.memory_space<vmem>>, vector<16xf32>,
      %sub3A_714 = arith.subf %get3A_711, %get3A_713 : vector<16xf32>
      %abs3A_715 = math.absf %sub3A_714 : vector<16xf32>
      %lt3A_716 = arith.constant 2.000000e-02 : f32
      %lt3A_717 = vector.broadcast %lt3A_716 : f32 to vector<16xf32>
      %lt3A_718 = arith.cmpf olt, %abs3A_715, %lt3A_717 : vector<16xf32>
      %mul3A_719 = arith.constant 2.500000e+01 : f32
      %mul3A_720 = vector.broadcast %mul3A_719 : f32 to vector<16xf32>
      %mul3A_721 = arith.mulf %mul3A_720, %abs3A_715 : vector<16xf32>
      %mul3A_722 = arith.mulf %mul3A_721, %abs3A_715 : vector<16xf32>
      %sub3A_723 = arith.constant 0.00999999977 : f32
      %sub3A_724 = vector.broadcast %sub3A_723 : f32 to vector<16xf32>
      %sub3A_725 = arith.subf %abs3A_715, %sub3A_724 : vector<16xf32>
      %select_n3A_726 = arith.select %lt3A_718, %mul3A_722, %sub3A_725 : vector<16xi1>, vector<16xf32>
      %add3A_727 = arith.addf %get3A_711, %get3A_711 : vector<16xf32>
      %min3A_728 = arith.constant 6.000000e+01 : f32
      %min3A_729 = vector.broadcast %min3A_728 : f32 to vector<16xf32>
      %min3A_730 = arith.minimumf %add3A_727, %min3A_729 : vector<16xf32>
      %exp3A_731 = math.exp %min3A_730 : vector<16xf32>
      %add3A_732 = arith.addf %get3A_713, %get3A_713 : vector<16xf32>
      %min3A_733 = arith.constant 6.000000e+01 : f32
      %min3A_734 = vector.broadcast %min3A_733 : f32 to vector<16xf32>
      %min3A_735 = arith.minimumf %add3A_732, %min3A_734 : vector<16xf32>
      %exp3A_736 = math.exp %min3A_735 : vector<16xf32>
      %sub3A_737 = arith.subf %exp3A_731, %exp3A_736 : vector<16xf32>
      %mul3A_738 = arith.constant 2.000000e+01 : f32
      %mul3A_739 = vector.broadcast %mul3A_738 : f32 to vector<16xf32>
      %mul3A_740 = arith.mulf %mul3A_739, %sub3A_737 : vector<16xf32>
      %abs3A_741 = math.absf %mul3A_740 : vector<16xf32>
      %add3A_742 = arith.constant 1.000000e+00 : f32
      %add3A_743 = vector.broadcast %add3A_742 : f32 to vector<16xf32>
      %add3A_744 = arith.addf %exp3A_731, %add3A_743 : vector<16xf32>
      %add3A_745 = arith.constant 1.000000e+00 : f32
      %add3A_746 = vector.broadcast %add3A_745 : f32 to vector<16xf32>
      %add3A_747 = arith.addf %exp3A_736, %add3A_746 : vector<16xf32>
      %mul3A_748 = arith.mulf %add3A_744, %add3A_747 : vector<16xf32>
      %div3A_749 = arith.divf %abs3A_741, %mul3A_748 : vector<16xf32>
      %convert_element_type3A_750 = arith.fptosi %div3A_749 : vector<16xf32> to vector<16xi32>
      %min3A_751 = arith.constant 9 : i32
      %min3A_752 = vector.broadcast %min3A_751 : i32 to vector<16xi32>
      %min3A_753 = arith.minsi %convert_element_type3A_750, %min3A_752 : vector<16xi32>
      %mul3A_754 = arith.constant 16 : i32
      %mul3A_755 = vector.broadcast %mul3A_754 : i32 to vector<16xi32>
      %mul3A_756 = arith.muli %min3A_753, %mul3A_755 : vector<16xi32>
      %add3A_757 = arith.addi %mul3A_756, %iota3A : vector<16xi32>
      %add3A_758 = arith.constant 160 : i32
      %add3A_759 = vector.broadcast %add3A_758 : i32 to vector<16xi32>
      %add3A_760 = arith.addi %add3A_757, %add3A_759 : vector<16xi32>
      tpu.vector_store_idx %arg9[%add3A_760], %select_n3A_726 {add = true} : memref<320xf32, #tpu.memory_space<vmem>>[vector<16xi32>], vector<16xf32>,
      %lt3A_761 = arith.constant 10 : i32
      %lt3A_762 = vector.broadcast %lt3A_761 : i32 to vector<16xi32>
      %lt3A_763 = arith.cmpi slt, %convert_element_type3A_750, %lt3A_762 : vector<16xi32>
      tpu.vector_store_idx %arg9[%add3A_757], %broadcast_in_dim3A_82 masked %lt3A_763 {add = true} : memref<320xf32, #tpu.memory_space<vmem>>[vector<16xi32>], vector<16xf32>, vector<16xi1>
      %mul3A_764 = arith.constant 16 : i32
      %mul3A_765 = arith.muli %scan3A_112, %mul3A_764 : i32
      %add3A_766 = arith.constant 11 : i32
      %add3A_767 = arith.addi %mul3A_765, %add3A_766 : i32
      %mul3A_768 = arith.constant 16 : i32
      %mul3A_769 = arith.muli %add3A_767, %mul3A_768 : i32
      %get3A_770 = arith.index_cast %mul3A_769 : i32 to index
      %get3A_771 = tpu.vector_load %arg5[%get3A_770] {strides = array<i32>} : memref<16384xf32, #tpu.memory_space<vmem>>, vector<16xf32>,
      %get3A_772 = arith.index_cast %mul3A_769 : i32 to index
      %get3A_773 = tpu.vector_load %arg6[%get3A_772] {strides = array<i32>} : memref<16384xf32, #tpu.memory_space<vmem>>, vector<16xf32>,
      %sub3A_774 = arith.subf %get3A_771, %get3A_773 : vector<16xf32>
      %abs3A_775 = math.absf %sub3A_774 : vector<16xf32>
      %lt3A_776 = arith.constant 2.000000e-02 : f32
      %lt3A_777 = vector.broadcast %lt3A_776 : f32 to vector<16xf32>
      %lt3A_778 = arith.cmpf olt, %abs3A_775, %lt3A_777 : vector<16xf32>
      %mul3A_779 = arith.constant 2.500000e+01 : f32
      %mul3A_780 = vector.broadcast %mul3A_779 : f32 to vector<16xf32>
      %mul3A_781 = arith.mulf %mul3A_780, %abs3A_775 : vector<16xf32>
      %mul3A_782 = arith.mulf %mul3A_781, %abs3A_775 : vector<16xf32>
      %sub3A_783 = arith.constant 0.00999999977 : f32
      %sub3A_784 = vector.broadcast %sub3A_783 : f32 to vector<16xf32>
      %sub3A_785 = arith.subf %abs3A_775, %sub3A_784 : vector<16xf32>
      %select_n3A_786 = arith.select %lt3A_778, %mul3A_782, %sub3A_785 : vector<16xi1>, vector<16xf32>
      %add3A_787 = arith.addf %get3A_771, %get3A_771 : vector<16xf32>
      %min3A_788 = arith.constant 6.000000e+01 : f32
      %min3A_789 = vector.broadcast %min3A_788 : f32 to vector<16xf32>
      %min3A_790 = arith.minimumf %add3A_787, %min3A_789 : vector<16xf32>
      %exp3A_791 = math.exp %min3A_790 : vector<16xf32>
      %add3A_792 = arith.addf %get3A_773, %get3A_773 : vector<16xf32>
      %min3A_793 = arith.constant 6.000000e+01 : f32
      %min3A_794 = vector.broadcast %min3A_793 : f32 to vector<16xf32>
      %min3A_795 = arith.minimumf %add3A_792, %min3A_794 : vector<16xf32>
      %exp3A_796 = math.exp %min3A_795 : vector<16xf32>
      %sub3A_797 = arith.subf %exp3A_791, %exp3A_796 : vector<16xf32>
      %mul3A_798 = arith.constant 2.000000e+01 : f32
      %mul3A_799 = vector.broadcast %mul3A_798 : f32 to vector<16xf32>
      %mul3A_800 = arith.mulf %mul3A_799, %sub3A_797 : vector<16xf32>
      %abs3A_801 = math.absf %mul3A_800 : vector<16xf32>
      %add3A_802 = arith.constant 1.000000e+00 : f32
      %add3A_803 = vector.broadcast %add3A_802 : f32 to vector<16xf32>
      %add3A_804 = arith.addf %exp3A_791, %add3A_803 : vector<16xf32>
      %add3A_805 = arith.constant 1.000000e+00 : f32
      %add3A_806 = vector.broadcast %add3A_805 : f32 to vector<16xf32>
      %add3A_807 = arith.addf %exp3A_796, %add3A_806 : vector<16xf32>
      %mul3A_808 = arith.mulf %add3A_804, %add3A_807 : vector<16xf32>
      %div3A_809 = arith.divf %abs3A_801, %mul3A_808 : vector<16xf32>
      %convert_element_type3A_810 = arith.fptosi %div3A_809 : vector<16xf32> to vector<16xi32>
      %min3A_811 = arith.constant 9 : i32
      %min3A_812 = vector.broadcast %min3A_811 : i32 to vector<16xi32>
      %min3A_813 = arith.minsi %convert_element_type3A_810, %min3A_812 : vector<16xi32>
      %mul3A_814 = arith.constant 16 : i32
      %mul3A_815 = vector.broadcast %mul3A_814 : i32 to vector<16xi32>
      %mul3A_816 = arith.muli %min3A_813, %mul3A_815 : vector<16xi32>
      %add3A_817 = arith.addi %mul3A_816, %iota3A : vector<16xi32>
      %add3A_818 = arith.constant 160 : i32
      %add3A_819 = vector.broadcast %add3A_818 : i32 to vector<16xi32>
      %add3A_820 = arith.addi %add3A_817, %add3A_819 : vector<16xi32>
      tpu.vector_store_idx %arg9[%add3A_820], %select_n3A_786 {add = true} : memref<320xf32, #tpu.memory_space<vmem>>[vector<16xi32>], vector<16xf32>,
      %lt3A_821 = arith.constant 10 : i32
      %lt3A_822 = vector.broadcast %lt3A_821 : i32 to vector<16xi32>
      %lt3A_823 = arith.cmpi slt, %convert_element_type3A_810, %lt3A_822 : vector<16xi32>
      tpu.vector_store_idx %arg9[%add3A_817], %broadcast_in_dim3A_82 masked %lt3A_823 {add = true} : memref<320xf32, #tpu.memory_space<vmem>>[vector<16xi32>], vector<16xf32>, vector<16xi1>
      %mul3A_824 = arith.constant 16 : i32
      %mul3A_825 = arith.muli %scan3A_112, %mul3A_824 : i32
      %add3A_826 = arith.constant 12 : i32
      %add3A_827 = arith.addi %mul3A_825, %add3A_826 : i32
      %mul3A_828 = arith.constant 16 : i32
      %mul3A_829 = arith.muli %add3A_827, %mul3A_828 : i32
      %get3A_830 = arith.index_cast %mul3A_829 : i32 to index
      %get3A_831 = tpu.vector_load %arg5[%get3A_830] {strides = array<i32>} : memref<16384xf32, #tpu.memory_space<vmem>>, vector<16xf32>,
      %get3A_832 = arith.index_cast %mul3A_829 : i32 to index
      %get3A_833 = tpu.vector_load %arg6[%get3A_832] {strides = array<i32>} : memref<16384xf32, #tpu.memory_space<vmem>>, vector<16xf32>,
      %sub3A_834 = arith.subf %get3A_831, %get3A_833 : vector<16xf32>
      %abs3A_835 = math.absf %sub3A_834 : vector<16xf32>
      %lt3A_836 = arith.constant 2.000000e-02 : f32
      %lt3A_837 = vector.broadcast %lt3A_836 : f32 to vector<16xf32>
      %lt3A_838 = arith.cmpf olt, %abs3A_835, %lt3A_837 : vector<16xf32>
      %mul3A_839 = arith.constant 2.500000e+01 : f32
      %mul3A_840 = vector.broadcast %mul3A_839 : f32 to vector<16xf32>
      %mul3A_841 = arith.mulf %mul3A_840, %abs3A_835 : vector<16xf32>
      %mul3A_842 = arith.mulf %mul3A_841, %abs3A_835 : vector<16xf32>
      %sub3A_843 = arith.constant 0.00999999977 : f32
      %sub3A_844 = vector.broadcast %sub3A_843 : f32 to vector<16xf32>
      %sub3A_845 = arith.subf %abs3A_835, %sub3A_844 : vector<16xf32>
      %select_n3A_846 = arith.select %lt3A_838, %mul3A_842, %sub3A_845 : vector<16xi1>, vector<16xf32>
      %add3A_847 = arith.addf %get3A_831, %get3A_831 : vector<16xf32>
      %min3A_848 = arith.constant 6.000000e+01 : f32
      %min3A_849 = vector.broadcast %min3A_848 : f32 to vector<16xf32>
      %min3A_850 = arith.minimumf %add3A_847, %min3A_849 : vector<16xf32>
      %exp3A_851 = math.exp %min3A_850 : vector<16xf32>
      %add3A_852 = arith.addf %get3A_833, %get3A_833 : vector<16xf32>
      %min3A_853 = arith.constant 6.000000e+01 : f32
      %min3A_854 = vector.broadcast %min3A_853 : f32 to vector<16xf32>
      %min3A_855 = arith.minimumf %add3A_852, %min3A_854 : vector<16xf32>
      %exp3A_856 = math.exp %min3A_855 : vector<16xf32>
      %sub3A_857 = arith.subf %exp3A_851, %exp3A_856 : vector<16xf32>
      %mul3A_858 = arith.constant 2.000000e+01 : f32
      %mul3A_859 = vector.broadcast %mul3A_858 : f32 to vector<16xf32>
      %mul3A_860 = arith.mulf %mul3A_859, %sub3A_857 : vector<16xf32>
      %abs3A_861 = math.absf %mul3A_860 : vector<16xf32>
      %add3A_862 = arith.constant 1.000000e+00 : f32
      %add3A_863 = vector.broadcast %add3A_862 : f32 to vector<16xf32>
      %add3A_864 = arith.addf %exp3A_851, %add3A_863 : vector<16xf32>
      %add3A_865 = arith.constant 1.000000e+00 : f32
      %add3A_866 = vector.broadcast %add3A_865 : f32 to vector<16xf32>
      %add3A_867 = arith.addf %exp3A_856, %add3A_866 : vector<16xf32>
      %mul3A_868 = arith.mulf %add3A_864, %add3A_867 : vector<16xf32>
      %div3A_869 = arith.divf %abs3A_861, %mul3A_868 : vector<16xf32>
      %convert_element_type3A_870 = arith.fptosi %div3A_869 : vector<16xf32> to vector<16xi32>
      %min3A_871 = arith.constant 9 : i32
      %min3A_872 = vector.broadcast %min3A_871 : i32 to vector<16xi32>
      %min3A_873 = arith.minsi %convert_element_type3A_870, %min3A_872 : vector<16xi32>
      %mul3A_874 = arith.constant 16 : i32
      %mul3A_875 = vector.broadcast %mul3A_874 : i32 to vector<16xi32>
      %mul3A_876 = arith.muli %min3A_873, %mul3A_875 : vector<16xi32>
      %add3A_877 = arith.addi %mul3A_876, %iota3A : vector<16xi32>
      %add3A_878 = arith.constant 160 : i32
      %add3A_879 = vector.broadcast %add3A_878 : i32 to vector<16xi32>
      %add3A_880 = arith.addi %add3A_877, %add3A_879 : vector<16xi32>
      tpu.vector_store_idx %arg9[%add3A_880], %select_n3A_846 {add = true} : memref<320xf32, #tpu.memory_space<vmem>>[vector<16xi32>], vector<16xf32>,
      %lt3A_881 = arith.constant 10 : i32
      %lt3A_882 = vector.broadcast %lt3A_881 : i32 to vector<16xi32>
      %lt3A_883 = arith.cmpi slt, %convert_element_type3A_870, %lt3A_882 : vector<16xi32>
      tpu.vector_store_idx %arg9[%add3A_877], %broadcast_in_dim3A_82 masked %lt3A_883 {add = true} : memref<320xf32, #tpu.memory_space<vmem>>[vector<16xi32>], vector<16xf32>, vector<16xi1>
      %mul3A_884 = arith.constant 16 : i32
      %mul3A_885 = arith.muli %scan3A_112, %mul3A_884 : i32
      %add3A_886 = arith.constant 13 : i32
      %add3A_887 = arith.addi %mul3A_885, %add3A_886 : i32
      %mul3A_888 = arith.constant 16 : i32
      %mul3A_889 = arith.muli %add3A_887, %mul3A_888 : i32
      %get3A_890 = arith.index_cast %mul3A_889 : i32 to index
      %get3A_891 = tpu.vector_load %arg5[%get3A_890] {strides = array<i32>} : memref<16384xf32, #tpu.memory_space<vmem>>, vector<16xf32>,
      %get3A_892 = arith.index_cast %mul3A_889 : i32 to index
      %get3A_893 = tpu.vector_load %arg6[%get3A_892] {strides = array<i32>} : memref<16384xf32, #tpu.memory_space<vmem>>, vector<16xf32>,
      %sub3A_894 = arith.subf %get3A_891, %get3A_893 : vector<16xf32>
      %abs3A_895 = math.absf %sub3A_894 : vector<16xf32>
      %lt3A_896 = arith.constant 2.000000e-02 : f32
      %lt3A_897 = vector.broadcast %lt3A_896 : f32 to vector<16xf32>
      %lt3A_898 = arith.cmpf olt, %abs3A_895, %lt3A_897 : vector<16xf32>
      %mul3A_899 = arith.constant 2.500000e+01 : f32
      %mul3A_900 = vector.broadcast %mul3A_899 : f32 to vector<16xf32>
      %mul3A_901 = arith.mulf %mul3A_900, %abs3A_895 : vector<16xf32>
      %mul3A_902 = arith.mulf %mul3A_901, %abs3A_895 : vector<16xf32>
      %sub3A_903 = arith.constant 0.00999999977 : f32
      %sub3A_904 = vector.broadcast %sub3A_903 : f32 to vector<16xf32>
      %sub3A_905 = arith.subf %abs3A_895, %sub3A_904 : vector<16xf32>
      %select_n3A_906 = arith.select %lt3A_898, %mul3A_902, %sub3A_905 : vector<16xi1>, vector<16xf32>
      %add3A_907 = arith.addf %get3A_891, %get3A_891 : vector<16xf32>
      %min3A_908 = arith.constant 6.000000e+01 : f32
      %min3A_909 = vector.broadcast %min3A_908 : f32 to vector<16xf32>
      %min3A_910 = arith.minimumf %add3A_907, %min3A_909 : vector<16xf32>
      %exp3A_911 = math.exp %min3A_910 : vector<16xf32>
      %add3A_912 = arith.addf %get3A_893, %get3A_893 : vector<16xf32>
      %min3A_913 = arith.constant 6.000000e+01 : f32
      %min3A_914 = vector.broadcast %min3A_913 : f32 to vector<16xf32>
      %min3A_915 = arith.minimumf %add3A_912, %min3A_914 : vector<16xf32>
      %exp3A_916 = math.exp %min3A_915 : vector<16xf32>
      %sub3A_917 = arith.subf %exp3A_911, %exp3A_916 : vector<16xf32>
      %mul3A_918 = arith.constant 2.000000e+01 : f32
      %mul3A_919 = vector.broadcast %mul3A_918 : f32 to vector<16xf32>
      %mul3A_920 = arith.mulf %mul3A_919, %sub3A_917 : vector<16xf32>
      %abs3A_921 = math.absf %mul3A_920 : vector<16xf32>
      %add3A_922 = arith.constant 1.000000e+00 : f32
      %add3A_923 = vector.broadcast %add3A_922 : f32 to vector<16xf32>
      %add3A_924 = arith.addf %exp3A_911, %add3A_923 : vector<16xf32>
      %add3A_925 = arith.constant 1.000000e+00 : f32
      %add3A_926 = vector.broadcast %add3A_925 : f32 to vector<16xf32>
      %add3A_927 = arith.addf %exp3A_916, %add3A_926 : vector<16xf32>
      %mul3A_928 = arith.mulf %add3A_924, %add3A_927 : vector<16xf32>
      %div3A_929 = arith.divf %abs3A_921, %mul3A_928 : vector<16xf32>
      %convert_element_type3A_930 = arith.fptosi %div3A_929 : vector<16xf32> to vector<16xi32>
      %min3A_931 = arith.constant 9 : i32
      %min3A_932 = vector.broadcast %min3A_931 : i32 to vector<16xi32>
      %min3A_933 = arith.minsi %convert_element_type3A_930, %min3A_932 : vector<16xi32>
      %mul3A_934 = arith.constant 16 : i32
      %mul3A_935 = vector.broadcast %mul3A_934 : i32 to vector<16xi32>
      %mul3A_936 = arith.muli %min3A_933, %mul3A_935 : vector<16xi32>
      %add3A_937 = arith.addi %mul3A_936, %iota3A : vector<16xi32>
      %add3A_938 = arith.constant 160 : i32
      %add3A_939 = vector.broadcast %add3A_938 : i32 to vector<16xi32>
      %add3A_940 = arith.addi %add3A_937, %add3A_939 : vector<16xi32>
      tpu.vector_store_idx %arg9[%add3A_940], %select_n3A_906 {add = true} : memref<320xf32, #tpu.memory_space<vmem>>[vector<16xi32>], vector<16xf32>,
      %lt3A_941 = arith.constant 10 : i32
      %lt3A_942 = vector.broadcast %lt3A_941 : i32 to vector<16xi32>
      %lt3A_943 = arith.cmpi slt, %convert_element_type3A_930, %lt3A_942 : vector<16xi32>
      tpu.vector_store_idx %arg9[%add3A_937], %broadcast_in_dim3A_82 masked %lt3A_943 {add = true} : memref<320xf32, #tpu.memory_space<vmem>>[vector<16xi32>], vector<16xf32>, vector<16xi1>
      %mul3A_944 = arith.constant 16 : i32
      %mul3A_945 = arith.muli %scan3A_112, %mul3A_944 : i32
      %add3A_946 = arith.constant 14 : i32
      %add3A_947 = arith.addi %mul3A_945, %add3A_946 : i32
      %mul3A_948 = arith.constant 16 : i32
      %mul3A_949 = arith.muli %add3A_947, %mul3A_948 : i32
      %get3A_950 = arith.index_cast %mul3A_949 : i32 to index
      %get3A_951 = tpu.vector_load %arg5[%get3A_950] {strides = array<i32>} : memref<16384xf32, #tpu.memory_space<vmem>>, vector<16xf32>,
      %get3A_952 = arith.index_cast %mul3A_949 : i32 to index
      %get3A_953 = tpu.vector_load %arg6[%get3A_952] {strides = array<i32>} : memref<16384xf32, #tpu.memory_space<vmem>>, vector<16xf32>,
      %sub3A_954 = arith.subf %get3A_951, %get3A_953 : vector<16xf32>
      %abs3A_955 = math.absf %sub3A_954 : vector<16xf32>
      %lt3A_956 = arith.constant 2.000000e-02 : f32
      %lt3A_957 = vector.broadcast %lt3A_956 : f32 to vector<16xf32>
      %lt3A_958 = arith.cmpf olt, %abs3A_955, %lt3A_957 : vector<16xf32>
      %mul3A_959 = arith.constant 2.500000e+01 : f32
      %mul3A_960 = vector.broadcast %mul3A_959 : f32 to vector<16xf32>
      %mul3A_961 = arith.mulf %mul3A_960, %abs3A_955 : vector<16xf32>
      %mul3A_962 = arith.mulf %mul3A_961, %abs3A_955 : vector<16xf32>
      %sub3A_963 = arith.constant 0.00999999977 : f32
      %sub3A_964 = vector.broadcast %sub3A_963 : f32 to vector<16xf32>
      %sub3A_965 = arith.subf %abs3A_955, %sub3A_964 : vector<16xf32>
      %select_n3A_966 = arith.select %lt3A_958, %mul3A_962, %sub3A_965 : vector<16xi1>, vector<16xf32>
      %add3A_967 = arith.addf %get3A_951, %get3A_951 : vector<16xf32>
      %min3A_968 = arith.constant 6.000000e+01 : f32
      %min3A_969 = vector.broadcast %min3A_968 : f32 to vector<16xf32>
      %min3A_970 = arith.minimumf %add3A_967, %min3A_969 : vector<16xf32>
      %exp3A_971 = math.exp %min3A_970 : vector<16xf32>
      %add3A_972 = arith.addf %get3A_953, %get3A_953 : vector<16xf32>
      %min3A_973 = arith.constant 6.000000e+01 : f32
      %min3A_974 = vector.broadcast %min3A_973 : f32 to vector<16xf32>
      %min3A_975 = arith.minimumf %add3A_972, %min3A_974 : vector<16xf32>
      %exp3A_976 = math.exp %min3A_975 : vector<16xf32>
      %sub3A_977 = arith.subf %exp3A_971, %exp3A_976 : vector<16xf32>
      %mul3A_978 = arith.constant 2.000000e+01 : f32
      %mul3A_979 = vector.broadcast %mul3A_978 : f32 to vector<16xf32>
      %mul3A_980 = arith.mulf %mul3A_979, %sub3A_977 : vector<16xf32>
      %abs3A_981 = math.absf %mul3A_980 : vector<16xf32>
      %add3A_982 = arith.constant 1.000000e+00 : f32
      %add3A_983 = vector.broadcast %add3A_982 : f32 to vector<16xf32>
      %add3A_984 = arith.addf %exp3A_971, %add3A_983 : vector<16xf32>
      %add3A_985 = arith.constant 1.000000e+00 : f32
      %add3A_986 = vector.broadcast %add3A_985 : f32 to vector<16xf32>
      %add3A_987 = arith.addf %exp3A_976, %add3A_986 : vector<16xf32>
      %mul3A_988 = arith.mulf %add3A_984, %add3A_987 : vector<16xf32>
      %div3A_989 = arith.divf %abs3A_981, %mul3A_988 : vector<16xf32>
      %convert_element_type3A_990 = arith.fptosi %div3A_989 : vector<16xf32> to vector<16xi32>
      %min3A_991 = arith.constant 9 : i32
      %min3A_992 = vector.broadcast %min3A_991 : i32 to vector<16xi32>
      %min3A_993 = arith.minsi %convert_element_type3A_990, %min3A_992 : vector<16xi32>
      %mul3A_994 = arith.constant 16 : i32
      %mul3A_995 = vector.broadcast %mul3A_994 : i32 to vector<16xi32>
      %mul3A_996 = arith.muli %min3A_993, %mul3A_995 : vector<16xi32>
      %add3A_997 = arith.addi %mul3A_996, %iota3A : vector<16xi32>
      %add3A_998 = arith.constant 160 : i32
      %add3A_999 = vector.broadcast %add3A_998 : i32 to vector<16xi32>
      %add3A_1000 = arith.addi %add3A_997, %add3A_999 : vector<16xi32>
      tpu.vector_store_idx %arg9[%add3A_1000], %select_n3A_966 {add = true} : memref<320xf32, #tpu.memory_space<vmem>>[vector<16xi32>], vector<16xf32>,
      %lt3A_1001 = arith.constant 10 : i32
      %lt3A_1002 = vector.broadcast %lt3A_1001 : i32 to vector<16xi32>
      %lt3A_1003 = arith.cmpi slt, %convert_element_type3A_990, %lt3A_1002 : vector<16xi32>
      tpu.vector_store_idx %arg9[%add3A_997], %broadcast_in_dim3A_82 masked %lt3A_1003 {add = true} : memref<320xf32, #tpu.memory_space<vmem>>[vector<16xi32>], vector<16xf32>, vector<16xi1>
      %mul3A_1004 = arith.constant 16 : i32
      %mul3A_1005 = arith.muli %scan3A_112, %mul3A_1004 : i32
      %add3A_1006 = arith.constant 15 : i32
      %add3A_1007 = arith.addi %mul3A_1005, %add3A_1006 : i32
      %mul3A_1008 = arith.constant 16 : i32
      %mul3A_1009 = arith.muli %add3A_1007, %mul3A_1008 : i32
      %get3A_1010 = arith.index_cast %mul3A_1009 : i32 to index
      %get3A_1011 = tpu.vector_load %arg5[%get3A_1010] {strides = array<i32>} : memref<16384xf32, #tpu.memory_space<vmem>>, vector<16xf32>,
      %get3A_1012 = arith.index_cast %mul3A_1009 : i32 to index
      %get3A_1013 = tpu.vector_load %arg6[%get3A_1012] {strides = array<i32>} : memref<16384xf32, #tpu.memory_space<vmem>>, vector<16xf32>,
      %sub3A_1014 = arith.subf %get3A_1011, %get3A_1013 : vector<16xf32>
      %abs3A_1015 = math.absf %sub3A_1014 : vector<16xf32>
      %lt3A_1016 = arith.constant 2.000000e-02 : f32
      %lt3A_1017 = vector.broadcast %lt3A_1016 : f32 to vector<16xf32>
      %lt3A_1018 = arith.cmpf olt, %abs3A_1015, %lt3A_1017 : vector<16xf32>
      %mul3A_1019 = arith.constant 2.500000e+01 : f32
      %mul3A_1020 = vector.broadcast %mul3A_1019 : f32 to vector<16xf32>
      %mul3A_1021 = arith.mulf %mul3A_1020, %abs3A_1015 : vector<16xf32>
      %mul3A_1022 = arith.mulf %mul3A_1021, %abs3A_1015 : vector<16xf32>
      %sub3A_1023 = arith.constant 0.00999999977 : f32
      %sub3A_1024 = vector.broadcast %sub3A_1023 : f32 to vector<16xf32>
      %sub3A_1025 = arith.subf %abs3A_1015, %sub3A_1024 : vector<16xf32>
      %select_n3A_1026 = arith.select %lt3A_1018, %mul3A_1022, %sub3A_1025 : vector<16xi1>, vector<16xf32>
      %add3A_1027 = arith.addf %get3A_1011, %get3A_1011 : vector<16xf32>
      %min3A_1028 = arith.constant 6.000000e+01 : f32
      %min3A_1029 = vector.broadcast %min3A_1028 : f32 to vector<16xf32>
      %min3A_1030 = arith.minimumf %add3A_1027, %min3A_1029 : vector<16xf32>
      %exp3A_1031 = math.exp %min3A_1030 : vector<16xf32>
      %add3A_1032 = arith.addf %get3A_1013, %get3A_1013 : vector<16xf32>
      %min3A_1033 = arith.constant 6.000000e+01 : f32
      %min3A_1034 = vector.broadcast %min3A_1033 : f32 to vector<16xf32>
      %min3A_1035 = arith.minimumf %add3A_1032, %min3A_1034 : vector<16xf32>
      %exp3A_1036 = math.exp %min3A_1035 : vector<16xf32>
      %sub3A_1037 = arith.subf %exp3A_1031, %exp3A_1036 : vector<16xf32>
      %mul3A_1038 = arith.constant 2.000000e+01 : f32
      %mul3A_1039 = vector.broadcast %mul3A_1038 : f32 to vector<16xf32>
      %mul3A_1040 = arith.mulf %mul3A_1039, %sub3A_1037 : vector<16xf32>
      %abs3A_1041 = math.absf %mul3A_1040 : vector<16xf32>
      %add3A_1042 = arith.constant 1.000000e+00 : f32
      %add3A_1043 = vector.broadcast %add3A_1042 : f32 to vector<16xf32>
      %add3A_1044 = arith.addf %exp3A_1031, %add3A_1043 : vector<16xf32>
      %add3A_1045 = arith.constant 1.000000e+00 : f32
      %add3A_1046 = vector.broadcast %add3A_1045 : f32 to vector<16xf32>
      %add3A_1047 = arith.addf %exp3A_1036, %add3A_1046 : vector<16xf32>
      %mul3A_1048 = arith.mulf %add3A_1044, %add3A_1047 : vector<16xf32>
      %div3A_1049 = arith.divf %abs3A_1041, %mul3A_1048 : vector<16xf32>
      %convert_element_type3A_1050 = arith.fptosi %div3A_1049 : vector<16xf32> to vector<16xi32>
      %min3A_1051 = arith.constant 9 : i32
      %min3A_1052 = vector.broadcast %min3A_1051 : i32 to vector<16xi32>
      %min3A_1053 = arith.minsi %convert_element_type3A_1050, %min3A_1052 : vector<16xi32>
      %mul3A_1054 = arith.constant 16 : i32
      %mul3A_1055 = vector.broadcast %mul3A_1054 : i32 to vector<16xi32>
      %mul3A_1056 = arith.muli %min3A_1053, %mul3A_1055 : vector<16xi32>
      %add3A_1057 = arith.addi %mul3A_1056, %iota3A : vector<16xi32>
      %add3A_1058 = arith.constant 160 : i32
      %add3A_1059 = vector.broadcast %add3A_1058 : i32 to vector<16xi32>
      %add3A_1060 = arith.addi %add3A_1057, %add3A_1059 : vector<16xi32>
      tpu.vector_store_idx %arg9[%add3A_1060], %select_n3A_1026 {add = true} : memref<320xf32, #tpu.memory_space<vmem>>[vector<16xi32>], vector<16xf32>,
      %lt3A_1061 = arith.constant 10 : i32
      %lt3A_1062 = vector.broadcast %lt3A_1061 : i32 to vector<16xi32>
      %lt3A_1063 = arith.cmpi slt, %convert_element_type3A_1050, %lt3A_1062 : vector<16xi32>
      tpu.vector_store_idx %arg9[%add3A_1057], %broadcast_in_dim3A_82 masked %lt3A_1063 {add = true} : memref<320xf32, #tpu.memory_space<vmem>>[vector<16xi32>], vector<16xf32>, vector<16xi1>
    }
    %scan3A_101 = arith.constant 64 : i32
    %dma_wait3A_102 = tpu.memref_slice %arg2[%add3A_92] : memref<1048576xf32, #tpu.memory_space<hbm>> -> memref<16384xf32, #tpu.memory_space<hbm>>
    %dma_wait3A_103 = tpu.memref_slice %arg2[%add3A_92] : memref<1048576xf32, #tpu.memory_space<hbm>> -> memref<16384xf32, #tpu.memory_space<hbm>>
    tpu.wait_dma2 semaphore(%arg11 : memref<!tpu.dma_semaphore, #tpu.memory_space<semaphore_mem>>) src(%dma_wait3A_103 : memref<16384xf32, #tpu.memory_space<hbm>>) dst(%arg7 : memref<16384xf32, #tpu.memory_space<vmem>>)
    %dma_wait3A_104 = tpu.memref_slice %arg3[%add3A_92] : memref<1048576xf32, #tpu.memory_space<hbm>> -> memref<16384xf32, #tpu.memory_space<hbm>>
    %dma_wait3A_105 = tpu.memref_slice %arg3[%add3A_92] : memref<1048576xf32, #tpu.memory_space<hbm>> -> memref<16384xf32, #tpu.memory_space<hbm>>
    tpu.wait_dma2 semaphore(%arg11 : memref<!tpu.dma_semaphore, #tpu.memory_space<semaphore_mem>>) src(%dma_wait3A_105 : memref<16384xf32, #tpu.memory_space<hbm>>) dst(%arg8 : memref<16384xf32, #tpu.memory_space<vmem>>)
    %scan3A_106 = arith.constant 0 : i32
    %scan3A_107 = arith.constant 0 : i32
    %scan3A_108 = arith.constant 64 : i32
    %scan3A_109 = arith.addi %scan3A_107, %scan3A_108 : i32
    %scan3A_110 = arith.constant 1 : i32
    scf.for %scan3A_112 = %scan3A_107 to %scan3A_109 step %scan3A_110  : i32 {
      %mul3A_113 = arith.constant 16 : i32
      %mul3A_114 = arith.muli %scan3A_112, %mul3A_113 : i32
      %add3A_115 = arith.constant 0 : i32
      %add3A_116 = arith.addi %mul3A_114, %add3A_115 : i32
      %mul3A_117 = arith.constant 16 : i32
      %mul3A_118 = arith.muli %add3A_116, %mul3A_117 : i32
      %get3A = arith.index_cast %mul3A_118 : i32 to index
      %get3A_119 = tpu.vector_load %arg7[%get3A] {strides = array<i32>} : memref<16384xf32, #tpu.memory_space<vmem>>, vector<16xf32>,
      %get3A_120 = arith.index_cast %mul3A_118 : i32 to index
      %get3A_121 = tpu.vector_load %arg8[%get3A_120] {strides = array<i32>} : memref<16384xf32, #tpu.memory_space<vmem>>, vector<16xf32>,
      %sub3A = arith.subf %get3A_119, %get3A_121 : vector<16xf32>
      %abs3A = math.absf %sub3A : vector<16xf32>
      %lt3A = arith.constant 2.000000e-02 : f32
      %lt3A_122 = vector.broadcast %lt3A : f32 to vector<16xf32>
      %lt3A_123 = arith.cmpf olt, %abs3A, %lt3A_122 : vector<16xf32>
      %mul3A_124 = arith.constant 2.500000e+01 : f32
      %mul3A_125 = vector.broadcast %mul3A_124 : f32 to vector<16xf32>
      %mul3A_126 = arith.mulf %mul3A_125, %abs3A : vector<16xf32>
      %mul3A_127 = arith.mulf %mul3A_126, %abs3A : vector<16xf32>
      %sub3A_128 = arith.constant 0.00999999977 : f32
      %sub3A_129 = vector.broadcast %sub3A_128 : f32 to vector<16xf32>
      %sub3A_130 = arith.subf %abs3A, %sub3A_129 : vector<16xf32>
      %select_n3A = arith.select %lt3A_123, %mul3A_127, %sub3A_130 : vector<16xi1>, vector<16xf32>
      %add3A_131 = arith.addf %get3A_119, %get3A_119 : vector<16xf32>
      %min3A = arith.constant 6.000000e+01 : f32
      %min3A_132 = vector.broadcast %min3A : f32 to vector<16xf32>
      %min3A_133 = arith.minimumf %add3A_131, %min3A_132 : vector<16xf32>
      %exp3A = math.exp %min3A_133 : vector<16xf32>
      %add3A_134 = arith.addf %get3A_121, %get3A_121 : vector<16xf32>
      %min3A_135 = arith.constant 6.000000e+01 : f32
      %min3A_136 = vector.broadcast %min3A_135 : f32 to vector<16xf32>
      %min3A_137 = arith.minimumf %add3A_134, %min3A_136 : vector<16xf32>
      %exp3A_138 = math.exp %min3A_137 : vector<16xf32>
      %sub3A_139 = arith.subf %exp3A, %exp3A_138 : vector<16xf32>
      %mul3A_140 = arith.constant 2.000000e+01 : f32
      %mul3A_141 = vector.broadcast %mul3A_140 : f32 to vector<16xf32>
      %mul3A_142 = arith.mulf %mul3A_141, %sub3A_139 : vector<16xf32>
      %abs3A_143 = math.absf %mul3A_142 : vector<16xf32>
      %add3A_144 = arith.constant 1.000000e+00 : f32
      %add3A_145 = vector.broadcast %add3A_144 : f32 to vector<16xf32>
      %add3A_146 = arith.addf %exp3A, %add3A_145 : vector<16xf32>
      %add3A_147 = arith.constant 1.000000e+00 : f32
      %add3A_148 = vector.broadcast %add3A_147 : f32 to vector<16xf32>
      %add3A_149 = arith.addf %exp3A_138, %add3A_148 : vector<16xf32>
      %mul3A_150 = arith.mulf %add3A_146, %add3A_149 : vector<16xf32>
      %div3A = arith.divf %abs3A_143, %mul3A_150 : vector<16xf32>
      %convert_element_type3A = arith.fptosi %div3A : vector<16xf32> to vector<16xi32>
      %min3A_151 = arith.constant 9 : i32
      %min3A_152 = vector.broadcast %min3A_151 : i32 to vector<16xi32>
      %min3A_153 = arith.minsi %convert_element_type3A, %min3A_152 : vector<16xi32>
      %mul3A_154 = arith.constant 16 : i32
      %mul3A_155 = vector.broadcast %mul3A_154 : i32 to vector<16xi32>
      %mul3A_156 = arith.muli %min3A_153, %mul3A_155 : vector<16xi32>
      %add3A_157 = arith.addi %mul3A_156, %iota3A : vector<16xi32>
      %add3A_158 = arith.constant 160 : i32
      %add3A_159 = vector.broadcast %add3A_158 : i32 to vector<16xi32>
      %add3A_160 = arith.addi %add3A_157, %add3A_159 : vector<16xi32>
      tpu.vector_store_idx %arg9[%add3A_160], %select_n3A {add = true} : memref<320xf32, #tpu.memory_space<vmem>>[vector<16xi32>], vector<16xf32>,
      %lt3A_161 = arith.constant 10 : i32
      %lt3A_162 = vector.broadcast %lt3A_161 : i32 to vector<16xi32>
      %lt3A_163 = arith.cmpi slt, %convert_element_type3A, %lt3A_162 : vector<16xi32>
      tpu.vector_store_idx %arg9[%add3A_157], %broadcast_in_dim3A_82 masked %lt3A_163 {add = true} : memref<320xf32, #tpu.memory_space<vmem>>[vector<16xi32>], vector<16xf32>, vector<16xi1>
      %mul3A_164 = arith.constant 16 : i32
      %mul3A_165 = arith.muli %scan3A_112, %mul3A_164 : i32
      %add3A_166 = arith.constant 1 : i32
      %add3A_167 = arith.addi %mul3A_165, %add3A_166 : i32
      %mul3A_168 = arith.constant 16 : i32
      %mul3A_169 = arith.muli %add3A_167, %mul3A_168 : i32
      %get3A_170 = arith.index_cast %mul3A_169 : i32 to index
      %get3A_171 = tpu.vector_load %arg7[%get3A_170] {strides = array<i32>} : memref<16384xf32, #tpu.memory_space<vmem>>, vector<16xf32>,
      %get3A_172 = arith.index_cast %mul3A_169 : i32 to index
      %get3A_173 = tpu.vector_load %arg8[%get3A_172] {strides = array<i32>} : memref<16384xf32, #tpu.memory_space<vmem>>, vector<16xf32>,
      %sub3A_174 = arith.subf %get3A_171, %get3A_173 : vector<16xf32>
      %abs3A_175 = math.absf %sub3A_174 : vector<16xf32>
      %lt3A_176 = arith.constant 2.000000e-02 : f32
      %lt3A_177 = vector.broadcast %lt3A_176 : f32 to vector<16xf32>
      %lt3A_178 = arith.cmpf olt, %abs3A_175, %lt3A_177 : vector<16xf32>
      %mul3A_179 = arith.constant 2.500000e+01 : f32
      %mul3A_180 = vector.broadcast %mul3A_179 : f32 to vector<16xf32>
      %mul3A_181 = arith.mulf %mul3A_180, %abs3A_175 : vector<16xf32>
      %mul3A_182 = arith.mulf %mul3A_181, %abs3A_175 : vector<16xf32>
      %sub3A_183 = arith.constant 0.00999999977 : f32
      %sub3A_184 = vector.broadcast %sub3A_183 : f32 to vector<16xf32>
      %sub3A_185 = arith.subf %abs3A_175, %sub3A_184 : vector<16xf32>
      %select_n3A_186 = arith.select %lt3A_178, %mul3A_182, %sub3A_185 : vector<16xi1>, vector<16xf32>
      %add3A_187 = arith.addf %get3A_171, %get3A_171 : vector<16xf32>
      %min3A_188 = arith.constant 6.000000e+01 : f32
      %min3A_189 = vector.broadcast %min3A_188 : f32 to vector<16xf32>
      %min3A_190 = arith.minimumf %add3A_187, %min3A_189 : vector<16xf32>
      %exp3A_191 = math.exp %min3A_190 : vector<16xf32>
      %add3A_192 = arith.addf %get3A_173, %get3A_173 : vector<16xf32>
      %min3A_193 = arith.constant 6.000000e+01 : f32
      %min3A_194 = vector.broadcast %min3A_193 : f32 to vector<16xf32>
      %min3A_195 = arith.minimumf %add3A_192, %min3A_194 : vector<16xf32>
      %exp3A_196 = math.exp %min3A_195 : vector<16xf32>
      %sub3A_197 = arith.subf %exp3A_191, %exp3A_196 : vector<16xf32>
      %mul3A_198 = arith.constant 2.000000e+01 : f32
      %mul3A_199 = vector.broadcast %mul3A_198 : f32 to vector<16xf32>
      %mul3A_200 = arith.mulf %mul3A_199, %sub3A_197 : vector<16xf32>
      %abs3A_201 = math.absf %mul3A_200 : vector<16xf32>
      %add3A_202 = arith.constant 1.000000e+00 : f32
      %add3A_203 = vector.broadcast %add3A_202 : f32 to vector<16xf32>
      %add3A_204 = arith.addf %exp3A_191, %add3A_203 : vector<16xf32>
      %add3A_205 = arith.constant 1.000000e+00 : f32
      %add3A_206 = vector.broadcast %add3A_205 : f32 to vector<16xf32>
      %add3A_207 = arith.addf %exp3A_196, %add3A_206 : vector<16xf32>
      %mul3A_208 = arith.mulf %add3A_204, %add3A_207 : vector<16xf32>
      %div3A_209 = arith.divf %abs3A_201, %mul3A_208 : vector<16xf32>
      %convert_element_type3A_210 = arith.fptosi %div3A_209 : vector<16xf32> to vector<16xi32>
      %min3A_211 = arith.constant 9 : i32
      %min3A_212 = vector.broadcast %min3A_211 : i32 to vector<16xi32>
      %min3A_213 = arith.minsi %convert_element_type3A_210, %min3A_212 : vector<16xi32>
      %mul3A_214 = arith.constant 16 : i32
      %mul3A_215 = vector.broadcast %mul3A_214 : i32 to vector<16xi32>
      %mul3A_216 = arith.muli %min3A_213, %mul3A_215 : vector<16xi32>
      %add3A_217 = arith.addi %mul3A_216, %iota3A : vector<16xi32>
      %add3A_218 = arith.constant 160 : i32
      %add3A_219 = vector.broadcast %add3A_218 : i32 to vector<16xi32>
      %add3A_220 = arith.addi %add3A_217, %add3A_219 : vector<16xi32>
      tpu.vector_store_idx %arg9[%add3A_220], %select_n3A_186 {add = true} : memref<320xf32, #tpu.memory_space<vmem>>[vector<16xi32>], vector<16xf32>,
      %lt3A_221 = arith.constant 10 : i32
      %lt3A_222 = vector.broadcast %lt3A_221 : i32 to vector<16xi32>
      %lt3A_223 = arith.cmpi slt, %convert_element_type3A_210, %lt3A_222 : vector<16xi32>
      tpu.vector_store_idx %arg9[%add3A_217], %broadcast_in_dim3A_82 masked %lt3A_223 {add = true} : memref<320xf32, #tpu.memory_space<vmem>>[vector<16xi32>], vector<16xf32>, vector<16xi1>
      %mul3A_224 = arith.constant 16 : i32
      %mul3A_225 = arith.muli %scan3A_112, %mul3A_224 : i32
      %add3A_226 = arith.constant 2 : i32
      %add3A_227 = arith.addi %mul3A_225, %add3A_226 : i32
      %mul3A_228 = arith.constant 16 : i32
      %mul3A_229 = arith.muli %add3A_227, %mul3A_228 : i32
      %get3A_230 = arith.index_cast %mul3A_229 : i32 to index
      %get3A_231 = tpu.vector_load %arg7[%get3A_230] {strides = array<i32>} : memref<16384xf32, #tpu.memory_space<vmem>>, vector<16xf32>,
      %get3A_232 = arith.index_cast %mul3A_229 : i32 to index
      %get3A_233 = tpu.vector_load %arg8[%get3A_232] {strides = array<i32>} : memref<16384xf32, #tpu.memory_space<vmem>>, vector<16xf32>,
      %sub3A_234 = arith.subf %get3A_231, %get3A_233 : vector<16xf32>
      %abs3A_235 = math.absf %sub3A_234 : vector<16xf32>
      %lt3A_236 = arith.constant 2.000000e-02 : f32
      %lt3A_237 = vector.broadcast %lt3A_236 : f32 to vector<16xf32>
      %lt3A_238 = arith.cmpf olt, %abs3A_235, %lt3A_237 : vector<16xf32>
      %mul3A_239 = arith.constant 2.500000e+01 : f32
      %mul3A_240 = vector.broadcast %mul3A_239 : f32 to vector<16xf32>
      %mul3A_241 = arith.mulf %mul3A_240, %abs3A_235 : vector<16xf32>
      %mul3A_242 = arith.mulf %mul3A_241, %abs3A_235 : vector<16xf32>
      %sub3A_243 = arith.constant 0.00999999977 : f32
      %sub3A_244 = vector.broadcast %sub3A_243 : f32 to vector<16xf32>
      %sub3A_245 = arith.subf %abs3A_235, %sub3A_244 : vector<16xf32>
      %select_n3A_246 = arith.select %lt3A_238, %mul3A_242, %sub3A_245 : vector<16xi1>, vector<16xf32>
      %add3A_247 = arith.addf %get3A_231, %get3A_231 : vector<16xf32>
      %min3A_248 = arith.constant 6.000000e+01 : f32
      %min3A_249 = vector.broadcast %min3A_248 : f32 to vector<16xf32>
      %min3A_250 = arith.minimumf %add3A_247, %min3A_249 : vector<16xf32>
      %exp3A_251 = math.exp %min3A_250 : vector<16xf32>
      %add3A_252 = arith.addf %get3A_233, %get3A_233 : vector<16xf32>
      %min3A_253 = arith.constant 6.000000e+01 : f32
      %min3A_254 = vector.broadcast %min3A_253 : f32 to vector<16xf32>
      %min3A_255 = arith.minimumf %add3A_252, %min3A_254 : vector<16xf32>
      %exp3A_256 = math.exp %min3A_255 : vector<16xf32>
      %sub3A_257 = arith.subf %exp3A_251, %exp3A_256 : vector<16xf32>
      %mul3A_258 = arith.constant 2.000000e+01 : f32
      %mul3A_259 = vector.broadcast %mul3A_258 : f32 to vector<16xf32>
      %mul3A_260 = arith.mulf %mul3A_259, %sub3A_257 : vector<16xf32>
      %abs3A_261 = math.absf %mul3A_260 : vector<16xf32>
      %add3A_262 = arith.constant 1.000000e+00 : f32
      %add3A_263 = vector.broadcast %add3A_262 : f32 to vector<16xf32>
      %add3A_264 = arith.addf %exp3A_251, %add3A_263 : vector<16xf32>
      %add3A_265 = arith.constant 1.000000e+00 : f32
      %add3A_266 = vector.broadcast %add3A_265 : f32 to vector<16xf32>
      %add3A_267 = arith.addf %exp3A_256, %add3A_266 : vector<16xf32>
      %mul3A_268 = arith.mulf %add3A_264, %add3A_267 : vector<16xf32>
      %div3A_269 = arith.divf %abs3A_261, %mul3A_268 : vector<16xf32>
      %convert_element_type3A_270 = arith.fptosi %div3A_269 : vector<16xf32> to vector<16xi32>
      %min3A_271 = arith.constant 9 : i32
      %min3A_272 = vector.broadcast %min3A_271 : i32 to vector<16xi32>
      %min3A_273 = arith.minsi %convert_element_type3A_270, %min3A_272 : vector<16xi32>
      %mul3A_274 = arith.constant 16 : i32
      %mul3A_275 = vector.broadcast %mul3A_274 : i32 to vector<16xi32>
      %mul3A_276 = arith.muli %min3A_273, %mul3A_275 : vector<16xi32>
      %add3A_277 = arith.addi %mul3A_276, %iota3A : vector<16xi32>
      %add3A_278 = arith.constant 160 : i32
      %add3A_279 = vector.broadcast %add3A_278 : i32 to vector<16xi32>
      %add3A_280 = arith.addi %add3A_277, %add3A_279 : vector<16xi32>
      tpu.vector_store_idx %arg9[%add3A_280], %select_n3A_246 {add = true} : memref<320xf32, #tpu.memory_space<vmem>>[vector<16xi32>], vector<16xf32>,
      %lt3A_281 = arith.constant 10 : i32
      %lt3A_282 = vector.broadcast %lt3A_281 : i32 to vector<16xi32>
      %lt3A_283 = arith.cmpi slt, %convert_element_type3A_270, %lt3A_282 : vector<16xi32>
      tpu.vector_store_idx %arg9[%add3A_277], %broadcast_in_dim3A_82 masked %lt3A_283 {add = true} : memref<320xf32, #tpu.memory_space<vmem>>[vector<16xi32>], vector<16xf32>, vector<16xi1>
      %mul3A_284 = arith.constant 16 : i32
      %mul3A_285 = arith.muli %scan3A_112, %mul3A_284 : i32
      %add3A_286 = arith.constant 3 : i32
      %add3A_287 = arith.addi %mul3A_285, %add3A_286 : i32
      %mul3A_288 = arith.constant 16 : i32
      %mul3A_289 = arith.muli %add3A_287, %mul3A_288 : i32
      %get3A_290 = arith.index_cast %mul3A_289 : i32 to index
      %get3A_291 = tpu.vector_load %arg7[%get3A_290] {strides = array<i32>} : memref<16384xf32, #tpu.memory_space<vmem>>, vector<16xf32>,
      %get3A_292 = arith.index_cast %mul3A_289 : i32 to index
      %get3A_293 = tpu.vector_load %arg8[%get3A_292] {strides = array<i32>} : memref<16384xf32, #tpu.memory_space<vmem>>, vector<16xf32>,
      %sub3A_294 = arith.subf %get3A_291, %get3A_293 : vector<16xf32>
      %abs3A_295 = math.absf %sub3A_294 : vector<16xf32>
      %lt3A_296 = arith.constant 2.000000e-02 : f32
      %lt3A_297 = vector.broadcast %lt3A_296 : f32 to vector<16xf32>
      %lt3A_298 = arith.cmpf olt, %abs3A_295, %lt3A_297 : vector<16xf32>
      %mul3A_299 = arith.constant 2.500000e+01 : f32
      %mul3A_300 = vector.broadcast %mul3A_299 : f32 to vector<16xf32>
      %mul3A_301 = arith.mulf %mul3A_300, %abs3A_295 : vector<16xf32>
      %mul3A_302 = arith.mulf %mul3A_301, %abs3A_295 : vector<16xf32>
      %sub3A_303 = arith.constant 0.00999999977 : f32
      %sub3A_304 = vector.broadcast %sub3A_303 : f32 to vector<16xf32>
      %sub3A_305 = arith.subf %abs3A_295, %sub3A_304 : vector<16xf32>
      %select_n3A_306 = arith.select %lt3A_298, %mul3A_302, %sub3A_305 : vector<16xi1>, vector<16xf32>
      %add3A_307 = arith.addf %get3A_291, %get3A_291 : vector<16xf32>
      %min3A_308 = arith.constant 6.000000e+01 : f32
      %min3A_309 = vector.broadcast %min3A_308 : f32 to vector<16xf32>
      %min3A_310 = arith.minimumf %add3A_307, %min3A_309 : vector<16xf32>
      %exp3A_311 = math.exp %min3A_310 : vector<16xf32>
      %add3A_312 = arith.addf %get3A_293, %get3A_293 : vector<16xf32>
      %min3A_313 = arith.constant 6.000000e+01 : f32
      %min3A_314 = vector.broadcast %min3A_313 : f32 to vector<16xf32>
      %min3A_315 = arith.minimumf %add3A_312, %min3A_314 : vector<16xf32>
      %exp3A_316 = math.exp %min3A_315 : vector<16xf32>
      %sub3A_317 = arith.subf %exp3A_311, %exp3A_316 : vector<16xf32>
      %mul3A_318 = arith.constant 2.000000e+01 : f32
      %mul3A_319 = vector.broadcast %mul3A_318 : f32 to vector<16xf32>
      %mul3A_320 = arith.mulf %mul3A_319, %sub3A_317 : vector<16xf32>
      %abs3A_321 = math.absf %mul3A_320 : vector<16xf32>
      %add3A_322 = arith.constant 1.000000e+00 : f32
      %add3A_323 = vector.broadcast %add3A_322 : f32 to vector<16xf32>
      %add3A_324 = arith.addf %exp3A_311, %add3A_323 : vector<16xf32>
      %add3A_325 = arith.constant 1.000000e+00 : f32
      %add3A_326 = vector.broadcast %add3A_325 : f32 to vector<16xf32>
      %add3A_327 = arith.addf %exp3A_316, %add3A_326 : vector<16xf32>
      %mul3A_328 = arith.mulf %add3A_324, %add3A_327 : vector<16xf32>
      %div3A_329 = arith.divf %abs3A_321, %mul3A_328 : vector<16xf32>
      %convert_element_type3A_330 = arith.fptosi %div3A_329 : vector<16xf32> to vector<16xi32>
      %min3A_331 = arith.constant 9 : i32
      %min3A_332 = vector.broadcast %min3A_331 : i32 to vector<16xi32>
      %min3A_333 = arith.minsi %convert_element_type3A_330, %min3A_332 : vector<16xi32>
      %mul3A_334 = arith.constant 16 : i32
      %mul3A_335 = vector.broadcast %mul3A_334 : i32 to vector<16xi32>
      %mul3A_336 = arith.muli %min3A_333, %mul3A_335 : vector<16xi32>
      %add3A_337 = arith.addi %mul3A_336, %iota3A : vector<16xi32>
      %add3A_338 = arith.constant 160 : i32
      %add3A_339 = vector.broadcast %add3A_338 : i32 to vector<16xi32>
      %add3A_340 = arith.addi %add3A_337, %add3A_339 : vector<16xi32>
      tpu.vector_store_idx %arg9[%add3A_340], %select_n3A_306 {add = true} : memref<320xf32, #tpu.memory_space<vmem>>[vector<16xi32>], vector<16xf32>,
      %lt3A_341 = arith.constant 10 : i32
      %lt3A_342 = vector.broadcast %lt3A_341 : i32 to vector<16xi32>
      %lt3A_343 = arith.cmpi slt, %convert_element_type3A_330, %lt3A_342 : vector<16xi32>
      tpu.vector_store_idx %arg9[%add3A_337], %broadcast_in_dim3A_82 masked %lt3A_343 {add = true} : memref<320xf32, #tpu.memory_space<vmem>>[vector<16xi32>], vector<16xf32>, vector<16xi1>
      %mul3A_344 = arith.constant 16 : i32
      %mul3A_345 = arith.muli %scan3A_112, %mul3A_344 : i32
      %add3A_346 = arith.constant 4 : i32
      %add3A_347 = arith.addi %mul3A_345, %add3A_346 : i32
      %mul3A_348 = arith.constant 16 : i32
      %mul3A_349 = arith.muli %add3A_347, %mul3A_348 : i32
      %get3A_350 = arith.index_cast %mul3A_349 : i32 to index
      %get3A_351 = tpu.vector_load %arg7[%get3A_350] {strides = array<i32>} : memref<16384xf32, #tpu.memory_space<vmem>>, vector<16xf32>,
      %get3A_352 = arith.index_cast %mul3A_349 : i32 to index
      %get3A_353 = tpu.vector_load %arg8[%get3A_352] {strides = array<i32>} : memref<16384xf32, #tpu.memory_space<vmem>>, vector<16xf32>,
      %sub3A_354 = arith.subf %get3A_351, %get3A_353 : vector<16xf32>
      %abs3A_355 = math.absf %sub3A_354 : vector<16xf32>
      %lt3A_356 = arith.constant 2.000000e-02 : f32
      %lt3A_357 = vector.broadcast %lt3A_356 : f32 to vector<16xf32>
      %lt3A_358 = arith.cmpf olt, %abs3A_355, %lt3A_357 : vector<16xf32>
      %mul3A_359 = arith.constant 2.500000e+01 : f32
      %mul3A_360 = vector.broadcast %mul3A_359 : f32 to vector<16xf32>
      %mul3A_361 = arith.mulf %mul3A_360, %abs3A_355 : vector<16xf32>
      %mul3A_362 = arith.mulf %mul3A_361, %abs3A_355 : vector<16xf32>
      %sub3A_363 = arith.constant 0.00999999977 : f32
      %sub3A_364 = vector.broadcast %sub3A_363 : f32 to vector<16xf32>
      %sub3A_365 = arith.subf %abs3A_355, %sub3A_364 : vector<16xf32>
      %select_n3A_366 = arith.select %lt3A_358, %mul3A_362, %sub3A_365 : vector<16xi1>, vector<16xf32>
      %add3A_367 = arith.addf %get3A_351, %get3A_351 : vector<16xf32>
      %min3A_368 = arith.constant 6.000000e+01 : f32
      %min3A_369 = vector.broadcast %min3A_368 : f32 to vector<16xf32>
      %min3A_370 = arith.minimumf %add3A_367, %min3A_369 : vector<16xf32>
      %exp3A_371 = math.exp %min3A_370 : vector<16xf32>
      %add3A_372 = arith.addf %get3A_353, %get3A_353 : vector<16xf32>
      %min3A_373 = arith.constant 6.000000e+01 : f32
      %min3A_374 = vector.broadcast %min3A_373 : f32 to vector<16xf32>
      %min3A_375 = arith.minimumf %add3A_372, %min3A_374 : vector<16xf32>
      %exp3A_376 = math.exp %min3A_375 : vector<16xf32>
      %sub3A_377 = arith.subf %exp3A_371, %exp3A_376 : vector<16xf32>
      %mul3A_378 = arith.constant 2.000000e+01 : f32
      %mul3A_379 = vector.broadcast %mul3A_378 : f32 to vector<16xf32>
      %mul3A_380 = arith.mulf %mul3A_379, %sub3A_377 : vector<16xf32>
      %abs3A_381 = math.absf %mul3A_380 : vector<16xf32>
      %add3A_382 = arith.constant 1.000000e+00 : f32
      %add3A_383 = vector.broadcast %add3A_382 : f32 to vector<16xf32>
      %add3A_384 = arith.addf %exp3A_371, %add3A_383 : vector<16xf32>
      %add3A_385 = arith.constant 1.000000e+00 : f32
      %add3A_386 = vector.broadcast %add3A_385 : f32 to vector<16xf32>
      %add3A_387 = arith.addf %exp3A_376, %add3A_386 : vector<16xf32>
      %mul3A_388 = arith.mulf %add3A_384, %add3A_387 : vector<16xf32>
      %div3A_389 = arith.divf %abs3A_381, %mul3A_388 : vector<16xf32>
      %convert_element_type3A_390 = arith.fptosi %div3A_389 : vector<16xf32> to vector<16xi32>
      %min3A_391 = arith.constant 9 : i32
      %min3A_392 = vector.broadcast %min3A_391 : i32 to vector<16xi32>
      %min3A_393 = arith.minsi %convert_element_type3A_390, %min3A_392 : vector<16xi32>
      %mul3A_394 = arith.constant 16 : i32
      %mul3A_395 = vector.broadcast %mul3A_394 : i32 to vector<16xi32>
      %mul3A_396 = arith.muli %min3A_393, %mul3A_395 : vector<16xi32>
      %add3A_397 = arith.addi %mul3A_396, %iota3A : vector<16xi32>
      %add3A_398 = arith.constant 160 : i32
      %add3A_399 = vector.broadcast %add3A_398 : i32 to vector<16xi32>
      %add3A_400 = arith.addi %add3A_397, %add3A_399 : vector<16xi32>
      tpu.vector_store_idx %arg9[%add3A_400], %select_n3A_366 {add = true} : memref<320xf32, #tpu.memory_space<vmem>>[vector<16xi32>], vector<16xf32>,
      %lt3A_401 = arith.constant 10 : i32
      %lt3A_402 = vector.broadcast %lt3A_401 : i32 to vector<16xi32>
      %lt3A_403 = arith.cmpi slt, %convert_element_type3A_390, %lt3A_402 : vector<16xi32>
      tpu.vector_store_idx %arg9[%add3A_397], %broadcast_in_dim3A_82 masked %lt3A_403 {add = true} : memref<320xf32, #tpu.memory_space<vmem>>[vector<16xi32>], vector<16xf32>, vector<16xi1>
      %mul3A_404 = arith.constant 16 : i32
      %mul3A_405 = arith.muli %scan3A_112, %mul3A_404 : i32
      %add3A_406 = arith.constant 5 : i32
      %add3A_407 = arith.addi %mul3A_405, %add3A_406 : i32
      %mul3A_408 = arith.constant 16 : i32
      %mul3A_409 = arith.muli %add3A_407, %mul3A_408 : i32
      %get3A_410 = arith.index_cast %mul3A_409 : i32 to index
      %get3A_411 = tpu.vector_load %arg7[%get3A_410] {strides = array<i32>} : memref<16384xf32, #tpu.memory_space<vmem>>, vector<16xf32>,
      %get3A_412 = arith.index_cast %mul3A_409 : i32 to index
      %get3A_413 = tpu.vector_load %arg8[%get3A_412] {strides = array<i32>} : memref<16384xf32, #tpu.memory_space<vmem>>, vector<16xf32>,
      %sub3A_414 = arith.subf %get3A_411, %get3A_413 : vector<16xf32>
      %abs3A_415 = math.absf %sub3A_414 : vector<16xf32>
      %lt3A_416 = arith.constant 2.000000e-02 : f32
      %lt3A_417 = vector.broadcast %lt3A_416 : f32 to vector<16xf32>
      %lt3A_418 = arith.cmpf olt, %abs3A_415, %lt3A_417 : vector<16xf32>
      %mul3A_419 = arith.constant 2.500000e+01 : f32
      %mul3A_420 = vector.broadcast %mul3A_419 : f32 to vector<16xf32>
      %mul3A_421 = arith.mulf %mul3A_420, %abs3A_415 : vector<16xf32>
      %mul3A_422 = arith.mulf %mul3A_421, %abs3A_415 : vector<16xf32>
      %sub3A_423 = arith.constant 0.00999999977 : f32
      %sub3A_424 = vector.broadcast %sub3A_423 : f32 to vector<16xf32>
      %sub3A_425 = arith.subf %abs3A_415, %sub3A_424 : vector<16xf32>
      %select_n3A_426 = arith.select %lt3A_418, %mul3A_422, %sub3A_425 : vector<16xi1>, vector<16xf32>
      %add3A_427 = arith.addf %get3A_411, %get3A_411 : vector<16xf32>
      %min3A_428 = arith.constant 6.000000e+01 : f32
      %min3A_429 = vector.broadcast %min3A_428 : f32 to vector<16xf32>
      %min3A_430 = arith.minimumf %add3A_427, %min3A_429 : vector<16xf32>
      %exp3A_431 = math.exp %min3A_430 : vector<16xf32>
      %add3A_432 = arith.addf %get3A_413, %get3A_413 : vector<16xf32>
      %min3A_433 = arith.constant 6.000000e+01 : f32
      %min3A_434 = vector.broadcast %min3A_433 : f32 to vector<16xf32>
      %min3A_435 = arith.minimumf %add3A_432, %min3A_434 : vector<16xf32>
      %exp3A_436 = math.exp %min3A_435 : vector<16xf32>
      %sub3A_437 = arith.subf %exp3A_431, %exp3A_436 : vector<16xf32>
      %mul3A_438 = arith.constant 2.000000e+01 : f32
      %mul3A_439 = vector.broadcast %mul3A_438 : f32 to vector<16xf32>
      %mul3A_440 = arith.mulf %mul3A_439, %sub3A_437 : vector<16xf32>
      %abs3A_441 = math.absf %mul3A_440 : vector<16xf32>
      %add3A_442 = arith.constant 1.000000e+00 : f32
      %add3A_443 = vector.broadcast %add3A_442 : f32 to vector<16xf32>
      %add3A_444 = arith.addf %exp3A_431, %add3A_443 : vector<16xf32>
      %add3A_445 = arith.constant 1.000000e+00 : f32
      %add3A_446 = vector.broadcast %add3A_445 : f32 to vector<16xf32>
      %add3A_447 = arith.addf %exp3A_436, %add3A_446 : vector<16xf32>
      %mul3A_448 = arith.mulf %add3A_444, %add3A_447 : vector<16xf32>
      %div3A_449 = arith.divf %abs3A_441, %mul3A_448 : vector<16xf32>
      %convert_element_type3A_450 = arith.fptosi %div3A_449 : vector<16xf32> to vector<16xi32>
      %min3A_451 = arith.constant 9 : i32
      %min3A_452 = vector.broadcast %min3A_451 : i32 to vector<16xi32>
      %min3A_453 = arith.minsi %convert_element_type3A_450, %min3A_452 : vector<16xi32>
      %mul3A_454 = arith.constant 16 : i32
      %mul3A_455 = vector.broadcast %mul3A_454 : i32 to vector<16xi32>
      %mul3A_456 = arith.muli %min3A_453, %mul3A_455 : vector<16xi32>
      %add3A_457 = arith.addi %mul3A_456, %iota3A : vector<16xi32>
      %add3A_458 = arith.constant 160 : i32
      %add3A_459 = vector.broadcast %add3A_458 : i32 to vector<16xi32>
      %add3A_460 = arith.addi %add3A_457, %add3A_459 : vector<16xi32>
      tpu.vector_store_idx %arg9[%add3A_460], %select_n3A_426 {add = true} : memref<320xf32, #tpu.memory_space<vmem>>[vector<16xi32>], vector<16xf32>,
      %lt3A_461 = arith.constant 10 : i32
      %lt3A_462 = vector.broadcast %lt3A_461 : i32 to vector<16xi32>
      %lt3A_463 = arith.cmpi slt, %convert_element_type3A_450, %lt3A_462 : vector<16xi32>
      tpu.vector_store_idx %arg9[%add3A_457], %broadcast_in_dim3A_82 masked %lt3A_463 {add = true} : memref<320xf32, #tpu.memory_space<vmem>>[vector<16xi32>], vector<16xf32>, vector<16xi1>
      %mul3A_464 = arith.constant 16 : i32
      %mul3A_465 = arith.muli %scan3A_112, %mul3A_464 : i32
      %add3A_466 = arith.constant 6 : i32
      %add3A_467 = arith.addi %mul3A_465, %add3A_466 : i32
      %mul3A_468 = arith.constant 16 : i32
      %mul3A_469 = arith.muli %add3A_467, %mul3A_468 : i32
      %get3A_470 = arith.index_cast %mul3A_469 : i32 to index
      %get3A_471 = tpu.vector_load %arg7[%get3A_470] {strides = array<i32>} : memref<16384xf32, #tpu.memory_space<vmem>>, vector<16xf32>,
      %get3A_472 = arith.index_cast %mul3A_469 : i32 to index
      %get3A_473 = tpu.vector_load %arg8[%get3A_472] {strides = array<i32>} : memref<16384xf32, #tpu.memory_space<vmem>>, vector<16xf32>,
      %sub3A_474 = arith.subf %get3A_471, %get3A_473 : vector<16xf32>
      %abs3A_475 = math.absf %sub3A_474 : vector<16xf32>
      %lt3A_476 = arith.constant 2.000000e-02 : f32
      %lt3A_477 = vector.broadcast %lt3A_476 : f32 to vector<16xf32>
      %lt3A_478 = arith.cmpf olt, %abs3A_475, %lt3A_477 : vector<16xf32>
      %mul3A_479 = arith.constant 2.500000e+01 : f32
      %mul3A_480 = vector.broadcast %mul3A_479 : f32 to vector<16xf32>
      %mul3A_481 = arith.mulf %mul3A_480, %abs3A_475 : vector<16xf32>
      %mul3A_482 = arith.mulf %mul3A_481, %abs3A_475 : vector<16xf32>
      %sub3A_483 = arith.constant 0.00999999977 : f32
      %sub3A_484 = vector.broadcast %sub3A_483 : f32 to vector<16xf32>
      %sub3A_485 = arith.subf %abs3A_475, %sub3A_484 : vector<16xf32>
      %select_n3A_486 = arith.select %lt3A_478, %mul3A_482, %sub3A_485 : vector<16xi1>, vector<16xf32>
      %add3A_487 = arith.addf %get3A_471, %get3A_471 : vector<16xf32>
      %min3A_488 = arith.constant 6.000000e+01 : f32
      %min3A_489 = vector.broadcast %min3A_488 : f32 to vector<16xf32>
      %min3A_490 = arith.minimumf %add3A_487, %min3A_489 : vector<16xf32>
      %exp3A_491 = math.exp %min3A_490 : vector<16xf32>
      %add3A_492 = arith.addf %get3A_473, %get3A_473 : vector<16xf32>
      %min3A_493 = arith.constant 6.000000e+01 : f32
      %min3A_494 = vector.broadcast %min3A_493 : f32 to vector<16xf32>
      %min3A_495 = arith.minimumf %add3A_492, %min3A_494 : vector<16xf32>
      %exp3A_496 = math.exp %min3A_495 : vector<16xf32>
      %sub3A_497 = arith.subf %exp3A_491, %exp3A_496 : vector<16xf32>
      %mul3A_498 = arith.constant 2.000000e+01 : f32
      %mul3A_499 = vector.broadcast %mul3A_498 : f32 to vector<16xf32>
      %mul3A_500 = arith.mulf %mul3A_499, %sub3A_497 : vector<16xf32>
      %abs3A_501 = math.absf %mul3A_500 : vector<16xf32>
      %add3A_502 = arith.constant 1.000000e+00 : f32
      %add3A_503 = vector.broadcast %add3A_502 : f32 to vector<16xf32>
      %add3A_504 = arith.addf %exp3A_491, %add3A_503 : vector<16xf32>
      %add3A_505 = arith.constant 1.000000e+00 : f32
      %add3A_506 = vector.broadcast %add3A_505 : f32 to vector<16xf32>
      %add3A_507 = arith.addf %exp3A_496, %add3A_506 : vector<16xf32>
      %mul3A_508 = arith.mulf %add3A_504, %add3A_507 : vector<16xf32>
      %div3A_509 = arith.divf %abs3A_501, %mul3A_508 : vector<16xf32>
      %convert_element_type3A_510 = arith.fptosi %div3A_509 : vector<16xf32> to vector<16xi32>
      %min3A_511 = arith.constant 9 : i32
      %min3A_512 = vector.broadcast %min3A_511 : i32 to vector<16xi32>
      %min3A_513 = arith.minsi %convert_element_type3A_510, %min3A_512 : vector<16xi32>
      %mul3A_514 = arith.constant 16 : i32
      %mul3A_515 = vector.broadcast %mul3A_514 : i32 to vector<16xi32>
      %mul3A_516 = arith.muli %min3A_513, %mul3A_515 : vector<16xi32>
      %add3A_517 = arith.addi %mul3A_516, %iota3A : vector<16xi32>
      %add3A_518 = arith.constant 160 : i32
      %add3A_519 = vector.broadcast %add3A_518 : i32 to vector<16xi32>
      %add3A_520 = arith.addi %add3A_517, %add3A_519 : vector<16xi32>
      tpu.vector_store_idx %arg9[%add3A_520], %select_n3A_486 {add = true} : memref<320xf32, #tpu.memory_space<vmem>>[vector<16xi32>], vector<16xf32>,
      %lt3A_521 = arith.constant 10 : i32
      %lt3A_522 = vector.broadcast %lt3A_521 : i32 to vector<16xi32>
      %lt3A_523 = arith.cmpi slt, %convert_element_type3A_510, %lt3A_522 : vector<16xi32>
      tpu.vector_store_idx %arg9[%add3A_517], %broadcast_in_dim3A_82 masked %lt3A_523 {add = true} : memref<320xf32, #tpu.memory_space<vmem>>[vector<16xi32>], vector<16xf32>, vector<16xi1>
      %mul3A_524 = arith.constant 16 : i32
      %mul3A_525 = arith.muli %scan3A_112, %mul3A_524 : i32
      %add3A_526 = arith.constant 7 : i32
      %add3A_527 = arith.addi %mul3A_525, %add3A_526 : i32
      %mul3A_528 = arith.constant 16 : i32
      %mul3A_529 = arith.muli %add3A_527, %mul3A_528 : i32
      %get3A_530 = arith.index_cast %mul3A_529 : i32 to index
      %get3A_531 = tpu.vector_load %arg7[%get3A_530] {strides = array<i32>} : memref<16384xf32, #tpu.memory_space<vmem>>, vector<16xf32>,
      %get3A_532 = arith.index_cast %mul3A_529 : i32 to index
      %get3A_533 = tpu.vector_load %arg8[%get3A_532] {strides = array<i32>} : memref<16384xf32, #tpu.memory_space<vmem>>, vector<16xf32>,
      %sub3A_534 = arith.subf %get3A_531, %get3A_533 : vector<16xf32>
      %abs3A_535 = math.absf %sub3A_534 : vector<16xf32>
      %lt3A_536 = arith.constant 2.000000e-02 : f32
      %lt3A_537 = vector.broadcast %lt3A_536 : f32 to vector<16xf32>
      %lt3A_538 = arith.cmpf olt, %abs3A_535, %lt3A_537 : vector<16xf32>
      %mul3A_539 = arith.constant 2.500000e+01 : f32
      %mul3A_540 = vector.broadcast %mul3A_539 : f32 to vector<16xf32>
      %mul3A_541 = arith.mulf %mul3A_540, %abs3A_535 : vector<16xf32>
      %mul3A_542 = arith.mulf %mul3A_541, %abs3A_535 : vector<16xf32>
      %sub3A_543 = arith.constant 0.00999999977 : f32
      %sub3A_544 = vector.broadcast %sub3A_543 : f32 to vector<16xf32>
      %sub3A_545 = arith.subf %abs3A_535, %sub3A_544 : vector<16xf32>
      %select_n3A_546 = arith.select %lt3A_538, %mul3A_542, %sub3A_545 : vector<16xi1>, vector<16xf32>
      %add3A_547 = arith.addf %get3A_531, %get3A_531 : vector<16xf32>
      %min3A_548 = arith.constant 6.000000e+01 : f32
      %min3A_549 = vector.broadcast %min3A_548 : f32 to vector<16xf32>
      %min3A_550 = arith.minimumf %add3A_547, %min3A_549 : vector<16xf32>
      %exp3A_551 = math.exp %min3A_550 : vector<16xf32>
      %add3A_552 = arith.addf %get3A_533, %get3A_533 : vector<16xf32>
      %min3A_553 = arith.constant 6.000000e+01 : f32
      %min3A_554 = vector.broadcast %min3A_553 : f32 to vector<16xf32>
      %min3A_555 = arith.minimumf %add3A_552, %min3A_554 : vector<16xf32>
      %exp3A_556 = math.exp %min3A_555 : vector<16xf32>
      %sub3A_557 = arith.subf %exp3A_551, %exp3A_556 : vector<16xf32>
      %mul3A_558 = arith.constant 2.000000e+01 : f32
      %mul3A_559 = vector.broadcast %mul3A_558 : f32 to vector<16xf32>
      %mul3A_560 = arith.mulf %mul3A_559, %sub3A_557 : vector<16xf32>
      %abs3A_561 = math.absf %mul3A_560 : vector<16xf32>
      %add3A_562 = arith.constant 1.000000e+00 : f32
      %add3A_563 = vector.broadcast %add3A_562 : f32 to vector<16xf32>
      %add3A_564 = arith.addf %exp3A_551, %add3A_563 : vector<16xf32>
      %add3A_565 = arith.constant 1.000000e+00 : f32
      %add3A_566 = vector.broadcast %add3A_565 : f32 to vector<16xf32>
      %add3A_567 = arith.addf %exp3A_556, %add3A_566 : vector<16xf32>
      %mul3A_568 = arith.mulf %add3A_564, %add3A_567 : vector<16xf32>
      %div3A_569 = arith.divf %abs3A_561, %mul3A_568 : vector<16xf32>
      %convert_element_type3A_570 = arith.fptosi %div3A_569 : vector<16xf32> to vector<16xi32>
      %min3A_571 = arith.constant 9 : i32
      %min3A_572 = vector.broadcast %min3A_571 : i32 to vector<16xi32>
      %min3A_573 = arith.minsi %convert_element_type3A_570, %min3A_572 : vector<16xi32>
      %mul3A_574 = arith.constant 16 : i32
      %mul3A_575 = vector.broadcast %mul3A_574 : i32 to vector<16xi32>
      %mul3A_576 = arith.muli %min3A_573, %mul3A_575 : vector<16xi32>
      %add3A_577 = arith.addi %mul3A_576, %iota3A : vector<16xi32>
      %add3A_578 = arith.constant 160 : i32
      %add3A_579 = vector.broadcast %add3A_578 : i32 to vector<16xi32>
      %add3A_580 = arith.addi %add3A_577, %add3A_579 : vector<16xi32>
      tpu.vector_store_idx %arg9[%add3A_580], %select_n3A_546 {add = true} : memref<320xf32, #tpu.memory_space<vmem>>[vector<16xi32>], vector<16xf32>,
      %lt3A_581 = arith.constant 10 : i32
      %lt3A_582 = vector.broadcast %lt3A_581 : i32 to vector<16xi32>
      %lt3A_583 = arith.cmpi slt, %convert_element_type3A_570, %lt3A_582 : vector<16xi32>
      tpu.vector_store_idx %arg9[%add3A_577], %broadcast_in_dim3A_82 masked %lt3A_583 {add = true} : memref<320xf32, #tpu.memory_space<vmem>>[vector<16xi32>], vector<16xf32>, vector<16xi1>
      %mul3A_584 = arith.constant 16 : i32
      %mul3A_585 = arith.muli %scan3A_112, %mul3A_584 : i32
      %add3A_586 = arith.constant 8 : i32
      %add3A_587 = arith.addi %mul3A_585, %add3A_586 : i32
      %mul3A_588 = arith.constant 16 : i32
      %mul3A_589 = arith.muli %add3A_587, %mul3A_588 : i32
      %get3A_590 = arith.index_cast %mul3A_589 : i32 to index
      %get3A_591 = tpu.vector_load %arg7[%get3A_590] {strides = array<i32>} : memref<16384xf32, #tpu.memory_space<vmem>>, vector<16xf32>,
      %get3A_592 = arith.index_cast %mul3A_589 : i32 to index
      %get3A_593 = tpu.vector_load %arg8[%get3A_592] {strides = array<i32>} : memref<16384xf32, #tpu.memory_space<vmem>>, vector<16xf32>,
      %sub3A_594 = arith.subf %get3A_591, %get3A_593 : vector<16xf32>
      %abs3A_595 = math.absf %sub3A_594 : vector<16xf32>
      %lt3A_596 = arith.constant 2.000000e-02 : f32
      %lt3A_597 = vector.broadcast %lt3A_596 : f32 to vector<16xf32>
      %lt3A_598 = arith.cmpf olt, %abs3A_595, %lt3A_597 : vector<16xf32>
      %mul3A_599 = arith.constant 2.500000e+01 : f32
      %mul3A_600 = vector.broadcast %mul3A_599 : f32 to vector<16xf32>
      %mul3A_601 = arith.mulf %mul3A_600, %abs3A_595 : vector<16xf32>
      %mul3A_602 = arith.mulf %mul3A_601, %abs3A_595 : vector<16xf32>
      %sub3A_603 = arith.constant 0.00999999977 : f32
      %sub3A_604 = vector.broadcast %sub3A_603 : f32 to vector<16xf32>
      %sub3A_605 = arith.subf %abs3A_595, %sub3A_604 : vector<16xf32>
      %select_n3A_606 = arith.select %lt3A_598, %mul3A_602, %sub3A_605 : vector<16xi1>, vector<16xf32>
      %add3A_607 = arith.addf %get3A_591, %get3A_591 : vector<16xf32>
      %min3A_608 = arith.constant 6.000000e+01 : f32
      %min3A_609 = vector.broadcast %min3A_608 : f32 to vector<16xf32>
      %min3A_610 = arith.minimumf %add3A_607, %min3A_609 : vector<16xf32>
      %exp3A_611 = math.exp %min3A_610 : vector<16xf32>
      %add3A_612 = arith.addf %get3A_593, %get3A_593 : vector<16xf32>
      %min3A_613 = arith.constant 6.000000e+01 : f32
      %min3A_614 = vector.broadcast %min3A_613 : f32 to vector<16xf32>
      %min3A_615 = arith.minimumf %add3A_612, %min3A_614 : vector<16xf32>
      %exp3A_616 = math.exp %min3A_615 : vector<16xf32>
      %sub3A_617 = arith.subf %exp3A_611, %exp3A_616 : vector<16xf32>
      %mul3A_618 = arith.constant 2.000000e+01 : f32
      %mul3A_619 = vector.broadcast %mul3A_618 : f32 to vector<16xf32>
      %mul3A_620 = arith.mulf %mul3A_619, %sub3A_617 : vector<16xf32>
      %abs3A_621 = math.absf %mul3A_620 : vector<16xf32>
      %add3A_622 = arith.constant 1.000000e+00 : f32
      %add3A_623 = vector.broadcast %add3A_622 : f32 to vector<16xf32>
      %add3A_624 = arith.addf %exp3A_611, %add3A_623 : vector<16xf32>
      %add3A_625 = arith.constant 1.000000e+00 : f32
      %add3A_626 = vector.broadcast %add3A_625 : f32 to vector<16xf32>
      %add3A_627 = arith.addf %exp3A_616, %add3A_626 : vector<16xf32>
      %mul3A_628 = arith.mulf %add3A_624, %add3A_627 : vector<16xf32>
      %div3A_629 = arith.divf %abs3A_621, %mul3A_628 : vector<16xf32>
      %convert_element_type3A_630 = arith.fptosi %div3A_629 : vector<16xf32> to vector<16xi32>
      %min3A_631 = arith.constant 9 : i32
      %min3A_632 = vector.broadcast %min3A_631 : i32 to vector<16xi32>
      %min3A_633 = arith.minsi %convert_element_type3A_630, %min3A_632 : vector<16xi32>
      %mul3A_634 = arith.constant 16 : i32
      %mul3A_635 = vector.broadcast %mul3A_634 : i32 to vector<16xi32>
      %mul3A_636 = arith.muli %min3A_633, %mul3A_635 : vector<16xi32>
      %add3A_637 = arith.addi %mul3A_636, %iota3A : vector<16xi32>
      %add3A_638 = arith.constant 160 : i32
      %add3A_639 = vector.broadcast %add3A_638 : i32 to vector<16xi32>
      %add3A_640 = arith.addi %add3A_637, %add3A_639 : vector<16xi32>
      tpu.vector_store_idx %arg9[%add3A_640], %select_n3A_606 {add = true} : memref<320xf32, #tpu.memory_space<vmem>>[vector<16xi32>], vector<16xf32>,
      %lt3A_641 = arith.constant 10 : i32
      %lt3A_642 = vector.broadcast %lt3A_641 : i32 to vector<16xi32>
      %lt3A_643 = arith.cmpi slt, %convert_element_type3A_630, %lt3A_642 : vector<16xi32>
      tpu.vector_store_idx %arg9[%add3A_637], %broadcast_in_dim3A_82 masked %lt3A_643 {add = true} : memref<320xf32, #tpu.memory_space<vmem>>[vector<16xi32>], vector<16xf32>, vector<16xi1>
      %mul3A_644 = arith.constant 16 : i32
      %mul3A_645 = arith.muli %scan3A_112, %mul3A_644 : i32
      %add3A_646 = arith.constant 9 : i32
      %add3A_647 = arith.addi %mul3A_645, %add3A_646 : i32
      %mul3A_648 = arith.constant 16 : i32
      %mul3A_649 = arith.muli %add3A_647, %mul3A_648 : i32
      %get3A_650 = arith.index_cast %mul3A_649 : i32 to index
      %get3A_651 = tpu.vector_load %arg7[%get3A_650] {strides = array<i32>} : memref<16384xf32, #tpu.memory_space<vmem>>, vector<16xf32>,
      %get3A_652 = arith.index_cast %mul3A_649 : i32 to index
      %get3A_653 = tpu.vector_load %arg8[%get3A_652] {strides = array<i32>} : memref<16384xf32, #tpu.memory_space<vmem>>, vector<16xf32>,
      %sub3A_654 = arith.subf %get3A_651, %get3A_653 : vector<16xf32>
      %abs3A_655 = math.absf %sub3A_654 : vector<16xf32>
      %lt3A_656 = arith.constant 2.000000e-02 : f32
      %lt3A_657 = vector.broadcast %lt3A_656 : f32 to vector<16xf32>
      %lt3A_658 = arith.cmpf olt, %abs3A_655, %lt3A_657 : vector<16xf32>
      %mul3A_659 = arith.constant 2.500000e+01 : f32
      %mul3A_660 = vector.broadcast %mul3A_659 : f32 to vector<16xf32>
      %mul3A_661 = arith.mulf %mul3A_660, %abs3A_655 : vector<16xf32>
      %mul3A_662 = arith.mulf %mul3A_661, %abs3A_655 : vector<16xf32>
      %sub3A_663 = arith.constant 0.00999999977 : f32
      %sub3A_664 = vector.broadcast %sub3A_663 : f32 to vector<16xf32>
      %sub3A_665 = arith.subf %abs3A_655, %sub3A_664 : vector<16xf32>
      %select_n3A_666 = arith.select %lt3A_658, %mul3A_662, %sub3A_665 : vector<16xi1>, vector<16xf32>
      %add3A_667 = arith.addf %get3A_651, %get3A_651 : vector<16xf32>
      %min3A_668 = arith.constant 6.000000e+01 : f32
      %min3A_669 = vector.broadcast %min3A_668 : f32 to vector<16xf32>
      %min3A_670 = arith.minimumf %add3A_667, %min3A_669 : vector<16xf32>
      %exp3A_671 = math.exp %min3A_670 : vector<16xf32>
      %add3A_672 = arith.addf %get3A_653, %get3A_653 : vector<16xf32>
      %min3A_673 = arith.constant 6.000000e+01 : f32
      %min3A_674 = vector.broadcast %min3A_673 : f32 to vector<16xf32>
      %min3A_675 = arith.minimumf %add3A_672, %min3A_674 : vector<16xf32>
      %exp3A_676 = math.exp %min3A_675 : vector<16xf32>
      %sub3A_677 = arith.subf %exp3A_671, %exp3A_676 : vector<16xf32>
      %mul3A_678 = arith.constant 2.000000e+01 : f32
      %mul3A_679 = vector.broadcast %mul3A_678 : f32 to vector<16xf32>
      %mul3A_680 = arith.mulf %mul3A_679, %sub3A_677 : vector<16xf32>
      %abs3A_681 = math.absf %mul3A_680 : vector<16xf32>
      %add3A_682 = arith.constant 1.000000e+00 : f32
      %add3A_683 = vector.broadcast %add3A_682 : f32 to vector<16xf32>
      %add3A_684 = arith.addf %exp3A_671, %add3A_683 : vector<16xf32>
      %add3A_685 = arith.constant 1.000000e+00 : f32
      %add3A_686 = vector.broadcast %add3A_685 : f32 to vector<16xf32>
      %add3A_687 = arith.addf %exp3A_676, %add3A_686 : vector<16xf32>
      %mul3A_688 = arith.mulf %add3A_684, %add3A_687 : vector<16xf32>
      %div3A_689 = arith.divf %abs3A_681, %mul3A_688 : vector<16xf32>
      %convert_element_type3A_690 = arith.fptosi %div3A_689 : vector<16xf32> to vector<16xi32>
      %min3A_691 = arith.constant 9 : i32
      %min3A_692 = vector.broadcast %min3A_691 : i32 to vector<16xi32>
      %min3A_693 = arith.minsi %convert_element_type3A_690, %min3A_692 : vector<16xi32>
      %mul3A_694 = arith.constant 16 : i32
      %mul3A_695 = vector.broadcast %mul3A_694 : i32 to vector<16xi32>
      %mul3A_696 = arith.muli %min3A_693, %mul3A_695 : vector<16xi32>
      %add3A_697 = arith.addi %mul3A_696, %iota3A : vector<16xi32>
      %add3A_698 = arith.constant 160 : i32
      %add3A_699 = vector.broadcast %add3A_698 : i32 to vector<16xi32>
      %add3A_700 = arith.addi %add3A_697, %add3A_699 : vector<16xi32>
      tpu.vector_store_idx %arg9[%add3A_700], %select_n3A_666 {add = true} : memref<320xf32, #tpu.memory_space<vmem>>[vector<16xi32>], vector<16xf32>,
      %lt3A_701 = arith.constant 10 : i32
      %lt3A_702 = vector.broadcast %lt3A_701 : i32 to vector<16xi32>
      %lt3A_703 = arith.cmpi slt, %convert_element_type3A_690, %lt3A_702 : vector<16xi32>
      tpu.vector_store_idx %arg9[%add3A_697], %broadcast_in_dim3A_82 masked %lt3A_703 {add = true} : memref<320xf32, #tpu.memory_space<vmem>>[vector<16xi32>], vector<16xf32>, vector<16xi1>
      %mul3A_704 = arith.constant 16 : i32
      %mul3A_705 = arith.muli %scan3A_112, %mul3A_704 : i32
      %add3A_706 = arith.constant 10 : i32
      %add3A_707 = arith.addi %mul3A_705, %add3A_706 : i32
      %mul3A_708 = arith.constant 16 : i32
      %mul3A_709 = arith.muli %add3A_707, %mul3A_708 : i32
      %get3A_710 = arith.index_cast %mul3A_709 : i32 to index
      %get3A_711 = tpu.vector_load %arg7[%get3A_710] {strides = array<i32>} : memref<16384xf32, #tpu.memory_space<vmem>>, vector<16xf32>,
      %get3A_712 = arith.index_cast %mul3A_709 : i32 to index
      %get3A_713 = tpu.vector_load %arg8[%get3A_712] {strides = array<i32>} : memref<16384xf32, #tpu.memory_space<vmem>>, vector<16xf32>,
      %sub3A_714 = arith.subf %get3A_711, %get3A_713 : vector<16xf32>
      %abs3A_715 = math.absf %sub3A_714 : vector<16xf32>
      %lt3A_716 = arith.constant 2.000000e-02 : f32
      %lt3A_717 = vector.broadcast %lt3A_716 : f32 to vector<16xf32>
      %lt3A_718 = arith.cmpf olt, %abs3A_715, %lt3A_717 : vector<16xf32>
      %mul3A_719 = arith.constant 2.500000e+01 : f32
      %mul3A_720 = vector.broadcast %mul3A_719 : f32 to vector<16xf32>
      %mul3A_721 = arith.mulf %mul3A_720, %abs3A_715 : vector<16xf32>
      %mul3A_722 = arith.mulf %mul3A_721, %abs3A_715 : vector<16xf32>
      %sub3A_723 = arith.constant 0.00999999977 : f32
      %sub3A_724 = vector.broadcast %sub3A_723 : f32 to vector<16xf32>
      %sub3A_725 = arith.subf %abs3A_715, %sub3A_724 : vector<16xf32>
      %select_n3A_726 = arith.select %lt3A_718, %mul3A_722, %sub3A_725 : vector<16xi1>, vector<16xf32>
      %add3A_727 = arith.addf %get3A_711, %get3A_711 : vector<16xf32>
      %min3A_728 = arith.constant 6.000000e+01 : f32
      %min3A_729 = vector.broadcast %min3A_728 : f32 to vector<16xf32>
      %min3A_730 = arith.minimumf %add3A_727, %min3A_729 : vector<16xf32>
      %exp3A_731 = math.exp %min3A_730 : vector<16xf32>
      %add3A_732 = arith.addf %get3A_713, %get3A_713 : vector<16xf32>
      %min3A_733 = arith.constant 6.000000e+01 : f32
      %min3A_734 = vector.broadcast %min3A_733 : f32 to vector<16xf32>
      %min3A_735 = arith.minimumf %add3A_732, %min3A_734 : vector<16xf32>
      %exp3A_736 = math.exp %min3A_735 : vector<16xf32>
      %sub3A_737 = arith.subf %exp3A_731, %exp3A_736 : vector<16xf32>
      %mul3A_738 = arith.constant 2.000000e+01 : f32
      %mul3A_739 = vector.broadcast %mul3A_738 : f32 to vector<16xf32>
      %mul3A_740 = arith.mulf %mul3A_739, %sub3A_737 : vector<16xf32>
      %abs3A_741 = math.absf %mul3A_740 : vector<16xf32>
      %add3A_742 = arith.constant 1.000000e+00 : f32
      %add3A_743 = vector.broadcast %add3A_742 : f32 to vector<16xf32>
      %add3A_744 = arith.addf %exp3A_731, %add3A_743 : vector<16xf32>
      %add3A_745 = arith.constant 1.000000e+00 : f32
      %add3A_746 = vector.broadcast %add3A_745 : f32 to vector<16xf32>
      %add3A_747 = arith.addf %exp3A_736, %add3A_746 : vector<16xf32>
      %mul3A_748 = arith.mulf %add3A_744, %add3A_747 : vector<16xf32>
      %div3A_749 = arith.divf %abs3A_741, %mul3A_748 : vector<16xf32>
      %convert_element_type3A_750 = arith.fptosi %div3A_749 : vector<16xf32> to vector<16xi32>
      %min3A_751 = arith.constant 9 : i32
      %min3A_752 = vector.broadcast %min3A_751 : i32 to vector<16xi32>
      %min3A_753 = arith.minsi %convert_element_type3A_750, %min3A_752 : vector<16xi32>
      %mul3A_754 = arith.constant 16 : i32
      %mul3A_755 = vector.broadcast %mul3A_754 : i32 to vector<16xi32>
      %mul3A_756 = arith.muli %min3A_753, %mul3A_755 : vector<16xi32>
      %add3A_757 = arith.addi %mul3A_756, %iota3A : vector<16xi32>
      %add3A_758 = arith.constant 160 : i32
      %add3A_759 = vector.broadcast %add3A_758 : i32 to vector<16xi32>
      %add3A_760 = arith.addi %add3A_757, %add3A_759 : vector<16xi32>
      tpu.vector_store_idx %arg9[%add3A_760], %select_n3A_726 {add = true} : memref<320xf32, #tpu.memory_space<vmem>>[vector<16xi32>], vector<16xf32>,
      %lt3A_761 = arith.constant 10 : i32
      %lt3A_762 = vector.broadcast %lt3A_761 : i32 to vector<16xi32>
      %lt3A_763 = arith.cmpi slt, %convert_element_type3A_750, %lt3A_762 : vector<16xi32>
      tpu.vector_store_idx %arg9[%add3A_757], %broadcast_in_dim3A_82 masked %lt3A_763 {add = true} : memref<320xf32, #tpu.memory_space<vmem>>[vector<16xi32>], vector<16xf32>, vector<16xi1>
      %mul3A_764 = arith.constant 16 : i32
      %mul3A_765 = arith.muli %scan3A_112, %mul3A_764 : i32
      %add3A_766 = arith.constant 11 : i32
      %add3A_767 = arith.addi %mul3A_765, %add3A_766 : i32
      %mul3A_768 = arith.constant 16 : i32
      %mul3A_769 = arith.muli %add3A_767, %mul3A_768 : i32
      %get3A_770 = arith.index_cast %mul3A_769 : i32 to index
      %get3A_771 = tpu.vector_load %arg7[%get3A_770] {strides = array<i32>} : memref<16384xf32, #tpu.memory_space<vmem>>, vector<16xf32>,
      %get3A_772 = arith.index_cast %mul3A_769 : i32 to index
      %get3A_773 = tpu.vector_load %arg8[%get3A_772] {strides = array<i32>} : memref<16384xf32, #tpu.memory_space<vmem>>, vector<16xf32>,
      %sub3A_774 = arith.subf %get3A_771, %get3A_773 : vector<16xf32>
      %abs3A_775 = math.absf %sub3A_774 : vector<16xf32>
      %lt3A_776 = arith.constant 2.000000e-02 : f32
      %lt3A_777 = vector.broadcast %lt3A_776 : f32 to vector<16xf32>
      %lt3A_778 = arith.cmpf olt, %abs3A_775, %lt3A_777 : vector<16xf32>
      %mul3A_779 = arith.constant 2.500000e+01 : f32
      %mul3A_780 = vector.broadcast %mul3A_779 : f32 to vector<16xf32>
      %mul3A_781 = arith.mulf %mul3A_780, %abs3A_775 : vector<16xf32>
      %mul3A_782 = arith.mulf %mul3A_781, %abs3A_775 : vector<16xf32>
      %sub3A_783 = arith.constant 0.00999999977 : f32
      %sub3A_784 = vector.broadcast %sub3A_783 : f32 to vector<16xf32>
      %sub3A_785 = arith.subf %abs3A_775, %sub3A_784 : vector<16xf32>
      %select_n3A_786 = arith.select %lt3A_778, %mul3A_782, %sub3A_785 : vector<16xi1>, vector<16xf32>
      %add3A_787 = arith.addf %get3A_771, %get3A_771 : vector<16xf32>
      %min3A_788 = arith.constant 6.000000e+01 : f32
      %min3A_789 = vector.broadcast %min3A_788 : f32 to vector<16xf32>
      %min3A_790 = arith.minimumf %add3A_787, %min3A_789 : vector<16xf32>
      %exp3A_791 = math.exp %min3A_790 : vector<16xf32>
      %add3A_792 = arith.addf %get3A_773, %get3A_773 : vector<16xf32>
      %min3A_793 = arith.constant 6.000000e+01 : f32
      %min3A_794 = vector.broadcast %min3A_793 : f32 to vector<16xf32>
      %min3A_795 = arith.minimumf %add3A_792, %min3A_794 : vector<16xf32>
      %exp3A_796 = math.exp %min3A_795 : vector<16xf32>
      %sub3A_797 = arith.subf %exp3A_791, %exp3A_796 : vector<16xf32>
      %mul3A_798 = arith.constant 2.000000e+01 : f32
      %mul3A_799 = vector.broadcast %mul3A_798 : f32 to vector<16xf32>
      %mul3A_800 = arith.mulf %mul3A_799, %sub3A_797 : vector<16xf32>
      %abs3A_801 = math.absf %mul3A_800 : vector<16xf32>
      %add3A_802 = arith.constant 1.000000e+00 : f32
      %add3A_803 = vector.broadcast %add3A_802 : f32 to vector<16xf32>
      %add3A_804 = arith.addf %exp3A_791, %add3A_803 : vector<16xf32>
      %add3A_805 = arith.constant 1.000000e+00 : f32
      %add3A_806 = vector.broadcast %add3A_805 : f32 to vector<16xf32>
      %add3A_807 = arith.addf %exp3A_796, %add3A_806 : vector<16xf32>
      %mul3A_808 = arith.mulf %add3A_804, %add3A_807 : vector<16xf32>
      %div3A_809 = arith.divf %abs3A_801, %mul3A_808 : vector<16xf32>
      %convert_element_type3A_810 = arith.fptosi %div3A_809 : vector<16xf32> to vector<16xi32>
      %min3A_811 = arith.constant 9 : i32
      %min3A_812 = vector.broadcast %min3A_811 : i32 to vector<16xi32>
      %min3A_813 = arith.minsi %convert_element_type3A_810, %min3A_812 : vector<16xi32>
      %mul3A_814 = arith.constant 16 : i32
      %mul3A_815 = vector.broadcast %mul3A_814 : i32 to vector<16xi32>
      %mul3A_816 = arith.muli %min3A_813, %mul3A_815 : vector<16xi32>
      %add3A_817 = arith.addi %mul3A_816, %iota3A : vector<16xi32>
      %add3A_818 = arith.constant 160 : i32
      %add3A_819 = vector.broadcast %add3A_818 : i32 to vector<16xi32>
      %add3A_820 = arith.addi %add3A_817, %add3A_819 : vector<16xi32>
      tpu.vector_store_idx %arg9[%add3A_820], %select_n3A_786 {add = true} : memref<320xf32, #tpu.memory_space<vmem>>[vector<16xi32>], vector<16xf32>,
      %lt3A_821 = arith.constant 10 : i32
      %lt3A_822 = vector.broadcast %lt3A_821 : i32 to vector<16xi32>
      %lt3A_823 = arith.cmpi slt, %convert_element_type3A_810, %lt3A_822 : vector<16xi32>
      tpu.vector_store_idx %arg9[%add3A_817], %broadcast_in_dim3A_82 masked %lt3A_823 {add = true} : memref<320xf32, #tpu.memory_space<vmem>>[vector<16xi32>], vector<16xf32>, vector<16xi1>
      %mul3A_824 = arith.constant 16 : i32
      %mul3A_825 = arith.muli %scan3A_112, %mul3A_824 : i32
      %add3A_826 = arith.constant 12 : i32
      %add3A_827 = arith.addi %mul3A_825, %add3A_826 : i32
      %mul3A_828 = arith.constant 16 : i32
      %mul3A_829 = arith.muli %add3A_827, %mul3A_828 : i32
      %get3A_830 = arith.index_cast %mul3A_829 : i32 to index
      %get3A_831 = tpu.vector_load %arg7[%get3A_830] {strides = array<i32>} : memref<16384xf32, #tpu.memory_space<vmem>>, vector<16xf32>,
      %get3A_832 = arith.index_cast %mul3A_829 : i32 to index
      %get3A_833 = tpu.vector_load %arg8[%get3A_832] {strides = array<i32>} : memref<16384xf32, #tpu.memory_space<vmem>>, vector<16xf32>,
      %sub3A_834 = arith.subf %get3A_831, %get3A_833 : vector<16xf32>
      %abs3A_835 = math.absf %sub3A_834 : vector<16xf32>
      %lt3A_836 = arith.constant 2.000000e-02 : f32
      %lt3A_837 = vector.broadcast %lt3A_836 : f32 to vector<16xf32>
      %lt3A_838 = arith.cmpf olt, %abs3A_835, %lt3A_837 : vector<16xf32>
      %mul3A_839 = arith.constant 2.500000e+01 : f32
      %mul3A_840 = vector.broadcast %mul3A_839 : f32 to vector<16xf32>
      %mul3A_841 = arith.mulf %mul3A_840, %abs3A_835 : vector<16xf32>
      %mul3A_842 = arith.mulf %mul3A_841, %abs3A_835 : vector<16xf32>
      %sub3A_843 = arith.constant 0.00999999977 : f32
      %sub3A_844 = vector.broadcast %sub3A_843 : f32 to vector<16xf32>
      %sub3A_845 = arith.subf %abs3A_835, %sub3A_844 : vector<16xf32>
      %select_n3A_846 = arith.select %lt3A_838, %mul3A_842, %sub3A_845 : vector<16xi1>, vector<16xf32>
      %add3A_847 = arith.addf %get3A_831, %get3A_831 : vector<16xf32>
      %min3A_848 = arith.constant 6.000000e+01 : f32
      %min3A_849 = vector.broadcast %min3A_848 : f32 to vector<16xf32>
      %min3A_850 = arith.minimumf %add3A_847, %min3A_849 : vector<16xf32>
      %exp3A_851 = math.exp %min3A_850 : vector<16xf32>
      %add3A_852 = arith.addf %get3A_833, %get3A_833 : vector<16xf32>
      %min3A_853 = arith.constant 6.000000e+01 : f32
      %min3A_854 = vector.broadcast %min3A_853 : f32 to vector<16xf32>
      %min3A_855 = arith.minimumf %add3A_852, %min3A_854 : vector<16xf32>
      %exp3A_856 = math.exp %min3A_855 : vector<16xf32>
      %sub3A_857 = arith.subf %exp3A_851, %exp3A_856 : vector<16xf32>
      %mul3A_858 = arith.constant 2.000000e+01 : f32
      %mul3A_859 = vector.broadcast %mul3A_858 : f32 to vector<16xf32>
      %mul3A_860 = arith.mulf %mul3A_859, %sub3A_857 : vector<16xf32>
      %abs3A_861 = math.absf %mul3A_860 : vector<16xf32>
      %add3A_862 = arith.constant 1.000000e+00 : f32
      %add3A_863 = vector.broadcast %add3A_862 : f32 to vector<16xf32>
      %add3A_864 = arith.addf %exp3A_851, %add3A_863 : vector<16xf32>
      %add3A_865 = arith.constant 1.000000e+00 : f32
      %add3A_866 = vector.broadcast %add3A_865 : f32 to vector<16xf32>
      %add3A_867 = arith.addf %exp3A_856, %add3A_866 : vector<16xf32>
      %mul3A_868 = arith.mulf %add3A_864, %add3A_867 : vector<16xf32>
      %div3A_869 = arith.divf %abs3A_861, %mul3A_868 : vector<16xf32>
      %convert_element_type3A_870 = arith.fptosi %div3A_869 : vector<16xf32> to vector<16xi32>
      %min3A_871 = arith.constant 9 : i32
      %min3A_872 = vector.broadcast %min3A_871 : i32 to vector<16xi32>
      %min3A_873 = arith.minsi %convert_element_type3A_870, %min3A_872 : vector<16xi32>
      %mul3A_874 = arith.constant 16 : i32
      %mul3A_875 = vector.broadcast %mul3A_874 : i32 to vector<16xi32>
      %mul3A_876 = arith.muli %min3A_873, %mul3A_875 : vector<16xi32>
      %add3A_877 = arith.addi %mul3A_876, %iota3A : vector<16xi32>
      %add3A_878 = arith.constant 160 : i32
      %add3A_879 = vector.broadcast %add3A_878 : i32 to vector<16xi32>
      %add3A_880 = arith.addi %add3A_877, %add3A_879 : vector<16xi32>
      tpu.vector_store_idx %arg9[%add3A_880], %select_n3A_846 {add = true} : memref<320xf32, #tpu.memory_space<vmem>>[vector<16xi32>], vector<16xf32>,
      %lt3A_881 = arith.constant 10 : i32
      %lt3A_882 = vector.broadcast %lt3A_881 : i32 to vector<16xi32>
      %lt3A_883 = arith.cmpi slt, %convert_element_type3A_870, %lt3A_882 : vector<16xi32>
      tpu.vector_store_idx %arg9[%add3A_877], %broadcast_in_dim3A_82 masked %lt3A_883 {add = true} : memref<320xf32, #tpu.memory_space<vmem>>[vector<16xi32>], vector<16xf32>, vector<16xi1>
      %mul3A_884 = arith.constant 16 : i32
      %mul3A_885 = arith.muli %scan3A_112, %mul3A_884 : i32
      %add3A_886 = arith.constant 13 : i32
      %add3A_887 = arith.addi %mul3A_885, %add3A_886 : i32
      %mul3A_888 = arith.constant 16 : i32
      %mul3A_889 = arith.muli %add3A_887, %mul3A_888 : i32
      %get3A_890 = arith.index_cast %mul3A_889 : i32 to index
      %get3A_891 = tpu.vector_load %arg7[%get3A_890] {strides = array<i32>} : memref<16384xf32, #tpu.memory_space<vmem>>, vector<16xf32>,
      %get3A_892 = arith.index_cast %mul3A_889 : i32 to index
      %get3A_893 = tpu.vector_load %arg8[%get3A_892] {strides = array<i32>} : memref<16384xf32, #tpu.memory_space<vmem>>, vector<16xf32>,
      %sub3A_894 = arith.subf %get3A_891, %get3A_893 : vector<16xf32>
      %abs3A_895 = math.absf %sub3A_894 : vector<16xf32>
      %lt3A_896 = arith.constant 2.000000e-02 : f32
      %lt3A_897 = vector.broadcast %lt3A_896 : f32 to vector<16xf32>
      %lt3A_898 = arith.cmpf olt, %abs3A_895, %lt3A_897 : vector<16xf32>
      %mul3A_899 = arith.constant 2.500000e+01 : f32
      %mul3A_900 = vector.broadcast %mul3A_899 : f32 to vector<16xf32>
      %mul3A_901 = arith.mulf %mul3A_900, %abs3A_895 : vector<16xf32>
      %mul3A_902 = arith.mulf %mul3A_901, %abs3A_895 : vector<16xf32>
      %sub3A_903 = arith.constant 0.00999999977 : f32
      %sub3A_904 = vector.broadcast %sub3A_903 : f32 to vector<16xf32>
      %sub3A_905 = arith.subf %abs3A_895, %sub3A_904 : vector<16xf32>
      %select_n3A_906 = arith.select %lt3A_898, %mul3A_902, %sub3A_905 : vector<16xi1>, vector<16xf32>
      %add3A_907 = arith.addf %get3A_891, %get3A_891 : vector<16xf32>
      %min3A_908 = arith.constant 6.000000e+01 : f32
      %min3A_909 = vector.broadcast %min3A_908 : f32 to vector<16xf32>
      %min3A_910 = arith.minimumf %add3A_907, %min3A_909 : vector<16xf32>
      %exp3A_911 = math.exp %min3A_910 : vector<16xf32>
      %add3A_912 = arith.addf %get3A_893, %get3A_893 : vector<16xf32>
      %min3A_913 = arith.constant 6.000000e+01 : f32
      %min3A_914 = vector.broadcast %min3A_913 : f32 to vector<16xf32>
      %min3A_915 = arith.minimumf %add3A_912, %min3A_914 : vector<16xf32>
      %exp3A_916 = math.exp %min3A_915 : vector<16xf32>
      %sub3A_917 = arith.subf %exp3A_911, %exp3A_916 : vector<16xf32>
      %mul3A_918 = arith.constant 2.000000e+01 : f32
      %mul3A_919 = vector.broadcast %mul3A_918 : f32 to vector<16xf32>
      %mul3A_920 = arith.mulf %mul3A_919, %sub3A_917 : vector<16xf32>
      %abs3A_921 = math.absf %mul3A_920 : vector<16xf32>
      %add3A_922 = arith.constant 1.000000e+00 : f32
      %add3A_923 = vector.broadcast %add3A_922 : f32 to vector<16xf32>
      %add3A_924 = arith.addf %exp3A_911, %add3A_923 : vector<16xf32>
      %add3A_925 = arith.constant 1.000000e+00 : f32
      %add3A_926 = vector.broadcast %add3A_925 : f32 to vector<16xf32>
      %add3A_927 = arith.addf %exp3A_916, %add3A_926 : vector<16xf32>
      %mul3A_928 = arith.mulf %add3A_924, %add3A_927 : vector<16xf32>
      %div3A_929 = arith.divf %abs3A_921, %mul3A_928 : vector<16xf32>
      %convert_element_type3A_930 = arith.fptosi %div3A_929 : vector<16xf32> to vector<16xi32>
      %min3A_931 = arith.constant 9 : i32
      %min3A_932 = vector.broadcast %min3A_931 : i32 to vector<16xi32>
      %min3A_933 = arith.minsi %convert_element_type3A_930, %min3A_932 : vector<16xi32>
      %mul3A_934 = arith.constant 16 : i32
      %mul3A_935 = vector.broadcast %mul3A_934 : i32 to vector<16xi32>
      %mul3A_936 = arith.muli %min3A_933, %mul3A_935 : vector<16xi32>
      %add3A_937 = arith.addi %mul3A_936, %iota3A : vector<16xi32>
      %add3A_938 = arith.constant 160 : i32
      %add3A_939 = vector.broadcast %add3A_938 : i32 to vector<16xi32>
      %add3A_940 = arith.addi %add3A_937, %add3A_939 : vector<16xi32>
      tpu.vector_store_idx %arg9[%add3A_940], %select_n3A_906 {add = true} : memref<320xf32, #tpu.memory_space<vmem>>[vector<16xi32>], vector<16xf32>,
      %lt3A_941 = arith.constant 10 : i32
      %lt3A_942 = vector.broadcast %lt3A_941 : i32 to vector<16xi32>
      %lt3A_943 = arith.cmpi slt, %convert_element_type3A_930, %lt3A_942 : vector<16xi32>
      tpu.vector_store_idx %arg9[%add3A_937], %broadcast_in_dim3A_82 masked %lt3A_943 {add = true} : memref<320xf32, #tpu.memory_space<vmem>>[vector<16xi32>], vector<16xf32>, vector<16xi1>
      %mul3A_944 = arith.constant 16 : i32
      %mul3A_945 = arith.muli %scan3A_112, %mul3A_944 : i32
      %add3A_946 = arith.constant 14 : i32
      %add3A_947 = arith.addi %mul3A_945, %add3A_946 : i32
      %mul3A_948 = arith.constant 16 : i32
      %mul3A_949 = arith.muli %add3A_947, %mul3A_948 : i32
      %get3A_950 = arith.index_cast %mul3A_949 : i32 to index
      %get3A_951 = tpu.vector_load %arg7[%get3A_950] {strides = array<i32>} : memref<16384xf32, #tpu.memory_space<vmem>>, vector<16xf32>,
      %get3A_952 = arith.index_cast %mul3A_949 : i32 to index
      %get3A_953 = tpu.vector_load %arg8[%get3A_952] {strides = array<i32>} : memref<16384xf32, #tpu.memory_space<vmem>>, vector<16xf32>,
      %sub3A_954 = arith.subf %get3A_951, %get3A_953 : vector<16xf32>
      %abs3A_955 = math.absf %sub3A_954 : vector<16xf32>
      %lt3A_956 = arith.constant 2.000000e-02 : f32
      %lt3A_957 = vector.broadcast %lt3A_956 : f32 to vector<16xf32>
      %lt3A_958 = arith.cmpf olt, %abs3A_955, %lt3A_957 : vector<16xf32>
      %mul3A_959 = arith.constant 2.500000e+01 : f32
      %mul3A_960 = vector.broadcast %mul3A_959 : f32 to vector<16xf32>
      %mul3A_961 = arith.mulf %mul3A_960, %abs3A_955 : vector<16xf32>
      %mul3A_962 = arith.mulf %mul3A_961, %abs3A_955 : vector<16xf32>
      %sub3A_963 = arith.constant 0.00999999977 : f32
      %sub3A_964 = vector.broadcast %sub3A_963 : f32 to vector<16xf32>
      %sub3A_965 = arith.subf %abs3A_955, %sub3A_964 : vector<16xf32>
      %select_n3A_966 = arith.select %lt3A_958, %mul3A_962, %sub3A_965 : vector<16xi1>, vector<16xf32>
      %add3A_967 = arith.addf %get3A_951, %get3A_951 : vector<16xf32>
      %min3A_968 = arith.constant 6.000000e+01 : f32
      %min3A_969 = vector.broadcast %min3A_968 : f32 to vector<16xf32>
      %min3A_970 = arith.minimumf %add3A_967, %min3A_969 : vector<16xf32>
      %exp3A_971 = math.exp %min3A_970 : vector<16xf32>
      %add3A_972 = arith.addf %get3A_953, %get3A_953 : vector<16xf32>
      %min3A_973 = arith.constant 6.000000e+01 : f32
      %min3A_974 = vector.broadcast %min3A_973 : f32 to vector<16xf32>
      %min3A_975 = arith.minimumf %add3A_972, %min3A_974 : vector<16xf32>
      %exp3A_976 = math.exp %min3A_975 : vector<16xf32>
      %sub3A_977 = arith.subf %exp3A_971, %exp3A_976 : vector<16xf32>
      %mul3A_978 = arith.constant 2.000000e+01 : f32
      %mul3A_979 = vector.broadcast %mul3A_978 : f32 to vector<16xf32>
      %mul3A_980 = arith.mulf %mul3A_979, %sub3A_977 : vector<16xf32>
      %abs3A_981 = math.absf %mul3A_980 : vector<16xf32>
      %add3A_982 = arith.constant 1.000000e+00 : f32
      %add3A_983 = vector.broadcast %add3A_982 : f32 to vector<16xf32>
      %add3A_984 = arith.addf %exp3A_971, %add3A_983 : vector<16xf32>
      %add3A_985 = arith.constant 1.000000e+00 : f32
      %add3A_986 = vector.broadcast %add3A_985 : f32 to vector<16xf32>
      %add3A_987 = arith.addf %exp3A_976, %add3A_986 : vector<16xf32>
      %mul3A_988 = arith.mulf %add3A_984, %add3A_987 : vector<16xf32>
      %div3A_989 = arith.divf %abs3A_981, %mul3A_988 : vector<16xf32>
      %convert_element_type3A_990 = arith.fptosi %div3A_989 : vector<16xf32> to vector<16xi32>
      %min3A_991 = arith.constant 9 : i32
      %min3A_992 = vector.broadcast %min3A_991 : i32 to vector<16xi32>
      %min3A_993 = arith.minsi %convert_element_type3A_990, %min3A_992 : vector<16xi32>
      %mul3A_994 = arith.constant 16 : i32
      %mul3A_995 = vector.broadcast %mul3A_994 : i32 to vector<16xi32>
      %mul3A_996 = arith.muli %min3A_993, %mul3A_995 : vector<16xi32>
      %add3A_997 = arith.addi %mul3A_996, %iota3A : vector<16xi32>
      %add3A_998 = arith.constant 160 : i32
      %add3A_999 = vector.broadcast %add3A_998 : i32 to vector<16xi32>
      %add3A_1000 = arith.addi %add3A_997, %add3A_999 : vector<16xi32>
      tpu.vector_store_idx %arg9[%add3A_1000], %select_n3A_966 {add = true} : memref<320xf32, #tpu.memory_space<vmem>>[vector<16xi32>], vector<16xf32>,
      %lt3A_1001 = arith.constant 10 : i32
      %lt3A_1002 = vector.broadcast %lt3A_1001 : i32 to vector<16xi32>
      %lt3A_1003 = arith.cmpi slt, %convert_element_type3A_990, %lt3A_1002 : vector<16xi32>
      tpu.vector_store_idx %arg9[%add3A_997], %broadcast_in_dim3A_82 masked %lt3A_1003 {add = true} : memref<320xf32, #tpu.memory_space<vmem>>[vector<16xi32>], vector<16xf32>, vector<16xi1>
      %mul3A_1004 = arith.constant 16 : i32
      %mul3A_1005 = arith.muli %scan3A_112, %mul3A_1004 : i32
      %add3A_1006 = arith.constant 15 : i32
      %add3A_1007 = arith.addi %mul3A_1005, %add3A_1006 : i32
      %mul3A_1008 = arith.constant 16 : i32
      %mul3A_1009 = arith.muli %add3A_1007, %mul3A_1008 : i32
      %get3A_1010 = arith.index_cast %mul3A_1009 : i32 to index
      %get3A_1011 = tpu.vector_load %arg7[%get3A_1010] {strides = array<i32>} : memref<16384xf32, #tpu.memory_space<vmem>>, vector<16xf32>,
      %get3A_1012 = arith.index_cast %mul3A_1009 : i32 to index
      %get3A_1013 = tpu.vector_load %arg8[%get3A_1012] {strides = array<i32>} : memref<16384xf32, #tpu.memory_space<vmem>>, vector<16xf32>,
      %sub3A_1014 = arith.subf %get3A_1011, %get3A_1013 : vector<16xf32>
      %abs3A_1015 = math.absf %sub3A_1014 : vector<16xf32>
      %lt3A_1016 = arith.constant 2.000000e-02 : f32
      %lt3A_1017 = vector.broadcast %lt3A_1016 : f32 to vector<16xf32>
      %lt3A_1018 = arith.cmpf olt, %abs3A_1015, %lt3A_1017 : vector<16xf32>
      %mul3A_1019 = arith.constant 2.500000e+01 : f32
      %mul3A_1020 = vector.broadcast %mul3A_1019 : f32 to vector<16xf32>
      %mul3A_1021 = arith.mulf %mul3A_1020, %abs3A_1015 : vector<16xf32>
      %mul3A_1022 = arith.mulf %mul3A_1021, %abs3A_1015 : vector<16xf32>
      %sub3A_1023 = arith.constant 0.00999999977 : f32
      %sub3A_1024 = vector.broadcast %sub3A_1023 : f32 to vector<16xf32>
      %sub3A_1025 = arith.subf %abs3A_1015, %sub3A_1024 : vector<16xf32>
      %select_n3A_1026 = arith.select %lt3A_1018, %mul3A_1022, %sub3A_1025 : vector<16xi1>, vector<16xf32>
      %add3A_1027 = arith.addf %get3A_1011, %get3A_1011 : vector<16xf32>
      %min3A_1028 = arith.constant 6.000000e+01 : f32
      %min3A_1029 = vector.broadcast %min3A_1028 : f32 to vector<16xf32>
      %min3A_1030 = arith.minimumf %add3A_1027, %min3A_1029 : vector<16xf32>
      %exp3A_1031 = math.exp %min3A_1030 : vector<16xf32>
      %add3A_1032 = arith.addf %get3A_1013, %get3A_1013 : vector<16xf32>
      %min3A_1033 = arith.constant 6.000000e+01 : f32
      %min3A_1034 = vector.broadcast %min3A_1033 : f32 to vector<16xf32>
      %min3A_1035 = arith.minimumf %add3A_1032, %min3A_1034 : vector<16xf32>
      %exp3A_1036 = math.exp %min3A_1035 : vector<16xf32>
      %sub3A_1037 = arith.subf %exp3A_1031, %exp3A_1036 : vector<16xf32>
      %mul3A_1038 = arith.constant 2.000000e+01 : f32
      %mul3A_1039 = vector.broadcast %mul3A_1038 : f32 to vector<16xf32>
      %mul3A_1040 = arith.mulf %mul3A_1039, %sub3A_1037 : vector<16xf32>
      %abs3A_1041 = math.absf %mul3A_1040 : vector<16xf32>
      %add3A_1042 = arith.constant 1.000000e+00 : f32
      %add3A_1043 = vector.broadcast %add3A_1042 : f32 to vector<16xf32>
      %add3A_1044 = arith.addf %exp3A_1031, %add3A_1043 : vector<16xf32>
      %add3A_1045 = arith.constant 1.000000e+00 : f32
      %add3A_1046 = vector.broadcast %add3A_1045 : f32 to vector<16xf32>
      %add3A_1047 = arith.addf %exp3A_1036, %add3A_1046 : vector<16xf32>
      %mul3A_1048 = arith.mulf %add3A_1044, %add3A_1047 : vector<16xf32>
      %div3A_1049 = arith.divf %abs3A_1041, %mul3A_1048 : vector<16xf32>
      %convert_element_type3A_1050 = arith.fptosi %div3A_1049 : vector<16xf32> to vector<16xi32>
      %min3A_1051 = arith.constant 9 : i32
      %min3A_1052 = vector.broadcast %min3A_1051 : i32 to vector<16xi32>
      %min3A_1053 = arith.minsi %convert_element_type3A_1050, %min3A_1052 : vector<16xi32>
      %mul3A_1054 = arith.constant 16 : i32
      %mul3A_1055 = vector.broadcast %mul3A_1054 : i32 to vector<16xi32>
      %mul3A_1056 = arith.muli %min3A_1053, %mul3A_1055 : vector<16xi32>
      %add3A_1057 = arith.addi %mul3A_1056, %iota3A : vector<16xi32>
      %add3A_1058 = arith.constant 160 : i32
      %add3A_1059 = vector.broadcast %add3A_1058 : i32 to vector<16xi32>
      %add3A_1060 = arith.addi %add3A_1057, %add3A_1059 : vector<16xi32>
      tpu.vector_store_idx %arg9[%add3A_1060], %select_n3A_1026 {add = true} : memref<320xf32, #tpu.memory_space<vmem>>[vector<16xi32>], vector<16xf32>,
      %lt3A_1061 = arith.constant 10 : i32
      %lt3A_1062 = vector.broadcast %lt3A_1061 : i32 to vector<16xi32>
      %lt3A_1063 = arith.cmpi slt, %convert_element_type3A_1050, %lt3A_1062 : vector<16xi32>
      tpu.vector_store_idx %arg9[%add3A_1057], %broadcast_in_dim3A_82 masked %lt3A_1063 {add = true} : memref<320xf32, #tpu.memory_space<vmem>>[vector<16xi32>], vector<16xf32>, vector<16xi1>
    }
    %scan3A_111 = arith.constant 64 : i32
    "tpu.region"() ({
      %run_scoped3A = tpu.sem_alloc : memref<!tpu.dma_semaphore, #tpu.memory_space<semaphore_mem>>
      %dma_start3A_112 = arith.constant 0 : i32
      %dma_start3A_113 = tpu.memref_slice %arg4[%add3A, %dma_start3A_112] : memref<32x320xf32, #tpu.memory_space<hbm>> -> memref<1x320xf32, #tpu.memory_space<hbm>>
      %dma_start3A_114 = tpu.memref_squeeze %dma_start3A_113 : memref<1x320xf32, #tpu.memory_space<hbm>> -> memref<320xf32, #tpu.memory_space<hbm>>
      %dma_start3A_115 = arith.constant 0 : i32
      %dma_start3A_116 = tpu.memref_slice %arg4[%add3A, %dma_start3A_115] : memref<32x320xf32, #tpu.memory_space<hbm>> -> memref<1x320xf32, #tpu.memory_space<hbm>>
      %dma_start3A_117 = tpu.memref_squeeze %dma_start3A_116 : memref<1x320xf32, #tpu.memory_space<hbm>> -> memref<320xf32, #tpu.memory_space<hbm>>
      tpu.enqueue_dma source(%arg9 : memref<320xf32, #tpu.memory_space<vmem>>) target(%dma_start3A_117 : memref<320xf32, #tpu.memory_space<hbm>>) target_semaphore(%run_scoped3A : memref<!tpu.dma_semaphore, #tpu.memory_space<semaphore_mem>>)
      %dma_wait3A_118 = arith.constant 0 : i32
      %dma_wait3A_119 = tpu.memref_slice %arg4[%add3A, %dma_wait3A_118] : memref<32x320xf32, #tpu.memory_space<hbm>> -> memref<1x320xf32, #tpu.memory_space<hbm>>
      %dma_wait3A_120 = tpu.memref_squeeze %dma_wait3A_119 : memref<1x320xf32, #tpu.memory_space<hbm>> -> memref<320xf32, #tpu.memory_space<hbm>>
      %dma_wait3A_121 = arith.constant 0 : i32
      %dma_wait3A_122 = tpu.memref_slice %arg4[%add3A, %dma_wait3A_121] : memref<32x320xf32, #tpu.memory_space<hbm>> -> memref<1x320xf32, #tpu.memory_space<hbm>>
      %dma_wait3A_123 = tpu.memref_squeeze %dma_wait3A_122 : memref<1x320xf32, #tpu.memory_space<hbm>> -> memref<320xf32, #tpu.memory_space<hbm>>
      tpu.wait_dma2 semaphore(%run_scoped3A : memref<!tpu.dma_semaphore, #tpu.memory_space<semaphore_mem>>) src(%arg9 : memref<320xf32, #tpu.memory_space<vmem>>) dst(%dma_wait3A_123 : memref<320xf32, #tpu.memory_space<hbm>>)
      tpu.yield
    }) : () -> ()
    return
  }
}

module attributes {stable_mosaic.version = 14 : i64} {
  func.func @_tc_body(%arg0: i32, %arg1: memref<4096x128xf32, #tpu.memory_space<vmem>>, %arg2: memref<4096x128xf32, #tpu.memory_space<vmem>>, %arg3: memref<21xf32, #tpu.memory_space<smem>>, %arg4: memref<21xf32, #tpu.memory_space<smem>>) attributes {dimension_semantics = [#tpu.dimension_semantics<arbitrary>], iteration_bounds = array<i64: 14>, scalar_prefetch = 0 : i64, scratch_operands = 1 : i64, tpu.core_type = #tpu.core_type<tc>, window_params = [{transform_indices = @transform_0, window_bounds = array<i64: 4096, 128>}, {transform_indices = @transform_1, window_bounds = array<i64: 4096, 128>}, {transform_indices = @transform_2, window_bounds = array<i64: 21>}]} {
    %eq3A = arith.constant 0 : i32
    %eq3A_0 = arith.cmpi eq, %arg0, %eq3A : i32
    %convert_element_type3A = arith.extui %eq3A_0 : i1 to i32
    %cond3A = arith.constant 0 : i32
    %cond3A_1 = arith.cmpi ne, %convert_element_type3A, %cond3A : i32
    scf.if %cond3A_1 {
      %swap3A_219 = arith.constant 0.000000e+00 : f32
      %swap3A_220 = arith.constant 0 : index
      %swap3A_221 = memref.load %arg4[%swap3A_220] : memref<21xf32, #tpu.memory_space<smem>>
      memref.store %swap3A_219, %arg4[%swap3A_220] : memref<21xf32, #tpu.memory_space<smem>>
      %swap3A_222 = arith.constant 0.000000e+00 : f32
      %swap3A_223 = arith.constant 1 : index
      %swap3A_224 = memref.load %arg4[%swap3A_223] : memref<21xf32, #tpu.memory_space<smem>>
      memref.store %swap3A_222, %arg4[%swap3A_223] : memref<21xf32, #tpu.memory_space<smem>>
      %swap3A_225 = arith.constant 0.000000e+00 : f32
      %swap3A_226 = arith.constant 2 : index
      %swap3A_227 = memref.load %arg4[%swap3A_226] : memref<21xf32, #tpu.memory_space<smem>>
      memref.store %swap3A_225, %arg4[%swap3A_226] : memref<21xf32, #tpu.memory_space<smem>>
      %swap3A_228 = arith.constant 0.000000e+00 : f32
      %swap3A_229 = arith.constant 3 : index
      %swap3A_230 = memref.load %arg4[%swap3A_229] : memref<21xf32, #tpu.memory_space<smem>>
      memref.store %swap3A_228, %arg4[%swap3A_229] : memref<21xf32, #tpu.memory_space<smem>>
      %swap3A_231 = arith.constant 0.000000e+00 : f32
      %swap3A_232 = arith.constant 4 : index
      %swap3A_233 = memref.load %arg4[%swap3A_232] : memref<21xf32, #tpu.memory_space<smem>>
      memref.store %swap3A_231, %arg4[%swap3A_232] : memref<21xf32, #tpu.memory_space<smem>>
      %swap3A_234 = arith.constant 0.000000e+00 : f32
      %swap3A_235 = arith.constant 5 : index
      %swap3A_236 = memref.load %arg4[%swap3A_235] : memref<21xf32, #tpu.memory_space<smem>>
      memref.store %swap3A_234, %arg4[%swap3A_235] : memref<21xf32, #tpu.memory_space<smem>>
      %swap3A_237 = arith.constant 0.000000e+00 : f32
      %swap3A_238 = arith.constant 6 : index
      %swap3A_239 = memref.load %arg4[%swap3A_238] : memref<21xf32, #tpu.memory_space<smem>>
      memref.store %swap3A_237, %arg4[%swap3A_238] : memref<21xf32, #tpu.memory_space<smem>>
      %swap3A_240 = arith.constant 0.000000e+00 : f32
      %swap3A_241 = arith.constant 7 : index
      %swap3A_242 = memref.load %arg4[%swap3A_241] : memref<21xf32, #tpu.memory_space<smem>>
      memref.store %swap3A_240, %arg4[%swap3A_241] : memref<21xf32, #tpu.memory_space<smem>>
      %swap3A_243 = arith.constant 0.000000e+00 : f32
      %swap3A_244 = arith.constant 8 : index
      %swap3A_245 = memref.load %arg4[%swap3A_244] : memref<21xf32, #tpu.memory_space<smem>>
      memref.store %swap3A_243, %arg4[%swap3A_244] : memref<21xf32, #tpu.memory_space<smem>>
      %swap3A_246 = arith.constant 0.000000e+00 : f32
      %swap3A_247 = arith.constant 9 : index
      %swap3A_248 = memref.load %arg4[%swap3A_247] : memref<21xf32, #tpu.memory_space<smem>>
      memref.store %swap3A_246, %arg4[%swap3A_247] : memref<21xf32, #tpu.memory_space<smem>>
      %swap3A_249 = arith.constant 0.000000e+00 : f32
      %swap3A_250 = arith.constant 10 : index
      %swap3A_251 = memref.load %arg4[%swap3A_250] : memref<21xf32, #tpu.memory_space<smem>>
      memref.store %swap3A_249, %arg4[%swap3A_250] : memref<21xf32, #tpu.memory_space<smem>>
      %swap3A_252 = arith.constant 0.000000e+00 : f32
      %swap3A_253 = arith.constant 11 : index
      %swap3A_254 = memref.load %arg4[%swap3A_253] : memref<21xf32, #tpu.memory_space<smem>>
      memref.store %swap3A_252, %arg4[%swap3A_253] : memref<21xf32, #tpu.memory_space<smem>>
      %swap3A_255 = arith.constant 0.000000e+00 : f32
      %swap3A_256 = arith.constant 12 : index
      %swap3A_257 = memref.load %arg4[%swap3A_256] : memref<21xf32, #tpu.memory_space<smem>>
      memref.store %swap3A_255, %arg4[%swap3A_256] : memref<21xf32, #tpu.memory_space<smem>>
      %swap3A_258 = arith.constant 0.000000e+00 : f32
      %swap3A_259 = arith.constant 13 : index
      %swap3A_260 = memref.load %arg4[%swap3A_259] : memref<21xf32, #tpu.memory_space<smem>>
      memref.store %swap3A_258, %arg4[%swap3A_259] : memref<21xf32, #tpu.memory_space<smem>>
      %swap3A_261 = arith.constant 0.000000e+00 : f32
      %swap3A_262 = arith.constant 14 : index
      %swap3A_263 = memref.load %arg4[%swap3A_262] : memref<21xf32, #tpu.memory_space<smem>>
      memref.store %swap3A_261, %arg4[%swap3A_262] : memref<21xf32, #tpu.memory_space<smem>>
      %swap3A_264 = arith.constant 0.000000e+00 : f32
      %swap3A_265 = arith.constant 15 : index
      %swap3A_266 = memref.load %arg4[%swap3A_265] : memref<21xf32, #tpu.memory_space<smem>>
      memref.store %swap3A_264, %arg4[%swap3A_265] : memref<21xf32, #tpu.memory_space<smem>>
      %swap3A_267 = arith.constant 0.000000e+00 : f32
      %swap3A_268 = arith.constant 16 : index
      %swap3A_269 = memref.load %arg4[%swap3A_268] : memref<21xf32, #tpu.memory_space<smem>>
      memref.store %swap3A_267, %arg4[%swap3A_268] : memref<21xf32, #tpu.memory_space<smem>>
      %swap3A_270 = arith.constant 0.000000e+00 : f32
      %swap3A_271 = arith.constant 17 : index
      %swap3A_272 = memref.load %arg4[%swap3A_271] : memref<21xf32, #tpu.memory_space<smem>>
      memref.store %swap3A_270, %arg4[%swap3A_271] : memref<21xf32, #tpu.memory_space<smem>>
      %swap3A_273 = arith.constant 0.000000e+00 : f32
      %swap3A_274 = arith.constant 18 : index
      %swap3A_275 = memref.load %arg4[%swap3A_274] : memref<21xf32, #tpu.memory_space<smem>>
      memref.store %swap3A_273, %arg4[%swap3A_274] : memref<21xf32, #tpu.memory_space<smem>>
      %swap3A_276 = arith.constant 0.000000e+00 : f32
      %swap3A_277 = arith.constant 19 : index
      %swap3A_278 = memref.load %arg4[%swap3A_277] : memref<21xf32, #tpu.memory_space<smem>>
      memref.store %swap3A_276, %arg4[%swap3A_277] : memref<21xf32, #tpu.memory_space<smem>>
      %swap3A_279 = arith.constant 0.000000e+00 : f32
      %swap3A_280 = arith.constant 20 : index
      %swap3A_281 = memref.load %arg4[%swap3A_280] : memref<21xf32, #tpu.memory_space<smem>>
      memref.store %swap3A_279, %arg4[%swap3A_280] : memref<21xf32, #tpu.memory_space<smem>>
    } else {
    }
    %broadcast_in_dim3A = arith.constant 0.000000e+00 : f32
    %broadcast_in_dim3A_2 = vector.broadcast %broadcast_in_dim3A : f32 to vector<8x128xf32>
    %scan3A = arith.constant 0 : i32
    %scan3A_3 = arith.constant 32 : i32
    %scan3A_4 = arith.addi %scan3A, %scan3A_3 : i32
    %scan3A_5 = arith.constant 1 : i32
    %scan3A_6:21 = scf.for %scan3A_219 = %scan3A to %scan3A_4 step %scan3A_5 iter_args(%scan3A_220 = %broadcast_in_dim3A_2, %scan3A_221 = %broadcast_in_dim3A_2, %scan3A_222 = %broadcast_in_dim3A_2, %scan3A_223 = %broadcast_in_dim3A_2, %scan3A_224 = %broadcast_in_dim3A_2, %scan3A_225 = %broadcast_in_dim3A_2, %scan3A_226 = %broadcast_in_dim3A_2, %scan3A_227 = %broadcast_in_dim3A_2, %scan3A_228 = %broadcast_in_dim3A_2, %scan3A_229 = %broadcast_in_dim3A_2, %scan3A_230 = %broadcast_in_dim3A_2, %scan3A_231 = %broadcast_in_dim3A_2, %scan3A_232 = %broadcast_in_dim3A_2, %scan3A_233 = %broadcast_in_dim3A_2, %scan3A_234 = %broadcast_in_dim3A_2, %scan3A_235 = %broadcast_in_dim3A_2, %scan3A_236 = %broadcast_in_dim3A_2, %scan3A_237 = %broadcast_in_dim3A_2, %scan3A_238 = %broadcast_in_dim3A_2, %scan3A_239 = %broadcast_in_dim3A_2, %scan3A_240 = %broadcast_in_dim3A_2) -> (vector<8x128xf32>, vector<8x128xf32>, vector<8x128xf32>, vector<8x128xf32>, vector<8x128xf32>, vector<8x128xf32>, vector<8x128xf32>, vector<8x128xf32>, vector<8x128xf32>, vector<8x128xf32>, vector<8x128xf32>, vector<8x128xf32>, vector<8x128xf32>, vector<8x128xf32>, vector<8x128xf32>, vector<8x128xf32>, vector<8x128xf32>, vector<8x128xf32>, vector<8x128xf32>, vector<8x128xf32>, vector<8x128xf32>)  : i32 {
      %mul3A = arith.constant 16 : i32
      %mul3A_241 = arith.muli %scan3A_219, %mul3A : i32
      %add3A_242 = arith.constant 0 : i32
      %add3A_243 = arith.addi %mul3A_241, %add3A_242 : i32
      %mul3A_244 = arith.constant 8 : i32
      %mul3A_245 = arith.muli %add3A_243, %mul3A_244 : i32
      %get3A_246 = arith.index_cast %mul3A_245 : i32 to index
      %get3A_247 = arith.constant 0 : index
      %get3A_248 = vector.load %arg1[%get3A_246, %get3A_247] : memref<4096x128xf32, #tpu.memory_space<vmem>>, vector<8x128xf32>
      %get3A_249 = arith.index_cast %mul3A_245 : i32 to index
      %get3A_250 = arith.constant 0 : index
      %get3A_251 = vector.load %arg2[%get3A_249, %get3A_250] : memref<4096x128xf32, #tpu.memory_space<vmem>>, vector<8x128xf32>
      %sub3A = arith.subf %get3A_248, %get3A_251 : vector<8x128xf32>
      %abs3A = math.absf %sub3A : vector<8x128xf32>
      %lt3A = arith.constant 2.000000e-02 : f32
      %lt3A_252 = vector.broadcast %lt3A : f32 to vector<8x128xf32>
      %lt3A_253 = arith.cmpf olt, %abs3A, %lt3A_252 : vector<8x128xf32>
      %mul3A_254 = arith.constant 2.500000e+01 : f32
      %mul3A_255 = vector.broadcast %mul3A_254 : f32 to vector<8x128xf32>
      %mul3A_256 = arith.mulf %mul3A_255, %abs3A : vector<8x128xf32>
      %mul3A_257 = arith.mulf %mul3A_256, %abs3A : vector<8x128xf32>
      %sub3A_258 = arith.constant 0.00999999977 : f32
      %sub3A_259 = vector.broadcast %sub3A_258 : f32 to vector<8x128xf32>
      %sub3A_260 = arith.subf %abs3A, %sub3A_259 : vector<8x128xf32>
      %select_n3A = arith.select %lt3A_253, %mul3A_257, %sub3A_260 : vector<8x128xi1>, vector<8x128xf32>
      %tanh3A = math.tanh %get3A_248 : vector<8x128xf32>
      %tanh3A_261 = math.tanh %get3A_251 : vector<8x128xf32>
      %sub3A_262 = arith.subf %tanh3A, %tanh3A_261 : vector<8x128xf32>
      %abs3A_263 = math.absf %sub3A_262 : vector<8x128xf32>
      %mul3A_264 = arith.constant 1.000000e+01 : f32
      %mul3A_265 = vector.broadcast %mul3A_264 : f32 to vector<8x128xf32>
      %mul3A_266 = arith.mulf %abs3A_263, %mul3A_265 : vector<8x128xf32>
      %lt3A_267 = arith.constant 0.000000e+00 : f32
      %lt3A_268 = vector.broadcast %lt3A_267 : f32 to vector<8x128xf32>
      %lt3A_269 = arith.cmpf olt, %mul3A_266, %lt3A_268 : vector<8x128xf32>
      %ceil3A = math.ceil %mul3A_266 : vector<8x128xf32>
      %floor3A = math.floor %mul3A_266 : vector<8x128xf32>
      %select_n3A_270 = arith.select %lt3A_269, %ceil3A, %floor3A : vector<8x128xi1>, vector<8x128xf32>
      %eq3A_271 = arith.constant 0.000000e+00 : f32
      %eq3A_272 = vector.broadcast %eq3A_271 : f32 to vector<8x128xf32>
      %eq3A_273 = arith.cmpf oeq, %select_n3A_270, %eq3A_272 : vector<8x128xf32>
      %jit3A = arith.constant 1.000000e+00 : f32
      %jit3A_274 = arith.constant 0.000000e+00 : f32
      %broadcast_in_dim3A_275 = vector.broadcast %jit3A : f32 to vector<8x128xf32>
      %broadcast_in_dim3A_276 = vector.broadcast %jit3A_274 : f32 to vector<8x128xf32>
      %select_n3A_277 = arith.select %eq3A_273, %broadcast_in_dim3A_275, %broadcast_in_dim3A_276 : vector<8x128xi1>, vector<8x128xf32>
      %add3A_278 = arith.addf %scan3A_220, %select_n3A_277 : vector<8x128xf32>
      %jit3A_279 = arith.constant 0.000000e+00 : f32
      %broadcast_in_dim3A_280 = vector.broadcast %jit3A_279 : f32 to vector<8x128xf32>
      %select_n3A_281 = arith.select %eq3A_273, %select_n3A, %broadcast_in_dim3A_280 : vector<8x128xi1>, vector<8x128xf32>
      %add3A_282 = arith.addf %scan3A_230, %select_n3A_281 : vector<8x128xf32>
      %eq3A_283 = arith.constant 1.000000e+00 : f32
      %eq3A_284 = vector.broadcast %eq3A_283 : f32 to vector<8x128xf32>
      %eq3A_285 = arith.cmpf oeq, %select_n3A_270, %eq3A_284 : vector<8x128xf32>
      %jit3A_286 = arith.constant 1.000000e+00 : f32
      %jit3A_287 = arith.constant 0.000000e+00 : f32
      %broadcast_in_dim3A_288 = vector.broadcast %jit3A_286 : f32 to vector<8x128xf32>
      %broadcast_in_dim3A_289 = vector.broadcast %jit3A_287 : f32 to vector<8x128xf32>
      %select_n3A_290 = arith.select %eq3A_285, %broadcast_in_dim3A_288, %broadcast_in_dim3A_289 : vector<8x128xi1>, vector<8x128xf32>
      %add3A_291 = arith.addf %scan3A_221, %select_n3A_290 : vector<8x128xf32>
      %jit3A_292 = arith.constant 0.000000e+00 : f32
      %broadcast_in_dim3A_293 = vector.broadcast %jit3A_292 : f32 to vector<8x128xf32>
      %select_n3A_294 = arith.select %eq3A_285, %select_n3A, %broadcast_in_dim3A_293 : vector<8x128xi1>, vector<8x128xf32>
      %add3A_295 = arith.addf %scan3A_231, %select_n3A_294 : vector<8x128xf32>
      %eq3A_296 = arith.constant 2.000000e+00 : f32
      %eq3A_297 = vector.broadcast %eq3A_296 : f32 to vector<8x128xf32>
      %eq3A_298 = arith.cmpf oeq, %select_n3A_270, %eq3A_297 : vector<8x128xf32>
      %jit3A_299 = arith.constant 1.000000e+00 : f32
      %jit3A_300 = arith.constant 0.000000e+00 : f32
      %broadcast_in_dim3A_301 = vector.broadcast %jit3A_299 : f32 to vector<8x128xf32>
      %broadcast_in_dim3A_302 = vector.broadcast %jit3A_300 : f32 to vector<8x128xf32>
      %select_n3A_303 = arith.select %eq3A_298, %broadcast_in_dim3A_301, %broadcast_in_dim3A_302 : vector<8x128xi1>, vector<8x128xf32>
      %add3A_304 = arith.addf %scan3A_222, %select_n3A_303 : vector<8x128xf32>
      %jit3A_305 = arith.constant 0.000000e+00 : f32
      %broadcast_in_dim3A_306 = vector.broadcast %jit3A_305 : f32 to vector<8x128xf32>
      %select_n3A_307 = arith.select %eq3A_298, %select_n3A, %broadcast_in_dim3A_306 : vector<8x128xi1>, vector<8x128xf32>
      %add3A_308 = arith.addf %scan3A_232, %select_n3A_307 : vector<8x128xf32>
      %eq3A_309 = arith.constant 3.000000e+00 : f32
      %eq3A_310 = vector.broadcast %eq3A_309 : f32 to vector<8x128xf32>
      %eq3A_311 = arith.cmpf oeq, %select_n3A_270, %eq3A_310 : vector<8x128xf32>
      %jit3A_312 = arith.constant 1.000000e+00 : f32
      %jit3A_313 = arith.constant 0.000000e+00 : f32
      %broadcast_in_dim3A_314 = vector.broadcast %jit3A_312 : f32 to vector<8x128xf32>
      %broadcast_in_dim3A_315 = vector.broadcast %jit3A_313 : f32 to vector<8x128xf32>
      %select_n3A_316 = arith.select %eq3A_311, %broadcast_in_dim3A_314, %broadcast_in_dim3A_315 : vector<8x128xi1>, vector<8x128xf32>
      %add3A_317 = arith.addf %scan3A_223, %select_n3A_316 : vector<8x128xf32>
      %jit3A_318 = arith.constant 0.000000e+00 : f32
      %broadcast_in_dim3A_319 = vector.broadcast %jit3A_318 : f32 to vector<8x128xf32>
      %select_n3A_320 = arith.select %eq3A_311, %select_n3A, %broadcast_in_dim3A_319 : vector<8x128xi1>, vector<8x128xf32>
      %add3A_321 = arith.addf %scan3A_233, %select_n3A_320 : vector<8x128xf32>
      %eq3A_322 = arith.constant 4.000000e+00 : f32
      %eq3A_323 = vector.broadcast %eq3A_322 : f32 to vector<8x128xf32>
      %eq3A_324 = arith.cmpf oeq, %select_n3A_270, %eq3A_323 : vector<8x128xf32>
      %jit3A_325 = arith.constant 1.000000e+00 : f32
      %jit3A_326 = arith.constant 0.000000e+00 : f32
      %broadcast_in_dim3A_327 = vector.broadcast %jit3A_325 : f32 to vector<8x128xf32>
      %broadcast_in_dim3A_328 = vector.broadcast %jit3A_326 : f32 to vector<8x128xf32>
      %select_n3A_329 = arith.select %eq3A_324, %broadcast_in_dim3A_327, %broadcast_in_dim3A_328 : vector<8x128xi1>, vector<8x128xf32>
      %add3A_330 = arith.addf %scan3A_224, %select_n3A_329 : vector<8x128xf32>
      %jit3A_331 = arith.constant 0.000000e+00 : f32
      %broadcast_in_dim3A_332 = vector.broadcast %jit3A_331 : f32 to vector<8x128xf32>
      %select_n3A_333 = arith.select %eq3A_324, %select_n3A, %broadcast_in_dim3A_332 : vector<8x128xi1>, vector<8x128xf32>
      %add3A_334 = arith.addf %scan3A_234, %select_n3A_333 : vector<8x128xf32>
      %eq3A_335 = arith.constant 5.000000e+00 : f32
      %eq3A_336 = vector.broadcast %eq3A_335 : f32 to vector<8x128xf32>
      %eq3A_337 = arith.cmpf oeq, %select_n3A_270, %eq3A_336 : vector<8x128xf32>
      %jit3A_338 = arith.constant 1.000000e+00 : f32
      %jit3A_339 = arith.constant 0.000000e+00 : f32
      %broadcast_in_dim3A_340 = vector.broadcast %jit3A_338 : f32 to vector<8x128xf32>
      %broadcast_in_dim3A_341 = vector.broadcast %jit3A_339 : f32 to vector<8x128xf32>
      %select_n3A_342 = arith.select %eq3A_337, %broadcast_in_dim3A_340, %broadcast_in_dim3A_341 : vector<8x128xi1>, vector<8x128xf32>
      %add3A_343 = arith.addf %scan3A_225, %select_n3A_342 : vector<8x128xf32>
      %jit3A_344 = arith.constant 0.000000e+00 : f32
      %broadcast_in_dim3A_345 = vector.broadcast %jit3A_344 : f32 to vector<8x128xf32>
      %select_n3A_346 = arith.select %eq3A_337, %select_n3A, %broadcast_in_dim3A_345 : vector<8x128xi1>, vector<8x128xf32>
      %add3A_347 = arith.addf %scan3A_235, %select_n3A_346 : vector<8x128xf32>
      %eq3A_348 = arith.constant 6.000000e+00 : f32
      %eq3A_349 = vector.broadcast %eq3A_348 : f32 to vector<8x128xf32>
      %eq3A_350 = arith.cmpf oeq, %select_n3A_270, %eq3A_349 : vector<8x128xf32>
      %jit3A_351 = arith.constant 1.000000e+00 : f32
      %jit3A_352 = arith.constant 0.000000e+00 : f32
      %broadcast_in_dim3A_353 = vector.broadcast %jit3A_351 : f32 to vector<8x128xf32>
      %broadcast_in_dim3A_354 = vector.broadcast %jit3A_352 : f32 to vector<8x128xf32>
      %select_n3A_355 = arith.select %eq3A_350, %broadcast_in_dim3A_353, %broadcast_in_dim3A_354 : vector<8x128xi1>, vector<8x128xf32>
      %add3A_356 = arith.addf %scan3A_226, %select_n3A_355 : vector<8x128xf32>
      %jit3A_357 = arith.constant 0.000000e+00 : f32
      %broadcast_in_dim3A_358 = vector.broadcast %jit3A_357 : f32 to vector<8x128xf32>
      %select_n3A_359 = arith.select %eq3A_350, %select_n3A, %broadcast_in_dim3A_358 : vector<8x128xi1>, vector<8x128xf32>
      %add3A_360 = arith.addf %scan3A_236, %select_n3A_359 : vector<8x128xf32>
      %eq3A_361 = arith.constant 7.000000e+00 : f32
      %eq3A_362 = vector.broadcast %eq3A_361 : f32 to vector<8x128xf32>
      %eq3A_363 = arith.cmpf oeq, %select_n3A_270, %eq3A_362 : vector<8x128xf32>
      %jit3A_364 = arith.constant 1.000000e+00 : f32
      %jit3A_365 = arith.constant 0.000000e+00 : f32
      %broadcast_in_dim3A_366 = vector.broadcast %jit3A_364 : f32 to vector<8x128xf32>
      %broadcast_in_dim3A_367 = vector.broadcast %jit3A_365 : f32 to vector<8x128xf32>
      %select_n3A_368 = arith.select %eq3A_363, %broadcast_in_dim3A_366, %broadcast_in_dim3A_367 : vector<8x128xi1>, vector<8x128xf32>
      %add3A_369 = arith.addf %scan3A_227, %select_n3A_368 : vector<8x128xf32>
      %jit3A_370 = arith.constant 0.000000e+00 : f32
      %broadcast_in_dim3A_371 = vector.broadcast %jit3A_370 : f32 to vector<8x128xf32>
      %select_n3A_372 = arith.select %eq3A_363, %select_n3A, %broadcast_in_dim3A_371 : vector<8x128xi1>, vector<8x128xf32>
      %add3A_373 = arith.addf %scan3A_237, %select_n3A_372 : vector<8x128xf32>
      %eq3A_374 = arith.constant 8.000000e+00 : f32
      %eq3A_375 = vector.broadcast %eq3A_374 : f32 to vector<8x128xf32>
      %eq3A_376 = arith.cmpf oeq, %select_n3A_270, %eq3A_375 : vector<8x128xf32>
      %jit3A_377 = arith.constant 1.000000e+00 : f32
      %jit3A_378 = arith.constant 0.000000e+00 : f32
      %broadcast_in_dim3A_379 = vector.broadcast %jit3A_377 : f32 to vector<8x128xf32>
      %broadcast_in_dim3A_380 = vector.broadcast %jit3A_378 : f32 to vector<8x128xf32>
      %select_n3A_381 = arith.select %eq3A_376, %broadcast_in_dim3A_379, %broadcast_in_dim3A_380 : vector<8x128xi1>, vector<8x128xf32>
      %add3A_382 = arith.addf %scan3A_228, %select_n3A_381 : vector<8x128xf32>
      %jit3A_383 = arith.constant 0.000000e+00 : f32
      %broadcast_in_dim3A_384 = vector.broadcast %jit3A_383 : f32 to vector<8x128xf32>
      %select_n3A_385 = arith.select %eq3A_376, %select_n3A, %broadcast_in_dim3A_384 : vector<8x128xi1>, vector<8x128xf32>
      %add3A_386 = arith.addf %scan3A_238, %select_n3A_385 : vector<8x128xf32>
      %ge3A = arith.constant 9.000000e+00 : f32
      %ge3A_387 = vector.broadcast %ge3A : f32 to vector<8x128xf32>
      %ge3A_388 = arith.cmpf oge, %select_n3A_270, %ge3A_387 : vector<8x128xf32>
      %jit3A_389 = arith.constant 1.000000e+00 : f32
      %jit3A_390 = arith.constant 0.000000e+00 : f32
      %broadcast_in_dim3A_391 = vector.broadcast %jit3A_389 : f32 to vector<8x128xf32>
      %broadcast_in_dim3A_392 = vector.broadcast %jit3A_390 : f32 to vector<8x128xf32>
      %select_n3A_393 = arith.select %ge3A_388, %broadcast_in_dim3A_391, %broadcast_in_dim3A_392 : vector<8x128xi1>, vector<8x128xf32>
      %add3A_394 = arith.addf %scan3A_229, %select_n3A_393 : vector<8x128xf32>
      %jit3A_395 = arith.constant 0.000000e+00 : f32
      %broadcast_in_dim3A_396 = vector.broadcast %jit3A_395 : f32 to vector<8x128xf32>
      %select_n3A_397 = arith.select %ge3A_388, %select_n3A, %broadcast_in_dim3A_396 : vector<8x128xi1>, vector<8x128xf32>
      %add3A_398 = arith.addf %scan3A_239, %select_n3A_397 : vector<8x128xf32>
      %ge3A_399 = arith.constant 1.000000e+01 : f32
      %ge3A_400 = vector.broadcast %ge3A_399 : f32 to vector<8x128xf32>
      %ge3A_401 = arith.cmpf oge, %select_n3A_270, %ge3A_400 : vector<8x128xf32>
      %jit3A_402 = arith.constant 1.000000e+00 : f32
      %jit3A_403 = arith.constant 0.000000e+00 : f32
      %broadcast_in_dim3A_404 = vector.broadcast %jit3A_402 : f32 to vector<8x128xf32>
      %broadcast_in_dim3A_405 = vector.broadcast %jit3A_403 : f32 to vector<8x128xf32>
      %select_n3A_406 = arith.select %ge3A_401, %broadcast_in_dim3A_404, %broadcast_in_dim3A_405 : vector<8x128xi1>, vector<8x128xf32>
      %add3A_407 = arith.addf %scan3A_240, %select_n3A_406 : vector<8x128xf32>
      %mul3A_408 = arith.constant 16 : i32
      %mul3A_409 = arith.muli %scan3A_219, %mul3A_408 : i32
      %add3A_410 = arith.constant 1 : i32
      %add3A_411 = arith.addi %mul3A_409, %add3A_410 : i32
      %mul3A_412 = arith.constant 8 : i32
      %mul3A_413 = arith.muli %add3A_411, %mul3A_412 : i32
      %get3A_414 = arith.index_cast %mul3A_413 : i32 to index
      %get3A_415 = arith.constant 0 : index
      %get3A_416 = vector.load %arg1[%get3A_414, %get3A_415] : memref<4096x128xf32, #tpu.memory_space<vmem>>, vector<8x128xf32>
      %get3A_417 = arith.index_cast %mul3A_413 : i32 to index
      %get3A_418 = arith.constant 0 : index
      %get3A_419 = vector.load %arg2[%get3A_417, %get3A_418] : memref<4096x128xf32, #tpu.memory_space<vmem>>, vector<8x128xf32>
      %sub3A_420 = arith.subf %get3A_416, %get3A_419 : vector<8x128xf32>
      %abs3A_421 = math.absf %sub3A_420 : vector<8x128xf32>
      %lt3A_422 = arith.constant 2.000000e-02 : f32
      %lt3A_423 = vector.broadcast %lt3A_422 : f32 to vector<8x128xf32>
      %lt3A_424 = arith.cmpf olt, %abs3A_421, %lt3A_423 : vector<8x128xf32>
      %mul3A_425 = arith.constant 2.500000e+01 : f32
      %mul3A_426 = vector.broadcast %mul3A_425 : f32 to vector<8x128xf32>
      %mul3A_427 = arith.mulf %mul3A_426, %abs3A_421 : vector<8x128xf32>
      %mul3A_428 = arith.mulf %mul3A_427, %abs3A_421 : vector<8x128xf32>
      %sub3A_429 = arith.constant 0.00999999977 : f32
      %sub3A_430 = vector.broadcast %sub3A_429 : f32 to vector<8x128xf32>
      %sub3A_431 = arith.subf %abs3A_421, %sub3A_430 : vector<8x128xf32>
      %select_n3A_432 = arith.select %lt3A_424, %mul3A_428, %sub3A_431 : vector<8x128xi1>, vector<8x128xf32>
      %tanh3A_433 = math.tanh %get3A_416 : vector<8x128xf32>
      %tanh3A_434 = math.tanh %get3A_419 : vector<8x128xf32>
      %sub3A_435 = arith.subf %tanh3A_433, %tanh3A_434 : vector<8x128xf32>
      %abs3A_436 = math.absf %sub3A_435 : vector<8x128xf32>
      %mul3A_437 = arith.constant 1.000000e+01 : f32
      %mul3A_438 = vector.broadcast %mul3A_437 : f32 to vector<8x128xf32>
      %mul3A_439 = arith.mulf %abs3A_436, %mul3A_438 : vector<8x128xf32>
      %lt3A_440 = arith.constant 0.000000e+00 : f32
      %lt3A_441 = vector.broadcast %lt3A_440 : f32 to vector<8x128xf32>
      %lt3A_442 = arith.cmpf olt, %mul3A_439, %lt3A_441 : vector<8x128xf32>
      %ceil3A_443 = math.ceil %mul3A_439 : vector<8x128xf32>
      %floor3A_444 = math.floor %mul3A_439 : vector<8x128xf32>
      %select_n3A_445 = arith.select %lt3A_442, %ceil3A_443, %floor3A_444 : vector<8x128xi1>, vector<8x128xf32>
      %eq3A_446 = arith.constant 0.000000e+00 : f32
      %eq3A_447 = vector.broadcast %eq3A_446 : f32 to vector<8x128xf32>
      %eq3A_448 = arith.cmpf oeq, %select_n3A_445, %eq3A_447 : vector<8x128xf32>
      %jit3A_449 = arith.constant 1.000000e+00 : f32
      %jit3A_450 = arith.constant 0.000000e+00 : f32
      %broadcast_in_dim3A_451 = vector.broadcast %jit3A_449 : f32 to vector<8x128xf32>
      %broadcast_in_dim3A_452 = vector.broadcast %jit3A_450 : f32 to vector<8x128xf32>
      %select_n3A_453 = arith.select %eq3A_448, %broadcast_in_dim3A_451, %broadcast_in_dim3A_452 : vector<8x128xi1>, vector<8x128xf32>
      %add3A_454 = arith.addf %add3A_278, %select_n3A_453 : vector<8x128xf32>
      %jit3A_455 = arith.constant 0.000000e+00 : f32
      %broadcast_in_dim3A_456 = vector.broadcast %jit3A_455 : f32 to vector<8x128xf32>
      %select_n3A_457 = arith.select %eq3A_448, %select_n3A_432, %broadcast_in_dim3A_456 : vector<8x128xi1>, vector<8x128xf32>
      %add3A_458 = arith.addf %add3A_282, %select_n3A_457 : vector<8x128xf32>
      %eq3A_459 = arith.constant 1.000000e+00 : f32
      %eq3A_460 = vector.broadcast %eq3A_459 : f32 to vector<8x128xf32>
      %eq3A_461 = arith.cmpf oeq, %select_n3A_445, %eq3A_460 : vector<8x128xf32>
      %jit3A_462 = arith.constant 1.000000e+00 : f32
      %jit3A_463 = arith.constant 0.000000e+00 : f32
      %broadcast_in_dim3A_464 = vector.broadcast %jit3A_462 : f32 to vector<8x128xf32>
      %broadcast_in_dim3A_465 = vector.broadcast %jit3A_463 : f32 to vector<8x128xf32>
      %select_n3A_466 = arith.select %eq3A_461, %broadcast_in_dim3A_464, %broadcast_in_dim3A_465 : vector<8x128xi1>, vector<8x128xf32>
      %add3A_467 = arith.addf %add3A_291, %select_n3A_466 : vector<8x128xf32>
      %jit3A_468 = arith.constant 0.000000e+00 : f32
      %broadcast_in_dim3A_469 = vector.broadcast %jit3A_468 : f32 to vector<8x128xf32>
      %select_n3A_470 = arith.select %eq3A_461, %select_n3A_432, %broadcast_in_dim3A_469 : vector<8x128xi1>, vector<8x128xf32>
      %add3A_471 = arith.addf %add3A_295, %select_n3A_470 : vector<8x128xf32>
      %eq3A_472 = arith.constant 2.000000e+00 : f32
      %eq3A_473 = vector.broadcast %eq3A_472 : f32 to vector<8x128xf32>
      %eq3A_474 = arith.cmpf oeq, %select_n3A_445, %eq3A_473 : vector<8x128xf32>
      %jit3A_475 = arith.constant 1.000000e+00 : f32
      %jit3A_476 = arith.constant 0.000000e+00 : f32
      %broadcast_in_dim3A_477 = vector.broadcast %jit3A_475 : f32 to vector<8x128xf32>
      %broadcast_in_dim3A_478 = vector.broadcast %jit3A_476 : f32 to vector<8x128xf32>
      %select_n3A_479 = arith.select %eq3A_474, %broadcast_in_dim3A_477, %broadcast_in_dim3A_478 : vector<8x128xi1>, vector<8x128xf32>
      %add3A_480 = arith.addf %add3A_304, %select_n3A_479 : vector<8x128xf32>
      %jit3A_481 = arith.constant 0.000000e+00 : f32
      %broadcast_in_dim3A_482 = vector.broadcast %jit3A_481 : f32 to vector<8x128xf32>
      %select_n3A_483 = arith.select %eq3A_474, %select_n3A_432, %broadcast_in_dim3A_482 : vector<8x128xi1>, vector<8x128xf32>
      %add3A_484 = arith.addf %add3A_308, %select_n3A_483 : vector<8x128xf32>
      %eq3A_485 = arith.constant 3.000000e+00 : f32
      %eq3A_486 = vector.broadcast %eq3A_485 : f32 to vector<8x128xf32>
      %eq3A_487 = arith.cmpf oeq, %select_n3A_445, %eq3A_486 : vector<8x128xf32>
      %jit3A_488 = arith.constant 1.000000e+00 : f32
      %jit3A_489 = arith.constant 0.000000e+00 : f32
      %broadcast_in_dim3A_490 = vector.broadcast %jit3A_488 : f32 to vector<8x128xf32>
      %broadcast_in_dim3A_491 = vector.broadcast %jit3A_489 : f32 to vector<8x128xf32>
      %select_n3A_492 = arith.select %eq3A_487, %broadcast_in_dim3A_490, %broadcast_in_dim3A_491 : vector<8x128xi1>, vector<8x128xf32>
      %add3A_493 = arith.addf %add3A_317, %select_n3A_492 : vector<8x128xf32>
      %jit3A_494 = arith.constant 0.000000e+00 : f32
      %broadcast_in_dim3A_495 = vector.broadcast %jit3A_494 : f32 to vector<8x128xf32>
      %select_n3A_496 = arith.select %eq3A_487, %select_n3A_432, %broadcast_in_dim3A_495 : vector<8x128xi1>, vector<8x128xf32>
      %add3A_497 = arith.addf %add3A_321, %select_n3A_496 : vector<8x128xf32>
      %eq3A_498 = arith.constant 4.000000e+00 : f32
      %eq3A_499 = vector.broadcast %eq3A_498 : f32 to vector<8x128xf32>
      %eq3A_500 = arith.cmpf oeq, %select_n3A_445, %eq3A_499 : vector<8x128xf32>
      %jit3A_501 = arith.constant 1.000000e+00 : f32
      %jit3A_502 = arith.constant 0.000000e+00 : f32
      %broadcast_in_dim3A_503 = vector.broadcast %jit3A_501 : f32 to vector<8x128xf32>
      %broadcast_in_dim3A_504 = vector.broadcast %jit3A_502 : f32 to vector<8x128xf32>
      %select_n3A_505 = arith.select %eq3A_500, %broadcast_in_dim3A_503, %broadcast_in_dim3A_504 : vector<8x128xi1>, vector<8x128xf32>
      %add3A_506 = arith.addf %add3A_330, %select_n3A_505 : vector<8x128xf32>
      %jit3A_507 = arith.constant 0.000000e+00 : f32
      %broadcast_in_dim3A_508 = vector.broadcast %jit3A_507 : f32 to vector<8x128xf32>
      %select_n3A_509 = arith.select %eq3A_500, %select_n3A_432, %broadcast_in_dim3A_508 : vector<8x128xi1>, vector<8x128xf32>
      %add3A_510 = arith.addf %add3A_334, %select_n3A_509 : vector<8x128xf32>
      %eq3A_511 = arith.constant 5.000000e+00 : f32
      %eq3A_512 = vector.broadcast %eq3A_511 : f32 to vector<8x128xf32>
      %eq3A_513 = arith.cmpf oeq, %select_n3A_445, %eq3A_512 : vector<8x128xf32>
      %jit3A_514 = arith.constant 1.000000e+00 : f32
      %jit3A_515 = arith.constant 0.000000e+00 : f32
      %broadcast_in_dim3A_516 = vector.broadcast %jit3A_514 : f32 to vector<8x128xf32>
      %broadcast_in_dim3A_517 = vector.broadcast %jit3A_515 : f32 to vector<8x128xf32>
      %select_n3A_518 = arith.select %eq3A_513, %broadcast_in_dim3A_516, %broadcast_in_dim3A_517 : vector<8x128xi1>, vector<8x128xf32>
      %add3A_519 = arith.addf %add3A_343, %select_n3A_518 : vector<8x128xf32>
      %jit3A_520 = arith.constant 0.000000e+00 : f32
      %broadcast_in_dim3A_521 = vector.broadcast %jit3A_520 : f32 to vector<8x128xf32>
      %select_n3A_522 = arith.select %eq3A_513, %select_n3A_432, %broadcast_in_dim3A_521 : vector<8x128xi1>, vector<8x128xf32>
      %add3A_523 = arith.addf %add3A_347, %select_n3A_522 : vector<8x128xf32>
      %eq3A_524 = arith.constant 6.000000e+00 : f32
      %eq3A_525 = vector.broadcast %eq3A_524 : f32 to vector<8x128xf32>
      %eq3A_526 = arith.cmpf oeq, %select_n3A_445, %eq3A_525 : vector<8x128xf32>
      %jit3A_527 = arith.constant 1.000000e+00 : f32
      %jit3A_528 = arith.constant 0.000000e+00 : f32
      %broadcast_in_dim3A_529 = vector.broadcast %jit3A_527 : f32 to vector<8x128xf32>
      %broadcast_in_dim3A_530 = vector.broadcast %jit3A_528 : f32 to vector<8x128xf32>
      %select_n3A_531 = arith.select %eq3A_526, %broadcast_in_dim3A_529, %broadcast_in_dim3A_530 : vector<8x128xi1>, vector<8x128xf32>
      %add3A_532 = arith.addf %add3A_356, %select_n3A_531 : vector<8x128xf32>
      %jit3A_533 = arith.constant 0.000000e+00 : f32
      %broadcast_in_dim3A_534 = vector.broadcast %jit3A_533 : f32 to vector<8x128xf32>
      %select_n3A_535 = arith.select %eq3A_526, %select_n3A_432, %broadcast_in_dim3A_534 : vector<8x128xi1>, vector<8x128xf32>
      %add3A_536 = arith.addf %add3A_360, %select_n3A_535 : vector<8x128xf32>
      %eq3A_537 = arith.constant 7.000000e+00 : f32
      %eq3A_538 = vector.broadcast %eq3A_537 : f32 to vector<8x128xf32>
      %eq3A_539 = arith.cmpf oeq, %select_n3A_445, %eq3A_538 : vector<8x128xf32>
      %jit3A_540 = arith.constant 1.000000e+00 : f32
      %jit3A_541 = arith.constant 0.000000e+00 : f32
      %broadcast_in_dim3A_542 = vector.broadcast %jit3A_540 : f32 to vector<8x128xf32>
      %broadcast_in_dim3A_543 = vector.broadcast %jit3A_541 : f32 to vector<8x128xf32>
      %select_n3A_544 = arith.select %eq3A_539, %broadcast_in_dim3A_542, %broadcast_in_dim3A_543 : vector<8x128xi1>, vector<8x128xf32>
      %add3A_545 = arith.addf %add3A_369, %select_n3A_544 : vector<8x128xf32>
      %jit3A_546 = arith.constant 0.000000e+00 : f32
      %broadcast_in_dim3A_547 = vector.broadcast %jit3A_546 : f32 to vector<8x128xf32>
      %select_n3A_548 = arith.select %eq3A_539, %select_n3A_432, %broadcast_in_dim3A_547 : vector<8x128xi1>, vector<8x128xf32>
      %add3A_549 = arith.addf %add3A_373, %select_n3A_548 : vector<8x128xf32>
      %eq3A_550 = arith.constant 8.000000e+00 : f32
      %eq3A_551 = vector.broadcast %eq3A_550 : f32 to vector<8x128xf32>
      %eq3A_552 = arith.cmpf oeq, %select_n3A_445, %eq3A_551 : vector<8x128xf32>
      %jit3A_553 = arith.constant 1.000000e+00 : f32
      %jit3A_554 = arith.constant 0.000000e+00 : f32
      %broadcast_in_dim3A_555 = vector.broadcast %jit3A_553 : f32 to vector<8x128xf32>
      %broadcast_in_dim3A_556 = vector.broadcast %jit3A_554 : f32 to vector<8x128xf32>
      %select_n3A_557 = arith.select %eq3A_552, %broadcast_in_dim3A_555, %broadcast_in_dim3A_556 : vector<8x128xi1>, vector<8x128xf32>
      %add3A_558 = arith.addf %add3A_382, %select_n3A_557 : vector<8x128xf32>
      %jit3A_559 = arith.constant 0.000000e+00 : f32
      %broadcast_in_dim3A_560 = vector.broadcast %jit3A_559 : f32 to vector<8x128xf32>
      %select_n3A_561 = arith.select %eq3A_552, %select_n3A_432, %broadcast_in_dim3A_560 : vector<8x128xi1>, vector<8x128xf32>
      %add3A_562 = arith.addf %add3A_386, %select_n3A_561 : vector<8x128xf32>
      %ge3A_563 = arith.constant 9.000000e+00 : f32
      %ge3A_564 = vector.broadcast %ge3A_563 : f32 to vector<8x128xf32>
      %ge3A_565 = arith.cmpf oge, %select_n3A_445, %ge3A_564 : vector<8x128xf32>
      %jit3A_566 = arith.constant 1.000000e+00 : f32
      %jit3A_567 = arith.constant 0.000000e+00 : f32
      %broadcast_in_dim3A_568 = vector.broadcast %jit3A_566 : f32 to vector<8x128xf32>
      %broadcast_in_dim3A_569 = vector.broadcast %jit3A_567 : f32 to vector<8x128xf32>
      %select_n3A_570 = arith.select %ge3A_565, %broadcast_in_dim3A_568, %broadcast_in_dim3A_569 : vector<8x128xi1>, vector<8x128xf32>
      %add3A_571 = arith.addf %add3A_394, %select_n3A_570 : vector<8x128xf32>
      %jit3A_572 = arith.constant 0.000000e+00 : f32
      %broadcast_in_dim3A_573 = vector.broadcast %jit3A_572 : f32 to vector<8x128xf32>
      %select_n3A_574 = arith.select %ge3A_565, %select_n3A_432, %broadcast_in_dim3A_573 : vector<8x128xi1>, vector<8x128xf32>
      %add3A_575 = arith.addf %add3A_398, %select_n3A_574 : vector<8x128xf32>
      %ge3A_576 = arith.constant 1.000000e+01 : f32
      %ge3A_577 = vector.broadcast %ge3A_576 : f32 to vector<8x128xf32>
      %ge3A_578 = arith.cmpf oge, %select_n3A_445, %ge3A_577 : vector<8x128xf32>
      %jit3A_579 = arith.constant 1.000000e+00 : f32
      %jit3A_580 = arith.constant 0.000000e+00 : f32
      %broadcast_in_dim3A_581 = vector.broadcast %jit3A_579 : f32 to vector<8x128xf32>
      %broadcast_in_dim3A_582 = vector.broadcast %jit3A_580 : f32 to vector<8x128xf32>
      %select_n3A_583 = arith.select %ge3A_578, %broadcast_in_dim3A_581, %broadcast_in_dim3A_582 : vector<8x128xi1>, vector<8x128xf32>
      %add3A_584 = arith.addf %add3A_407, %select_n3A_583 : vector<8x128xf32>
      %mul3A_585 = arith.constant 16 : i32
      %mul3A_586 = arith.muli %scan3A_219, %mul3A_585 : i32
      %add3A_587 = arith.constant 2 : i32
      %add3A_588 = arith.addi %mul3A_586, %add3A_587 : i32
      %mul3A_589 = arith.constant 8 : i32
      %mul3A_590 = arith.muli %add3A_588, %mul3A_589 : i32
      %get3A_591 = arith.index_cast %mul3A_590 : i32 to index
      %get3A_592 = arith.constant 0 : index
      %get3A_593 = vector.load %arg1[%get3A_591, %get3A_592] : memref<4096x128xf32, #tpu.memory_space<vmem>>, vector<8x128xf32>
      %get3A_594 = arith.index_cast %mul3A_590 : i32 to index
      %get3A_595 = arith.constant 0 : index
      %get3A_596 = vector.load %arg2[%get3A_594, %get3A_595] : memref<4096x128xf32, #tpu.memory_space<vmem>>, vector<8x128xf32>
      %sub3A_597 = arith.subf %get3A_593, %get3A_596 : vector<8x128xf32>
      %abs3A_598 = math.absf %sub3A_597 : vector<8x128xf32>
      %lt3A_599 = arith.constant 2.000000e-02 : f32
      %lt3A_600 = vector.broadcast %lt3A_599 : f32 to vector<8x128xf32>
      %lt3A_601 = arith.cmpf olt, %abs3A_598, %lt3A_600 : vector<8x128xf32>
      %mul3A_602 = arith.constant 2.500000e+01 : f32
      %mul3A_603 = vector.broadcast %mul3A_602 : f32 to vector<8x128xf32>
      %mul3A_604 = arith.mulf %mul3A_603, %abs3A_598 : vector<8x128xf32>
      %mul3A_605 = arith.mulf %mul3A_604, %abs3A_598 : vector<8x128xf32>
      %sub3A_606 = arith.constant 0.00999999977 : f32
      %sub3A_607 = vector.broadcast %sub3A_606 : f32 to vector<8x128xf32>
      %sub3A_608 = arith.subf %abs3A_598, %sub3A_607 : vector<8x128xf32>
      %select_n3A_609 = arith.select %lt3A_601, %mul3A_605, %sub3A_608 : vector<8x128xi1>, vector<8x128xf32>
      %tanh3A_610 = math.tanh %get3A_593 : vector<8x128xf32>
      %tanh3A_611 = math.tanh %get3A_596 : vector<8x128xf32>
      %sub3A_612 = arith.subf %tanh3A_610, %tanh3A_611 : vector<8x128xf32>
      %abs3A_613 = math.absf %sub3A_612 : vector<8x128xf32>
      %mul3A_614 = arith.constant 1.000000e+01 : f32
      %mul3A_615 = vector.broadcast %mul3A_614 : f32 to vector<8x128xf32>
      %mul3A_616 = arith.mulf %abs3A_613, %mul3A_615 : vector<8x128xf32>
      %lt3A_617 = arith.constant 0.000000e+00 : f32
      %lt3A_618 = vector.broadcast %lt3A_617 : f32 to vector<8x128xf32>
      %lt3A_619 = arith.cmpf olt, %mul3A_616, %lt3A_618 : vector<8x128xf32>
      %ceil3A_620 = math.ceil %mul3A_616 : vector<8x128xf32>
      %floor3A_621 = math.floor %mul3A_616 : vector<8x128xf32>
      %select_n3A_622 = arith.select %lt3A_619, %ceil3A_620, %floor3A_621 : vector<8x128xi1>, vector<8x128xf32>
      %eq3A_623 = arith.constant 0.000000e+00 : f32
      %eq3A_624 = vector.broadcast %eq3A_623 : f32 to vector<8x128xf32>
      %eq3A_625 = arith.cmpf oeq, %select_n3A_622, %eq3A_624 : vector<8x128xf32>
      %jit3A_626 = arith.constant 1.000000e+00 : f32
      %jit3A_627 = arith.constant 0.000000e+00 : f32
      %broadcast_in_dim3A_628 = vector.broadcast %jit3A_626 : f32 to vector<8x128xf32>
      %broadcast_in_dim3A_629 = vector.broadcast %jit3A_627 : f32 to vector<8x128xf32>
      %select_n3A_630 = arith.select %eq3A_625, %broadcast_in_dim3A_628, %broadcast_in_dim3A_629 : vector<8x128xi1>, vector<8x128xf32>
      %add3A_631 = arith.addf %add3A_454, %select_n3A_630 : vector<8x128xf32>
      %jit3A_632 = arith.constant 0.000000e+00 : f32
      %broadcast_in_dim3A_633 = vector.broadcast %jit3A_632 : f32 to vector<8x128xf32>
      %select_n3A_634 = arith.select %eq3A_625, %select_n3A_609, %broadcast_in_dim3A_633 : vector<8x128xi1>, vector<8x128xf32>
      %add3A_635 = arith.addf %add3A_458, %select_n3A_634 : vector<8x128xf32>
      %eq3A_636 = arith.constant 1.000000e+00 : f32
      %eq3A_637 = vector.broadcast %eq3A_636 : f32 to vector<8x128xf32>
      %eq3A_638 = arith.cmpf oeq, %select_n3A_622, %eq3A_637 : vector<8x128xf32>
      %jit3A_639 = arith.constant 1.000000e+00 : f32
      %jit3A_640 = arith.constant 0.000000e+00 : f32
      %broadcast_in_dim3A_641 = vector.broadcast %jit3A_639 : f32 to vector<8x128xf32>
      %broadcast_in_dim3A_642 = vector.broadcast %jit3A_640 : f32 to vector<8x128xf32>
      %select_n3A_643 = arith.select %eq3A_638, %broadcast_in_dim3A_641, %broadcast_in_dim3A_642 : vector<8x128xi1>, vector<8x128xf32>
      %add3A_644 = arith.addf %add3A_467, %select_n3A_643 : vector<8x128xf32>
      %jit3A_645 = arith.constant 0.000000e+00 : f32
      %broadcast_in_dim3A_646 = vector.broadcast %jit3A_645 : f32 to vector<8x128xf32>
      %select_n3A_647 = arith.select %eq3A_638, %select_n3A_609, %broadcast_in_dim3A_646 : vector<8x128xi1>, vector<8x128xf32>
      %add3A_648 = arith.addf %add3A_471, %select_n3A_647 : vector<8x128xf32>
      %eq3A_649 = arith.constant 2.000000e+00 : f32
      %eq3A_650 = vector.broadcast %eq3A_649 : f32 to vector<8x128xf32>
      %eq3A_651 = arith.cmpf oeq, %select_n3A_622, %eq3A_650 : vector<8x128xf32>
      %jit3A_652 = arith.constant 1.000000e+00 : f32
      %jit3A_653 = arith.constant 0.000000e+00 : f32
      %broadcast_in_dim3A_654 = vector.broadcast %jit3A_652 : f32 to vector<8x128xf32>
      %broadcast_in_dim3A_655 = vector.broadcast %jit3A_653 : f32 to vector<8x128xf32>
      %select_n3A_656 = arith.select %eq3A_651, %broadcast_in_dim3A_654, %broadcast_in_dim3A_655 : vector<8x128xi1>, vector<8x128xf32>
      %add3A_657 = arith.addf %add3A_480, %select_n3A_656 : vector<8x128xf32>
      %jit3A_658 = arith.constant 0.000000e+00 : f32
      %broadcast_in_dim3A_659 = vector.broadcast %jit3A_658 : f32 to vector<8x128xf32>
      %select_n3A_660 = arith.select %eq3A_651, %select_n3A_609, %broadcast_in_dim3A_659 : vector<8x128xi1>, vector<8x128xf32>
      %add3A_661 = arith.addf %add3A_484, %select_n3A_660 : vector<8x128xf32>
      %eq3A_662 = arith.constant 3.000000e+00 : f32
      %eq3A_663 = vector.broadcast %eq3A_662 : f32 to vector<8x128xf32>
      %eq3A_664 = arith.cmpf oeq, %select_n3A_622, %eq3A_663 : vector<8x128xf32>
      %jit3A_665 = arith.constant 1.000000e+00 : f32
      %jit3A_666 = arith.constant 0.000000e+00 : f32
      %broadcast_in_dim3A_667 = vector.broadcast %jit3A_665 : f32 to vector<8x128xf32>
      %broadcast_in_dim3A_668 = vector.broadcast %jit3A_666 : f32 to vector<8x128xf32>
      %select_n3A_669 = arith.select %eq3A_664, %broadcast_in_dim3A_667, %broadcast_in_dim3A_668 : vector<8x128xi1>, vector<8x128xf32>
      %add3A_670 = arith.addf %add3A_493, %select_n3A_669 : vector<8x128xf32>
      %jit3A_671 = arith.constant 0.000000e+00 : f32
      %broadcast_in_dim3A_672 = vector.broadcast %jit3A_671 : f32 to vector<8x128xf32>
      %select_n3A_673 = arith.select %eq3A_664, %select_n3A_609, %broadcast_in_dim3A_672 : vector<8x128xi1>, vector<8x128xf32>
      %add3A_674 = arith.addf %add3A_497, %select_n3A_673 : vector<8x128xf32>
      %eq3A_675 = arith.constant 4.000000e+00 : f32
      %eq3A_676 = vector.broadcast %eq3A_675 : f32 to vector<8x128xf32>
      %eq3A_677 = arith.cmpf oeq, %select_n3A_622, %eq3A_676 : vector<8x128xf32>
      %jit3A_678 = arith.constant 1.000000e+00 : f32
      %jit3A_679 = arith.constant 0.000000e+00 : f32
      %broadcast_in_dim3A_680 = vector.broadcast %jit3A_678 : f32 to vector<8x128xf32>
      %broadcast_in_dim3A_681 = vector.broadcast %jit3A_679 : f32 to vector<8x128xf32>
      %select_n3A_682 = arith.select %eq3A_677, %broadcast_in_dim3A_680, %broadcast_in_dim3A_681 : vector<8x128xi1>, vector<8x128xf32>
      %add3A_683 = arith.addf %add3A_506, %select_n3A_682 : vector<8x128xf32>
      %jit3A_684 = arith.constant 0.000000e+00 : f32
      %broadcast_in_dim3A_685 = vector.broadcast %jit3A_684 : f32 to vector<8x128xf32>
      %select_n3A_686 = arith.select %eq3A_677, %select_n3A_609, %broadcast_in_dim3A_685 : vector<8x128xi1>, vector<8x128xf32>
      %add3A_687 = arith.addf %add3A_510, %select_n3A_686 : vector<8x128xf32>
      %eq3A_688 = arith.constant 5.000000e+00 : f32
      %eq3A_689 = vector.broadcast %eq3A_688 : f32 to vector<8x128xf32>
      %eq3A_690 = arith.cmpf oeq, %select_n3A_622, %eq3A_689 : vector<8x128xf32>
      %jit3A_691 = arith.constant 1.000000e+00 : f32
      %jit3A_692 = arith.constant 0.000000e+00 : f32
      %broadcast_in_dim3A_693 = vector.broadcast %jit3A_691 : f32 to vector<8x128xf32>
      %broadcast_in_dim3A_694 = vector.broadcast %jit3A_692 : f32 to vector<8x128xf32>
      %select_n3A_695 = arith.select %eq3A_690, %broadcast_in_dim3A_693, %broadcast_in_dim3A_694 : vector<8x128xi1>, vector<8x128xf32>
      %add3A_696 = arith.addf %add3A_519, %select_n3A_695 : vector<8x128xf32>
      %jit3A_697 = arith.constant 0.000000e+00 : f32
      %broadcast_in_dim3A_698 = vector.broadcast %jit3A_697 : f32 to vector<8x128xf32>
      %select_n3A_699 = arith.select %eq3A_690, %select_n3A_609, %broadcast_in_dim3A_698 : vector<8x128xi1>, vector<8x128xf32>
      %add3A_700 = arith.addf %add3A_523, %select_n3A_699 : vector<8x128xf32>
      %eq3A_701 = arith.constant 6.000000e+00 : f32
      %eq3A_702 = vector.broadcast %eq3A_701 : f32 to vector<8x128xf32>
      %eq3A_703 = arith.cmpf oeq, %select_n3A_622, %eq3A_702 : vector<8x128xf32>
      %jit3A_704 = arith.constant 1.000000e+00 : f32
      %jit3A_705 = arith.constant 0.000000e+00 : f32
      %broadcast_in_dim3A_706 = vector.broadcast %jit3A_704 : f32 to vector<8x128xf32>
      %broadcast_in_dim3A_707 = vector.broadcast %jit3A_705 : f32 to vector<8x128xf32>
      %select_n3A_708 = arith.select %eq3A_703, %broadcast_in_dim3A_706, %broadcast_in_dim3A_707 : vector<8x128xi1>, vector<8x128xf32>
      %add3A_709 = arith.addf %add3A_532, %select_n3A_708 : vector<8x128xf32>
      %jit3A_710 = arith.constant 0.000000e+00 : f32
      %broadcast_in_dim3A_711 = vector.broadcast %jit3A_710 : f32 to vector<8x128xf32>
      %select_n3A_712 = arith.select %eq3A_703, %select_n3A_609, %broadcast_in_dim3A_711 : vector<8x128xi1>, vector<8x128xf32>
      %add3A_713 = arith.addf %add3A_536, %select_n3A_712 : vector<8x128xf32>
      %eq3A_714 = arith.constant 7.000000e+00 : f32
      %eq3A_715 = vector.broadcast %eq3A_714 : f32 to vector<8x128xf32>
      %eq3A_716 = arith.cmpf oeq, %select_n3A_622, %eq3A_715 : vector<8x128xf32>
      %jit3A_717 = arith.constant 1.000000e+00 : f32
      %jit3A_718 = arith.constant 0.000000e+00 : f32
      %broadcast_in_dim3A_719 = vector.broadcast %jit3A_717 : f32 to vector<8x128xf32>
      %broadcast_in_dim3A_720 = vector.broadcast %jit3A_718 : f32 to vector<8x128xf32>
      %select_n3A_721 = arith.select %eq3A_716, %broadcast_in_dim3A_719, %broadcast_in_dim3A_720 : vector<8x128xi1>, vector<8x128xf32>
      %add3A_722 = arith.addf %add3A_545, %select_n3A_721 : vector<8x128xf32>
      %jit3A_723 = arith.constant 0.000000e+00 : f32
      %broadcast_in_dim3A_724 = vector.broadcast %jit3A_723 : f32 to vector<8x128xf32>
      %select_n3A_725 = arith.select %eq3A_716, %select_n3A_609, %broadcast_in_dim3A_724 : vector<8x128xi1>, vector<8x128xf32>
      %add3A_726 = arith.addf %add3A_549, %select_n3A_725 : vector<8x128xf32>
      %eq3A_727 = arith.constant 8.000000e+00 : f32
      %eq3A_728 = vector.broadcast %eq3A_727 : f32 to vector<8x128xf32>
      %eq3A_729 = arith.cmpf oeq, %select_n3A_622, %eq3A_728 : vector<8x128xf32>
      %jit3A_730 = arith.constant 1.000000e+00 : f32
      %jit3A_731 = arith.constant 0.000000e+00 : f32
      %broadcast_in_dim3A_732 = vector.broadcast %jit3A_730 : f32 to vector<8x128xf32>
      %broadcast_in_dim3A_733 = vector.broadcast %jit3A_731 : f32 to vector<8x128xf32>
      %select_n3A_734 = arith.select %eq3A_729, %broadcast_in_dim3A_732, %broadcast_in_dim3A_733 : vector<8x128xi1>, vector<8x128xf32>
      %add3A_735 = arith.addf %add3A_558, %select_n3A_734 : vector<8x128xf32>
      %jit3A_736 = arith.constant 0.000000e+00 : f32
      %broadcast_in_dim3A_737 = vector.broadcast %jit3A_736 : f32 to vector<8x128xf32>
      %select_n3A_738 = arith.select %eq3A_729, %select_n3A_609, %broadcast_in_dim3A_737 : vector<8x128xi1>, vector<8x128xf32>
      %add3A_739 = arith.addf %add3A_562, %select_n3A_738 : vector<8x128xf32>
      %ge3A_740 = arith.constant 9.000000e+00 : f32
      %ge3A_741 = vector.broadcast %ge3A_740 : f32 to vector<8x128xf32>
      %ge3A_742 = arith.cmpf oge, %select_n3A_622, %ge3A_741 : vector<8x128xf32>
      %jit3A_743 = arith.constant 1.000000e+00 : f32
      %jit3A_744 = arith.constant 0.000000e+00 : f32
      %broadcast_in_dim3A_745 = vector.broadcast %jit3A_743 : f32 to vector<8x128xf32>
      %broadcast_in_dim3A_746 = vector.broadcast %jit3A_744 : f32 to vector<8x128xf32>
      %select_n3A_747 = arith.select %ge3A_742, %broadcast_in_dim3A_745, %broadcast_in_dim3A_746 : vector<8x128xi1>, vector<8x128xf32>
      %add3A_748 = arith.addf %add3A_571, %select_n3A_747 : vector<8x128xf32>
      %jit3A_749 = arith.constant 0.000000e+00 : f32
      %broadcast_in_dim3A_750 = vector.broadcast %jit3A_749 : f32 to vector<8x128xf32>
      %select_n3A_751 = arith.select %ge3A_742, %select_n3A_609, %broadcast_in_dim3A_750 : vector<8x128xi1>, vector<8x128xf32>
      %add3A_752 = arith.addf %add3A_575, %select_n3A_751 : vector<8x128xf32>
      %ge3A_753 = arith.constant 1.000000e+01 : f32
      %ge3A_754 = vector.broadcast %ge3A_753 : f32 to vector<8x128xf32>
      %ge3A_755 = arith.cmpf oge, %select_n3A_622, %ge3A_754 : vector<8x128xf32>
      %jit3A_756 = arith.constant 1.000000e+00 : f32
      %jit3A_757 = arith.constant 0.000000e+00 : f32
      %broadcast_in_dim3A_758 = vector.broadcast %jit3A_756 : f32 to vector<8x128xf32>
      %broadcast_in_dim3A_759 = vector.broadcast %jit3A_757 : f32 to vector<8x128xf32>
      %select_n3A_760 = arith.select %ge3A_755, %broadcast_in_dim3A_758, %broadcast_in_dim3A_759 : vector<8x128xi1>, vector<8x128xf32>
      %add3A_761 = arith.addf %add3A_584, %select_n3A_760 : vector<8x128xf32>
      %mul3A_762 = arith.constant 16 : i32
      %mul3A_763 = arith.muli %scan3A_219, %mul3A_762 : i32
      %add3A_764 = arith.constant 3 : i32
      %add3A_765 = arith.addi %mul3A_763, %add3A_764 : i32
      %mul3A_766 = arith.constant 8 : i32
      %mul3A_767 = arith.muli %add3A_765, %mul3A_766 : i32
      %get3A_768 = arith.index_cast %mul3A_767 : i32 to index
      %get3A_769 = arith.constant 0 : index
      %get3A_770 = vector.load %arg1[%get3A_768, %get3A_769] : memref<4096x128xf32, #tpu.memory_space<vmem>>, vector<8x128xf32>
      %get3A_771 = arith.index_cast %mul3A_767 : i32 to index
      %get3A_772 = arith.constant 0 : index
      %get3A_773 = vector.load %arg2[%get3A_771, %get3A_772] : memref<4096x128xf32, #tpu.memory_space<vmem>>, vector<8x128xf32>
      %sub3A_774 = arith.subf %get3A_770, %get3A_773 : vector<8x128xf32>
      %abs3A_775 = math.absf %sub3A_774 : vector<8x128xf32>
      %lt3A_776 = arith.constant 2.000000e-02 : f32
      %lt3A_777 = vector.broadcast %lt3A_776 : f32 to vector<8x128xf32>
      %lt3A_778 = arith.cmpf olt, %abs3A_775, %lt3A_777 : vector<8x128xf32>
      %mul3A_779 = arith.constant 2.500000e+01 : f32
      %mul3A_780 = vector.broadcast %mul3A_779 : f32 to vector<8x128xf32>
      %mul3A_781 = arith.mulf %mul3A_780, %abs3A_775 : vector<8x128xf32>
      %mul3A_782 = arith.mulf %mul3A_781, %abs3A_775 : vector<8x128xf32>
      %sub3A_783 = arith.constant 0.00999999977 : f32
      %sub3A_784 = vector.broadcast %sub3A_783 : f32 to vector<8x128xf32>
      %sub3A_785 = arith.subf %abs3A_775, %sub3A_784 : vector<8x128xf32>
      %select_n3A_786 = arith.select %lt3A_778, %mul3A_782, %sub3A_785 : vector<8x128xi1>, vector<8x128xf32>
      %tanh3A_787 = math.tanh %get3A_770 : vector<8x128xf32>
      %tanh3A_788 = math.tanh %get3A_773 : vector<8x128xf32>
      %sub3A_789 = arith.subf %tanh3A_787, %tanh3A_788 : vector<8x128xf32>
      %abs3A_790 = math.absf %sub3A_789 : vector<8x128xf32>
      %mul3A_791 = arith.constant 1.000000e+01 : f32
      %mul3A_792 = vector.broadcast %mul3A_791 : f32 to vector<8x128xf32>
      %mul3A_793 = arith.mulf %abs3A_790, %mul3A_792 : vector<8x128xf32>
      %lt3A_794 = arith.constant 0.000000e+00 : f32
      %lt3A_795 = vector.broadcast %lt3A_794 : f32 to vector<8x128xf32>
      %lt3A_796 = arith.cmpf olt, %mul3A_793, %lt3A_795 : vector<8x128xf32>
      %ceil3A_797 = math.ceil %mul3A_793 : vector<8x128xf32>
      %floor3A_798 = math.floor %mul3A_793 : vector<8x128xf32>
      %select_n3A_799 = arith.select %lt3A_796, %ceil3A_797, %floor3A_798 : vector<8x128xi1>, vector<8x128xf32>
      %eq3A_800 = arith.constant 0.000000e+00 : f32
      %eq3A_801 = vector.broadcast %eq3A_800 : f32 to vector<8x128xf32>
      %eq3A_802 = arith.cmpf oeq, %select_n3A_799, %eq3A_801 : vector<8x128xf32>
      %jit3A_803 = arith.constant 1.000000e+00 : f32
      %jit3A_804 = arith.constant 0.000000e+00 : f32
      %broadcast_in_dim3A_805 = vector.broadcast %jit3A_803 : f32 to vector<8x128xf32>
      %broadcast_in_dim3A_806 = vector.broadcast %jit3A_804 : f32 to vector<8x128xf32>
      %select_n3A_807 = arith.select %eq3A_802, %broadcast_in_dim3A_805, %broadcast_in_dim3A_806 : vector<8x128xi1>, vector<8x128xf32>
      %add3A_808 = arith.addf %add3A_631, %select_n3A_807 : vector<8x128xf32>
      %jit3A_809 = arith.constant 0.000000e+00 : f32
      %broadcast_in_dim3A_810 = vector.broadcast %jit3A_809 : f32 to vector<8x128xf32>
      %select_n3A_811 = arith.select %eq3A_802, %select_n3A_786, %broadcast_in_dim3A_810 : vector<8x128xi1>, vector<8x128xf32>
      %add3A_812 = arith.addf %add3A_635, %select_n3A_811 : vector<8x128xf32>
      %eq3A_813 = arith.constant 1.000000e+00 : f32
      %eq3A_814 = vector.broadcast %eq3A_813 : f32 to vector<8x128xf32>
      %eq3A_815 = arith.cmpf oeq, %select_n3A_799, %eq3A_814 : vector<8x128xf32>
      %jit3A_816 = arith.constant 1.000000e+00 : f32
      %jit3A_817 = arith.constant 0.000000e+00 : f32
      %broadcast_in_dim3A_818 = vector.broadcast %jit3A_816 : f32 to vector<8x128xf32>
      %broadcast_in_dim3A_819 = vector.broadcast %jit3A_817 : f32 to vector<8x128xf32>
      %select_n3A_820 = arith.select %eq3A_815, %broadcast_in_dim3A_818, %broadcast_in_dim3A_819 : vector<8x128xi1>, vector<8x128xf32>
      %add3A_821 = arith.addf %add3A_644, %select_n3A_820 : vector<8x128xf32>
      %jit3A_822 = arith.constant 0.000000e+00 : f32
      %broadcast_in_dim3A_823 = vector.broadcast %jit3A_822 : f32 to vector<8x128xf32>
      %select_n3A_824 = arith.select %eq3A_815, %select_n3A_786, %broadcast_in_dim3A_823 : vector<8x128xi1>, vector<8x128xf32>
      %add3A_825 = arith.addf %add3A_648, %select_n3A_824 : vector<8x128xf32>
      %eq3A_826 = arith.constant 2.000000e+00 : f32
      %eq3A_827 = vector.broadcast %eq3A_826 : f32 to vector<8x128xf32>
      %eq3A_828 = arith.cmpf oeq, %select_n3A_799, %eq3A_827 : vector<8x128xf32>
      %jit3A_829 = arith.constant 1.000000e+00 : f32
      %jit3A_830 = arith.constant 0.000000e+00 : f32
      %broadcast_in_dim3A_831 = vector.broadcast %jit3A_829 : f32 to vector<8x128xf32>
      %broadcast_in_dim3A_832 = vector.broadcast %jit3A_830 : f32 to vector<8x128xf32>
      %select_n3A_833 = arith.select %eq3A_828, %broadcast_in_dim3A_831, %broadcast_in_dim3A_832 : vector<8x128xi1>, vector<8x128xf32>
      %add3A_834 = arith.addf %add3A_657, %select_n3A_833 : vector<8x128xf32>
      %jit3A_835 = arith.constant 0.000000e+00 : f32
      %broadcast_in_dim3A_836 = vector.broadcast %jit3A_835 : f32 to vector<8x128xf32>
      %select_n3A_837 = arith.select %eq3A_828, %select_n3A_786, %broadcast_in_dim3A_836 : vector<8x128xi1>, vector<8x128xf32>
      %add3A_838 = arith.addf %add3A_661, %select_n3A_837 : vector<8x128xf32>
      %eq3A_839 = arith.constant 3.000000e+00 : f32
      %eq3A_840 = vector.broadcast %eq3A_839 : f32 to vector<8x128xf32>
      %eq3A_841 = arith.cmpf oeq, %select_n3A_799, %eq3A_840 : vector<8x128xf32>
      %jit3A_842 = arith.constant 1.000000e+00 : f32
      %jit3A_843 = arith.constant 0.000000e+00 : f32
      %broadcast_in_dim3A_844 = vector.broadcast %jit3A_842 : f32 to vector<8x128xf32>
      %broadcast_in_dim3A_845 = vector.broadcast %jit3A_843 : f32 to vector<8x128xf32>
      %select_n3A_846 = arith.select %eq3A_841, %broadcast_in_dim3A_844, %broadcast_in_dim3A_845 : vector<8x128xi1>, vector<8x128xf32>
      %add3A_847 = arith.addf %add3A_670, %select_n3A_846 : vector<8x128xf32>
      %jit3A_848 = arith.constant 0.000000e+00 : f32
      %broadcast_in_dim3A_849 = vector.broadcast %jit3A_848 : f32 to vector<8x128xf32>
      %select_n3A_850 = arith.select %eq3A_841, %select_n3A_786, %broadcast_in_dim3A_849 : vector<8x128xi1>, vector<8x128xf32>
      %add3A_851 = arith.addf %add3A_674, %select_n3A_850 : vector<8x128xf32>
      %eq3A_852 = arith.constant 4.000000e+00 : f32
      %eq3A_853 = vector.broadcast %eq3A_852 : f32 to vector<8x128xf32>
      %eq3A_854 = arith.cmpf oeq, %select_n3A_799, %eq3A_853 : vector<8x128xf32>
      %jit3A_855 = arith.constant 1.000000e+00 : f32
      %jit3A_856 = arith.constant 0.000000e+00 : f32
      %broadcast_in_dim3A_857 = vector.broadcast %jit3A_855 : f32 to vector<8x128xf32>
      %broadcast_in_dim3A_858 = vector.broadcast %jit3A_856 : f32 to vector<8x128xf32>
      %select_n3A_859 = arith.select %eq3A_854, %broadcast_in_dim3A_857, %broadcast_in_dim3A_858 : vector<8x128xi1>, vector<8x128xf32>
      %add3A_860 = arith.addf %add3A_683, %select_n3A_859 : vector<8x128xf32>
      %jit3A_861 = arith.constant 0.000000e+00 : f32
      %broadcast_in_dim3A_862 = vector.broadcast %jit3A_861 : f32 to vector<8x128xf32>
      %select_n3A_863 = arith.select %eq3A_854, %select_n3A_786, %broadcast_in_dim3A_862 : vector<8x128xi1>, vector<8x128xf32>
      %add3A_864 = arith.addf %add3A_687, %select_n3A_863 : vector<8x128xf32>
      %eq3A_865 = arith.constant 5.000000e+00 : f32
      %eq3A_866 = vector.broadcast %eq3A_865 : f32 to vector<8x128xf32>
      %eq3A_867 = arith.cmpf oeq, %select_n3A_799, %eq3A_866 : vector<8x128xf32>
      %jit3A_868 = arith.constant 1.000000e+00 : f32
      %jit3A_869 = arith.constant 0.000000e+00 : f32
      %broadcast_in_dim3A_870 = vector.broadcast %jit3A_868 : f32 to vector<8x128xf32>
      %broadcast_in_dim3A_871 = vector.broadcast %jit3A_869 : f32 to vector<8x128xf32>
      %select_n3A_872 = arith.select %eq3A_867, %broadcast_in_dim3A_870, %broadcast_in_dim3A_871 : vector<8x128xi1>, vector<8x128xf32>
      %add3A_873 = arith.addf %add3A_696, %select_n3A_872 : vector<8x128xf32>
      %jit3A_874 = arith.constant 0.000000e+00 : f32
      %broadcast_in_dim3A_875 = vector.broadcast %jit3A_874 : f32 to vector<8x128xf32>
      %select_n3A_876 = arith.select %eq3A_867, %select_n3A_786, %broadcast_in_dim3A_875 : vector<8x128xi1>, vector<8x128xf32>
      %add3A_877 = arith.addf %add3A_700, %select_n3A_876 : vector<8x128xf32>
      %eq3A_878 = arith.constant 6.000000e+00 : f32
      %eq3A_879 = vector.broadcast %eq3A_878 : f32 to vector<8x128xf32>
      %eq3A_880 = arith.cmpf oeq, %select_n3A_799, %eq3A_879 : vector<8x128xf32>
      %jit3A_881 = arith.constant 1.000000e+00 : f32
      %jit3A_882 = arith.constant 0.000000e+00 : f32
      %broadcast_in_dim3A_883 = vector.broadcast %jit3A_881 : f32 to vector<8x128xf32>
      %broadcast_in_dim3A_884 = vector.broadcast %jit3A_882 : f32 to vector<8x128xf32>
      %select_n3A_885 = arith.select %eq3A_880, %broadcast_in_dim3A_883, %broadcast_in_dim3A_884 : vector<8x128xi1>, vector<8x128xf32>
      %add3A_886 = arith.addf %add3A_709, %select_n3A_885 : vector<8x128xf32>
      %jit3A_887 = arith.constant 0.000000e+00 : f32
      %broadcast_in_dim3A_888 = vector.broadcast %jit3A_887 : f32 to vector<8x128xf32>
      %select_n3A_889 = arith.select %eq3A_880, %select_n3A_786, %broadcast_in_dim3A_888 : vector<8x128xi1>, vector<8x128xf32>
      %add3A_890 = arith.addf %add3A_713, %select_n3A_889 : vector<8x128xf32>
      %eq3A_891 = arith.constant 7.000000e+00 : f32
      %eq3A_892 = vector.broadcast %eq3A_891 : f32 to vector<8x128xf32>
      %eq3A_893 = arith.cmpf oeq, %select_n3A_799, %eq3A_892 : vector<8x128xf32>
      %jit3A_894 = arith.constant 1.000000e+00 : f32
      %jit3A_895 = arith.constant 0.000000e+00 : f32
      %broadcast_in_dim3A_896 = vector.broadcast %jit3A_894 : f32 to vector<8x128xf32>
      %broadcast_in_dim3A_897 = vector.broadcast %jit3A_895 : f32 to vector<8x128xf32>
      %select_n3A_898 = arith.select %eq3A_893, %broadcast_in_dim3A_896, %broadcast_in_dim3A_897 : vector<8x128xi1>, vector<8x128xf32>
      %add3A_899 = arith.addf %add3A_722, %select_n3A_898 : vector<8x128xf32>
      %jit3A_900 = arith.constant 0.000000e+00 : f32
      %broadcast_in_dim3A_901 = vector.broadcast %jit3A_900 : f32 to vector<8x128xf32>
      %select_n3A_902 = arith.select %eq3A_893, %select_n3A_786, %broadcast_in_dim3A_901 : vector<8x128xi1>, vector<8x128xf32>
      %add3A_903 = arith.addf %add3A_726, %select_n3A_902 : vector<8x128xf32>
      %eq3A_904 = arith.constant 8.000000e+00 : f32
      %eq3A_905 = vector.broadcast %eq3A_904 : f32 to vector<8x128xf32>
      %eq3A_906 = arith.cmpf oeq, %select_n3A_799, %eq3A_905 : vector<8x128xf32>
      %jit3A_907 = arith.constant 1.000000e+00 : f32
      %jit3A_908 = arith.constant 0.000000e+00 : f32
      %broadcast_in_dim3A_909 = vector.broadcast %jit3A_907 : f32 to vector<8x128xf32>
      %broadcast_in_dim3A_910 = vector.broadcast %jit3A_908 : f32 to vector<8x128xf32>
      %select_n3A_911 = arith.select %eq3A_906, %broadcast_in_dim3A_909, %broadcast_in_dim3A_910 : vector<8x128xi1>, vector<8x128xf32>
      %add3A_912 = arith.addf %add3A_735, %select_n3A_911 : vector<8x128xf32>
      %jit3A_913 = arith.constant 0.000000e+00 : f32
      %broadcast_in_dim3A_914 = vector.broadcast %jit3A_913 : f32 to vector<8x128xf32>
      %select_n3A_915 = arith.select %eq3A_906, %select_n3A_786, %broadcast_in_dim3A_914 : vector<8x128xi1>, vector<8x128xf32>
      %add3A_916 = arith.addf %add3A_739, %select_n3A_915 : vector<8x128xf32>
      %ge3A_917 = arith.constant 9.000000e+00 : f32
      %ge3A_918 = vector.broadcast %ge3A_917 : f32 to vector<8x128xf32>
      %ge3A_919 = arith.cmpf oge, %select_n3A_799, %ge3A_918 : vector<8x128xf32>
      %jit3A_920 = arith.constant 1.000000e+00 : f32
      %jit3A_921 = arith.constant 0.000000e+00 : f32
      %broadcast_in_dim3A_922 = vector.broadcast %jit3A_920 : f32 to vector<8x128xf32>
      %broadcast_in_dim3A_923 = vector.broadcast %jit3A_921 : f32 to vector<8x128xf32>
      %select_n3A_924 = arith.select %ge3A_919, %broadcast_in_dim3A_922, %broadcast_in_dim3A_923 : vector<8x128xi1>, vector<8x128xf32>
      %add3A_925 = arith.addf %add3A_748, %select_n3A_924 : vector<8x128xf32>
      %jit3A_926 = arith.constant 0.000000e+00 : f32
      %broadcast_in_dim3A_927 = vector.broadcast %jit3A_926 : f32 to vector<8x128xf32>
      %select_n3A_928 = arith.select %ge3A_919, %select_n3A_786, %broadcast_in_dim3A_927 : vector<8x128xi1>, vector<8x128xf32>
      %add3A_929 = arith.addf %add3A_752, %select_n3A_928 : vector<8x128xf32>
      %ge3A_930 = arith.constant 1.000000e+01 : f32
      %ge3A_931 = vector.broadcast %ge3A_930 : f32 to vector<8x128xf32>
      %ge3A_932 = arith.cmpf oge, %select_n3A_799, %ge3A_931 : vector<8x128xf32>
      %jit3A_933 = arith.constant 1.000000e+00 : f32
      %jit3A_934 = arith.constant 0.000000e+00 : f32
      %broadcast_in_dim3A_935 = vector.broadcast %jit3A_933 : f32 to vector<8x128xf32>
      %broadcast_in_dim3A_936 = vector.broadcast %jit3A_934 : f32 to vector<8x128xf32>
      %select_n3A_937 = arith.select %ge3A_932, %broadcast_in_dim3A_935, %broadcast_in_dim3A_936 : vector<8x128xi1>, vector<8x128xf32>
      %add3A_938 = arith.addf %add3A_761, %select_n3A_937 : vector<8x128xf32>
      %mul3A_939 = arith.constant 16 : i32
      %mul3A_940 = arith.muli %scan3A_219, %mul3A_939 : i32
      %add3A_941 = arith.constant 4 : i32
      %add3A_942 = arith.addi %mul3A_940, %add3A_941 : i32
      %mul3A_943 = arith.constant 8 : i32
      %mul3A_944 = arith.muli %add3A_942, %mul3A_943 : i32
      %get3A_945 = arith.index_cast %mul3A_944 : i32 to index
      %get3A_946 = arith.constant 0 : index
      %get3A_947 = vector.load %arg1[%get3A_945, %get3A_946] : memref<4096x128xf32, #tpu.memory_space<vmem>>, vector<8x128xf32>
      %get3A_948 = arith.index_cast %mul3A_944 : i32 to index
      %get3A_949 = arith.constant 0 : index
      %get3A_950 = vector.load %arg2[%get3A_948, %get3A_949] : memref<4096x128xf32, #tpu.memory_space<vmem>>, vector<8x128xf32>
      %sub3A_951 = arith.subf %get3A_947, %get3A_950 : vector<8x128xf32>
      %abs3A_952 = math.absf %sub3A_951 : vector<8x128xf32>
      %lt3A_953 = arith.constant 2.000000e-02 : f32
      %lt3A_954 = vector.broadcast %lt3A_953 : f32 to vector<8x128xf32>
      %lt3A_955 = arith.cmpf olt, %abs3A_952, %lt3A_954 : vector<8x128xf32>
      %mul3A_956 = arith.constant 2.500000e+01 : f32
      %mul3A_957 = vector.broadcast %mul3A_956 : f32 to vector<8x128xf32>
      %mul3A_958 = arith.mulf %mul3A_957, %abs3A_952 : vector<8x128xf32>
      %mul3A_959 = arith.mulf %mul3A_958, %abs3A_952 : vector<8x128xf32>
      %sub3A_960 = arith.constant 0.00999999977 : f32
      %sub3A_961 = vector.broadcast %sub3A_960 : f32 to vector<8x128xf32>
      %sub3A_962 = arith.subf %abs3A_952, %sub3A_961 : vector<8x128xf32>
      %select_n3A_963 = arith.select %lt3A_955, %mul3A_959, %sub3A_962 : vector<8x128xi1>, vector<8x128xf32>
      %tanh3A_964 = math.tanh %get3A_947 : vector<8x128xf32>
      %tanh3A_965 = math.tanh %get3A_950 : vector<8x128xf32>
      %sub3A_966 = arith.subf %tanh3A_964, %tanh3A_965 : vector<8x128xf32>
      %abs3A_967 = math.absf %sub3A_966 : vector<8x128xf32>
      %mul3A_968 = arith.constant 1.000000e+01 : f32
      %mul3A_969 = vector.broadcast %mul3A_968 : f32 to vector<8x128xf32>
      %mul3A_970 = arith.mulf %abs3A_967, %mul3A_969 : vector<8x128xf32>
      %lt3A_971 = arith.constant 0.000000e+00 : f32
      %lt3A_972 = vector.broadcast %lt3A_971 : f32 to vector<8x128xf32>
      %lt3A_973 = arith.cmpf olt, %mul3A_970, %lt3A_972 : vector<8x128xf32>
      %ceil3A_974 = math.ceil %mul3A_970 : vector<8x128xf32>
      %floor3A_975 = math.floor %mul3A_970 : vector<8x128xf32>
      %select_n3A_976 = arith.select %lt3A_973, %ceil3A_974, %floor3A_975 : vector<8x128xi1>, vector<8x128xf32>
      %eq3A_977 = arith.constant 0.000000e+00 : f32
      %eq3A_978 = vector.broadcast %eq3A_977 : f32 to vector<8x128xf32>
      %eq3A_979 = arith.cmpf oeq, %select_n3A_976, %eq3A_978 : vector<8x128xf32>
      %jit3A_980 = arith.constant 1.000000e+00 : f32
      %jit3A_981 = arith.constant 0.000000e+00 : f32
      %broadcast_in_dim3A_982 = vector.broadcast %jit3A_980 : f32 to vector<8x128xf32>
      %broadcast_in_dim3A_983 = vector.broadcast %jit3A_981 : f32 to vector<8x128xf32>
      %select_n3A_984 = arith.select %eq3A_979, %broadcast_in_dim3A_982, %broadcast_in_dim3A_983 : vector<8x128xi1>, vector<8x128xf32>
      %add3A_985 = arith.addf %add3A_808, %select_n3A_984 : vector<8x128xf32>
      %jit3A_986 = arith.constant 0.000000e+00 : f32
      %broadcast_in_dim3A_987 = vector.broadcast %jit3A_986 : f32 to vector<8x128xf32>
      %select_n3A_988 = arith.select %eq3A_979, %select_n3A_963, %broadcast_in_dim3A_987 : vector<8x128xi1>, vector<8x128xf32>
      %add3A_989 = arith.addf %add3A_812, %select_n3A_988 : vector<8x128xf32>
      %eq3A_990 = arith.constant 1.000000e+00 : f32
      %eq3A_991 = vector.broadcast %eq3A_990 : f32 to vector<8x128xf32>
      %eq3A_992 = arith.cmpf oeq, %select_n3A_976, %eq3A_991 : vector<8x128xf32>
      %jit3A_993 = arith.constant 1.000000e+00 : f32
      %jit3A_994 = arith.constant 0.000000e+00 : f32
      %broadcast_in_dim3A_995 = vector.broadcast %jit3A_993 : f32 to vector<8x128xf32>
      %broadcast_in_dim3A_996 = vector.broadcast %jit3A_994 : f32 to vector<8x128xf32>
      %select_n3A_997 = arith.select %eq3A_992, %broadcast_in_dim3A_995, %broadcast_in_dim3A_996 : vector<8x128xi1>, vector<8x128xf32>
      %add3A_998 = arith.addf %add3A_821, %select_n3A_997 : vector<8x128xf32>
      %jit3A_999 = arith.constant 0.000000e+00 : f32
      %broadcast_in_dim3A_1000 = vector.broadcast %jit3A_999 : f32 to vector<8x128xf32>
      %select_n3A_1001 = arith.select %eq3A_992, %select_n3A_963, %broadcast_in_dim3A_1000 : vector<8x128xi1>, vector<8x128xf32>
      %add3A_1002 = arith.addf %add3A_825, %select_n3A_1001 : vector<8x128xf32>
      %eq3A_1003 = arith.constant 2.000000e+00 : f32
      %eq3A_1004 = vector.broadcast %eq3A_1003 : f32 to vector<8x128xf32>
      %eq3A_1005 = arith.cmpf oeq, %select_n3A_976, %eq3A_1004 : vector<8x128xf32>
      %jit3A_1006 = arith.constant 1.000000e+00 : f32
      %jit3A_1007 = arith.constant 0.000000e+00 : f32
      %broadcast_in_dim3A_1008 = vector.broadcast %jit3A_1006 : f32 to vector<8x128xf32>
      %broadcast_in_dim3A_1009 = vector.broadcast %jit3A_1007 : f32 to vector<8x128xf32>
      %select_n3A_1010 = arith.select %eq3A_1005, %broadcast_in_dim3A_1008, %broadcast_in_dim3A_1009 : vector<8x128xi1>, vector<8x128xf32>
      %add3A_1011 = arith.addf %add3A_834, %select_n3A_1010 : vector<8x128xf32>
      %jit3A_1012 = arith.constant 0.000000e+00 : f32
      %broadcast_in_dim3A_1013 = vector.broadcast %jit3A_1012 : f32 to vector<8x128xf32>
      %select_n3A_1014 = arith.select %eq3A_1005, %select_n3A_963, %broadcast_in_dim3A_1013 : vector<8x128xi1>, vector<8x128xf32>
      %add3A_1015 = arith.addf %add3A_838, %select_n3A_1014 : vector<8x128xf32>
      %eq3A_1016 = arith.constant 3.000000e+00 : f32
      %eq3A_1017 = vector.broadcast %eq3A_1016 : f32 to vector<8x128xf32>
      %eq3A_1018 = arith.cmpf oeq, %select_n3A_976, %eq3A_1017 : vector<8x128xf32>
      %jit3A_1019 = arith.constant 1.000000e+00 : f32
      %jit3A_1020 = arith.constant 0.000000e+00 : f32
      %broadcast_in_dim3A_1021 = vector.broadcast %jit3A_1019 : f32 to vector<8x128xf32>
      %broadcast_in_dim3A_1022 = vector.broadcast %jit3A_1020 : f32 to vector<8x128xf32>
      %select_n3A_1023 = arith.select %eq3A_1018, %broadcast_in_dim3A_1021, %broadcast_in_dim3A_1022 : vector<8x128xi1>, vector<8x128xf32>
      %add3A_1024 = arith.addf %add3A_847, %select_n3A_1023 : vector<8x128xf32>
      %jit3A_1025 = arith.constant 0.000000e+00 : f32
      %broadcast_in_dim3A_1026 = vector.broadcast %jit3A_1025 : f32 to vector<8x128xf32>
      %select_n3A_1027 = arith.select %eq3A_1018, %select_n3A_963, %broadcast_in_dim3A_1026 : vector<8x128xi1>, vector<8x128xf32>
      %add3A_1028 = arith.addf %add3A_851, %select_n3A_1027 : vector<8x128xf32>
      %eq3A_1029 = arith.constant 4.000000e+00 : f32
      %eq3A_1030 = vector.broadcast %eq3A_1029 : f32 to vector<8x128xf32>
      %eq3A_1031 = arith.cmpf oeq, %select_n3A_976, %eq3A_1030 : vector<8x128xf32>
      %jit3A_1032 = arith.constant 1.000000e+00 : f32
      %jit3A_1033 = arith.constant 0.000000e+00 : f32
      %broadcast_in_dim3A_1034 = vector.broadcast %jit3A_1032 : f32 to vector<8x128xf32>
      %broadcast_in_dim3A_1035 = vector.broadcast %jit3A_1033 : f32 to vector<8x128xf32>
      %select_n3A_1036 = arith.select %eq3A_1031, %broadcast_in_dim3A_1034, %broadcast_in_dim3A_1035 : vector<8x128xi1>, vector<8x128xf32>
      %add3A_1037 = arith.addf %add3A_860, %select_n3A_1036 : vector<8x128xf32>
      %jit3A_1038 = arith.constant 0.000000e+00 : f32
      %broadcast_in_dim3A_1039 = vector.broadcast %jit3A_1038 : f32 to vector<8x128xf32>
      %select_n3A_1040 = arith.select %eq3A_1031, %select_n3A_963, %broadcast_in_dim3A_1039 : vector<8x128xi1>, vector<8x128xf32>
      %add3A_1041 = arith.addf %add3A_864, %select_n3A_1040 : vector<8x128xf32>
      %eq3A_1042 = arith.constant 5.000000e+00 : f32
      %eq3A_1043 = vector.broadcast %eq3A_1042 : f32 to vector<8x128xf32>
      %eq3A_1044 = arith.cmpf oeq, %select_n3A_976, %eq3A_1043 : vector<8x128xf32>
      %jit3A_1045 = arith.constant 1.000000e+00 : f32
      %jit3A_1046 = arith.constant 0.000000e+00 : f32
      %broadcast_in_dim3A_1047 = vector.broadcast %jit3A_1045 : f32 to vector<8x128xf32>
      %broadcast_in_dim3A_1048 = vector.broadcast %jit3A_1046 : f32 to vector<8x128xf32>
      %select_n3A_1049 = arith.select %eq3A_1044, %broadcast_in_dim3A_1047, %broadcast_in_dim3A_1048 : vector<8x128xi1>, vector<8x128xf32>
      %add3A_1050 = arith.addf %add3A_873, %select_n3A_1049 : vector<8x128xf32>
      %jit3A_1051 = arith.constant 0.000000e+00 : f32
      %broadcast_in_dim3A_1052 = vector.broadcast %jit3A_1051 : f32 to vector<8x128xf32>
      %select_n3A_1053 = arith.select %eq3A_1044, %select_n3A_963, %broadcast_in_dim3A_1052 : vector<8x128xi1>, vector<8x128xf32>
      %add3A_1054 = arith.addf %add3A_877, %select_n3A_1053 : vector<8x128xf32>
      %eq3A_1055 = arith.constant 6.000000e+00 : f32
      %eq3A_1056 = vector.broadcast %eq3A_1055 : f32 to vector<8x128xf32>
      %eq3A_1057 = arith.cmpf oeq, %select_n3A_976, %eq3A_1056 : vector<8x128xf32>
      %jit3A_1058 = arith.constant 1.000000e+00 : f32
      %jit3A_1059 = arith.constant 0.000000e+00 : f32
      %broadcast_in_dim3A_1060 = vector.broadcast %jit3A_1058 : f32 to vector<8x128xf32>
      %broadcast_in_dim3A_1061 = vector.broadcast %jit3A_1059 : f32 to vector<8x128xf32>
      %select_n3A_1062 = arith.select %eq3A_1057, %broadcast_in_dim3A_1060, %broadcast_in_dim3A_1061 : vector<8x128xi1>, vector<8x128xf32>
      %add3A_1063 = arith.addf %add3A_886, %select_n3A_1062 : vector<8x128xf32>
      %jit3A_1064 = arith.constant 0.000000e+00 : f32
      %broadcast_in_dim3A_1065 = vector.broadcast %jit3A_1064 : f32 to vector<8x128xf32>
      %select_n3A_1066 = arith.select %eq3A_1057, %select_n3A_963, %broadcast_in_dim3A_1065 : vector<8x128xi1>, vector<8x128xf32>
      %add3A_1067 = arith.addf %add3A_890, %select_n3A_1066 : vector<8x128xf32>
      %eq3A_1068 = arith.constant 7.000000e+00 : f32
      %eq3A_1069 = vector.broadcast %eq3A_1068 : f32 to vector<8x128xf32>
      %eq3A_1070 = arith.cmpf oeq, %select_n3A_976, %eq3A_1069 : vector<8x128xf32>
      %jit3A_1071 = arith.constant 1.000000e+00 : f32
      %jit3A_1072 = arith.constant 0.000000e+00 : f32
      %broadcast_in_dim3A_1073 = vector.broadcast %jit3A_1071 : f32 to vector<8x128xf32>
      %broadcast_in_dim3A_1074 = vector.broadcast %jit3A_1072 : f32 to vector<8x128xf32>
      %select_n3A_1075 = arith.select %eq3A_1070, %broadcast_in_dim3A_1073, %broadcast_in_dim3A_1074 : vector<8x128xi1>, vector<8x128xf32>
      %add3A_1076 = arith.addf %add3A_899, %select_n3A_1075 : vector<8x128xf32>
      %jit3A_1077 = arith.constant 0.000000e+00 : f32
      %broadcast_in_dim3A_1078 = vector.broadcast %jit3A_1077 : f32 to vector<8x128xf32>
      %select_n3A_1079 = arith.select %eq3A_1070, %select_n3A_963, %broadcast_in_dim3A_1078 : vector<8x128xi1>, vector<8x128xf32>
      %add3A_1080 = arith.addf %add3A_903, %select_n3A_1079 : vector<8x128xf32>
      %eq3A_1081 = arith.constant 8.000000e+00 : f32
      %eq3A_1082 = vector.broadcast %eq3A_1081 : f32 to vector<8x128xf32>
      %eq3A_1083 = arith.cmpf oeq, %select_n3A_976, %eq3A_1082 : vector<8x128xf32>
      %jit3A_1084 = arith.constant 1.000000e+00 : f32
      %jit3A_1085 = arith.constant 0.000000e+00 : f32
      %broadcast_in_dim3A_1086 = vector.broadcast %jit3A_1084 : f32 to vector<8x128xf32>
      %broadcast_in_dim3A_1087 = vector.broadcast %jit3A_1085 : f32 to vector<8x128xf32>
      %select_n3A_1088 = arith.select %eq3A_1083, %broadcast_in_dim3A_1086, %broadcast_in_dim3A_1087 : vector<8x128xi1>, vector<8x128xf32>
      %add3A_1089 = arith.addf %add3A_912, %select_n3A_1088 : vector<8x128xf32>
      %jit3A_1090 = arith.constant 0.000000e+00 : f32
      %broadcast_in_dim3A_1091 = vector.broadcast %jit3A_1090 : f32 to vector<8x128xf32>
      %select_n3A_1092 = arith.select %eq3A_1083, %select_n3A_963, %broadcast_in_dim3A_1091 : vector<8x128xi1>, vector<8x128xf32>
      %add3A_1093 = arith.addf %add3A_916, %select_n3A_1092 : vector<8x128xf32>
      %ge3A_1094 = arith.constant 9.000000e+00 : f32
      %ge3A_1095 = vector.broadcast %ge3A_1094 : f32 to vector<8x128xf32>
      %ge3A_1096 = arith.cmpf oge, %select_n3A_976, %ge3A_1095 : vector<8x128xf32>
      %jit3A_1097 = arith.constant 1.000000e+00 : f32
      %jit3A_1098 = arith.constant 0.000000e+00 : f32
      %broadcast_in_dim3A_1099 = vector.broadcast %jit3A_1097 : f32 to vector<8x128xf32>
      %broadcast_in_dim3A_1100 = vector.broadcast %jit3A_1098 : f32 to vector<8x128xf32>
      %select_n3A_1101 = arith.select %ge3A_1096, %broadcast_in_dim3A_1099, %broadcast_in_dim3A_1100 : vector<8x128xi1>, vector<8x128xf32>
      %add3A_1102 = arith.addf %add3A_925, %select_n3A_1101 : vector<8x128xf32>
      %jit3A_1103 = arith.constant 0.000000e+00 : f32
      %broadcast_in_dim3A_1104 = vector.broadcast %jit3A_1103 : f32 to vector<8x128xf32>
      %select_n3A_1105 = arith.select %ge3A_1096, %select_n3A_963, %broadcast_in_dim3A_1104 : vector<8x128xi1>, vector<8x128xf32>
      %add3A_1106 = arith.addf %add3A_929, %select_n3A_1105 : vector<8x128xf32>
      %ge3A_1107 = arith.constant 1.000000e+01 : f32
      %ge3A_1108 = vector.broadcast %ge3A_1107 : f32 to vector<8x128xf32>
      %ge3A_1109 = arith.cmpf oge, %select_n3A_976, %ge3A_1108 : vector<8x128xf32>
      %jit3A_1110 = arith.constant 1.000000e+00 : f32
      %jit3A_1111 = arith.constant 0.000000e+00 : f32
      %broadcast_in_dim3A_1112 = vector.broadcast %jit3A_1110 : f32 to vector<8x128xf32>
      %broadcast_in_dim3A_1113 = vector.broadcast %jit3A_1111 : f32 to vector<8x128xf32>
      %select_n3A_1114 = arith.select %ge3A_1109, %broadcast_in_dim3A_1112, %broadcast_in_dim3A_1113 : vector<8x128xi1>, vector<8x128xf32>
      %add3A_1115 = arith.addf %add3A_938, %select_n3A_1114 : vector<8x128xf32>
      %mul3A_1116 = arith.constant 16 : i32
      %mul3A_1117 = arith.muli %scan3A_219, %mul3A_1116 : i32
      %add3A_1118 = arith.constant 5 : i32
      %add3A_1119 = arith.addi %mul3A_1117, %add3A_1118 : i32
      %mul3A_1120 = arith.constant 8 : i32
      %mul3A_1121 = arith.muli %add3A_1119, %mul3A_1120 : i32
      %get3A_1122 = arith.index_cast %mul3A_1121 : i32 to index
      %get3A_1123 = arith.constant 0 : index
      %get3A_1124 = vector.load %arg1[%get3A_1122, %get3A_1123] : memref<4096x128xf32, #tpu.memory_space<vmem>>, vector<8x128xf32>
      %get3A_1125 = arith.index_cast %mul3A_1121 : i32 to index
      %get3A_1126 = arith.constant 0 : index
      %get3A_1127 = vector.load %arg2[%get3A_1125, %get3A_1126] : memref<4096x128xf32, #tpu.memory_space<vmem>>, vector<8x128xf32>
      %sub3A_1128 = arith.subf %get3A_1124, %get3A_1127 : vector<8x128xf32>
      %abs3A_1129 = math.absf %sub3A_1128 : vector<8x128xf32>
      %lt3A_1130 = arith.constant 2.000000e-02 : f32
      %lt3A_1131 = vector.broadcast %lt3A_1130 : f32 to vector<8x128xf32>
      %lt3A_1132 = arith.cmpf olt, %abs3A_1129, %lt3A_1131 : vector<8x128xf32>
      %mul3A_1133 = arith.constant 2.500000e+01 : f32
      %mul3A_1134 = vector.broadcast %mul3A_1133 : f32 to vector<8x128xf32>
      %mul3A_1135 = arith.mulf %mul3A_1134, %abs3A_1129 : vector<8x128xf32>
      %mul3A_1136 = arith.mulf %mul3A_1135, %abs3A_1129 : vector<8x128xf32>
      %sub3A_1137 = arith.constant 0.00999999977 : f32
      %sub3A_1138 = vector.broadcast %sub3A_1137 : f32 to vector<8x128xf32>
      %sub3A_1139 = arith.subf %abs3A_1129, %sub3A_1138 : vector<8x128xf32>
      %select_n3A_1140 = arith.select %lt3A_1132, %mul3A_1136, %sub3A_1139 : vector<8x128xi1>, vector<8x128xf32>
      %tanh3A_1141 = math.tanh %get3A_1124 : vector<8x128xf32>
      %tanh3A_1142 = math.tanh %get3A_1127 : vector<8x128xf32>
      %sub3A_1143 = arith.subf %tanh3A_1141, %tanh3A_1142 : vector<8x128xf32>
      %abs3A_1144 = math.absf %sub3A_1143 : vector<8x128xf32>
      %mul3A_1145 = arith.constant 1.000000e+01 : f32
      %mul3A_1146 = vector.broadcast %mul3A_1145 : f32 to vector<8x128xf32>
      %mul3A_1147 = arith.mulf %abs3A_1144, %mul3A_1146 : vector<8x128xf32>
      %lt3A_1148 = arith.constant 0.000000e+00 : f32
      %lt3A_1149 = vector.broadcast %lt3A_1148 : f32 to vector<8x128xf32>
      %lt3A_1150 = arith.cmpf olt, %mul3A_1147, %lt3A_1149 : vector<8x128xf32>
      %ceil3A_1151 = math.ceil %mul3A_1147 : vector<8x128xf32>
      %floor3A_1152 = math.floor %mul3A_1147 : vector<8x128xf32>
      %select_n3A_1153 = arith.select %lt3A_1150, %ceil3A_1151, %floor3A_1152 : vector<8x128xi1>, vector<8x128xf32>
      %eq3A_1154 = arith.constant 0.000000e+00 : f32
      %eq3A_1155 = vector.broadcast %eq3A_1154 : f32 to vector<8x128xf32>
      %eq3A_1156 = arith.cmpf oeq, %select_n3A_1153, %eq3A_1155 : vector<8x128xf32>
      %jit3A_1157 = arith.constant 1.000000e+00 : f32
      %jit3A_1158 = arith.constant 0.000000e+00 : f32
      %broadcast_in_dim3A_1159 = vector.broadcast %jit3A_1157 : f32 to vector<8x128xf32>
      %broadcast_in_dim3A_1160 = vector.broadcast %jit3A_1158 : f32 to vector<8x128xf32>
      %select_n3A_1161 = arith.select %eq3A_1156, %broadcast_in_dim3A_1159, %broadcast_in_dim3A_1160 : vector<8x128xi1>, vector<8x128xf32>
      %add3A_1162 = arith.addf %add3A_985, %select_n3A_1161 : vector<8x128xf32>
      %jit3A_1163 = arith.constant 0.000000e+00 : f32
      %broadcast_in_dim3A_1164 = vector.broadcast %jit3A_1163 : f32 to vector<8x128xf32>
      %select_n3A_1165 = arith.select %eq3A_1156, %select_n3A_1140, %broadcast_in_dim3A_1164 : vector<8x128xi1>, vector<8x128xf32>
      %add3A_1166 = arith.addf %add3A_989, %select_n3A_1165 : vector<8x128xf32>
      %eq3A_1167 = arith.constant 1.000000e+00 : f32
      %eq3A_1168 = vector.broadcast %eq3A_1167 : f32 to vector<8x128xf32>
      %eq3A_1169 = arith.cmpf oeq, %select_n3A_1153, %eq3A_1168 : vector<8x128xf32>
      %jit3A_1170 = arith.constant 1.000000e+00 : f32
      %jit3A_1171 = arith.constant 0.000000e+00 : f32
      %broadcast_in_dim3A_1172 = vector.broadcast %jit3A_1170 : f32 to vector<8x128xf32>
      %broadcast_in_dim3A_1173 = vector.broadcast %jit3A_1171 : f32 to vector<8x128xf32>
      %select_n3A_1174 = arith.select %eq3A_1169, %broadcast_in_dim3A_1172, %broadcast_in_dim3A_1173 : vector<8x128xi1>, vector<8x128xf32>
      %add3A_1175 = arith.addf %add3A_998, %select_n3A_1174 : vector<8x128xf32>
      %jit3A_1176 = arith.constant 0.000000e+00 : f32
      %broadcast_in_dim3A_1177 = vector.broadcast %jit3A_1176 : f32 to vector<8x128xf32>
      %select_n3A_1178 = arith.select %eq3A_1169, %select_n3A_1140, %broadcast_in_dim3A_1177 : vector<8x128xi1>, vector<8x128xf32>
      %add3A_1179 = arith.addf %add3A_1002, %select_n3A_1178 : vector<8x128xf32>
      %eq3A_1180 = arith.constant 2.000000e+00 : f32
      %eq3A_1181 = vector.broadcast %eq3A_1180 : f32 to vector<8x128xf32>
      %eq3A_1182 = arith.cmpf oeq, %select_n3A_1153, %eq3A_1181 : vector<8x128xf32>
      %jit3A_1183 = arith.constant 1.000000e+00 : f32
      %jit3A_1184 = arith.constant 0.000000e+00 : f32
      %broadcast_in_dim3A_1185 = vector.broadcast %jit3A_1183 : f32 to vector<8x128xf32>
      %broadcast_in_dim3A_1186 = vector.broadcast %jit3A_1184 : f32 to vector<8x128xf32>
      %select_n3A_1187 = arith.select %eq3A_1182, %broadcast_in_dim3A_1185, %broadcast_in_dim3A_1186 : vector<8x128xi1>, vector<8x128xf32>
      %add3A_1188 = arith.addf %add3A_1011, %select_n3A_1187 : vector<8x128xf32>
      %jit3A_1189 = arith.constant 0.000000e+00 : f32
      %broadcast_in_dim3A_1190 = vector.broadcast %jit3A_1189 : f32 to vector<8x128xf32>
      %select_n3A_1191 = arith.select %eq3A_1182, %select_n3A_1140, %broadcast_in_dim3A_1190 : vector<8x128xi1>, vector<8x128xf32>
      %add3A_1192 = arith.addf %add3A_1015, %select_n3A_1191 : vector<8x128xf32>
      %eq3A_1193 = arith.constant 3.000000e+00 : f32
      %eq3A_1194 = vector.broadcast %eq3A_1193 : f32 to vector<8x128xf32>
      %eq3A_1195 = arith.cmpf oeq, %select_n3A_1153, %eq3A_1194 : vector<8x128xf32>
      %jit3A_1196 = arith.constant 1.000000e+00 : f32
      %jit3A_1197 = arith.constant 0.000000e+00 : f32
      %broadcast_in_dim3A_1198 = vector.broadcast %jit3A_1196 : f32 to vector<8x128xf32>
      %broadcast_in_dim3A_1199 = vector.broadcast %jit3A_1197 : f32 to vector<8x128xf32>
      %select_n3A_1200 = arith.select %eq3A_1195, %broadcast_in_dim3A_1198, %broadcast_in_dim3A_1199 : vector<8x128xi1>, vector<8x128xf32>
      %add3A_1201 = arith.addf %add3A_1024, %select_n3A_1200 : vector<8x128xf32>
      %jit3A_1202 = arith.constant 0.000000e+00 : f32
      %broadcast_in_dim3A_1203 = vector.broadcast %jit3A_1202 : f32 to vector<8x128xf32>
      %select_n3A_1204 = arith.select %eq3A_1195, %select_n3A_1140, %broadcast_in_dim3A_1203 : vector<8x128xi1>, vector<8x128xf32>
      %add3A_1205 = arith.addf %add3A_1028, %select_n3A_1204 : vector<8x128xf32>
      %eq3A_1206 = arith.constant 4.000000e+00 : f32
      %eq3A_1207 = vector.broadcast %eq3A_1206 : f32 to vector<8x128xf32>
      %eq3A_1208 = arith.cmpf oeq, %select_n3A_1153, %eq3A_1207 : vector<8x128xf32>
      %jit3A_1209 = arith.constant 1.000000e+00 : f32
      %jit3A_1210 = arith.constant 0.000000e+00 : f32
      %broadcast_in_dim3A_1211 = vector.broadcast %jit3A_1209 : f32 to vector<8x128xf32>
      %broadcast_in_dim3A_1212 = vector.broadcast %jit3A_1210 : f32 to vector<8x128xf32>
      %select_n3A_1213 = arith.select %eq3A_1208, %broadcast_in_dim3A_1211, %broadcast_in_dim3A_1212 : vector<8x128xi1>, vector<8x128xf32>
      %add3A_1214 = arith.addf %add3A_1037, %select_n3A_1213 : vector<8x128xf32>
      %jit3A_1215 = arith.constant 0.000000e+00 : f32
      %broadcast_in_dim3A_1216 = vector.broadcast %jit3A_1215 : f32 to vector<8x128xf32>
      %select_n3A_1217 = arith.select %eq3A_1208, %select_n3A_1140, %broadcast_in_dim3A_1216 : vector<8x128xi1>, vector<8x128xf32>
      %add3A_1218 = arith.addf %add3A_1041, %select_n3A_1217 : vector<8x128xf32>
      %eq3A_1219 = arith.constant 5.000000e+00 : f32
      %eq3A_1220 = vector.broadcast %eq3A_1219 : f32 to vector<8x128xf32>
      %eq3A_1221 = arith.cmpf oeq, %select_n3A_1153, %eq3A_1220 : vector<8x128xf32>
      %jit3A_1222 = arith.constant 1.000000e+00 : f32
      %jit3A_1223 = arith.constant 0.000000e+00 : f32
      %broadcast_in_dim3A_1224 = vector.broadcast %jit3A_1222 : f32 to vector<8x128xf32>
      %broadcast_in_dim3A_1225 = vector.broadcast %jit3A_1223 : f32 to vector<8x128xf32>
      %select_n3A_1226 = arith.select %eq3A_1221, %broadcast_in_dim3A_1224, %broadcast_in_dim3A_1225 : vector<8x128xi1>, vector<8x128xf32>
      %add3A_1227 = arith.addf %add3A_1050, %select_n3A_1226 : vector<8x128xf32>
      %jit3A_1228 = arith.constant 0.000000e+00 : f32
      %broadcast_in_dim3A_1229 = vector.broadcast %jit3A_1228 : f32 to vector<8x128xf32>
      %select_n3A_1230 = arith.select %eq3A_1221, %select_n3A_1140, %broadcast_in_dim3A_1229 : vector<8x128xi1>, vector<8x128xf32>
      %add3A_1231 = arith.addf %add3A_1054, %select_n3A_1230 : vector<8x128xf32>
      %eq3A_1232 = arith.constant 6.000000e+00 : f32
      %eq3A_1233 = vector.broadcast %eq3A_1232 : f32 to vector<8x128xf32>
      %eq3A_1234 = arith.cmpf oeq, %select_n3A_1153, %eq3A_1233 : vector<8x128xf32>
      %jit3A_1235 = arith.constant 1.000000e+00 : f32
      %jit3A_1236 = arith.constant 0.000000e+00 : f32
      %broadcast_in_dim3A_1237 = vector.broadcast %jit3A_1235 : f32 to vector<8x128xf32>
      %broadcast_in_dim3A_1238 = vector.broadcast %jit3A_1236 : f32 to vector<8x128xf32>
      %select_n3A_1239 = arith.select %eq3A_1234, %broadcast_in_dim3A_1237, %broadcast_in_dim3A_1238 : vector<8x128xi1>, vector<8x128xf32>
      %add3A_1240 = arith.addf %add3A_1063, %select_n3A_1239 : vector<8x128xf32>
      %jit3A_1241 = arith.constant 0.000000e+00 : f32
      %broadcast_in_dim3A_1242 = vector.broadcast %jit3A_1241 : f32 to vector<8x128xf32>
      %select_n3A_1243 = arith.select %eq3A_1234, %select_n3A_1140, %broadcast_in_dim3A_1242 : vector<8x128xi1>, vector<8x128xf32>
      %add3A_1244 = arith.addf %add3A_1067, %select_n3A_1243 : vector<8x128xf32>
      %eq3A_1245 = arith.constant 7.000000e+00 : f32
      %eq3A_1246 = vector.broadcast %eq3A_1245 : f32 to vector<8x128xf32>
      %eq3A_1247 = arith.cmpf oeq, %select_n3A_1153, %eq3A_1246 : vector<8x128xf32>
      %jit3A_1248 = arith.constant 1.000000e+00 : f32
      %jit3A_1249 = arith.constant 0.000000e+00 : f32
      %broadcast_in_dim3A_1250 = vector.broadcast %jit3A_1248 : f32 to vector<8x128xf32>
      %broadcast_in_dim3A_1251 = vector.broadcast %jit3A_1249 : f32 to vector<8x128xf32>
      %select_n3A_1252 = arith.select %eq3A_1247, %broadcast_in_dim3A_1250, %broadcast_in_dim3A_1251 : vector<8x128xi1>, vector<8x128xf32>
      %add3A_1253 = arith.addf %add3A_1076, %select_n3A_1252 : vector<8x128xf32>
      %jit3A_1254 = arith.constant 0.000000e+00 : f32
      %broadcast_in_dim3A_1255 = vector.broadcast %jit3A_1254 : f32 to vector<8x128xf32>
      %select_n3A_1256 = arith.select %eq3A_1247, %select_n3A_1140, %broadcast_in_dim3A_1255 : vector<8x128xi1>, vector<8x128xf32>
      %add3A_1257 = arith.addf %add3A_1080, %select_n3A_1256 : vector<8x128xf32>
      %eq3A_1258 = arith.constant 8.000000e+00 : f32
      %eq3A_1259 = vector.broadcast %eq3A_1258 : f32 to vector<8x128xf32>
      %eq3A_1260 = arith.cmpf oeq, %select_n3A_1153, %eq3A_1259 : vector<8x128xf32>
      %jit3A_1261 = arith.constant 1.000000e+00 : f32
      %jit3A_1262 = arith.constant 0.000000e+00 : f32
      %broadcast_in_dim3A_1263 = vector.broadcast %jit3A_1261 : f32 to vector<8x128xf32>
      %broadcast_in_dim3A_1264 = vector.broadcast %jit3A_1262 : f32 to vector<8x128xf32>
      %select_n3A_1265 = arith.select %eq3A_1260, %broadcast_in_dim3A_1263, %broadcast_in_dim3A_1264 : vector<8x128xi1>, vector<8x128xf32>
      %add3A_1266 = arith.addf %add3A_1089, %select_n3A_1265 : vector<8x128xf32>
      %jit3A_1267 = arith.constant 0.000000e+00 : f32
      %broadcast_in_dim3A_1268 = vector.broadcast %jit3A_1267 : f32 to vector<8x128xf32>
      %select_n3A_1269 = arith.select %eq3A_1260, %select_n3A_1140, %broadcast_in_dim3A_1268 : vector<8x128xi1>, vector<8x128xf32>
      %add3A_1270 = arith.addf %add3A_1093, %select_n3A_1269 : vector<8x128xf32>
      %ge3A_1271 = arith.constant 9.000000e+00 : f32
      %ge3A_1272 = vector.broadcast %ge3A_1271 : f32 to vector<8x128xf32>
      %ge3A_1273 = arith.cmpf oge, %select_n3A_1153, %ge3A_1272 : vector<8x128xf32>
      %jit3A_1274 = arith.constant 1.000000e+00 : f32
      %jit3A_1275 = arith.constant 0.000000e+00 : f32
      %broadcast_in_dim3A_1276 = vector.broadcast %jit3A_1274 : f32 to vector<8x128xf32>
      %broadcast_in_dim3A_1277 = vector.broadcast %jit3A_1275 : f32 to vector<8x128xf32>
      %select_n3A_1278 = arith.select %ge3A_1273, %broadcast_in_dim3A_1276, %broadcast_in_dim3A_1277 : vector<8x128xi1>, vector<8x128xf32>
      %add3A_1279 = arith.addf %add3A_1102, %select_n3A_1278 : vector<8x128xf32>
      %jit3A_1280 = arith.constant 0.000000e+00 : f32
      %broadcast_in_dim3A_1281 = vector.broadcast %jit3A_1280 : f32 to vector<8x128xf32>
      %select_n3A_1282 = arith.select %ge3A_1273, %select_n3A_1140, %broadcast_in_dim3A_1281 : vector<8x128xi1>, vector<8x128xf32>
      %add3A_1283 = arith.addf %add3A_1106, %select_n3A_1282 : vector<8x128xf32>
      %ge3A_1284 = arith.constant 1.000000e+01 : f32
      %ge3A_1285 = vector.broadcast %ge3A_1284 : f32 to vector<8x128xf32>
      %ge3A_1286 = arith.cmpf oge, %select_n3A_1153, %ge3A_1285 : vector<8x128xf32>
      %jit3A_1287 = arith.constant 1.000000e+00 : f32
      %jit3A_1288 = arith.constant 0.000000e+00 : f32
      %broadcast_in_dim3A_1289 = vector.broadcast %jit3A_1287 : f32 to vector<8x128xf32>
      %broadcast_in_dim3A_1290 = vector.broadcast %jit3A_1288 : f32 to vector<8x128xf32>
      %select_n3A_1291 = arith.select %ge3A_1286, %broadcast_in_dim3A_1289, %broadcast_in_dim3A_1290 : vector<8x128xi1>, vector<8x128xf32>
      %add3A_1292 = arith.addf %add3A_1115, %select_n3A_1291 : vector<8x128xf32>
      %mul3A_1293 = arith.constant 16 : i32
      %mul3A_1294 = arith.muli %scan3A_219, %mul3A_1293 : i32
      %add3A_1295 = arith.constant 6 : i32
      %add3A_1296 = arith.addi %mul3A_1294, %add3A_1295 : i32
      %mul3A_1297 = arith.constant 8 : i32
      %mul3A_1298 = arith.muli %add3A_1296, %mul3A_1297 : i32
      %get3A_1299 = arith.index_cast %mul3A_1298 : i32 to index
      %get3A_1300 = arith.constant 0 : index
      %get3A_1301 = vector.load %arg1[%get3A_1299, %get3A_1300] : memref<4096x128xf32, #tpu.memory_space<vmem>>, vector<8x128xf32>
      %get3A_1302 = arith.index_cast %mul3A_1298 : i32 to index
      %get3A_1303 = arith.constant 0 : index
      %get3A_1304 = vector.load %arg2[%get3A_1302, %get3A_1303] : memref<4096x128xf32, #tpu.memory_space<vmem>>, vector<8x128xf32>
      %sub3A_1305 = arith.subf %get3A_1301, %get3A_1304 : vector<8x128xf32>
      %abs3A_1306 = math.absf %sub3A_1305 : vector<8x128xf32>
      %lt3A_1307 = arith.constant 2.000000e-02 : f32
      %lt3A_1308 = vector.broadcast %lt3A_1307 : f32 to vector<8x128xf32>
      %lt3A_1309 = arith.cmpf olt, %abs3A_1306, %lt3A_1308 : vector<8x128xf32>
      %mul3A_1310 = arith.constant 2.500000e+01 : f32
      %mul3A_1311 = vector.broadcast %mul3A_1310 : f32 to vector<8x128xf32>
      %mul3A_1312 = arith.mulf %mul3A_1311, %abs3A_1306 : vector<8x128xf32>
      %mul3A_1313 = arith.mulf %mul3A_1312, %abs3A_1306 : vector<8x128xf32>
      %sub3A_1314 = arith.constant 0.00999999977 : f32
      %sub3A_1315 = vector.broadcast %sub3A_1314 : f32 to vector<8x128xf32>
      %sub3A_1316 = arith.subf %abs3A_1306, %sub3A_1315 : vector<8x128xf32>
      %select_n3A_1317 = arith.select %lt3A_1309, %mul3A_1313, %sub3A_1316 : vector<8x128xi1>, vector<8x128xf32>
      %tanh3A_1318 = math.tanh %get3A_1301 : vector<8x128xf32>
      %tanh3A_1319 = math.tanh %get3A_1304 : vector<8x128xf32>
      %sub3A_1320 = arith.subf %tanh3A_1318, %tanh3A_1319 : vector<8x128xf32>
      %abs3A_1321 = math.absf %sub3A_1320 : vector<8x128xf32>
      %mul3A_1322 = arith.constant 1.000000e+01 : f32
      %mul3A_1323 = vector.broadcast %mul3A_1322 : f32 to vector<8x128xf32>
      %mul3A_1324 = arith.mulf %abs3A_1321, %mul3A_1323 : vector<8x128xf32>
      %lt3A_1325 = arith.constant 0.000000e+00 : f32
      %lt3A_1326 = vector.broadcast %lt3A_1325 : f32 to vector<8x128xf32>
      %lt3A_1327 = arith.cmpf olt, %mul3A_1324, %lt3A_1326 : vector<8x128xf32>
      %ceil3A_1328 = math.ceil %mul3A_1324 : vector<8x128xf32>
      %floor3A_1329 = math.floor %mul3A_1324 : vector<8x128xf32>
      %select_n3A_1330 = arith.select %lt3A_1327, %ceil3A_1328, %floor3A_1329 : vector<8x128xi1>, vector<8x128xf32>
      %eq3A_1331 = arith.constant 0.000000e+00 : f32
      %eq3A_1332 = vector.broadcast %eq3A_1331 : f32 to vector<8x128xf32>
      %eq3A_1333 = arith.cmpf oeq, %select_n3A_1330, %eq3A_1332 : vector<8x128xf32>
      %jit3A_1334 = arith.constant 1.000000e+00 : f32
      %jit3A_1335 = arith.constant 0.000000e+00 : f32
      %broadcast_in_dim3A_1336 = vector.broadcast %jit3A_1334 : f32 to vector<8x128xf32>
      %broadcast_in_dim3A_1337 = vector.broadcast %jit3A_1335 : f32 to vector<8x128xf32>
      %select_n3A_1338 = arith.select %eq3A_1333, %broadcast_in_dim3A_1336, %broadcast_in_dim3A_1337 : vector<8x128xi1>, vector<8x128xf32>
      %add3A_1339 = arith.addf %add3A_1162, %select_n3A_1338 : vector<8x128xf32>
      %jit3A_1340 = arith.constant 0.000000e+00 : f32
      %broadcast_in_dim3A_1341 = vector.broadcast %jit3A_1340 : f32 to vector<8x128xf32>
      %select_n3A_1342 = arith.select %eq3A_1333, %select_n3A_1317, %broadcast_in_dim3A_1341 : vector<8x128xi1>, vector<8x128xf32>
      %add3A_1343 = arith.addf %add3A_1166, %select_n3A_1342 : vector<8x128xf32>
      %eq3A_1344 = arith.constant 1.000000e+00 : f32
      %eq3A_1345 = vector.broadcast %eq3A_1344 : f32 to vector<8x128xf32>
      %eq3A_1346 = arith.cmpf oeq, %select_n3A_1330, %eq3A_1345 : vector<8x128xf32>
      %jit3A_1347 = arith.constant 1.000000e+00 : f32
      %jit3A_1348 = arith.constant 0.000000e+00 : f32
      %broadcast_in_dim3A_1349 = vector.broadcast %jit3A_1347 : f32 to vector<8x128xf32>
      %broadcast_in_dim3A_1350 = vector.broadcast %jit3A_1348 : f32 to vector<8x128xf32>
      %select_n3A_1351 = arith.select %eq3A_1346, %broadcast_in_dim3A_1349, %broadcast_in_dim3A_1350 : vector<8x128xi1>, vector<8x128xf32>
      %add3A_1352 = arith.addf %add3A_1175, %select_n3A_1351 : vector<8x128xf32>
      %jit3A_1353 = arith.constant 0.000000e+00 : f32
      %broadcast_in_dim3A_1354 = vector.broadcast %jit3A_1353 : f32 to vector<8x128xf32>
      %select_n3A_1355 = arith.select %eq3A_1346, %select_n3A_1317, %broadcast_in_dim3A_1354 : vector<8x128xi1>, vector<8x128xf32>
      %add3A_1356 = arith.addf %add3A_1179, %select_n3A_1355 : vector<8x128xf32>
      %eq3A_1357 = arith.constant 2.000000e+00 : f32
      %eq3A_1358 = vector.broadcast %eq3A_1357 : f32 to vector<8x128xf32>
      %eq3A_1359 = arith.cmpf oeq, %select_n3A_1330, %eq3A_1358 : vector<8x128xf32>
      %jit3A_1360 = arith.constant 1.000000e+00 : f32
      %jit3A_1361 = arith.constant 0.000000e+00 : f32
      %broadcast_in_dim3A_1362 = vector.broadcast %jit3A_1360 : f32 to vector<8x128xf32>
      %broadcast_in_dim3A_1363 = vector.broadcast %jit3A_1361 : f32 to vector<8x128xf32>
      %select_n3A_1364 = arith.select %eq3A_1359, %broadcast_in_dim3A_1362, %broadcast_in_dim3A_1363 : vector<8x128xi1>, vector<8x128xf32>
      %add3A_1365 = arith.addf %add3A_1188, %select_n3A_1364 : vector<8x128xf32>
      %jit3A_1366 = arith.constant 0.000000e+00 : f32
      %broadcast_in_dim3A_1367 = vector.broadcast %jit3A_1366 : f32 to vector<8x128xf32>
      %select_n3A_1368 = arith.select %eq3A_1359, %select_n3A_1317, %broadcast_in_dim3A_1367 : vector<8x128xi1>, vector<8x128xf32>
      %add3A_1369 = arith.addf %add3A_1192, %select_n3A_1368 : vector<8x128xf32>
      %eq3A_1370 = arith.constant 3.000000e+00 : f32
      %eq3A_1371 = vector.broadcast %eq3A_1370 : f32 to vector<8x128xf32>
      %eq3A_1372 = arith.cmpf oeq, %select_n3A_1330, %eq3A_1371 : vector<8x128xf32>
      %jit3A_1373 = arith.constant 1.000000e+00 : f32
      %jit3A_1374 = arith.constant 0.000000e+00 : f32
      %broadcast_in_dim3A_1375 = vector.broadcast %jit3A_1373 : f32 to vector<8x128xf32>
      %broadcast_in_dim3A_1376 = vector.broadcast %jit3A_1374 : f32 to vector<8x128xf32>
      %select_n3A_1377 = arith.select %eq3A_1372, %broadcast_in_dim3A_1375, %broadcast_in_dim3A_1376 : vector<8x128xi1>, vector<8x128xf32>
      %add3A_1378 = arith.addf %add3A_1201, %select_n3A_1377 : vector<8x128xf32>
      %jit3A_1379 = arith.constant 0.000000e+00 : f32
      %broadcast_in_dim3A_1380 = vector.broadcast %jit3A_1379 : f32 to vector<8x128xf32>
      %select_n3A_1381 = arith.select %eq3A_1372, %select_n3A_1317, %broadcast_in_dim3A_1380 : vector<8x128xi1>, vector<8x128xf32>
      %add3A_1382 = arith.addf %add3A_1205, %select_n3A_1381 : vector<8x128xf32>
      %eq3A_1383 = arith.constant 4.000000e+00 : f32
      %eq3A_1384 = vector.broadcast %eq3A_1383 : f32 to vector<8x128xf32>
      %eq3A_1385 = arith.cmpf oeq, %select_n3A_1330, %eq3A_1384 : vector<8x128xf32>
      %jit3A_1386 = arith.constant 1.000000e+00 : f32
      %jit3A_1387 = arith.constant 0.000000e+00 : f32
      %broadcast_in_dim3A_1388 = vector.broadcast %jit3A_1386 : f32 to vector<8x128xf32>
      %broadcast_in_dim3A_1389 = vector.broadcast %jit3A_1387 : f32 to vector<8x128xf32>
      %select_n3A_1390 = arith.select %eq3A_1385, %broadcast_in_dim3A_1388, %broadcast_in_dim3A_1389 : vector<8x128xi1>, vector<8x128xf32>
      %add3A_1391 = arith.addf %add3A_1214, %select_n3A_1390 : vector<8x128xf32>
      %jit3A_1392 = arith.constant 0.000000e+00 : f32
      %broadcast_in_dim3A_1393 = vector.broadcast %jit3A_1392 : f32 to vector<8x128xf32>
      %select_n3A_1394 = arith.select %eq3A_1385, %select_n3A_1317, %broadcast_in_dim3A_1393 : vector<8x128xi1>, vector<8x128xf32>
      %add3A_1395 = arith.addf %add3A_1218, %select_n3A_1394 : vector<8x128xf32>
      %eq3A_1396 = arith.constant 5.000000e+00 : f32
      %eq3A_1397 = vector.broadcast %eq3A_1396 : f32 to vector<8x128xf32>
      %eq3A_1398 = arith.cmpf oeq, %select_n3A_1330, %eq3A_1397 : vector<8x128xf32>
      %jit3A_1399 = arith.constant 1.000000e+00 : f32
      %jit3A_1400 = arith.constant 0.000000e+00 : f32
      %broadcast_in_dim3A_1401 = vector.broadcast %jit3A_1399 : f32 to vector<8x128xf32>
      %broadcast_in_dim3A_1402 = vector.broadcast %jit3A_1400 : f32 to vector<8x128xf32>
      %select_n3A_1403 = arith.select %eq3A_1398, %broadcast_in_dim3A_1401, %broadcast_in_dim3A_1402 : vector<8x128xi1>, vector<8x128xf32>
      %add3A_1404 = arith.addf %add3A_1227, %select_n3A_1403 : vector<8x128xf32>
      %jit3A_1405 = arith.constant 0.000000e+00 : f32
      %broadcast_in_dim3A_1406 = vector.broadcast %jit3A_1405 : f32 to vector<8x128xf32>
      %select_n3A_1407 = arith.select %eq3A_1398, %select_n3A_1317, %broadcast_in_dim3A_1406 : vector<8x128xi1>, vector<8x128xf32>
      %add3A_1408 = arith.addf %add3A_1231, %select_n3A_1407 : vector<8x128xf32>
      %eq3A_1409 = arith.constant 6.000000e+00 : f32
      %eq3A_1410 = vector.broadcast %eq3A_1409 : f32 to vector<8x128xf32>
      %eq3A_1411 = arith.cmpf oeq, %select_n3A_1330, %eq3A_1410 : vector<8x128xf32>
      %jit3A_1412 = arith.constant 1.000000e+00 : f32
      %jit3A_1413 = arith.constant 0.000000e+00 : f32
      %broadcast_in_dim3A_1414 = vector.broadcast %jit3A_1412 : f32 to vector<8x128xf32>
      %broadcast_in_dim3A_1415 = vector.broadcast %jit3A_1413 : f32 to vector<8x128xf32>
      %select_n3A_1416 = arith.select %eq3A_1411, %broadcast_in_dim3A_1414, %broadcast_in_dim3A_1415 : vector<8x128xi1>, vector<8x128xf32>
      %add3A_1417 = arith.addf %add3A_1240, %select_n3A_1416 : vector<8x128xf32>
      %jit3A_1418 = arith.constant 0.000000e+00 : f32
      %broadcast_in_dim3A_1419 = vector.broadcast %jit3A_1418 : f32 to vector<8x128xf32>
      %select_n3A_1420 = arith.select %eq3A_1411, %select_n3A_1317, %broadcast_in_dim3A_1419 : vector<8x128xi1>, vector<8x128xf32>
      %add3A_1421 = arith.addf %add3A_1244, %select_n3A_1420 : vector<8x128xf32>
      %eq3A_1422 = arith.constant 7.000000e+00 : f32
      %eq3A_1423 = vector.broadcast %eq3A_1422 : f32 to vector<8x128xf32>
      %eq3A_1424 = arith.cmpf oeq, %select_n3A_1330, %eq3A_1423 : vector<8x128xf32>
      %jit3A_1425 = arith.constant 1.000000e+00 : f32
      %jit3A_1426 = arith.constant 0.000000e+00 : f32
      %broadcast_in_dim3A_1427 = vector.broadcast %jit3A_1425 : f32 to vector<8x128xf32>
      %broadcast_in_dim3A_1428 = vector.broadcast %jit3A_1426 : f32 to vector<8x128xf32>
      %select_n3A_1429 = arith.select %eq3A_1424, %broadcast_in_dim3A_1427, %broadcast_in_dim3A_1428 : vector<8x128xi1>, vector<8x128xf32>
      %add3A_1430 = arith.addf %add3A_1253, %select_n3A_1429 : vector<8x128xf32>
      %jit3A_1431 = arith.constant 0.000000e+00 : f32
      %broadcast_in_dim3A_1432 = vector.broadcast %jit3A_1431 : f32 to vector<8x128xf32>
      %select_n3A_1433 = arith.select %eq3A_1424, %select_n3A_1317, %broadcast_in_dim3A_1432 : vector<8x128xi1>, vector<8x128xf32>
      %add3A_1434 = arith.addf %add3A_1257, %select_n3A_1433 : vector<8x128xf32>
      %eq3A_1435 = arith.constant 8.000000e+00 : f32
      %eq3A_1436 = vector.broadcast %eq3A_1435 : f32 to vector<8x128xf32>
      %eq3A_1437 = arith.cmpf oeq, %select_n3A_1330, %eq3A_1436 : vector<8x128xf32>
      %jit3A_1438 = arith.constant 1.000000e+00 : f32
      %jit3A_1439 = arith.constant 0.000000e+00 : f32
      %broadcast_in_dim3A_1440 = vector.broadcast %jit3A_1438 : f32 to vector<8x128xf32>
      %broadcast_in_dim3A_1441 = vector.broadcast %jit3A_1439 : f32 to vector<8x128xf32>
      %select_n3A_1442 = arith.select %eq3A_1437, %broadcast_in_dim3A_1440, %broadcast_in_dim3A_1441 : vector<8x128xi1>, vector<8x128xf32>
      %add3A_1443 = arith.addf %add3A_1266, %select_n3A_1442 : vector<8x128xf32>
      %jit3A_1444 = arith.constant 0.000000e+00 : f32
      %broadcast_in_dim3A_1445 = vector.broadcast %jit3A_1444 : f32 to vector<8x128xf32>
      %select_n3A_1446 = arith.select %eq3A_1437, %select_n3A_1317, %broadcast_in_dim3A_1445 : vector<8x128xi1>, vector<8x128xf32>
      %add3A_1447 = arith.addf %add3A_1270, %select_n3A_1446 : vector<8x128xf32>
      %ge3A_1448 = arith.constant 9.000000e+00 : f32
      %ge3A_1449 = vector.broadcast %ge3A_1448 : f32 to vector<8x128xf32>
      %ge3A_1450 = arith.cmpf oge, %select_n3A_1330, %ge3A_1449 : vector<8x128xf32>
      %jit3A_1451 = arith.constant 1.000000e+00 : f32
      %jit3A_1452 = arith.constant 0.000000e+00 : f32
      %broadcast_in_dim3A_1453 = vector.broadcast %jit3A_1451 : f32 to vector<8x128xf32>
      %broadcast_in_dim3A_1454 = vector.broadcast %jit3A_1452 : f32 to vector<8x128xf32>
      %select_n3A_1455 = arith.select %ge3A_1450, %broadcast_in_dim3A_1453, %broadcast_in_dim3A_1454 : vector<8x128xi1>, vector<8x128xf32>
      %add3A_1456 = arith.addf %add3A_1279, %select_n3A_1455 : vector<8x128xf32>
      %jit3A_1457 = arith.constant 0.000000e+00 : f32
      %broadcast_in_dim3A_1458 = vector.broadcast %jit3A_1457 : f32 to vector<8x128xf32>
      %select_n3A_1459 = arith.select %ge3A_1450, %select_n3A_1317, %broadcast_in_dim3A_1458 : vector<8x128xi1>, vector<8x128xf32>
      %add3A_1460 = arith.addf %add3A_1283, %select_n3A_1459 : vector<8x128xf32>
      %ge3A_1461 = arith.constant 1.000000e+01 : f32
      %ge3A_1462 = vector.broadcast %ge3A_1461 : f32 to vector<8x128xf32>
      %ge3A_1463 = arith.cmpf oge, %select_n3A_1330, %ge3A_1462 : vector<8x128xf32>
      %jit3A_1464 = arith.constant 1.000000e+00 : f32
      %jit3A_1465 = arith.constant 0.000000e+00 : f32
      %broadcast_in_dim3A_1466 = vector.broadcast %jit3A_1464 : f32 to vector<8x128xf32>
      %broadcast_in_dim3A_1467 = vector.broadcast %jit3A_1465 : f32 to vector<8x128xf32>
      %select_n3A_1468 = arith.select %ge3A_1463, %broadcast_in_dim3A_1466, %broadcast_in_dim3A_1467 : vector<8x128xi1>, vector<8x128xf32>
      %add3A_1469 = arith.addf %add3A_1292, %select_n3A_1468 : vector<8x128xf32>
      %mul3A_1470 = arith.constant 16 : i32
      %mul3A_1471 = arith.muli %scan3A_219, %mul3A_1470 : i32
      %add3A_1472 = arith.constant 7 : i32
      %add3A_1473 = arith.addi %mul3A_1471, %add3A_1472 : i32
      %mul3A_1474 = arith.constant 8 : i32
      %mul3A_1475 = arith.muli %add3A_1473, %mul3A_1474 : i32
      %get3A_1476 = arith.index_cast %mul3A_1475 : i32 to index
      %get3A_1477 = arith.constant 0 : index
      %get3A_1478 = vector.load %arg1[%get3A_1476, %get3A_1477] : memref<4096x128xf32, #tpu.memory_space<vmem>>, vector<8x128xf32>
      %get3A_1479 = arith.index_cast %mul3A_1475 : i32 to index
      %get3A_1480 = arith.constant 0 : index
      %get3A_1481 = vector.load %arg2[%get3A_1479, %get3A_1480] : memref<4096x128xf32, #tpu.memory_space<vmem>>, vector<8x128xf32>
      %sub3A_1482 = arith.subf %get3A_1478, %get3A_1481 : vector<8x128xf32>
      %abs3A_1483 = math.absf %sub3A_1482 : vector<8x128xf32>
      %lt3A_1484 = arith.constant 2.000000e-02 : f32
      %lt3A_1485 = vector.broadcast %lt3A_1484 : f32 to vector<8x128xf32>
      %lt3A_1486 = arith.cmpf olt, %abs3A_1483, %lt3A_1485 : vector<8x128xf32>
      %mul3A_1487 = arith.constant 2.500000e+01 : f32
      %mul3A_1488 = vector.broadcast %mul3A_1487 : f32 to vector<8x128xf32>
      %mul3A_1489 = arith.mulf %mul3A_1488, %abs3A_1483 : vector<8x128xf32>
      %mul3A_1490 = arith.mulf %mul3A_1489, %abs3A_1483 : vector<8x128xf32>
      %sub3A_1491 = arith.constant 0.00999999977 : f32
      %sub3A_1492 = vector.broadcast %sub3A_1491 : f32 to vector<8x128xf32>
      %sub3A_1493 = arith.subf %abs3A_1483, %sub3A_1492 : vector<8x128xf32>
      %select_n3A_1494 = arith.select %lt3A_1486, %mul3A_1490, %sub3A_1493 : vector<8x128xi1>, vector<8x128xf32>
      %tanh3A_1495 = math.tanh %get3A_1478 : vector<8x128xf32>
      %tanh3A_1496 = math.tanh %get3A_1481 : vector<8x128xf32>
      %sub3A_1497 = arith.subf %tanh3A_1495, %tanh3A_1496 : vector<8x128xf32>
      %abs3A_1498 = math.absf %sub3A_1497 : vector<8x128xf32>
      %mul3A_1499 = arith.constant 1.000000e+01 : f32
      %mul3A_1500 = vector.broadcast %mul3A_1499 : f32 to vector<8x128xf32>
      %mul3A_1501 = arith.mulf %abs3A_1498, %mul3A_1500 : vector<8x128xf32>
      %lt3A_1502 = arith.constant 0.000000e+00 : f32
      %lt3A_1503 = vector.broadcast %lt3A_1502 : f32 to vector<8x128xf32>
      %lt3A_1504 = arith.cmpf olt, %mul3A_1501, %lt3A_1503 : vector<8x128xf32>
      %ceil3A_1505 = math.ceil %mul3A_1501 : vector<8x128xf32>
      %floor3A_1506 = math.floor %mul3A_1501 : vector<8x128xf32>
      %select_n3A_1507 = arith.select %lt3A_1504, %ceil3A_1505, %floor3A_1506 : vector<8x128xi1>, vector<8x128xf32>
      %eq3A_1508 = arith.constant 0.000000e+00 : f32
      %eq3A_1509 = vector.broadcast %eq3A_1508 : f32 to vector<8x128xf32>
      %eq3A_1510 = arith.cmpf oeq, %select_n3A_1507, %eq3A_1509 : vector<8x128xf32>
      %jit3A_1511 = arith.constant 1.000000e+00 : f32
      %jit3A_1512 = arith.constant 0.000000e+00 : f32
      %broadcast_in_dim3A_1513 = vector.broadcast %jit3A_1511 : f32 to vector<8x128xf32>
      %broadcast_in_dim3A_1514 = vector.broadcast %jit3A_1512 : f32 to vector<8x128xf32>
      %select_n3A_1515 = arith.select %eq3A_1510, %broadcast_in_dim3A_1513, %broadcast_in_dim3A_1514 : vector<8x128xi1>, vector<8x128xf32>
      %add3A_1516 = arith.addf %add3A_1339, %select_n3A_1515 : vector<8x128xf32>
      %jit3A_1517 = arith.constant 0.000000e+00 : f32
      %broadcast_in_dim3A_1518 = vector.broadcast %jit3A_1517 : f32 to vector<8x128xf32>
      %select_n3A_1519 = arith.select %eq3A_1510, %select_n3A_1494, %broadcast_in_dim3A_1518 : vector<8x128xi1>, vector<8x128xf32>
      %add3A_1520 = arith.addf %add3A_1343, %select_n3A_1519 : vector<8x128xf32>
      %eq3A_1521 = arith.constant 1.000000e+00 : f32
      %eq3A_1522 = vector.broadcast %eq3A_1521 : f32 to vector<8x128xf32>
      %eq3A_1523 = arith.cmpf oeq, %select_n3A_1507, %eq3A_1522 : vector<8x128xf32>
      %jit3A_1524 = arith.constant 1.000000e+00 : f32
      %jit3A_1525 = arith.constant 0.000000e+00 : f32
      %broadcast_in_dim3A_1526 = vector.broadcast %jit3A_1524 : f32 to vector<8x128xf32>
      %broadcast_in_dim3A_1527 = vector.broadcast %jit3A_1525 : f32 to vector<8x128xf32>
      %select_n3A_1528 = arith.select %eq3A_1523, %broadcast_in_dim3A_1526, %broadcast_in_dim3A_1527 : vector<8x128xi1>, vector<8x128xf32>
      %add3A_1529 = arith.addf %add3A_1352, %select_n3A_1528 : vector<8x128xf32>
      %jit3A_1530 = arith.constant 0.000000e+00 : f32
      %broadcast_in_dim3A_1531 = vector.broadcast %jit3A_1530 : f32 to vector<8x128xf32>
      %select_n3A_1532 = arith.select %eq3A_1523, %select_n3A_1494, %broadcast_in_dim3A_1531 : vector<8x128xi1>, vector<8x128xf32>
      %add3A_1533 = arith.addf %add3A_1356, %select_n3A_1532 : vector<8x128xf32>
      %eq3A_1534 = arith.constant 2.000000e+00 : f32
      %eq3A_1535 = vector.broadcast %eq3A_1534 : f32 to vector<8x128xf32>
      %eq3A_1536 = arith.cmpf oeq, %select_n3A_1507, %eq3A_1535 : vector<8x128xf32>
      %jit3A_1537 = arith.constant 1.000000e+00 : f32
      %jit3A_1538 = arith.constant 0.000000e+00 : f32
      %broadcast_in_dim3A_1539 = vector.broadcast %jit3A_1537 : f32 to vector<8x128xf32>
      %broadcast_in_dim3A_1540 = vector.broadcast %jit3A_1538 : f32 to vector<8x128xf32>
      %select_n3A_1541 = arith.select %eq3A_1536, %broadcast_in_dim3A_1539, %broadcast_in_dim3A_1540 : vector<8x128xi1>, vector<8x128xf32>
      %add3A_1542 = arith.addf %add3A_1365, %select_n3A_1541 : vector<8x128xf32>
      %jit3A_1543 = arith.constant 0.000000e+00 : f32
      %broadcast_in_dim3A_1544 = vector.broadcast %jit3A_1543 : f32 to vector<8x128xf32>
      %select_n3A_1545 = arith.select %eq3A_1536, %select_n3A_1494, %broadcast_in_dim3A_1544 : vector<8x128xi1>, vector<8x128xf32>
      %add3A_1546 = arith.addf %add3A_1369, %select_n3A_1545 : vector<8x128xf32>
      %eq3A_1547 = arith.constant 3.000000e+00 : f32
      %eq3A_1548 = vector.broadcast %eq3A_1547 : f32 to vector<8x128xf32>
      %eq3A_1549 = arith.cmpf oeq, %select_n3A_1507, %eq3A_1548 : vector<8x128xf32>
      %jit3A_1550 = arith.constant 1.000000e+00 : f32
      %jit3A_1551 = arith.constant 0.000000e+00 : f32
      %broadcast_in_dim3A_1552 = vector.broadcast %jit3A_1550 : f32 to vector<8x128xf32>
      %broadcast_in_dim3A_1553 = vector.broadcast %jit3A_1551 : f32 to vector<8x128xf32>
      %select_n3A_1554 = arith.select %eq3A_1549, %broadcast_in_dim3A_1552, %broadcast_in_dim3A_1553 : vector<8x128xi1>, vector<8x128xf32>
      %add3A_1555 = arith.addf %add3A_1378, %select_n3A_1554 : vector<8x128xf32>
      %jit3A_1556 = arith.constant 0.000000e+00 : f32
      %broadcast_in_dim3A_1557 = vector.broadcast %jit3A_1556 : f32 to vector<8x128xf32>
      %select_n3A_1558 = arith.select %eq3A_1549, %select_n3A_1494, %broadcast_in_dim3A_1557 : vector<8x128xi1>, vector<8x128xf32>
      %add3A_1559 = arith.addf %add3A_1382, %select_n3A_1558 : vector<8x128xf32>
      %eq3A_1560 = arith.constant 4.000000e+00 : f32
      %eq3A_1561 = vector.broadcast %eq3A_1560 : f32 to vector<8x128xf32>
      %eq3A_1562 = arith.cmpf oeq, %select_n3A_1507, %eq3A_1561 : vector<8x128xf32>
      %jit3A_1563 = arith.constant 1.000000e+00 : f32
      %jit3A_1564 = arith.constant 0.000000e+00 : f32
      %broadcast_in_dim3A_1565 = vector.broadcast %jit3A_1563 : f32 to vector<8x128xf32>
      %broadcast_in_dim3A_1566 = vector.broadcast %jit3A_1564 : f32 to vector<8x128xf32>
      %select_n3A_1567 = arith.select %eq3A_1562, %broadcast_in_dim3A_1565, %broadcast_in_dim3A_1566 : vector<8x128xi1>, vector<8x128xf32>
      %add3A_1568 = arith.addf %add3A_1391, %select_n3A_1567 : vector<8x128xf32>
      %jit3A_1569 = arith.constant 0.000000e+00 : f32
      %broadcast_in_dim3A_1570 = vector.broadcast %jit3A_1569 : f32 to vector<8x128xf32>
      %select_n3A_1571 = arith.select %eq3A_1562, %select_n3A_1494, %broadcast_in_dim3A_1570 : vector<8x128xi1>, vector<8x128xf32>
      %add3A_1572 = arith.addf %add3A_1395, %select_n3A_1571 : vector<8x128xf32>
      %eq3A_1573 = arith.constant 5.000000e+00 : f32
      %eq3A_1574 = vector.broadcast %eq3A_1573 : f32 to vector<8x128xf32>
      %eq3A_1575 = arith.cmpf oeq, %select_n3A_1507, %eq3A_1574 : vector<8x128xf32>
      %jit3A_1576 = arith.constant 1.000000e+00 : f32
      %jit3A_1577 = arith.constant 0.000000e+00 : f32
      %broadcast_in_dim3A_1578 = vector.broadcast %jit3A_1576 : f32 to vector<8x128xf32>
      %broadcast_in_dim3A_1579 = vector.broadcast %jit3A_1577 : f32 to vector<8x128xf32>
      %select_n3A_1580 = arith.select %eq3A_1575, %broadcast_in_dim3A_1578, %broadcast_in_dim3A_1579 : vector<8x128xi1>, vector<8x128xf32>
      %add3A_1581 = arith.addf %add3A_1404, %select_n3A_1580 : vector<8x128xf32>
      %jit3A_1582 = arith.constant 0.000000e+00 : f32
      %broadcast_in_dim3A_1583 = vector.broadcast %jit3A_1582 : f32 to vector<8x128xf32>
      %select_n3A_1584 = arith.select %eq3A_1575, %select_n3A_1494, %broadcast_in_dim3A_1583 : vector<8x128xi1>, vector<8x128xf32>
      %add3A_1585 = arith.addf %add3A_1408, %select_n3A_1584 : vector<8x128xf32>
      %eq3A_1586 = arith.constant 6.000000e+00 : f32
      %eq3A_1587 = vector.broadcast %eq3A_1586 : f32 to vector<8x128xf32>
      %eq3A_1588 = arith.cmpf oeq, %select_n3A_1507, %eq3A_1587 : vector<8x128xf32>
      %jit3A_1589 = arith.constant 1.000000e+00 : f32
      %jit3A_1590 = arith.constant 0.000000e+00 : f32
      %broadcast_in_dim3A_1591 = vector.broadcast %jit3A_1589 : f32 to vector<8x128xf32>
      %broadcast_in_dim3A_1592 = vector.broadcast %jit3A_1590 : f32 to vector<8x128xf32>
      %select_n3A_1593 = arith.select %eq3A_1588, %broadcast_in_dim3A_1591, %broadcast_in_dim3A_1592 : vector<8x128xi1>, vector<8x128xf32>
      %add3A_1594 = arith.addf %add3A_1417, %select_n3A_1593 : vector<8x128xf32>
      %jit3A_1595 = arith.constant 0.000000e+00 : f32
      %broadcast_in_dim3A_1596 = vector.broadcast %jit3A_1595 : f32 to vector<8x128xf32>
      %select_n3A_1597 = arith.select %eq3A_1588, %select_n3A_1494, %broadcast_in_dim3A_1596 : vector<8x128xi1>, vector<8x128xf32>
      %add3A_1598 = arith.addf %add3A_1421, %select_n3A_1597 : vector<8x128xf32>
      %eq3A_1599 = arith.constant 7.000000e+00 : f32
      %eq3A_1600 = vector.broadcast %eq3A_1599 : f32 to vector<8x128xf32>
      %eq3A_1601 = arith.cmpf oeq, %select_n3A_1507, %eq3A_1600 : vector<8x128xf32>
      %jit3A_1602 = arith.constant 1.000000e+00 : f32
      %jit3A_1603 = arith.constant 0.000000e+00 : f32
      %broadcast_in_dim3A_1604 = vector.broadcast %jit3A_1602 : f32 to vector<8x128xf32>
      %broadcast_in_dim3A_1605 = vector.broadcast %jit3A_1603 : f32 to vector<8x128xf32>
      %select_n3A_1606 = arith.select %eq3A_1601, %broadcast_in_dim3A_1604, %broadcast_in_dim3A_1605 : vector<8x128xi1>, vector<8x128xf32>
      %add3A_1607 = arith.addf %add3A_1430, %select_n3A_1606 : vector<8x128xf32>
      %jit3A_1608 = arith.constant 0.000000e+00 : f32
      %broadcast_in_dim3A_1609 = vector.broadcast %jit3A_1608 : f32 to vector<8x128xf32>
      %select_n3A_1610 = arith.select %eq3A_1601, %select_n3A_1494, %broadcast_in_dim3A_1609 : vector<8x128xi1>, vector<8x128xf32>
      %add3A_1611 = arith.addf %add3A_1434, %select_n3A_1610 : vector<8x128xf32>
      %eq3A_1612 = arith.constant 8.000000e+00 : f32
      %eq3A_1613 = vector.broadcast %eq3A_1612 : f32 to vector<8x128xf32>
      %eq3A_1614 = arith.cmpf oeq, %select_n3A_1507, %eq3A_1613 : vector<8x128xf32>
      %jit3A_1615 = arith.constant 1.000000e+00 : f32
      %jit3A_1616 = arith.constant 0.000000e+00 : f32
      %broadcast_in_dim3A_1617 = vector.broadcast %jit3A_1615 : f32 to vector<8x128xf32>
      %broadcast_in_dim3A_1618 = vector.broadcast %jit3A_1616 : f32 to vector<8x128xf32>
      %select_n3A_1619 = arith.select %eq3A_1614, %broadcast_in_dim3A_1617, %broadcast_in_dim3A_1618 : vector<8x128xi1>, vector<8x128xf32>
      %add3A_1620 = arith.addf %add3A_1443, %select_n3A_1619 : vector<8x128xf32>
      %jit3A_1621 = arith.constant 0.000000e+00 : f32
      %broadcast_in_dim3A_1622 = vector.broadcast %jit3A_1621 : f32 to vector<8x128xf32>
      %select_n3A_1623 = arith.select %eq3A_1614, %select_n3A_1494, %broadcast_in_dim3A_1622 : vector<8x128xi1>, vector<8x128xf32>
      %add3A_1624 = arith.addf %add3A_1447, %select_n3A_1623 : vector<8x128xf32>
      %ge3A_1625 = arith.constant 9.000000e+00 : f32
      %ge3A_1626 = vector.broadcast %ge3A_1625 : f32 to vector<8x128xf32>
      %ge3A_1627 = arith.cmpf oge, %select_n3A_1507, %ge3A_1626 : vector<8x128xf32>
      %jit3A_1628 = arith.constant 1.000000e+00 : f32
      %jit3A_1629 = arith.constant 0.000000e+00 : f32
      %broadcast_in_dim3A_1630 = vector.broadcast %jit3A_1628 : f32 to vector<8x128xf32>
      %broadcast_in_dim3A_1631 = vector.broadcast %jit3A_1629 : f32 to vector<8x128xf32>
      %select_n3A_1632 = arith.select %ge3A_1627, %broadcast_in_dim3A_1630, %broadcast_in_dim3A_1631 : vector<8x128xi1>, vector<8x128xf32>
      %add3A_1633 = arith.addf %add3A_1456, %select_n3A_1632 : vector<8x128xf32>
      %jit3A_1634 = arith.constant 0.000000e+00 : f32
      %broadcast_in_dim3A_1635 = vector.broadcast %jit3A_1634 : f32 to vector<8x128xf32>
      %select_n3A_1636 = arith.select %ge3A_1627, %select_n3A_1494, %broadcast_in_dim3A_1635 : vector<8x128xi1>, vector<8x128xf32>
      %add3A_1637 = arith.addf %add3A_1460, %select_n3A_1636 : vector<8x128xf32>
      %ge3A_1638 = arith.constant 1.000000e+01 : f32
      %ge3A_1639 = vector.broadcast %ge3A_1638 : f32 to vector<8x128xf32>
      %ge3A_1640 = arith.cmpf oge, %select_n3A_1507, %ge3A_1639 : vector<8x128xf32>
      %jit3A_1641 = arith.constant 1.000000e+00 : f32
      %jit3A_1642 = arith.constant 0.000000e+00 : f32
      %broadcast_in_dim3A_1643 = vector.broadcast %jit3A_1641 : f32 to vector<8x128xf32>
      %broadcast_in_dim3A_1644 = vector.broadcast %jit3A_1642 : f32 to vector<8x128xf32>
      %select_n3A_1645 = arith.select %ge3A_1640, %broadcast_in_dim3A_1643, %broadcast_in_dim3A_1644 : vector<8x128xi1>, vector<8x128xf32>
      %add3A_1646 = arith.addf %add3A_1469, %select_n3A_1645 : vector<8x128xf32>
      %mul3A_1647 = arith.constant 16 : i32
      %mul3A_1648 = arith.muli %scan3A_219, %mul3A_1647 : i32
      %add3A_1649 = arith.constant 8 : i32
      %add3A_1650 = arith.addi %mul3A_1648, %add3A_1649 : i32
      %mul3A_1651 = arith.constant 8 : i32
      %mul3A_1652 = arith.muli %add3A_1650, %mul3A_1651 : i32
      %get3A_1653 = arith.index_cast %mul3A_1652 : i32 to index
      %get3A_1654 = arith.constant 0 : index
      %get3A_1655 = vector.load %arg1[%get3A_1653, %get3A_1654] : memref<4096x128xf32, #tpu.memory_space<vmem>>, vector<8x128xf32>
      %get3A_1656 = arith.index_cast %mul3A_1652 : i32 to index
      %get3A_1657 = arith.constant 0 : index
      %get3A_1658 = vector.load %arg2[%get3A_1656, %get3A_1657] : memref<4096x128xf32, #tpu.memory_space<vmem>>, vector<8x128xf32>
      %sub3A_1659 = arith.subf %get3A_1655, %get3A_1658 : vector<8x128xf32>
      %abs3A_1660 = math.absf %sub3A_1659 : vector<8x128xf32>
      %lt3A_1661 = arith.constant 2.000000e-02 : f32
      %lt3A_1662 = vector.broadcast %lt3A_1661 : f32 to vector<8x128xf32>
      %lt3A_1663 = arith.cmpf olt, %abs3A_1660, %lt3A_1662 : vector<8x128xf32>
      %mul3A_1664 = arith.constant 2.500000e+01 : f32
      %mul3A_1665 = vector.broadcast %mul3A_1664 : f32 to vector<8x128xf32>
      %mul3A_1666 = arith.mulf %mul3A_1665, %abs3A_1660 : vector<8x128xf32>
      %mul3A_1667 = arith.mulf %mul3A_1666, %abs3A_1660 : vector<8x128xf32>
      %sub3A_1668 = arith.constant 0.00999999977 : f32
      %sub3A_1669 = vector.broadcast %sub3A_1668 : f32 to vector<8x128xf32>
      %sub3A_1670 = arith.subf %abs3A_1660, %sub3A_1669 : vector<8x128xf32>
      %select_n3A_1671 = arith.select %lt3A_1663, %mul3A_1667, %sub3A_1670 : vector<8x128xi1>, vector<8x128xf32>
      %tanh3A_1672 = math.tanh %get3A_1655 : vector<8x128xf32>
      %tanh3A_1673 = math.tanh %get3A_1658 : vector<8x128xf32>
      %sub3A_1674 = arith.subf %tanh3A_1672, %tanh3A_1673 : vector<8x128xf32>
      %abs3A_1675 = math.absf %sub3A_1674 : vector<8x128xf32>
      %mul3A_1676 = arith.constant 1.000000e+01 : f32
      %mul3A_1677 = vector.broadcast %mul3A_1676 : f32 to vector<8x128xf32>
      %mul3A_1678 = arith.mulf %abs3A_1675, %mul3A_1677 : vector<8x128xf32>
      %lt3A_1679 = arith.constant 0.000000e+00 : f32
      %lt3A_1680 = vector.broadcast %lt3A_1679 : f32 to vector<8x128xf32>
      %lt3A_1681 = arith.cmpf olt, %mul3A_1678, %lt3A_1680 : vector<8x128xf32>
      %ceil3A_1682 = math.ceil %mul3A_1678 : vector<8x128xf32>
      %floor3A_1683 = math.floor %mul3A_1678 : vector<8x128xf32>
      %select_n3A_1684 = arith.select %lt3A_1681, %ceil3A_1682, %floor3A_1683 : vector<8x128xi1>, vector<8x128xf32>
      %eq3A_1685 = arith.constant 0.000000e+00 : f32
      %eq3A_1686 = vector.broadcast %eq3A_1685 : f32 to vector<8x128xf32>
      %eq3A_1687 = arith.cmpf oeq, %select_n3A_1684, %eq3A_1686 : vector<8x128xf32>
      %jit3A_1688 = arith.constant 1.000000e+00 : f32
      %jit3A_1689 = arith.constant 0.000000e+00 : f32
      %broadcast_in_dim3A_1690 = vector.broadcast %jit3A_1688 : f32 to vector<8x128xf32>
      %broadcast_in_dim3A_1691 = vector.broadcast %jit3A_1689 : f32 to vector<8x128xf32>
      %select_n3A_1692 = arith.select %eq3A_1687, %broadcast_in_dim3A_1690, %broadcast_in_dim3A_1691 : vector<8x128xi1>, vector<8x128xf32>
      %add3A_1693 = arith.addf %add3A_1516, %select_n3A_1692 : vector<8x128xf32>
      %jit3A_1694 = arith.constant 0.000000e+00 : f32
      %broadcast_in_dim3A_1695 = vector.broadcast %jit3A_1694 : f32 to vector<8x128xf32>
      %select_n3A_1696 = arith.select %eq3A_1687, %select_n3A_1671, %broadcast_in_dim3A_1695 : vector<8x128xi1>, vector<8x128xf32>
      %add3A_1697 = arith.addf %add3A_1520, %select_n3A_1696 : vector<8x128xf32>
      %eq3A_1698 = arith.constant 1.000000e+00 : f32
      %eq3A_1699 = vector.broadcast %eq3A_1698 : f32 to vector<8x128xf32>
      %eq3A_1700 = arith.cmpf oeq, %select_n3A_1684, %eq3A_1699 : vector<8x128xf32>
      %jit3A_1701 = arith.constant 1.000000e+00 : f32
      %jit3A_1702 = arith.constant 0.000000e+00 : f32
      %broadcast_in_dim3A_1703 = vector.broadcast %jit3A_1701 : f32 to vector<8x128xf32>
      %broadcast_in_dim3A_1704 = vector.broadcast %jit3A_1702 : f32 to vector<8x128xf32>
      %select_n3A_1705 = arith.select %eq3A_1700, %broadcast_in_dim3A_1703, %broadcast_in_dim3A_1704 : vector<8x128xi1>, vector<8x128xf32>
      %add3A_1706 = arith.addf %add3A_1529, %select_n3A_1705 : vector<8x128xf32>
      %jit3A_1707 = arith.constant 0.000000e+00 : f32
      %broadcast_in_dim3A_1708 = vector.broadcast %jit3A_1707 : f32 to vector<8x128xf32>
      %select_n3A_1709 = arith.select %eq3A_1700, %select_n3A_1671, %broadcast_in_dim3A_1708 : vector<8x128xi1>, vector<8x128xf32>
      %add3A_1710 = arith.addf %add3A_1533, %select_n3A_1709 : vector<8x128xf32>
      %eq3A_1711 = arith.constant 2.000000e+00 : f32
      %eq3A_1712 = vector.broadcast %eq3A_1711 : f32 to vector<8x128xf32>
      %eq3A_1713 = arith.cmpf oeq, %select_n3A_1684, %eq3A_1712 : vector<8x128xf32>
      %jit3A_1714 = arith.constant 1.000000e+00 : f32
      %jit3A_1715 = arith.constant 0.000000e+00 : f32
      %broadcast_in_dim3A_1716 = vector.broadcast %jit3A_1714 : f32 to vector<8x128xf32>
      %broadcast_in_dim3A_1717 = vector.broadcast %jit3A_1715 : f32 to vector<8x128xf32>
      %select_n3A_1718 = arith.select %eq3A_1713, %broadcast_in_dim3A_1716, %broadcast_in_dim3A_1717 : vector<8x128xi1>, vector<8x128xf32>
      %add3A_1719 = arith.addf %add3A_1542, %select_n3A_1718 : vector<8x128xf32>
      %jit3A_1720 = arith.constant 0.000000e+00 : f32
      %broadcast_in_dim3A_1721 = vector.broadcast %jit3A_1720 : f32 to vector<8x128xf32>
      %select_n3A_1722 = arith.select %eq3A_1713, %select_n3A_1671, %broadcast_in_dim3A_1721 : vector<8x128xi1>, vector<8x128xf32>
      %add3A_1723 = arith.addf %add3A_1546, %select_n3A_1722 : vector<8x128xf32>
      %eq3A_1724 = arith.constant 3.000000e+00 : f32
      %eq3A_1725 = vector.broadcast %eq3A_1724 : f32 to vector<8x128xf32>
      %eq3A_1726 = arith.cmpf oeq, %select_n3A_1684, %eq3A_1725 : vector<8x128xf32>
      %jit3A_1727 = arith.constant 1.000000e+00 : f32
      %jit3A_1728 = arith.constant 0.000000e+00 : f32
      %broadcast_in_dim3A_1729 = vector.broadcast %jit3A_1727 : f32 to vector<8x128xf32>
      %broadcast_in_dim3A_1730 = vector.broadcast %jit3A_1728 : f32 to vector<8x128xf32>
      %select_n3A_1731 = arith.select %eq3A_1726, %broadcast_in_dim3A_1729, %broadcast_in_dim3A_1730 : vector<8x128xi1>, vector<8x128xf32>
      %add3A_1732 = arith.addf %add3A_1555, %select_n3A_1731 : vector<8x128xf32>
      %jit3A_1733 = arith.constant 0.000000e+00 : f32
      %broadcast_in_dim3A_1734 = vector.broadcast %jit3A_1733 : f32 to vector<8x128xf32>
      %select_n3A_1735 = arith.select %eq3A_1726, %select_n3A_1671, %broadcast_in_dim3A_1734 : vector<8x128xi1>, vector<8x128xf32>
      %add3A_1736 = arith.addf %add3A_1559, %select_n3A_1735 : vector<8x128xf32>
      %eq3A_1737 = arith.constant 4.000000e+00 : f32
      %eq3A_1738 = vector.broadcast %eq3A_1737 : f32 to vector<8x128xf32>
      %eq3A_1739 = arith.cmpf oeq, %select_n3A_1684, %eq3A_1738 : vector<8x128xf32>
      %jit3A_1740 = arith.constant 1.000000e+00 : f32
      %jit3A_1741 = arith.constant 0.000000e+00 : f32
      %broadcast_in_dim3A_1742 = vector.broadcast %jit3A_1740 : f32 to vector<8x128xf32>
      %broadcast_in_dim3A_1743 = vector.broadcast %jit3A_1741 : f32 to vector<8x128xf32>
      %select_n3A_1744 = arith.select %eq3A_1739, %broadcast_in_dim3A_1742, %broadcast_in_dim3A_1743 : vector<8x128xi1>, vector<8x128xf32>
      %add3A_1745 = arith.addf %add3A_1568, %select_n3A_1744 : vector<8x128xf32>
      %jit3A_1746 = arith.constant 0.000000e+00 : f32
      %broadcast_in_dim3A_1747 = vector.broadcast %jit3A_1746 : f32 to vector<8x128xf32>
      %select_n3A_1748 = arith.select %eq3A_1739, %select_n3A_1671, %broadcast_in_dim3A_1747 : vector<8x128xi1>, vector<8x128xf32>
      %add3A_1749 = arith.addf %add3A_1572, %select_n3A_1748 : vector<8x128xf32>
      %eq3A_1750 = arith.constant 5.000000e+00 : f32
      %eq3A_1751 = vector.broadcast %eq3A_1750 : f32 to vector<8x128xf32>
      %eq3A_1752 = arith.cmpf oeq, %select_n3A_1684, %eq3A_1751 : vector<8x128xf32>
      %jit3A_1753 = arith.constant 1.000000e+00 : f32
      %jit3A_1754 = arith.constant 0.000000e+00 : f32
      %broadcast_in_dim3A_1755 = vector.broadcast %jit3A_1753 : f32 to vector<8x128xf32>
      %broadcast_in_dim3A_1756 = vector.broadcast %jit3A_1754 : f32 to vector<8x128xf32>
      %select_n3A_1757 = arith.select %eq3A_1752, %broadcast_in_dim3A_1755, %broadcast_in_dim3A_1756 : vector<8x128xi1>, vector<8x128xf32>
      %add3A_1758 = arith.addf %add3A_1581, %select_n3A_1757 : vector<8x128xf32>
      %jit3A_1759 = arith.constant 0.000000e+00 : f32
      %broadcast_in_dim3A_1760 = vector.broadcast %jit3A_1759 : f32 to vector<8x128xf32>
      %select_n3A_1761 = arith.select %eq3A_1752, %select_n3A_1671, %broadcast_in_dim3A_1760 : vector<8x128xi1>, vector<8x128xf32>
      %add3A_1762 = arith.addf %add3A_1585, %select_n3A_1761 : vector<8x128xf32>
      %eq3A_1763 = arith.constant 6.000000e+00 : f32
      %eq3A_1764 = vector.broadcast %eq3A_1763 : f32 to vector<8x128xf32>
      %eq3A_1765 = arith.cmpf oeq, %select_n3A_1684, %eq3A_1764 : vector<8x128xf32>
      %jit3A_1766 = arith.constant 1.000000e+00 : f32
      %jit3A_1767 = arith.constant 0.000000e+00 : f32
      %broadcast_in_dim3A_1768 = vector.broadcast %jit3A_1766 : f32 to vector<8x128xf32>
      %broadcast_in_dim3A_1769 = vector.broadcast %jit3A_1767 : f32 to vector<8x128xf32>
      %select_n3A_1770 = arith.select %eq3A_1765, %broadcast_in_dim3A_1768, %broadcast_in_dim3A_1769 : vector<8x128xi1>, vector<8x128xf32>
      %add3A_1771 = arith.addf %add3A_1594, %select_n3A_1770 : vector<8x128xf32>
      %jit3A_1772 = arith.constant 0.000000e+00 : f32
      %broadcast_in_dim3A_1773 = vector.broadcast %jit3A_1772 : f32 to vector<8x128xf32>
      %select_n3A_1774 = arith.select %eq3A_1765, %select_n3A_1671, %broadcast_in_dim3A_1773 : vector<8x128xi1>, vector<8x128xf32>
      %add3A_1775 = arith.addf %add3A_1598, %select_n3A_1774 : vector<8x128xf32>
      %eq3A_1776 = arith.constant 7.000000e+00 : f32
      %eq3A_1777 = vector.broadcast %eq3A_1776 : f32 to vector<8x128xf32>
      %eq3A_1778 = arith.cmpf oeq, %select_n3A_1684, %eq3A_1777 : vector<8x128xf32>
      %jit3A_1779 = arith.constant 1.000000e+00 : f32
      %jit3A_1780 = arith.constant 0.000000e+00 : f32
      %broadcast_in_dim3A_1781 = vector.broadcast %jit3A_1779 : f32 to vector<8x128xf32>
      %broadcast_in_dim3A_1782 = vector.broadcast %jit3A_1780 : f32 to vector<8x128xf32>
      %select_n3A_1783 = arith.select %eq3A_1778, %broadcast_in_dim3A_1781, %broadcast_in_dim3A_1782 : vector<8x128xi1>, vector<8x128xf32>
      %add3A_1784 = arith.addf %add3A_1607, %select_n3A_1783 : vector<8x128xf32>
      %jit3A_1785 = arith.constant 0.000000e+00 : f32
      %broadcast_in_dim3A_1786 = vector.broadcast %jit3A_1785 : f32 to vector<8x128xf32>
      %select_n3A_1787 = arith.select %eq3A_1778, %select_n3A_1671, %broadcast_in_dim3A_1786 : vector<8x128xi1>, vector<8x128xf32>
      %add3A_1788 = arith.addf %add3A_1611, %select_n3A_1787 : vector<8x128xf32>
      %eq3A_1789 = arith.constant 8.000000e+00 : f32
      %eq3A_1790 = vector.broadcast %eq3A_1789 : f32 to vector<8x128xf32>
      %eq3A_1791 = arith.cmpf oeq, %select_n3A_1684, %eq3A_1790 : vector<8x128xf32>
      %jit3A_1792 = arith.constant 1.000000e+00 : f32
      %jit3A_1793 = arith.constant 0.000000e+00 : f32
      %broadcast_in_dim3A_1794 = vector.broadcast %jit3A_1792 : f32 to vector<8x128xf32>
      %broadcast_in_dim3A_1795 = vector.broadcast %jit3A_1793 : f32 to vector<8x128xf32>
      %select_n3A_1796 = arith.select %eq3A_1791, %broadcast_in_dim3A_1794, %broadcast_in_dim3A_1795 : vector<8x128xi1>, vector<8x128xf32>
      %add3A_1797 = arith.addf %add3A_1620, %select_n3A_1796 : vector<8x128xf32>
      %jit3A_1798 = arith.constant 0.000000e+00 : f32
      %broadcast_in_dim3A_1799 = vector.broadcast %jit3A_1798 : f32 to vector<8x128xf32>
      %select_n3A_1800 = arith.select %eq3A_1791, %select_n3A_1671, %broadcast_in_dim3A_1799 : vector<8x128xi1>, vector<8x128xf32>
      %add3A_1801 = arith.addf %add3A_1624, %select_n3A_1800 : vector<8x128xf32>
      %ge3A_1802 = arith.constant 9.000000e+00 : f32
      %ge3A_1803 = vector.broadcast %ge3A_1802 : f32 to vector<8x128xf32>
      %ge3A_1804 = arith.cmpf oge, %select_n3A_1684, %ge3A_1803 : vector<8x128xf32>
      %jit3A_1805 = arith.constant 1.000000e+00 : f32
      %jit3A_1806 = arith.constant 0.000000e+00 : f32
      %broadcast_in_dim3A_1807 = vector.broadcast %jit3A_1805 : f32 to vector<8x128xf32>
      %broadcast_in_dim3A_1808 = vector.broadcast %jit3A_1806 : f32 to vector<8x128xf32>
      %select_n3A_1809 = arith.select %ge3A_1804, %broadcast_in_dim3A_1807, %broadcast_in_dim3A_1808 : vector<8x128xi1>, vector<8x128xf32>
      %add3A_1810 = arith.addf %add3A_1633, %select_n3A_1809 : vector<8x128xf32>
      %jit3A_1811 = arith.constant 0.000000e+00 : f32
      %broadcast_in_dim3A_1812 = vector.broadcast %jit3A_1811 : f32 to vector<8x128xf32>
      %select_n3A_1813 = arith.select %ge3A_1804, %select_n3A_1671, %broadcast_in_dim3A_1812 : vector<8x128xi1>, vector<8x128xf32>
      %add3A_1814 = arith.addf %add3A_1637, %select_n3A_1813 : vector<8x128xf32>
      %ge3A_1815 = arith.constant 1.000000e+01 : f32
      %ge3A_1816 = vector.broadcast %ge3A_1815 : f32 to vector<8x128xf32>
      %ge3A_1817 = arith.cmpf oge, %select_n3A_1684, %ge3A_1816 : vector<8x128xf32>
      %jit3A_1818 = arith.constant 1.000000e+00 : f32
      %jit3A_1819 = arith.constant 0.000000e+00 : f32
      %broadcast_in_dim3A_1820 = vector.broadcast %jit3A_1818 : f32 to vector<8x128xf32>
      %broadcast_in_dim3A_1821 = vector.broadcast %jit3A_1819 : f32 to vector<8x128xf32>
      %select_n3A_1822 = arith.select %ge3A_1817, %broadcast_in_dim3A_1820, %broadcast_in_dim3A_1821 : vector<8x128xi1>, vector<8x128xf32>
      %add3A_1823 = arith.addf %add3A_1646, %select_n3A_1822 : vector<8x128xf32>
      %mul3A_1824 = arith.constant 16 : i32
      %mul3A_1825 = arith.muli %scan3A_219, %mul3A_1824 : i32
      %add3A_1826 = arith.constant 9 : i32
      %add3A_1827 = arith.addi %mul3A_1825, %add3A_1826 : i32
      %mul3A_1828 = arith.constant 8 : i32
      %mul3A_1829 = arith.muli %add3A_1827, %mul3A_1828 : i32
      %get3A_1830 = arith.index_cast %mul3A_1829 : i32 to index
      %get3A_1831 = arith.constant 0 : index
      %get3A_1832 = vector.load %arg1[%get3A_1830, %get3A_1831] : memref<4096x128xf32, #tpu.memory_space<vmem>>, vector<8x128xf32>
      %get3A_1833 = arith.index_cast %mul3A_1829 : i32 to index
      %get3A_1834 = arith.constant 0 : index
      %get3A_1835 = vector.load %arg2[%get3A_1833, %get3A_1834] : memref<4096x128xf32, #tpu.memory_space<vmem>>, vector<8x128xf32>
      %sub3A_1836 = arith.subf %get3A_1832, %get3A_1835 : vector<8x128xf32>
      %abs3A_1837 = math.absf %sub3A_1836 : vector<8x128xf32>
      %lt3A_1838 = arith.constant 2.000000e-02 : f32
      %lt3A_1839 = vector.broadcast %lt3A_1838 : f32 to vector<8x128xf32>
      %lt3A_1840 = arith.cmpf olt, %abs3A_1837, %lt3A_1839 : vector<8x128xf32>
      %mul3A_1841 = arith.constant 2.500000e+01 : f32
      %mul3A_1842 = vector.broadcast %mul3A_1841 : f32 to vector<8x128xf32>
      %mul3A_1843 = arith.mulf %mul3A_1842, %abs3A_1837 : vector<8x128xf32>
      %mul3A_1844 = arith.mulf %mul3A_1843, %abs3A_1837 : vector<8x128xf32>
      %sub3A_1845 = arith.constant 0.00999999977 : f32
      %sub3A_1846 = vector.broadcast %sub3A_1845 : f32 to vector<8x128xf32>
      %sub3A_1847 = arith.subf %abs3A_1837, %sub3A_1846 : vector<8x128xf32>
      %select_n3A_1848 = arith.select %lt3A_1840, %mul3A_1844, %sub3A_1847 : vector<8x128xi1>, vector<8x128xf32>
      %tanh3A_1849 = math.tanh %get3A_1832 : vector<8x128xf32>
      %tanh3A_1850 = math.tanh %get3A_1835 : vector<8x128xf32>
      %sub3A_1851 = arith.subf %tanh3A_1849, %tanh3A_1850 : vector<8x128xf32>
      %abs3A_1852 = math.absf %sub3A_1851 : vector<8x128xf32>
      %mul3A_1853 = arith.constant 1.000000e+01 : f32
      %mul3A_1854 = vector.broadcast %mul3A_1853 : f32 to vector<8x128xf32>
      %mul3A_1855 = arith.mulf %abs3A_1852, %mul3A_1854 : vector<8x128xf32>
      %lt3A_1856 = arith.constant 0.000000e+00 : f32
      %lt3A_1857 = vector.broadcast %lt3A_1856 : f32 to vector<8x128xf32>
      %lt3A_1858 = arith.cmpf olt, %mul3A_1855, %lt3A_1857 : vector<8x128xf32>
      %ceil3A_1859 = math.ceil %mul3A_1855 : vector<8x128xf32>
      %floor3A_1860 = math.floor %mul3A_1855 : vector<8x128xf32>
      %select_n3A_1861 = arith.select %lt3A_1858, %ceil3A_1859, %floor3A_1860 : vector<8x128xi1>, vector<8x128xf32>
      %eq3A_1862 = arith.constant 0.000000e+00 : f32
      %eq3A_1863 = vector.broadcast %eq3A_1862 : f32 to vector<8x128xf32>
      %eq3A_1864 = arith.cmpf oeq, %select_n3A_1861, %eq3A_1863 : vector<8x128xf32>
      %jit3A_1865 = arith.constant 1.000000e+00 : f32
      %jit3A_1866 = arith.constant 0.000000e+00 : f32
      %broadcast_in_dim3A_1867 = vector.broadcast %jit3A_1865 : f32 to vector<8x128xf32>
      %broadcast_in_dim3A_1868 = vector.broadcast %jit3A_1866 : f32 to vector<8x128xf32>
      %select_n3A_1869 = arith.select %eq3A_1864, %broadcast_in_dim3A_1867, %broadcast_in_dim3A_1868 : vector<8x128xi1>, vector<8x128xf32>
      %add3A_1870 = arith.addf %add3A_1693, %select_n3A_1869 : vector<8x128xf32>
      %jit3A_1871 = arith.constant 0.000000e+00 : f32
      %broadcast_in_dim3A_1872 = vector.broadcast %jit3A_1871 : f32 to vector<8x128xf32>
      %select_n3A_1873 = arith.select %eq3A_1864, %select_n3A_1848, %broadcast_in_dim3A_1872 : vector<8x128xi1>, vector<8x128xf32>
      %add3A_1874 = arith.addf %add3A_1697, %select_n3A_1873 : vector<8x128xf32>
      %eq3A_1875 = arith.constant 1.000000e+00 : f32
      %eq3A_1876 = vector.broadcast %eq3A_1875 : f32 to vector<8x128xf32>
      %eq3A_1877 = arith.cmpf oeq, %select_n3A_1861, %eq3A_1876 : vector<8x128xf32>
      %jit3A_1878 = arith.constant 1.000000e+00 : f32
      %jit3A_1879 = arith.constant 0.000000e+00 : f32
      %broadcast_in_dim3A_1880 = vector.broadcast %jit3A_1878 : f32 to vector<8x128xf32>
      %broadcast_in_dim3A_1881 = vector.broadcast %jit3A_1879 : f32 to vector<8x128xf32>
      %select_n3A_1882 = arith.select %eq3A_1877, %broadcast_in_dim3A_1880, %broadcast_in_dim3A_1881 : vector<8x128xi1>, vector<8x128xf32>
      %add3A_1883 = arith.addf %add3A_1706, %select_n3A_1882 : vector<8x128xf32>
      %jit3A_1884 = arith.constant 0.000000e+00 : f32
      %broadcast_in_dim3A_1885 = vector.broadcast %jit3A_1884 : f32 to vector<8x128xf32>
      %select_n3A_1886 = arith.select %eq3A_1877, %select_n3A_1848, %broadcast_in_dim3A_1885 : vector<8x128xi1>, vector<8x128xf32>
      %add3A_1887 = arith.addf %add3A_1710, %select_n3A_1886 : vector<8x128xf32>
      %eq3A_1888 = arith.constant 2.000000e+00 : f32
      %eq3A_1889 = vector.broadcast %eq3A_1888 : f32 to vector<8x128xf32>
      %eq3A_1890 = arith.cmpf oeq, %select_n3A_1861, %eq3A_1889 : vector<8x128xf32>
      %jit3A_1891 = arith.constant 1.000000e+00 : f32
      %jit3A_1892 = arith.constant 0.000000e+00 : f32
      %broadcast_in_dim3A_1893 = vector.broadcast %jit3A_1891 : f32 to vector<8x128xf32>
      %broadcast_in_dim3A_1894 = vector.broadcast %jit3A_1892 : f32 to vector<8x128xf32>
      %select_n3A_1895 = arith.select %eq3A_1890, %broadcast_in_dim3A_1893, %broadcast_in_dim3A_1894 : vector<8x128xi1>, vector<8x128xf32>
      %add3A_1896 = arith.addf %add3A_1719, %select_n3A_1895 : vector<8x128xf32>
      %jit3A_1897 = arith.constant 0.000000e+00 : f32
      %broadcast_in_dim3A_1898 = vector.broadcast %jit3A_1897 : f32 to vector<8x128xf32>
      %select_n3A_1899 = arith.select %eq3A_1890, %select_n3A_1848, %broadcast_in_dim3A_1898 : vector<8x128xi1>, vector<8x128xf32>
      %add3A_1900 = arith.addf %add3A_1723, %select_n3A_1899 : vector<8x128xf32>
      %eq3A_1901 = arith.constant 3.000000e+00 : f32
      %eq3A_1902 = vector.broadcast %eq3A_1901 : f32 to vector<8x128xf32>
      %eq3A_1903 = arith.cmpf oeq, %select_n3A_1861, %eq3A_1902 : vector<8x128xf32>
      %jit3A_1904 = arith.constant 1.000000e+00 : f32
      %jit3A_1905 = arith.constant 0.000000e+00 : f32
      %broadcast_in_dim3A_1906 = vector.broadcast %jit3A_1904 : f32 to vector<8x128xf32>
      %broadcast_in_dim3A_1907 = vector.broadcast %jit3A_1905 : f32 to vector<8x128xf32>
      %select_n3A_1908 = arith.select %eq3A_1903, %broadcast_in_dim3A_1906, %broadcast_in_dim3A_1907 : vector<8x128xi1>, vector<8x128xf32>
      %add3A_1909 = arith.addf %add3A_1732, %select_n3A_1908 : vector<8x128xf32>
      %jit3A_1910 = arith.constant 0.000000e+00 : f32
      %broadcast_in_dim3A_1911 = vector.broadcast %jit3A_1910 : f32 to vector<8x128xf32>
      %select_n3A_1912 = arith.select %eq3A_1903, %select_n3A_1848, %broadcast_in_dim3A_1911 : vector<8x128xi1>, vector<8x128xf32>
      %add3A_1913 = arith.addf %add3A_1736, %select_n3A_1912 : vector<8x128xf32>
      %eq3A_1914 = arith.constant 4.000000e+00 : f32
      %eq3A_1915 = vector.broadcast %eq3A_1914 : f32 to vector<8x128xf32>
      %eq3A_1916 = arith.cmpf oeq, %select_n3A_1861, %eq3A_1915 : vector<8x128xf32>
      %jit3A_1917 = arith.constant 1.000000e+00 : f32
      %jit3A_1918 = arith.constant 0.000000e+00 : f32
      %broadcast_in_dim3A_1919 = vector.broadcast %jit3A_1917 : f32 to vector<8x128xf32>
      %broadcast_in_dim3A_1920 = vector.broadcast %jit3A_1918 : f32 to vector<8x128xf32>
      %select_n3A_1921 = arith.select %eq3A_1916, %broadcast_in_dim3A_1919, %broadcast_in_dim3A_1920 : vector<8x128xi1>, vector<8x128xf32>
      %add3A_1922 = arith.addf %add3A_1745, %select_n3A_1921 : vector<8x128xf32>
      %jit3A_1923 = arith.constant 0.000000e+00 : f32
      %broadcast_in_dim3A_1924 = vector.broadcast %jit3A_1923 : f32 to vector<8x128xf32>
      %select_n3A_1925 = arith.select %eq3A_1916, %select_n3A_1848, %broadcast_in_dim3A_1924 : vector<8x128xi1>, vector<8x128xf32>
      %add3A_1926 = arith.addf %add3A_1749, %select_n3A_1925 : vector<8x128xf32>
      %eq3A_1927 = arith.constant 5.000000e+00 : f32
      %eq3A_1928 = vector.broadcast %eq3A_1927 : f32 to vector<8x128xf32>
      %eq3A_1929 = arith.cmpf oeq, %select_n3A_1861, %eq3A_1928 : vector<8x128xf32>
      %jit3A_1930 = arith.constant 1.000000e+00 : f32
      %jit3A_1931 = arith.constant 0.000000e+00 : f32
      %broadcast_in_dim3A_1932 = vector.broadcast %jit3A_1930 : f32 to vector<8x128xf32>
      %broadcast_in_dim3A_1933 = vector.broadcast %jit3A_1931 : f32 to vector<8x128xf32>
      %select_n3A_1934 = arith.select %eq3A_1929, %broadcast_in_dim3A_1932, %broadcast_in_dim3A_1933 : vector<8x128xi1>, vector<8x128xf32>
      %add3A_1935 = arith.addf %add3A_1758, %select_n3A_1934 : vector<8x128xf32>
      %jit3A_1936 = arith.constant 0.000000e+00 : f32
      %broadcast_in_dim3A_1937 = vector.broadcast %jit3A_1936 : f32 to vector<8x128xf32>
      %select_n3A_1938 = arith.select %eq3A_1929, %select_n3A_1848, %broadcast_in_dim3A_1937 : vector<8x128xi1>, vector<8x128xf32>
      %add3A_1939 = arith.addf %add3A_1762, %select_n3A_1938 : vector<8x128xf32>
      %eq3A_1940 = arith.constant 6.000000e+00 : f32
      %eq3A_1941 = vector.broadcast %eq3A_1940 : f32 to vector<8x128xf32>
      %eq3A_1942 = arith.cmpf oeq, %select_n3A_1861, %eq3A_1941 : vector<8x128xf32>
      %jit3A_1943 = arith.constant 1.000000e+00 : f32
      %jit3A_1944 = arith.constant 0.000000e+00 : f32
      %broadcast_in_dim3A_1945 = vector.broadcast %jit3A_1943 : f32 to vector<8x128xf32>
      %broadcast_in_dim3A_1946 = vector.broadcast %jit3A_1944 : f32 to vector<8x128xf32>
      %select_n3A_1947 = arith.select %eq3A_1942, %broadcast_in_dim3A_1945, %broadcast_in_dim3A_1946 : vector<8x128xi1>, vector<8x128xf32>
      %add3A_1948 = arith.addf %add3A_1771, %select_n3A_1947 : vector<8x128xf32>
      %jit3A_1949 = arith.constant 0.000000e+00 : f32
      %broadcast_in_dim3A_1950 = vector.broadcast %jit3A_1949 : f32 to vector<8x128xf32>
      %select_n3A_1951 = arith.select %eq3A_1942, %select_n3A_1848, %broadcast_in_dim3A_1950 : vector<8x128xi1>, vector<8x128xf32>
      %add3A_1952 = arith.addf %add3A_1775, %select_n3A_1951 : vector<8x128xf32>
      %eq3A_1953 = arith.constant 7.000000e+00 : f32
      %eq3A_1954 = vector.broadcast %eq3A_1953 : f32 to vector<8x128xf32>
      %eq3A_1955 = arith.cmpf oeq, %select_n3A_1861, %eq3A_1954 : vector<8x128xf32>
      %jit3A_1956 = arith.constant 1.000000e+00 : f32
      %jit3A_1957 = arith.constant 0.000000e+00 : f32
      %broadcast_in_dim3A_1958 = vector.broadcast %jit3A_1956 : f32 to vector<8x128xf32>
      %broadcast_in_dim3A_1959 = vector.broadcast %jit3A_1957 : f32 to vector<8x128xf32>
      %select_n3A_1960 = arith.select %eq3A_1955, %broadcast_in_dim3A_1958, %broadcast_in_dim3A_1959 : vector<8x128xi1>, vector<8x128xf32>
      %add3A_1961 = arith.addf %add3A_1784, %select_n3A_1960 : vector<8x128xf32>
      %jit3A_1962 = arith.constant 0.000000e+00 : f32
      %broadcast_in_dim3A_1963 = vector.broadcast %jit3A_1962 : f32 to vector<8x128xf32>
      %select_n3A_1964 = arith.select %eq3A_1955, %select_n3A_1848, %broadcast_in_dim3A_1963 : vector<8x128xi1>, vector<8x128xf32>
      %add3A_1965 = arith.addf %add3A_1788, %select_n3A_1964 : vector<8x128xf32>
      %eq3A_1966 = arith.constant 8.000000e+00 : f32
      %eq3A_1967 = vector.broadcast %eq3A_1966 : f32 to vector<8x128xf32>
      %eq3A_1968 = arith.cmpf oeq, %select_n3A_1861, %eq3A_1967 : vector<8x128xf32>
      %jit3A_1969 = arith.constant 1.000000e+00 : f32
      %jit3A_1970 = arith.constant 0.000000e+00 : f32
      %broadcast_in_dim3A_1971 = vector.broadcast %jit3A_1969 : f32 to vector<8x128xf32>
      %broadcast_in_dim3A_1972 = vector.broadcast %jit3A_1970 : f32 to vector<8x128xf32>
      %select_n3A_1973 = arith.select %eq3A_1968, %broadcast_in_dim3A_1971, %broadcast_in_dim3A_1972 : vector<8x128xi1>, vector<8x128xf32>
      %add3A_1974 = arith.addf %add3A_1797, %select_n3A_1973 : vector<8x128xf32>
      %jit3A_1975 = arith.constant 0.000000e+00 : f32
      %broadcast_in_dim3A_1976 = vector.broadcast %jit3A_1975 : f32 to vector<8x128xf32>
      %select_n3A_1977 = arith.select %eq3A_1968, %select_n3A_1848, %broadcast_in_dim3A_1976 : vector<8x128xi1>, vector<8x128xf32>
      %add3A_1978 = arith.addf %add3A_1801, %select_n3A_1977 : vector<8x128xf32>
      %ge3A_1979 = arith.constant 9.000000e+00 : f32
      %ge3A_1980 = vector.broadcast %ge3A_1979 : f32 to vector<8x128xf32>
      %ge3A_1981 = arith.cmpf oge, %select_n3A_1861, %ge3A_1980 : vector<8x128xf32>
      %jit3A_1982 = arith.constant 1.000000e+00 : f32
      %jit3A_1983 = arith.constant 0.000000e+00 : f32
      %broadcast_in_dim3A_1984 = vector.broadcast %jit3A_1982 : f32 to vector<8x128xf32>
      %broadcast_in_dim3A_1985 = vector.broadcast %jit3A_1983 : f32 to vector<8x128xf32>
      %select_n3A_1986 = arith.select %ge3A_1981, %broadcast_in_dim3A_1984, %broadcast_in_dim3A_1985 : vector<8x128xi1>, vector<8x128xf32>
      %add3A_1987 = arith.addf %add3A_1810, %select_n3A_1986 : vector<8x128xf32>
      %jit3A_1988 = arith.constant 0.000000e+00 : f32
      %broadcast_in_dim3A_1989 = vector.broadcast %jit3A_1988 : f32 to vector<8x128xf32>
      %select_n3A_1990 = arith.select %ge3A_1981, %select_n3A_1848, %broadcast_in_dim3A_1989 : vector<8x128xi1>, vector<8x128xf32>
      %add3A_1991 = arith.addf %add3A_1814, %select_n3A_1990 : vector<8x128xf32>
      %ge3A_1992 = arith.constant 1.000000e+01 : f32
      %ge3A_1993 = vector.broadcast %ge3A_1992 : f32 to vector<8x128xf32>
      %ge3A_1994 = arith.cmpf oge, %select_n3A_1861, %ge3A_1993 : vector<8x128xf32>
      %jit3A_1995 = arith.constant 1.000000e+00 : f32
      %jit3A_1996 = arith.constant 0.000000e+00 : f32
      %broadcast_in_dim3A_1997 = vector.broadcast %jit3A_1995 : f32 to vector<8x128xf32>
      %broadcast_in_dim3A_1998 = vector.broadcast %jit3A_1996 : f32 to vector<8x128xf32>
      %select_n3A_1999 = arith.select %ge3A_1994, %broadcast_in_dim3A_1997, %broadcast_in_dim3A_1998 : vector<8x128xi1>, vector<8x128xf32>
      %add3A_2000 = arith.addf %add3A_1823, %select_n3A_1999 : vector<8x128xf32>
      %mul3A_2001 = arith.constant 16 : i32
      %mul3A_2002 = arith.muli %scan3A_219, %mul3A_2001 : i32
      %add3A_2003 = arith.constant 10 : i32
      %add3A_2004 = arith.addi %mul3A_2002, %add3A_2003 : i32
      %mul3A_2005 = arith.constant 8 : i32
      %mul3A_2006 = arith.muli %add3A_2004, %mul3A_2005 : i32
      %get3A_2007 = arith.index_cast %mul3A_2006 : i32 to index
      %get3A_2008 = arith.constant 0 : index
      %get3A_2009 = vector.load %arg1[%get3A_2007, %get3A_2008] : memref<4096x128xf32, #tpu.memory_space<vmem>>, vector<8x128xf32>
      %get3A_2010 = arith.index_cast %mul3A_2006 : i32 to index
      %get3A_2011 = arith.constant 0 : index
      %get3A_2012 = vector.load %arg2[%get3A_2010, %get3A_2011] : memref<4096x128xf32, #tpu.memory_space<vmem>>, vector<8x128xf32>
      %sub3A_2013 = arith.subf %get3A_2009, %get3A_2012 : vector<8x128xf32>
      %abs3A_2014 = math.absf %sub3A_2013 : vector<8x128xf32>
      %lt3A_2015 = arith.constant 2.000000e-02 : f32
      %lt3A_2016 = vector.broadcast %lt3A_2015 : f32 to vector<8x128xf32>
      %lt3A_2017 = arith.cmpf olt, %abs3A_2014, %lt3A_2016 : vector<8x128xf32>
      %mul3A_2018 = arith.constant 2.500000e+01 : f32
      %mul3A_2019 = vector.broadcast %mul3A_2018 : f32 to vector<8x128xf32>
      %mul3A_2020 = arith.mulf %mul3A_2019, %abs3A_2014 : vector<8x128xf32>
      %mul3A_2021 = arith.mulf %mul3A_2020, %abs3A_2014 : vector<8x128xf32>
      %sub3A_2022 = arith.constant 0.00999999977 : f32
      %sub3A_2023 = vector.broadcast %sub3A_2022 : f32 to vector<8x128xf32>
      %sub3A_2024 = arith.subf %abs3A_2014, %sub3A_2023 : vector<8x128xf32>
      %select_n3A_2025 = arith.select %lt3A_2017, %mul3A_2021, %sub3A_2024 : vector<8x128xi1>, vector<8x128xf32>
      %tanh3A_2026 = math.tanh %get3A_2009 : vector<8x128xf32>
      %tanh3A_2027 = math.tanh %get3A_2012 : vector<8x128xf32>
      %sub3A_2028 = arith.subf %tanh3A_2026, %tanh3A_2027 : vector<8x128xf32>
      %abs3A_2029 = math.absf %sub3A_2028 : vector<8x128xf32>
      %mul3A_2030 = arith.constant 1.000000e+01 : f32
      %mul3A_2031 = vector.broadcast %mul3A_2030 : f32 to vector<8x128xf32>
      %mul3A_2032 = arith.mulf %abs3A_2029, %mul3A_2031 : vector<8x128xf32>
      %lt3A_2033 = arith.constant 0.000000e+00 : f32
      %lt3A_2034 = vector.broadcast %lt3A_2033 : f32 to vector<8x128xf32>
      %lt3A_2035 = arith.cmpf olt, %mul3A_2032, %lt3A_2034 : vector<8x128xf32>
      %ceil3A_2036 = math.ceil %mul3A_2032 : vector<8x128xf32>
      %floor3A_2037 = math.floor %mul3A_2032 : vector<8x128xf32>
      %select_n3A_2038 = arith.select %lt3A_2035, %ceil3A_2036, %floor3A_2037 : vector<8x128xi1>, vector<8x128xf32>
      %eq3A_2039 = arith.constant 0.000000e+00 : f32
      %eq3A_2040 = vector.broadcast %eq3A_2039 : f32 to vector<8x128xf32>
      %eq3A_2041 = arith.cmpf oeq, %select_n3A_2038, %eq3A_2040 : vector<8x128xf32>
      %jit3A_2042 = arith.constant 1.000000e+00 : f32
      %jit3A_2043 = arith.constant 0.000000e+00 : f32
      %broadcast_in_dim3A_2044 = vector.broadcast %jit3A_2042 : f32 to vector<8x128xf32>
      %broadcast_in_dim3A_2045 = vector.broadcast %jit3A_2043 : f32 to vector<8x128xf32>
      %select_n3A_2046 = arith.select %eq3A_2041, %broadcast_in_dim3A_2044, %broadcast_in_dim3A_2045 : vector<8x128xi1>, vector<8x128xf32>
      %add3A_2047 = arith.addf %add3A_1870, %select_n3A_2046 : vector<8x128xf32>
      %jit3A_2048 = arith.constant 0.000000e+00 : f32
      %broadcast_in_dim3A_2049 = vector.broadcast %jit3A_2048 : f32 to vector<8x128xf32>
      %select_n3A_2050 = arith.select %eq3A_2041, %select_n3A_2025, %broadcast_in_dim3A_2049 : vector<8x128xi1>, vector<8x128xf32>
      %add3A_2051 = arith.addf %add3A_1874, %select_n3A_2050 : vector<8x128xf32>
      %eq3A_2052 = arith.constant 1.000000e+00 : f32
      %eq3A_2053 = vector.broadcast %eq3A_2052 : f32 to vector<8x128xf32>
      %eq3A_2054 = arith.cmpf oeq, %select_n3A_2038, %eq3A_2053 : vector<8x128xf32>
      %jit3A_2055 = arith.constant 1.000000e+00 : f32
      %jit3A_2056 = arith.constant 0.000000e+00 : f32
      %broadcast_in_dim3A_2057 = vector.broadcast %jit3A_2055 : f32 to vector<8x128xf32>
      %broadcast_in_dim3A_2058 = vector.broadcast %jit3A_2056 : f32 to vector<8x128xf32>
      %select_n3A_2059 = arith.select %eq3A_2054, %broadcast_in_dim3A_2057, %broadcast_in_dim3A_2058 : vector<8x128xi1>, vector<8x128xf32>
      %add3A_2060 = arith.addf %add3A_1883, %select_n3A_2059 : vector<8x128xf32>
      %jit3A_2061 = arith.constant 0.000000e+00 : f32
      %broadcast_in_dim3A_2062 = vector.broadcast %jit3A_2061 : f32 to vector<8x128xf32>
      %select_n3A_2063 = arith.select %eq3A_2054, %select_n3A_2025, %broadcast_in_dim3A_2062 : vector<8x128xi1>, vector<8x128xf32>
      %add3A_2064 = arith.addf %add3A_1887, %select_n3A_2063 : vector<8x128xf32>
      %eq3A_2065 = arith.constant 2.000000e+00 : f32
      %eq3A_2066 = vector.broadcast %eq3A_2065 : f32 to vector<8x128xf32>
      %eq3A_2067 = arith.cmpf oeq, %select_n3A_2038, %eq3A_2066 : vector<8x128xf32>
      %jit3A_2068 = arith.constant 1.000000e+00 : f32
      %jit3A_2069 = arith.constant 0.000000e+00 : f32
      %broadcast_in_dim3A_2070 = vector.broadcast %jit3A_2068 : f32 to vector<8x128xf32>
      %broadcast_in_dim3A_2071 = vector.broadcast %jit3A_2069 : f32 to vector<8x128xf32>
      %select_n3A_2072 = arith.select %eq3A_2067, %broadcast_in_dim3A_2070, %broadcast_in_dim3A_2071 : vector<8x128xi1>, vector<8x128xf32>
      %add3A_2073 = arith.addf %add3A_1896, %select_n3A_2072 : vector<8x128xf32>
      %jit3A_2074 = arith.constant 0.000000e+00 : f32
      %broadcast_in_dim3A_2075 = vector.broadcast %jit3A_2074 : f32 to vector<8x128xf32>
      %select_n3A_2076 = arith.select %eq3A_2067, %select_n3A_2025, %broadcast_in_dim3A_2075 : vector<8x128xi1>, vector<8x128xf32>
      %add3A_2077 = arith.addf %add3A_1900, %select_n3A_2076 : vector<8x128xf32>
      %eq3A_2078 = arith.constant 3.000000e+00 : f32
      %eq3A_2079 = vector.broadcast %eq3A_2078 : f32 to vector<8x128xf32>
      %eq3A_2080 = arith.cmpf oeq, %select_n3A_2038, %eq3A_2079 : vector<8x128xf32>
      %jit3A_2081 = arith.constant 1.000000e+00 : f32
      %jit3A_2082 = arith.constant 0.000000e+00 : f32
      %broadcast_in_dim3A_2083 = vector.broadcast %jit3A_2081 : f32 to vector<8x128xf32>
      %broadcast_in_dim3A_2084 = vector.broadcast %jit3A_2082 : f32 to vector<8x128xf32>
      %select_n3A_2085 = arith.select %eq3A_2080, %broadcast_in_dim3A_2083, %broadcast_in_dim3A_2084 : vector<8x128xi1>, vector<8x128xf32>
      %add3A_2086 = arith.addf %add3A_1909, %select_n3A_2085 : vector<8x128xf32>
      %jit3A_2087 = arith.constant 0.000000e+00 : f32
      %broadcast_in_dim3A_2088 = vector.broadcast %jit3A_2087 : f32 to vector<8x128xf32>
      %select_n3A_2089 = arith.select %eq3A_2080, %select_n3A_2025, %broadcast_in_dim3A_2088 : vector<8x128xi1>, vector<8x128xf32>
      %add3A_2090 = arith.addf %add3A_1913, %select_n3A_2089 : vector<8x128xf32>
      %eq3A_2091 = arith.constant 4.000000e+00 : f32
      %eq3A_2092 = vector.broadcast %eq3A_2091 : f32 to vector<8x128xf32>
      %eq3A_2093 = arith.cmpf oeq, %select_n3A_2038, %eq3A_2092 : vector<8x128xf32>
      %jit3A_2094 = arith.constant 1.000000e+00 : f32
      %jit3A_2095 = arith.constant 0.000000e+00 : f32
      %broadcast_in_dim3A_2096 = vector.broadcast %jit3A_2094 : f32 to vector<8x128xf32>
      %broadcast_in_dim3A_2097 = vector.broadcast %jit3A_2095 : f32 to vector<8x128xf32>
      %select_n3A_2098 = arith.select %eq3A_2093, %broadcast_in_dim3A_2096, %broadcast_in_dim3A_2097 : vector<8x128xi1>, vector<8x128xf32>
      %add3A_2099 = arith.addf %add3A_1922, %select_n3A_2098 : vector<8x128xf32>
      %jit3A_2100 = arith.constant 0.000000e+00 : f32
      %broadcast_in_dim3A_2101 = vector.broadcast %jit3A_2100 : f32 to vector<8x128xf32>
      %select_n3A_2102 = arith.select %eq3A_2093, %select_n3A_2025, %broadcast_in_dim3A_2101 : vector<8x128xi1>, vector<8x128xf32>
      %add3A_2103 = arith.addf %add3A_1926, %select_n3A_2102 : vector<8x128xf32>
      %eq3A_2104 = arith.constant 5.000000e+00 : f32
      %eq3A_2105 = vector.broadcast %eq3A_2104 : f32 to vector<8x128xf32>
      %eq3A_2106 = arith.cmpf oeq, %select_n3A_2038, %eq3A_2105 : vector<8x128xf32>
      %jit3A_2107 = arith.constant 1.000000e+00 : f32
      %jit3A_2108 = arith.constant 0.000000e+00 : f32
      %broadcast_in_dim3A_2109 = vector.broadcast %jit3A_2107 : f32 to vector<8x128xf32>
      %broadcast_in_dim3A_2110 = vector.broadcast %jit3A_2108 : f32 to vector<8x128xf32>
      %select_n3A_2111 = arith.select %eq3A_2106, %broadcast_in_dim3A_2109, %broadcast_in_dim3A_2110 : vector<8x128xi1>, vector<8x128xf32>
      %add3A_2112 = arith.addf %add3A_1935, %select_n3A_2111 : vector<8x128xf32>
      %jit3A_2113 = arith.constant 0.000000e+00 : f32
      %broadcast_in_dim3A_2114 = vector.broadcast %jit3A_2113 : f32 to vector<8x128xf32>
      %select_n3A_2115 = arith.select %eq3A_2106, %select_n3A_2025, %broadcast_in_dim3A_2114 : vector<8x128xi1>, vector<8x128xf32>
      %add3A_2116 = arith.addf %add3A_1939, %select_n3A_2115 : vector<8x128xf32>
      %eq3A_2117 = arith.constant 6.000000e+00 : f32
      %eq3A_2118 = vector.broadcast %eq3A_2117 : f32 to vector<8x128xf32>
      %eq3A_2119 = arith.cmpf oeq, %select_n3A_2038, %eq3A_2118 : vector<8x128xf32>
      %jit3A_2120 = arith.constant 1.000000e+00 : f32
      %jit3A_2121 = arith.constant 0.000000e+00 : f32
      %broadcast_in_dim3A_2122 = vector.broadcast %jit3A_2120 : f32 to vector<8x128xf32>
      %broadcast_in_dim3A_2123 = vector.broadcast %jit3A_2121 : f32 to vector<8x128xf32>
      %select_n3A_2124 = arith.select %eq3A_2119, %broadcast_in_dim3A_2122, %broadcast_in_dim3A_2123 : vector<8x128xi1>, vector<8x128xf32>
      %add3A_2125 = arith.addf %add3A_1948, %select_n3A_2124 : vector<8x128xf32>
      %jit3A_2126 = arith.constant 0.000000e+00 : f32
      %broadcast_in_dim3A_2127 = vector.broadcast %jit3A_2126 : f32 to vector<8x128xf32>
      %select_n3A_2128 = arith.select %eq3A_2119, %select_n3A_2025, %broadcast_in_dim3A_2127 : vector<8x128xi1>, vector<8x128xf32>
      %add3A_2129 = arith.addf %add3A_1952, %select_n3A_2128 : vector<8x128xf32>
      %eq3A_2130 = arith.constant 7.000000e+00 : f32
      %eq3A_2131 = vector.broadcast %eq3A_2130 : f32 to vector<8x128xf32>
      %eq3A_2132 = arith.cmpf oeq, %select_n3A_2038, %eq3A_2131 : vector<8x128xf32>
      %jit3A_2133 = arith.constant 1.000000e+00 : f32
      %jit3A_2134 = arith.constant 0.000000e+00 : f32
      %broadcast_in_dim3A_2135 = vector.broadcast %jit3A_2133 : f32 to vector<8x128xf32>
      %broadcast_in_dim3A_2136 = vector.broadcast %jit3A_2134 : f32 to vector<8x128xf32>
      %select_n3A_2137 = arith.select %eq3A_2132, %broadcast_in_dim3A_2135, %broadcast_in_dim3A_2136 : vector<8x128xi1>, vector<8x128xf32>
      %add3A_2138 = arith.addf %add3A_1961, %select_n3A_2137 : vector<8x128xf32>
      %jit3A_2139 = arith.constant 0.000000e+00 : f32
      %broadcast_in_dim3A_2140 = vector.broadcast %jit3A_2139 : f32 to vector<8x128xf32>
      %select_n3A_2141 = arith.select %eq3A_2132, %select_n3A_2025, %broadcast_in_dim3A_2140 : vector<8x128xi1>, vector<8x128xf32>
      %add3A_2142 = arith.addf %add3A_1965, %select_n3A_2141 : vector<8x128xf32>
      %eq3A_2143 = arith.constant 8.000000e+00 : f32
      %eq3A_2144 = vector.broadcast %eq3A_2143 : f32 to vector<8x128xf32>
      %eq3A_2145 = arith.cmpf oeq, %select_n3A_2038, %eq3A_2144 : vector<8x128xf32>
      %jit3A_2146 = arith.constant 1.000000e+00 : f32
      %jit3A_2147 = arith.constant 0.000000e+00 : f32
      %broadcast_in_dim3A_2148 = vector.broadcast %jit3A_2146 : f32 to vector<8x128xf32>
      %broadcast_in_dim3A_2149 = vector.broadcast %jit3A_2147 : f32 to vector<8x128xf32>
      %select_n3A_2150 = arith.select %eq3A_2145, %broadcast_in_dim3A_2148, %broadcast_in_dim3A_2149 : vector<8x128xi1>, vector<8x128xf32>
      %add3A_2151 = arith.addf %add3A_1974, %select_n3A_2150 : vector<8x128xf32>
      %jit3A_2152 = arith.constant 0.000000e+00 : f32
      %broadcast_in_dim3A_2153 = vector.broadcast %jit3A_2152 : f32 to vector<8x128xf32>
      %select_n3A_2154 = arith.select %eq3A_2145, %select_n3A_2025, %broadcast_in_dim3A_2153 : vector<8x128xi1>, vector<8x128xf32>
      %add3A_2155 = arith.addf %add3A_1978, %select_n3A_2154 : vector<8x128xf32>
      %ge3A_2156 = arith.constant 9.000000e+00 : f32
      %ge3A_2157 = vector.broadcast %ge3A_2156 : f32 to vector<8x128xf32>
      %ge3A_2158 = arith.cmpf oge, %select_n3A_2038, %ge3A_2157 : vector<8x128xf32>
      %jit3A_2159 = arith.constant 1.000000e+00 : f32
      %jit3A_2160 = arith.constant 0.000000e+00 : f32
      %broadcast_in_dim3A_2161 = vector.broadcast %jit3A_2159 : f32 to vector<8x128xf32>
      %broadcast_in_dim3A_2162 = vector.broadcast %jit3A_2160 : f32 to vector<8x128xf32>
      %select_n3A_2163 = arith.select %ge3A_2158, %broadcast_in_dim3A_2161, %broadcast_in_dim3A_2162 : vector<8x128xi1>, vector<8x128xf32>
      %add3A_2164 = arith.addf %add3A_1987, %select_n3A_2163 : vector<8x128xf32>
      %jit3A_2165 = arith.constant 0.000000e+00 : f32
      %broadcast_in_dim3A_2166 = vector.broadcast %jit3A_2165 : f32 to vector<8x128xf32>
      %select_n3A_2167 = arith.select %ge3A_2158, %select_n3A_2025, %broadcast_in_dim3A_2166 : vector<8x128xi1>, vector<8x128xf32>
      %add3A_2168 = arith.addf %add3A_1991, %select_n3A_2167 : vector<8x128xf32>
      %ge3A_2169 = arith.constant 1.000000e+01 : f32
      %ge3A_2170 = vector.broadcast %ge3A_2169 : f32 to vector<8x128xf32>
      %ge3A_2171 = arith.cmpf oge, %select_n3A_2038, %ge3A_2170 : vector<8x128xf32>
      %jit3A_2172 = arith.constant 1.000000e+00 : f32
      %jit3A_2173 = arith.constant 0.000000e+00 : f32
      %broadcast_in_dim3A_2174 = vector.broadcast %jit3A_2172 : f32 to vector<8x128xf32>
      %broadcast_in_dim3A_2175 = vector.broadcast %jit3A_2173 : f32 to vector<8x128xf32>
      %select_n3A_2176 = arith.select %ge3A_2171, %broadcast_in_dim3A_2174, %broadcast_in_dim3A_2175 : vector<8x128xi1>, vector<8x128xf32>
      %add3A_2177 = arith.addf %add3A_2000, %select_n3A_2176 : vector<8x128xf32>
      %mul3A_2178 = arith.constant 16 : i32
      %mul3A_2179 = arith.muli %scan3A_219, %mul3A_2178 : i32
      %add3A_2180 = arith.constant 11 : i32
      %add3A_2181 = arith.addi %mul3A_2179, %add3A_2180 : i32
      %mul3A_2182 = arith.constant 8 : i32
      %mul3A_2183 = arith.muli %add3A_2181, %mul3A_2182 : i32
      %get3A_2184 = arith.index_cast %mul3A_2183 : i32 to index
      %get3A_2185 = arith.constant 0 : index
      %get3A_2186 = vector.load %arg1[%get3A_2184, %get3A_2185] : memref<4096x128xf32, #tpu.memory_space<vmem>>, vector<8x128xf32>
      %get3A_2187 = arith.index_cast %mul3A_2183 : i32 to index
      %get3A_2188 = arith.constant 0 : index
      %get3A_2189 = vector.load %arg2[%get3A_2187, %get3A_2188] : memref<4096x128xf32, #tpu.memory_space<vmem>>, vector<8x128xf32>
      %sub3A_2190 = arith.subf %get3A_2186, %get3A_2189 : vector<8x128xf32>
      %abs3A_2191 = math.absf %sub3A_2190 : vector<8x128xf32>
      %lt3A_2192 = arith.constant 2.000000e-02 : f32
      %lt3A_2193 = vector.broadcast %lt3A_2192 : f32 to vector<8x128xf32>
      %lt3A_2194 = arith.cmpf olt, %abs3A_2191, %lt3A_2193 : vector<8x128xf32>
      %mul3A_2195 = arith.constant 2.500000e+01 : f32
      %mul3A_2196 = vector.broadcast %mul3A_2195 : f32 to vector<8x128xf32>
      %mul3A_2197 = arith.mulf %mul3A_2196, %abs3A_2191 : vector<8x128xf32>
      %mul3A_2198 = arith.mulf %mul3A_2197, %abs3A_2191 : vector<8x128xf32>
      %sub3A_2199 = arith.constant 0.00999999977 : f32
      %sub3A_2200 = vector.broadcast %sub3A_2199 : f32 to vector<8x128xf32>
      %sub3A_2201 = arith.subf %abs3A_2191, %sub3A_2200 : vector<8x128xf32>
      %select_n3A_2202 = arith.select %lt3A_2194, %mul3A_2198, %sub3A_2201 : vector<8x128xi1>, vector<8x128xf32>
      %tanh3A_2203 = math.tanh %get3A_2186 : vector<8x128xf32>
      %tanh3A_2204 = math.tanh %get3A_2189 : vector<8x128xf32>
      %sub3A_2205 = arith.subf %tanh3A_2203, %tanh3A_2204 : vector<8x128xf32>
      %abs3A_2206 = math.absf %sub3A_2205 : vector<8x128xf32>
      %mul3A_2207 = arith.constant 1.000000e+01 : f32
      %mul3A_2208 = vector.broadcast %mul3A_2207 : f32 to vector<8x128xf32>
      %mul3A_2209 = arith.mulf %abs3A_2206, %mul3A_2208 : vector<8x128xf32>
      %lt3A_2210 = arith.constant 0.000000e+00 : f32
      %lt3A_2211 = vector.broadcast %lt3A_2210 : f32 to vector<8x128xf32>
      %lt3A_2212 = arith.cmpf olt, %mul3A_2209, %lt3A_2211 : vector<8x128xf32>
      %ceil3A_2213 = math.ceil %mul3A_2209 : vector<8x128xf32>
      %floor3A_2214 = math.floor %mul3A_2209 : vector<8x128xf32>
      %select_n3A_2215 = arith.select %lt3A_2212, %ceil3A_2213, %floor3A_2214 : vector<8x128xi1>, vector<8x128xf32>
      %eq3A_2216 = arith.constant 0.000000e+00 : f32
      %eq3A_2217 = vector.broadcast %eq3A_2216 : f32 to vector<8x128xf32>
      %eq3A_2218 = arith.cmpf oeq, %select_n3A_2215, %eq3A_2217 : vector<8x128xf32>
      %jit3A_2219 = arith.constant 1.000000e+00 : f32
      %jit3A_2220 = arith.constant 0.000000e+00 : f32
      %broadcast_in_dim3A_2221 = vector.broadcast %jit3A_2219 : f32 to vector<8x128xf32>
      %broadcast_in_dim3A_2222 = vector.broadcast %jit3A_2220 : f32 to vector<8x128xf32>
      %select_n3A_2223 = arith.select %eq3A_2218, %broadcast_in_dim3A_2221, %broadcast_in_dim3A_2222 : vector<8x128xi1>, vector<8x128xf32>
      %add3A_2224 = arith.addf %add3A_2047, %select_n3A_2223 : vector<8x128xf32>
      %jit3A_2225 = arith.constant 0.000000e+00 : f32
      %broadcast_in_dim3A_2226 = vector.broadcast %jit3A_2225 : f32 to vector<8x128xf32>
      %select_n3A_2227 = arith.select %eq3A_2218, %select_n3A_2202, %broadcast_in_dim3A_2226 : vector<8x128xi1>, vector<8x128xf32>
      %add3A_2228 = arith.addf %add3A_2051, %select_n3A_2227 : vector<8x128xf32>
      %eq3A_2229 = arith.constant 1.000000e+00 : f32
      %eq3A_2230 = vector.broadcast %eq3A_2229 : f32 to vector<8x128xf32>
      %eq3A_2231 = arith.cmpf oeq, %select_n3A_2215, %eq3A_2230 : vector<8x128xf32>
      %jit3A_2232 = arith.constant 1.000000e+00 : f32
      %jit3A_2233 = arith.constant 0.000000e+00 : f32
      %broadcast_in_dim3A_2234 = vector.broadcast %jit3A_2232 : f32 to vector<8x128xf32>
      %broadcast_in_dim3A_2235 = vector.broadcast %jit3A_2233 : f32 to vector<8x128xf32>
      %select_n3A_2236 = arith.select %eq3A_2231, %broadcast_in_dim3A_2234, %broadcast_in_dim3A_2235 : vector<8x128xi1>, vector<8x128xf32>
      %add3A_2237 = arith.addf %add3A_2060, %select_n3A_2236 : vector<8x128xf32>
      %jit3A_2238 = arith.constant 0.000000e+00 : f32
      %broadcast_in_dim3A_2239 = vector.broadcast %jit3A_2238 : f32 to vector<8x128xf32>
      %select_n3A_2240 = arith.select %eq3A_2231, %select_n3A_2202, %broadcast_in_dim3A_2239 : vector<8x128xi1>, vector<8x128xf32>
      %add3A_2241 = arith.addf %add3A_2064, %select_n3A_2240 : vector<8x128xf32>
      %eq3A_2242 = arith.constant 2.000000e+00 : f32
      %eq3A_2243 = vector.broadcast %eq3A_2242 : f32 to vector<8x128xf32>
      %eq3A_2244 = arith.cmpf oeq, %select_n3A_2215, %eq3A_2243 : vector<8x128xf32>
      %jit3A_2245 = arith.constant 1.000000e+00 : f32
      %jit3A_2246 = arith.constant 0.000000e+00 : f32
      %broadcast_in_dim3A_2247 = vector.broadcast %jit3A_2245 : f32 to vector<8x128xf32>
      %broadcast_in_dim3A_2248 = vector.broadcast %jit3A_2246 : f32 to vector<8x128xf32>
      %select_n3A_2249 = arith.select %eq3A_2244, %broadcast_in_dim3A_2247, %broadcast_in_dim3A_2248 : vector<8x128xi1>, vector<8x128xf32>
      %add3A_2250 = arith.addf %add3A_2073, %select_n3A_2249 : vector<8x128xf32>
      %jit3A_2251 = arith.constant 0.000000e+00 : f32
      %broadcast_in_dim3A_2252 = vector.broadcast %jit3A_2251 : f32 to vector<8x128xf32>
      %select_n3A_2253 = arith.select %eq3A_2244, %select_n3A_2202, %broadcast_in_dim3A_2252 : vector<8x128xi1>, vector<8x128xf32>
      %add3A_2254 = arith.addf %add3A_2077, %select_n3A_2253 : vector<8x128xf32>
      %eq3A_2255 = arith.constant 3.000000e+00 : f32
      %eq3A_2256 = vector.broadcast %eq3A_2255 : f32 to vector<8x128xf32>
      %eq3A_2257 = arith.cmpf oeq, %select_n3A_2215, %eq3A_2256 : vector<8x128xf32>
      %jit3A_2258 = arith.constant 1.000000e+00 : f32
      %jit3A_2259 = arith.constant 0.000000e+00 : f32
      %broadcast_in_dim3A_2260 = vector.broadcast %jit3A_2258 : f32 to vector<8x128xf32>
      %broadcast_in_dim3A_2261 = vector.broadcast %jit3A_2259 : f32 to vector<8x128xf32>
      %select_n3A_2262 = arith.select %eq3A_2257, %broadcast_in_dim3A_2260, %broadcast_in_dim3A_2261 : vector<8x128xi1>, vector<8x128xf32>
      %add3A_2263 = arith.addf %add3A_2086, %select_n3A_2262 : vector<8x128xf32>
      %jit3A_2264 = arith.constant 0.000000e+00 : f32
      %broadcast_in_dim3A_2265 = vector.broadcast %jit3A_2264 : f32 to vector<8x128xf32>
      %select_n3A_2266 = arith.select %eq3A_2257, %select_n3A_2202, %broadcast_in_dim3A_2265 : vector<8x128xi1>, vector<8x128xf32>
      %add3A_2267 = arith.addf %add3A_2090, %select_n3A_2266 : vector<8x128xf32>
      %eq3A_2268 = arith.constant 4.000000e+00 : f32
      %eq3A_2269 = vector.broadcast %eq3A_2268 : f32 to vector<8x128xf32>
      %eq3A_2270 = arith.cmpf oeq, %select_n3A_2215, %eq3A_2269 : vector<8x128xf32>
      %jit3A_2271 = arith.constant 1.000000e+00 : f32
      %jit3A_2272 = arith.constant 0.000000e+00 : f32
      %broadcast_in_dim3A_2273 = vector.broadcast %jit3A_2271 : f32 to vector<8x128xf32>
      %broadcast_in_dim3A_2274 = vector.broadcast %jit3A_2272 : f32 to vector<8x128xf32>
      %select_n3A_2275 = arith.select %eq3A_2270, %broadcast_in_dim3A_2273, %broadcast_in_dim3A_2274 : vector<8x128xi1>, vector<8x128xf32>
      %add3A_2276 = arith.addf %add3A_2099, %select_n3A_2275 : vector<8x128xf32>
      %jit3A_2277 = arith.constant 0.000000e+00 : f32
      %broadcast_in_dim3A_2278 = vector.broadcast %jit3A_2277 : f32 to vector<8x128xf32>
      %select_n3A_2279 = arith.select %eq3A_2270, %select_n3A_2202, %broadcast_in_dim3A_2278 : vector<8x128xi1>, vector<8x128xf32>
      %add3A_2280 = arith.addf %add3A_2103, %select_n3A_2279 : vector<8x128xf32>
      %eq3A_2281 = arith.constant 5.000000e+00 : f32
      %eq3A_2282 = vector.broadcast %eq3A_2281 : f32 to vector<8x128xf32>
      %eq3A_2283 = arith.cmpf oeq, %select_n3A_2215, %eq3A_2282 : vector<8x128xf32>
      %jit3A_2284 = arith.constant 1.000000e+00 : f32
      %jit3A_2285 = arith.constant 0.000000e+00 : f32
      %broadcast_in_dim3A_2286 = vector.broadcast %jit3A_2284 : f32 to vector<8x128xf32>
      %broadcast_in_dim3A_2287 = vector.broadcast %jit3A_2285 : f32 to vector<8x128xf32>
      %select_n3A_2288 = arith.select %eq3A_2283, %broadcast_in_dim3A_2286, %broadcast_in_dim3A_2287 : vector<8x128xi1>, vector<8x128xf32>
      %add3A_2289 = arith.addf %add3A_2112, %select_n3A_2288 : vector<8x128xf32>
      %jit3A_2290 = arith.constant 0.000000e+00 : f32
      %broadcast_in_dim3A_2291 = vector.broadcast %jit3A_2290 : f32 to vector<8x128xf32>
      %select_n3A_2292 = arith.select %eq3A_2283, %select_n3A_2202, %broadcast_in_dim3A_2291 : vector<8x128xi1>, vector<8x128xf32>
      %add3A_2293 = arith.addf %add3A_2116, %select_n3A_2292 : vector<8x128xf32>
      %eq3A_2294 = arith.constant 6.000000e+00 : f32
      %eq3A_2295 = vector.broadcast %eq3A_2294 : f32 to vector<8x128xf32>
      %eq3A_2296 = arith.cmpf oeq, %select_n3A_2215, %eq3A_2295 : vector<8x128xf32>
      %jit3A_2297 = arith.constant 1.000000e+00 : f32
      %jit3A_2298 = arith.constant 0.000000e+00 : f32
      %broadcast_in_dim3A_2299 = vector.broadcast %jit3A_2297 : f32 to vector<8x128xf32>
      %broadcast_in_dim3A_2300 = vector.broadcast %jit3A_2298 : f32 to vector<8x128xf32>
      %select_n3A_2301 = arith.select %eq3A_2296, %broadcast_in_dim3A_2299, %broadcast_in_dim3A_2300 : vector<8x128xi1>, vector<8x128xf32>
      %add3A_2302 = arith.addf %add3A_2125, %select_n3A_2301 : vector<8x128xf32>
      %jit3A_2303 = arith.constant 0.000000e+00 : f32
      %broadcast_in_dim3A_2304 = vector.broadcast %jit3A_2303 : f32 to vector<8x128xf32>
      %select_n3A_2305 = arith.select %eq3A_2296, %select_n3A_2202, %broadcast_in_dim3A_2304 : vector<8x128xi1>, vector<8x128xf32>
      %add3A_2306 = arith.addf %add3A_2129, %select_n3A_2305 : vector<8x128xf32>
      %eq3A_2307 = arith.constant 7.000000e+00 : f32
      %eq3A_2308 = vector.broadcast %eq3A_2307 : f32 to vector<8x128xf32>
      %eq3A_2309 = arith.cmpf oeq, %select_n3A_2215, %eq3A_2308 : vector<8x128xf32>
      %jit3A_2310 = arith.constant 1.000000e+00 : f32
      %jit3A_2311 = arith.constant 0.000000e+00 : f32
      %broadcast_in_dim3A_2312 = vector.broadcast %jit3A_2310 : f32 to vector<8x128xf32>
      %broadcast_in_dim3A_2313 = vector.broadcast %jit3A_2311 : f32 to vector<8x128xf32>
      %select_n3A_2314 = arith.select %eq3A_2309, %broadcast_in_dim3A_2312, %broadcast_in_dim3A_2313 : vector<8x128xi1>, vector<8x128xf32>
      %add3A_2315 = arith.addf %add3A_2138, %select_n3A_2314 : vector<8x128xf32>
      %jit3A_2316 = arith.constant 0.000000e+00 : f32
      %broadcast_in_dim3A_2317 = vector.broadcast %jit3A_2316 : f32 to vector<8x128xf32>
      %select_n3A_2318 = arith.select %eq3A_2309, %select_n3A_2202, %broadcast_in_dim3A_2317 : vector<8x128xi1>, vector<8x128xf32>
      %add3A_2319 = arith.addf %add3A_2142, %select_n3A_2318 : vector<8x128xf32>
      %eq3A_2320 = arith.constant 8.000000e+00 : f32
      %eq3A_2321 = vector.broadcast %eq3A_2320 : f32 to vector<8x128xf32>
      %eq3A_2322 = arith.cmpf oeq, %select_n3A_2215, %eq3A_2321 : vector<8x128xf32>
      %jit3A_2323 = arith.constant 1.000000e+00 : f32
      %jit3A_2324 = arith.constant 0.000000e+00 : f32
      %broadcast_in_dim3A_2325 = vector.broadcast %jit3A_2323 : f32 to vector<8x128xf32>
      %broadcast_in_dim3A_2326 = vector.broadcast %jit3A_2324 : f32 to vector<8x128xf32>
      %select_n3A_2327 = arith.select %eq3A_2322, %broadcast_in_dim3A_2325, %broadcast_in_dim3A_2326 : vector<8x128xi1>, vector<8x128xf32>
      %add3A_2328 = arith.addf %add3A_2151, %select_n3A_2327 : vector<8x128xf32>
      %jit3A_2329 = arith.constant 0.000000e+00 : f32
      %broadcast_in_dim3A_2330 = vector.broadcast %jit3A_2329 : f32 to vector<8x128xf32>
      %select_n3A_2331 = arith.select %eq3A_2322, %select_n3A_2202, %broadcast_in_dim3A_2330 : vector<8x128xi1>, vector<8x128xf32>
      %add3A_2332 = arith.addf %add3A_2155, %select_n3A_2331 : vector<8x128xf32>
      %ge3A_2333 = arith.constant 9.000000e+00 : f32
      %ge3A_2334 = vector.broadcast %ge3A_2333 : f32 to vector<8x128xf32>
      %ge3A_2335 = arith.cmpf oge, %select_n3A_2215, %ge3A_2334 : vector<8x128xf32>
      %jit3A_2336 = arith.constant 1.000000e+00 : f32
      %jit3A_2337 = arith.constant 0.000000e+00 : f32
      %broadcast_in_dim3A_2338 = vector.broadcast %jit3A_2336 : f32 to vector<8x128xf32>
      %broadcast_in_dim3A_2339 = vector.broadcast %jit3A_2337 : f32 to vector<8x128xf32>
      %select_n3A_2340 = arith.select %ge3A_2335, %broadcast_in_dim3A_2338, %broadcast_in_dim3A_2339 : vector<8x128xi1>, vector<8x128xf32>
      %add3A_2341 = arith.addf %add3A_2164, %select_n3A_2340 : vector<8x128xf32>
      %jit3A_2342 = arith.constant 0.000000e+00 : f32
      %broadcast_in_dim3A_2343 = vector.broadcast %jit3A_2342 : f32 to vector<8x128xf32>
      %select_n3A_2344 = arith.select %ge3A_2335, %select_n3A_2202, %broadcast_in_dim3A_2343 : vector<8x128xi1>, vector<8x128xf32>
      %add3A_2345 = arith.addf %add3A_2168, %select_n3A_2344 : vector<8x128xf32>
      %ge3A_2346 = arith.constant 1.000000e+01 : f32
      %ge3A_2347 = vector.broadcast %ge3A_2346 : f32 to vector<8x128xf32>
      %ge3A_2348 = arith.cmpf oge, %select_n3A_2215, %ge3A_2347 : vector<8x128xf32>
      %jit3A_2349 = arith.constant 1.000000e+00 : f32
      %jit3A_2350 = arith.constant 0.000000e+00 : f32
      %broadcast_in_dim3A_2351 = vector.broadcast %jit3A_2349 : f32 to vector<8x128xf32>
      %broadcast_in_dim3A_2352 = vector.broadcast %jit3A_2350 : f32 to vector<8x128xf32>
      %select_n3A_2353 = arith.select %ge3A_2348, %broadcast_in_dim3A_2351, %broadcast_in_dim3A_2352 : vector<8x128xi1>, vector<8x128xf32>
      %add3A_2354 = arith.addf %add3A_2177, %select_n3A_2353 : vector<8x128xf32>
      %mul3A_2355 = arith.constant 16 : i32
      %mul3A_2356 = arith.muli %scan3A_219, %mul3A_2355 : i32
      %add3A_2357 = arith.constant 12 : i32
      %add3A_2358 = arith.addi %mul3A_2356, %add3A_2357 : i32
      %mul3A_2359 = arith.constant 8 : i32
      %mul3A_2360 = arith.muli %add3A_2358, %mul3A_2359 : i32
      %get3A_2361 = arith.index_cast %mul3A_2360 : i32 to index
      %get3A_2362 = arith.constant 0 : index
      %get3A_2363 = vector.load %arg1[%get3A_2361, %get3A_2362] : memref<4096x128xf32, #tpu.memory_space<vmem>>, vector<8x128xf32>
      %get3A_2364 = arith.index_cast %mul3A_2360 : i32 to index
      %get3A_2365 = arith.constant 0 : index
      %get3A_2366 = vector.load %arg2[%get3A_2364, %get3A_2365] : memref<4096x128xf32, #tpu.memory_space<vmem>>, vector<8x128xf32>
      %sub3A_2367 = arith.subf %get3A_2363, %get3A_2366 : vector<8x128xf32>
      %abs3A_2368 = math.absf %sub3A_2367 : vector<8x128xf32>
      %lt3A_2369 = arith.constant 2.000000e-02 : f32
      %lt3A_2370 = vector.broadcast %lt3A_2369 : f32 to vector<8x128xf32>
      %lt3A_2371 = arith.cmpf olt, %abs3A_2368, %lt3A_2370 : vector<8x128xf32>
      %mul3A_2372 = arith.constant 2.500000e+01 : f32
      %mul3A_2373 = vector.broadcast %mul3A_2372 : f32 to vector<8x128xf32>
      %mul3A_2374 = arith.mulf %mul3A_2373, %abs3A_2368 : vector<8x128xf32>
      %mul3A_2375 = arith.mulf %mul3A_2374, %abs3A_2368 : vector<8x128xf32>
      %sub3A_2376 = arith.constant 0.00999999977 : f32
      %sub3A_2377 = vector.broadcast %sub3A_2376 : f32 to vector<8x128xf32>
      %sub3A_2378 = arith.subf %abs3A_2368, %sub3A_2377 : vector<8x128xf32>
      %select_n3A_2379 = arith.select %lt3A_2371, %mul3A_2375, %sub3A_2378 : vector<8x128xi1>, vector<8x128xf32>
      %tanh3A_2380 = math.tanh %get3A_2363 : vector<8x128xf32>
      %tanh3A_2381 = math.tanh %get3A_2366 : vector<8x128xf32>
      %sub3A_2382 = arith.subf %tanh3A_2380, %tanh3A_2381 : vector<8x128xf32>
      %abs3A_2383 = math.absf %sub3A_2382 : vector<8x128xf32>
      %mul3A_2384 = arith.constant 1.000000e+01 : f32
      %mul3A_2385 = vector.broadcast %mul3A_2384 : f32 to vector<8x128xf32>
      %mul3A_2386 = arith.mulf %abs3A_2383, %mul3A_2385 : vector<8x128xf32>
      %lt3A_2387 = arith.constant 0.000000e+00 : f32
      %lt3A_2388 = vector.broadcast %lt3A_2387 : f32 to vector<8x128xf32>
      %lt3A_2389 = arith.cmpf olt, %mul3A_2386, %lt3A_2388 : vector<8x128xf32>
      %ceil3A_2390 = math.ceil %mul3A_2386 : vector<8x128xf32>
      %floor3A_2391 = math.floor %mul3A_2386 : vector<8x128xf32>
      %select_n3A_2392 = arith.select %lt3A_2389, %ceil3A_2390, %floor3A_2391 : vector<8x128xi1>, vector<8x128xf32>
      %eq3A_2393 = arith.constant 0.000000e+00 : f32
      %eq3A_2394 = vector.broadcast %eq3A_2393 : f32 to vector<8x128xf32>
      %eq3A_2395 = arith.cmpf oeq, %select_n3A_2392, %eq3A_2394 : vector<8x128xf32>
      %jit3A_2396 = arith.constant 1.000000e+00 : f32
      %jit3A_2397 = arith.constant 0.000000e+00 : f32
      %broadcast_in_dim3A_2398 = vector.broadcast %jit3A_2396 : f32 to vector<8x128xf32>
      %broadcast_in_dim3A_2399 = vector.broadcast %jit3A_2397 : f32 to vector<8x128xf32>
      %select_n3A_2400 = arith.select %eq3A_2395, %broadcast_in_dim3A_2398, %broadcast_in_dim3A_2399 : vector<8x128xi1>, vector<8x128xf32>
      %add3A_2401 = arith.addf %add3A_2224, %select_n3A_2400 : vector<8x128xf32>
      %jit3A_2402 = arith.constant 0.000000e+00 : f32
      %broadcast_in_dim3A_2403 = vector.broadcast %jit3A_2402 : f32 to vector<8x128xf32>
      %select_n3A_2404 = arith.select %eq3A_2395, %select_n3A_2379, %broadcast_in_dim3A_2403 : vector<8x128xi1>, vector<8x128xf32>
      %add3A_2405 = arith.addf %add3A_2228, %select_n3A_2404 : vector<8x128xf32>
      %eq3A_2406 = arith.constant 1.000000e+00 : f32
      %eq3A_2407 = vector.broadcast %eq3A_2406 : f32 to vector<8x128xf32>
      %eq3A_2408 = arith.cmpf oeq, %select_n3A_2392, %eq3A_2407 : vector<8x128xf32>
      %jit3A_2409 = arith.constant 1.000000e+00 : f32
      %jit3A_2410 = arith.constant 0.000000e+00 : f32
      %broadcast_in_dim3A_2411 = vector.broadcast %jit3A_2409 : f32 to vector<8x128xf32>
      %broadcast_in_dim3A_2412 = vector.broadcast %jit3A_2410 : f32 to vector<8x128xf32>
      %select_n3A_2413 = arith.select %eq3A_2408, %broadcast_in_dim3A_2411, %broadcast_in_dim3A_2412 : vector<8x128xi1>, vector<8x128xf32>
      %add3A_2414 = arith.addf %add3A_2237, %select_n3A_2413 : vector<8x128xf32>
      %jit3A_2415 = arith.constant 0.000000e+00 : f32
      %broadcast_in_dim3A_2416 = vector.broadcast %jit3A_2415 : f32 to vector<8x128xf32>
      %select_n3A_2417 = arith.select %eq3A_2408, %select_n3A_2379, %broadcast_in_dim3A_2416 : vector<8x128xi1>, vector<8x128xf32>
      %add3A_2418 = arith.addf %add3A_2241, %select_n3A_2417 : vector<8x128xf32>
      %eq3A_2419 = arith.constant 2.000000e+00 : f32
      %eq3A_2420 = vector.broadcast %eq3A_2419 : f32 to vector<8x128xf32>
      %eq3A_2421 = arith.cmpf oeq, %select_n3A_2392, %eq3A_2420 : vector<8x128xf32>
      %jit3A_2422 = arith.constant 1.000000e+00 : f32
      %jit3A_2423 = arith.constant 0.000000e+00 : f32
      %broadcast_in_dim3A_2424 = vector.broadcast %jit3A_2422 : f32 to vector<8x128xf32>
      %broadcast_in_dim3A_2425 = vector.broadcast %jit3A_2423 : f32 to vector<8x128xf32>
      %select_n3A_2426 = arith.select %eq3A_2421, %broadcast_in_dim3A_2424, %broadcast_in_dim3A_2425 : vector<8x128xi1>, vector<8x128xf32>
      %add3A_2427 = arith.addf %add3A_2250, %select_n3A_2426 : vector<8x128xf32>
      %jit3A_2428 = arith.constant 0.000000e+00 : f32
      %broadcast_in_dim3A_2429 = vector.broadcast %jit3A_2428 : f32 to vector<8x128xf32>
      %select_n3A_2430 = arith.select %eq3A_2421, %select_n3A_2379, %broadcast_in_dim3A_2429 : vector<8x128xi1>, vector<8x128xf32>
      %add3A_2431 = arith.addf %add3A_2254, %select_n3A_2430 : vector<8x128xf32>
      %eq3A_2432 = arith.constant 3.000000e+00 : f32
      %eq3A_2433 = vector.broadcast %eq3A_2432 : f32 to vector<8x128xf32>
      %eq3A_2434 = arith.cmpf oeq, %select_n3A_2392, %eq3A_2433 : vector<8x128xf32>
      %jit3A_2435 = arith.constant 1.000000e+00 : f32
      %jit3A_2436 = arith.constant 0.000000e+00 : f32
      %broadcast_in_dim3A_2437 = vector.broadcast %jit3A_2435 : f32 to vector<8x128xf32>
      %broadcast_in_dim3A_2438 = vector.broadcast %jit3A_2436 : f32 to vector<8x128xf32>
      %select_n3A_2439 = arith.select %eq3A_2434, %broadcast_in_dim3A_2437, %broadcast_in_dim3A_2438 : vector<8x128xi1>, vector<8x128xf32>
      %add3A_2440 = arith.addf %add3A_2263, %select_n3A_2439 : vector<8x128xf32>
      %jit3A_2441 = arith.constant 0.000000e+00 : f32
      %broadcast_in_dim3A_2442 = vector.broadcast %jit3A_2441 : f32 to vector<8x128xf32>
      %select_n3A_2443 = arith.select %eq3A_2434, %select_n3A_2379, %broadcast_in_dim3A_2442 : vector<8x128xi1>, vector<8x128xf32>
      %add3A_2444 = arith.addf %add3A_2267, %select_n3A_2443 : vector<8x128xf32>
      %eq3A_2445 = arith.constant 4.000000e+00 : f32
      %eq3A_2446 = vector.broadcast %eq3A_2445 : f32 to vector<8x128xf32>
      %eq3A_2447 = arith.cmpf oeq, %select_n3A_2392, %eq3A_2446 : vector<8x128xf32>
      %jit3A_2448 = arith.constant 1.000000e+00 : f32
      %jit3A_2449 = arith.constant 0.000000e+00 : f32
      %broadcast_in_dim3A_2450 = vector.broadcast %jit3A_2448 : f32 to vector<8x128xf32>
      %broadcast_in_dim3A_2451 = vector.broadcast %jit3A_2449 : f32 to vector<8x128xf32>
      %select_n3A_2452 = arith.select %eq3A_2447, %broadcast_in_dim3A_2450, %broadcast_in_dim3A_2451 : vector<8x128xi1>, vector<8x128xf32>
      %add3A_2453 = arith.addf %add3A_2276, %select_n3A_2452 : vector<8x128xf32>
      %jit3A_2454 = arith.constant 0.000000e+00 : f32
      %broadcast_in_dim3A_2455 = vector.broadcast %jit3A_2454 : f32 to vector<8x128xf32>
      %select_n3A_2456 = arith.select %eq3A_2447, %select_n3A_2379, %broadcast_in_dim3A_2455 : vector<8x128xi1>, vector<8x128xf32>
      %add3A_2457 = arith.addf %add3A_2280, %select_n3A_2456 : vector<8x128xf32>
      %eq3A_2458 = arith.constant 5.000000e+00 : f32
      %eq3A_2459 = vector.broadcast %eq3A_2458 : f32 to vector<8x128xf32>
      %eq3A_2460 = arith.cmpf oeq, %select_n3A_2392, %eq3A_2459 : vector<8x128xf32>
      %jit3A_2461 = arith.constant 1.000000e+00 : f32
      %jit3A_2462 = arith.constant 0.000000e+00 : f32
      %broadcast_in_dim3A_2463 = vector.broadcast %jit3A_2461 : f32 to vector<8x128xf32>
      %broadcast_in_dim3A_2464 = vector.broadcast %jit3A_2462 : f32 to vector<8x128xf32>
      %select_n3A_2465 = arith.select %eq3A_2460, %broadcast_in_dim3A_2463, %broadcast_in_dim3A_2464 : vector<8x128xi1>, vector<8x128xf32>
      %add3A_2466 = arith.addf %add3A_2289, %select_n3A_2465 : vector<8x128xf32>
      %jit3A_2467 = arith.constant 0.000000e+00 : f32
      %broadcast_in_dim3A_2468 = vector.broadcast %jit3A_2467 : f32 to vector<8x128xf32>
      %select_n3A_2469 = arith.select %eq3A_2460, %select_n3A_2379, %broadcast_in_dim3A_2468 : vector<8x128xi1>, vector<8x128xf32>
      %add3A_2470 = arith.addf %add3A_2293, %select_n3A_2469 : vector<8x128xf32>
      %eq3A_2471 = arith.constant 6.000000e+00 : f32
      %eq3A_2472 = vector.broadcast %eq3A_2471 : f32 to vector<8x128xf32>
      %eq3A_2473 = arith.cmpf oeq, %select_n3A_2392, %eq3A_2472 : vector<8x128xf32>
      %jit3A_2474 = arith.constant 1.000000e+00 : f32
      %jit3A_2475 = arith.constant 0.000000e+00 : f32
      %broadcast_in_dim3A_2476 = vector.broadcast %jit3A_2474 : f32 to vector<8x128xf32>
      %broadcast_in_dim3A_2477 = vector.broadcast %jit3A_2475 : f32 to vector<8x128xf32>
      %select_n3A_2478 = arith.select %eq3A_2473, %broadcast_in_dim3A_2476, %broadcast_in_dim3A_2477 : vector<8x128xi1>, vector<8x128xf32>
      %add3A_2479 = arith.addf %add3A_2302, %select_n3A_2478 : vector<8x128xf32>
      %jit3A_2480 = arith.constant 0.000000e+00 : f32
      %broadcast_in_dim3A_2481 = vector.broadcast %jit3A_2480 : f32 to vector<8x128xf32>
      %select_n3A_2482 = arith.select %eq3A_2473, %select_n3A_2379, %broadcast_in_dim3A_2481 : vector<8x128xi1>, vector<8x128xf32>
      %add3A_2483 = arith.addf %add3A_2306, %select_n3A_2482 : vector<8x128xf32>
      %eq3A_2484 = arith.constant 7.000000e+00 : f32
      %eq3A_2485 = vector.broadcast %eq3A_2484 : f32 to vector<8x128xf32>
      %eq3A_2486 = arith.cmpf oeq, %select_n3A_2392, %eq3A_2485 : vector<8x128xf32>
      %jit3A_2487 = arith.constant 1.000000e+00 : f32
      %jit3A_2488 = arith.constant 0.000000e+00 : f32
      %broadcast_in_dim3A_2489 = vector.broadcast %jit3A_2487 : f32 to vector<8x128xf32>
      %broadcast_in_dim3A_2490 = vector.broadcast %jit3A_2488 : f32 to vector<8x128xf32>
      %select_n3A_2491 = arith.select %eq3A_2486, %broadcast_in_dim3A_2489, %broadcast_in_dim3A_2490 : vector<8x128xi1>, vector<8x128xf32>
      %add3A_2492 = arith.addf %add3A_2315, %select_n3A_2491 : vector<8x128xf32>
      %jit3A_2493 = arith.constant 0.000000e+00 : f32
      %broadcast_in_dim3A_2494 = vector.broadcast %jit3A_2493 : f32 to vector<8x128xf32>
      %select_n3A_2495 = arith.select %eq3A_2486, %select_n3A_2379, %broadcast_in_dim3A_2494 : vector<8x128xi1>, vector<8x128xf32>
      %add3A_2496 = arith.addf %add3A_2319, %select_n3A_2495 : vector<8x128xf32>
      %eq3A_2497 = arith.constant 8.000000e+00 : f32
      %eq3A_2498 = vector.broadcast %eq3A_2497 : f32 to vector<8x128xf32>
      %eq3A_2499 = arith.cmpf oeq, %select_n3A_2392, %eq3A_2498 : vector<8x128xf32>
      %jit3A_2500 = arith.constant 1.000000e+00 : f32
      %jit3A_2501 = arith.constant 0.000000e+00 : f32
      %broadcast_in_dim3A_2502 = vector.broadcast %jit3A_2500 : f32 to vector<8x128xf32>
      %broadcast_in_dim3A_2503 = vector.broadcast %jit3A_2501 : f32 to vector<8x128xf32>
      %select_n3A_2504 = arith.select %eq3A_2499, %broadcast_in_dim3A_2502, %broadcast_in_dim3A_2503 : vector<8x128xi1>, vector<8x128xf32>
      %add3A_2505 = arith.addf %add3A_2328, %select_n3A_2504 : vector<8x128xf32>
      %jit3A_2506 = arith.constant 0.000000e+00 : f32
      %broadcast_in_dim3A_2507 = vector.broadcast %jit3A_2506 : f32 to vector<8x128xf32>
      %select_n3A_2508 = arith.select %eq3A_2499, %select_n3A_2379, %broadcast_in_dim3A_2507 : vector<8x128xi1>, vector<8x128xf32>
      %add3A_2509 = arith.addf %add3A_2332, %select_n3A_2508 : vector<8x128xf32>
      %ge3A_2510 = arith.constant 9.000000e+00 : f32
      %ge3A_2511 = vector.broadcast %ge3A_2510 : f32 to vector<8x128xf32>
      %ge3A_2512 = arith.cmpf oge, %select_n3A_2392, %ge3A_2511 : vector<8x128xf32>
      %jit3A_2513 = arith.constant 1.000000e+00 : f32
      %jit3A_2514 = arith.constant 0.000000e+00 : f32
      %broadcast_in_dim3A_2515 = vector.broadcast %jit3A_2513 : f32 to vector<8x128xf32>
      %broadcast_in_dim3A_2516 = vector.broadcast %jit3A_2514 : f32 to vector<8x128xf32>
      %select_n3A_2517 = arith.select %ge3A_2512, %broadcast_in_dim3A_2515, %broadcast_in_dim3A_2516 : vector<8x128xi1>, vector<8x128xf32>
      %add3A_2518 = arith.addf %add3A_2341, %select_n3A_2517 : vector<8x128xf32>
      %jit3A_2519 = arith.constant 0.000000e+00 : f32
      %broadcast_in_dim3A_2520 = vector.broadcast %jit3A_2519 : f32 to vector<8x128xf32>
      %select_n3A_2521 = arith.select %ge3A_2512, %select_n3A_2379, %broadcast_in_dim3A_2520 : vector<8x128xi1>, vector<8x128xf32>
      %add3A_2522 = arith.addf %add3A_2345, %select_n3A_2521 : vector<8x128xf32>
      %ge3A_2523 = arith.constant 1.000000e+01 : f32
      %ge3A_2524 = vector.broadcast %ge3A_2523 : f32 to vector<8x128xf32>
      %ge3A_2525 = arith.cmpf oge, %select_n3A_2392, %ge3A_2524 : vector<8x128xf32>
      %jit3A_2526 = arith.constant 1.000000e+00 : f32
      %jit3A_2527 = arith.constant 0.000000e+00 : f32
      %broadcast_in_dim3A_2528 = vector.broadcast %jit3A_2526 : f32 to vector<8x128xf32>
      %broadcast_in_dim3A_2529 = vector.broadcast %jit3A_2527 : f32 to vector<8x128xf32>
      %select_n3A_2530 = arith.select %ge3A_2525, %broadcast_in_dim3A_2528, %broadcast_in_dim3A_2529 : vector<8x128xi1>, vector<8x128xf32>
      %add3A_2531 = arith.addf %add3A_2354, %select_n3A_2530 : vector<8x128xf32>
      %mul3A_2532 = arith.constant 16 : i32
      %mul3A_2533 = arith.muli %scan3A_219, %mul3A_2532 : i32
      %add3A_2534 = arith.constant 13 : i32
      %add3A_2535 = arith.addi %mul3A_2533, %add3A_2534 : i32
      %mul3A_2536 = arith.constant 8 : i32
      %mul3A_2537 = arith.muli %add3A_2535, %mul3A_2536 : i32
      %get3A_2538 = arith.index_cast %mul3A_2537 : i32 to index
      %get3A_2539 = arith.constant 0 : index
      %get3A_2540 = vector.load %arg1[%get3A_2538, %get3A_2539] : memref<4096x128xf32, #tpu.memory_space<vmem>>, vector<8x128xf32>
      %get3A_2541 = arith.index_cast %mul3A_2537 : i32 to index
      %get3A_2542 = arith.constant 0 : index
      %get3A_2543 = vector.load %arg2[%get3A_2541, %get3A_2542] : memref<4096x128xf32, #tpu.memory_space<vmem>>, vector<8x128xf32>
      %sub3A_2544 = arith.subf %get3A_2540, %get3A_2543 : vector<8x128xf32>
      %abs3A_2545 = math.absf %sub3A_2544 : vector<8x128xf32>
      %lt3A_2546 = arith.constant 2.000000e-02 : f32
      %lt3A_2547 = vector.broadcast %lt3A_2546 : f32 to vector<8x128xf32>
      %lt3A_2548 = arith.cmpf olt, %abs3A_2545, %lt3A_2547 : vector<8x128xf32>
      %mul3A_2549 = arith.constant 2.500000e+01 : f32
      %mul3A_2550 = vector.broadcast %mul3A_2549 : f32 to vector<8x128xf32>
      %mul3A_2551 = arith.mulf %mul3A_2550, %abs3A_2545 : vector<8x128xf32>
      %mul3A_2552 = arith.mulf %mul3A_2551, %abs3A_2545 : vector<8x128xf32>
      %sub3A_2553 = arith.constant 0.00999999977 : f32
      %sub3A_2554 = vector.broadcast %sub3A_2553 : f32 to vector<8x128xf32>
      %sub3A_2555 = arith.subf %abs3A_2545, %sub3A_2554 : vector<8x128xf32>
      %select_n3A_2556 = arith.select %lt3A_2548, %mul3A_2552, %sub3A_2555 : vector<8x128xi1>, vector<8x128xf32>
      %tanh3A_2557 = math.tanh %get3A_2540 : vector<8x128xf32>
      %tanh3A_2558 = math.tanh %get3A_2543 : vector<8x128xf32>
      %sub3A_2559 = arith.subf %tanh3A_2557, %tanh3A_2558 : vector<8x128xf32>
      %abs3A_2560 = math.absf %sub3A_2559 : vector<8x128xf32>
      %mul3A_2561 = arith.constant 1.000000e+01 : f32
      %mul3A_2562 = vector.broadcast %mul3A_2561 : f32 to vector<8x128xf32>
      %mul3A_2563 = arith.mulf %abs3A_2560, %mul3A_2562 : vector<8x128xf32>
      %lt3A_2564 = arith.constant 0.000000e+00 : f32
      %lt3A_2565 = vector.broadcast %lt3A_2564 : f32 to vector<8x128xf32>
      %lt3A_2566 = arith.cmpf olt, %mul3A_2563, %lt3A_2565 : vector<8x128xf32>
      %ceil3A_2567 = math.ceil %mul3A_2563 : vector<8x128xf32>
      %floor3A_2568 = math.floor %mul3A_2563 : vector<8x128xf32>
      %select_n3A_2569 = arith.select %lt3A_2566, %ceil3A_2567, %floor3A_2568 : vector<8x128xi1>, vector<8x128xf32>
      %eq3A_2570 = arith.constant 0.000000e+00 : f32
      %eq3A_2571 = vector.broadcast %eq3A_2570 : f32 to vector<8x128xf32>
      %eq3A_2572 = arith.cmpf oeq, %select_n3A_2569, %eq3A_2571 : vector<8x128xf32>
      %jit3A_2573 = arith.constant 1.000000e+00 : f32
      %jit3A_2574 = arith.constant 0.000000e+00 : f32
      %broadcast_in_dim3A_2575 = vector.broadcast %jit3A_2573 : f32 to vector<8x128xf32>
      %broadcast_in_dim3A_2576 = vector.broadcast %jit3A_2574 : f32 to vector<8x128xf32>
      %select_n3A_2577 = arith.select %eq3A_2572, %broadcast_in_dim3A_2575, %broadcast_in_dim3A_2576 : vector<8x128xi1>, vector<8x128xf32>
      %add3A_2578 = arith.addf %add3A_2401, %select_n3A_2577 : vector<8x128xf32>
      %jit3A_2579 = arith.constant 0.000000e+00 : f32
      %broadcast_in_dim3A_2580 = vector.broadcast %jit3A_2579 : f32 to vector<8x128xf32>
      %select_n3A_2581 = arith.select %eq3A_2572, %select_n3A_2556, %broadcast_in_dim3A_2580 : vector<8x128xi1>, vector<8x128xf32>
      %add3A_2582 = arith.addf %add3A_2405, %select_n3A_2581 : vector<8x128xf32>
      %eq3A_2583 = arith.constant 1.000000e+00 : f32
      %eq3A_2584 = vector.broadcast %eq3A_2583 : f32 to vector<8x128xf32>
      %eq3A_2585 = arith.cmpf oeq, %select_n3A_2569, %eq3A_2584 : vector<8x128xf32>
      %jit3A_2586 = arith.constant 1.000000e+00 : f32
      %jit3A_2587 = arith.constant 0.000000e+00 : f32
      %broadcast_in_dim3A_2588 = vector.broadcast %jit3A_2586 : f32 to vector<8x128xf32>
      %broadcast_in_dim3A_2589 = vector.broadcast %jit3A_2587 : f32 to vector<8x128xf32>
      %select_n3A_2590 = arith.select %eq3A_2585, %broadcast_in_dim3A_2588, %broadcast_in_dim3A_2589 : vector<8x128xi1>, vector<8x128xf32>
      %add3A_2591 = arith.addf %add3A_2414, %select_n3A_2590 : vector<8x128xf32>
      %jit3A_2592 = arith.constant 0.000000e+00 : f32
      %broadcast_in_dim3A_2593 = vector.broadcast %jit3A_2592 : f32 to vector<8x128xf32>
      %select_n3A_2594 = arith.select %eq3A_2585, %select_n3A_2556, %broadcast_in_dim3A_2593 : vector<8x128xi1>, vector<8x128xf32>
      %add3A_2595 = arith.addf %add3A_2418, %select_n3A_2594 : vector<8x128xf32>
      %eq3A_2596 = arith.constant 2.000000e+00 : f32
      %eq3A_2597 = vector.broadcast %eq3A_2596 : f32 to vector<8x128xf32>
      %eq3A_2598 = arith.cmpf oeq, %select_n3A_2569, %eq3A_2597 : vector<8x128xf32>
      %jit3A_2599 = arith.constant 1.000000e+00 : f32
      %jit3A_2600 = arith.constant 0.000000e+00 : f32
      %broadcast_in_dim3A_2601 = vector.broadcast %jit3A_2599 : f32 to vector<8x128xf32>
      %broadcast_in_dim3A_2602 = vector.broadcast %jit3A_2600 : f32 to vector<8x128xf32>
      %select_n3A_2603 = arith.select %eq3A_2598, %broadcast_in_dim3A_2601, %broadcast_in_dim3A_2602 : vector<8x128xi1>, vector<8x128xf32>
      %add3A_2604 = arith.addf %add3A_2427, %select_n3A_2603 : vector<8x128xf32>
      %jit3A_2605 = arith.constant 0.000000e+00 : f32
      %broadcast_in_dim3A_2606 = vector.broadcast %jit3A_2605 : f32 to vector<8x128xf32>
      %select_n3A_2607 = arith.select %eq3A_2598, %select_n3A_2556, %broadcast_in_dim3A_2606 : vector<8x128xi1>, vector<8x128xf32>
      %add3A_2608 = arith.addf %add3A_2431, %select_n3A_2607 : vector<8x128xf32>
      %eq3A_2609 = arith.constant 3.000000e+00 : f32
      %eq3A_2610 = vector.broadcast %eq3A_2609 : f32 to vector<8x128xf32>
      %eq3A_2611 = arith.cmpf oeq, %select_n3A_2569, %eq3A_2610 : vector<8x128xf32>
      %jit3A_2612 = arith.constant 1.000000e+00 : f32
      %jit3A_2613 = arith.constant 0.000000e+00 : f32
      %broadcast_in_dim3A_2614 = vector.broadcast %jit3A_2612 : f32 to vector<8x128xf32>
      %broadcast_in_dim3A_2615 = vector.broadcast %jit3A_2613 : f32 to vector<8x128xf32>
      %select_n3A_2616 = arith.select %eq3A_2611, %broadcast_in_dim3A_2614, %broadcast_in_dim3A_2615 : vector<8x128xi1>, vector<8x128xf32>
      %add3A_2617 = arith.addf %add3A_2440, %select_n3A_2616 : vector<8x128xf32>
      %jit3A_2618 = arith.constant 0.000000e+00 : f32
      %broadcast_in_dim3A_2619 = vector.broadcast %jit3A_2618 : f32 to vector<8x128xf32>
      %select_n3A_2620 = arith.select %eq3A_2611, %select_n3A_2556, %broadcast_in_dim3A_2619 : vector<8x128xi1>, vector<8x128xf32>
      %add3A_2621 = arith.addf %add3A_2444, %select_n3A_2620 : vector<8x128xf32>
      %eq3A_2622 = arith.constant 4.000000e+00 : f32
      %eq3A_2623 = vector.broadcast %eq3A_2622 : f32 to vector<8x128xf32>
      %eq3A_2624 = arith.cmpf oeq, %select_n3A_2569, %eq3A_2623 : vector<8x128xf32>
      %jit3A_2625 = arith.constant 1.000000e+00 : f32
      %jit3A_2626 = arith.constant 0.000000e+00 : f32
      %broadcast_in_dim3A_2627 = vector.broadcast %jit3A_2625 : f32 to vector<8x128xf32>
      %broadcast_in_dim3A_2628 = vector.broadcast %jit3A_2626 : f32 to vector<8x128xf32>
      %select_n3A_2629 = arith.select %eq3A_2624, %broadcast_in_dim3A_2627, %broadcast_in_dim3A_2628 : vector<8x128xi1>, vector<8x128xf32>
      %add3A_2630 = arith.addf %add3A_2453, %select_n3A_2629 : vector<8x128xf32>
      %jit3A_2631 = arith.constant 0.000000e+00 : f32
      %broadcast_in_dim3A_2632 = vector.broadcast %jit3A_2631 : f32 to vector<8x128xf32>
      %select_n3A_2633 = arith.select %eq3A_2624, %select_n3A_2556, %broadcast_in_dim3A_2632 : vector<8x128xi1>, vector<8x128xf32>
      %add3A_2634 = arith.addf %add3A_2457, %select_n3A_2633 : vector<8x128xf32>
      %eq3A_2635 = arith.constant 5.000000e+00 : f32
      %eq3A_2636 = vector.broadcast %eq3A_2635 : f32 to vector<8x128xf32>
      %eq3A_2637 = arith.cmpf oeq, %select_n3A_2569, %eq3A_2636 : vector<8x128xf32>
      %jit3A_2638 = arith.constant 1.000000e+00 : f32
      %jit3A_2639 = arith.constant 0.000000e+00 : f32
      %broadcast_in_dim3A_2640 = vector.broadcast %jit3A_2638 : f32 to vector<8x128xf32>
      %broadcast_in_dim3A_2641 = vector.broadcast %jit3A_2639 : f32 to vector<8x128xf32>
      %select_n3A_2642 = arith.select %eq3A_2637, %broadcast_in_dim3A_2640, %broadcast_in_dim3A_2641 : vector<8x128xi1>, vector<8x128xf32>
      %add3A_2643 = arith.addf %add3A_2466, %select_n3A_2642 : vector<8x128xf32>
      %jit3A_2644 = arith.constant 0.000000e+00 : f32
      %broadcast_in_dim3A_2645 = vector.broadcast %jit3A_2644 : f32 to vector<8x128xf32>
      %select_n3A_2646 = arith.select %eq3A_2637, %select_n3A_2556, %broadcast_in_dim3A_2645 : vector<8x128xi1>, vector<8x128xf32>
      %add3A_2647 = arith.addf %add3A_2470, %select_n3A_2646 : vector<8x128xf32>
      %eq3A_2648 = arith.constant 6.000000e+00 : f32
      %eq3A_2649 = vector.broadcast %eq3A_2648 : f32 to vector<8x128xf32>
      %eq3A_2650 = arith.cmpf oeq, %select_n3A_2569, %eq3A_2649 : vector<8x128xf32>
      %jit3A_2651 = arith.constant 1.000000e+00 : f32
      %jit3A_2652 = arith.constant 0.000000e+00 : f32
      %broadcast_in_dim3A_2653 = vector.broadcast %jit3A_2651 : f32 to vector<8x128xf32>
      %broadcast_in_dim3A_2654 = vector.broadcast %jit3A_2652 : f32 to vector<8x128xf32>
      %select_n3A_2655 = arith.select %eq3A_2650, %broadcast_in_dim3A_2653, %broadcast_in_dim3A_2654 : vector<8x128xi1>, vector<8x128xf32>
      %add3A_2656 = arith.addf %add3A_2479, %select_n3A_2655 : vector<8x128xf32>
      %jit3A_2657 = arith.constant 0.000000e+00 : f32
      %broadcast_in_dim3A_2658 = vector.broadcast %jit3A_2657 : f32 to vector<8x128xf32>
      %select_n3A_2659 = arith.select %eq3A_2650, %select_n3A_2556, %broadcast_in_dim3A_2658 : vector<8x128xi1>, vector<8x128xf32>
      %add3A_2660 = arith.addf %add3A_2483, %select_n3A_2659 : vector<8x128xf32>
      %eq3A_2661 = arith.constant 7.000000e+00 : f32
      %eq3A_2662 = vector.broadcast %eq3A_2661 : f32 to vector<8x128xf32>
      %eq3A_2663 = arith.cmpf oeq, %select_n3A_2569, %eq3A_2662 : vector<8x128xf32>
      %jit3A_2664 = arith.constant 1.000000e+00 : f32
      %jit3A_2665 = arith.constant 0.000000e+00 : f32
      %broadcast_in_dim3A_2666 = vector.broadcast %jit3A_2664 : f32 to vector<8x128xf32>
      %broadcast_in_dim3A_2667 = vector.broadcast %jit3A_2665 : f32 to vector<8x128xf32>
      %select_n3A_2668 = arith.select %eq3A_2663, %broadcast_in_dim3A_2666, %broadcast_in_dim3A_2667 : vector<8x128xi1>, vector<8x128xf32>
      %add3A_2669 = arith.addf %add3A_2492, %select_n3A_2668 : vector<8x128xf32>
      %jit3A_2670 = arith.constant 0.000000e+00 : f32
      %broadcast_in_dim3A_2671 = vector.broadcast %jit3A_2670 : f32 to vector<8x128xf32>
      %select_n3A_2672 = arith.select %eq3A_2663, %select_n3A_2556, %broadcast_in_dim3A_2671 : vector<8x128xi1>, vector<8x128xf32>
      %add3A_2673 = arith.addf %add3A_2496, %select_n3A_2672 : vector<8x128xf32>
      %eq3A_2674 = arith.constant 8.000000e+00 : f32
      %eq3A_2675 = vector.broadcast %eq3A_2674 : f32 to vector<8x128xf32>
      %eq3A_2676 = arith.cmpf oeq, %select_n3A_2569, %eq3A_2675 : vector<8x128xf32>
      %jit3A_2677 = arith.constant 1.000000e+00 : f32
      %jit3A_2678 = arith.constant 0.000000e+00 : f32
      %broadcast_in_dim3A_2679 = vector.broadcast %jit3A_2677 : f32 to vector<8x128xf32>
      %broadcast_in_dim3A_2680 = vector.broadcast %jit3A_2678 : f32 to vector<8x128xf32>
      %select_n3A_2681 = arith.select %eq3A_2676, %broadcast_in_dim3A_2679, %broadcast_in_dim3A_2680 : vector<8x128xi1>, vector<8x128xf32>
      %add3A_2682 = arith.addf %add3A_2505, %select_n3A_2681 : vector<8x128xf32>
      %jit3A_2683 = arith.constant 0.000000e+00 : f32
      %broadcast_in_dim3A_2684 = vector.broadcast %jit3A_2683 : f32 to vector<8x128xf32>
      %select_n3A_2685 = arith.select %eq3A_2676, %select_n3A_2556, %broadcast_in_dim3A_2684 : vector<8x128xi1>, vector<8x128xf32>
      %add3A_2686 = arith.addf %add3A_2509, %select_n3A_2685 : vector<8x128xf32>
      %ge3A_2687 = arith.constant 9.000000e+00 : f32
      %ge3A_2688 = vector.broadcast %ge3A_2687 : f32 to vector<8x128xf32>
      %ge3A_2689 = arith.cmpf oge, %select_n3A_2569, %ge3A_2688 : vector<8x128xf32>
      %jit3A_2690 = arith.constant 1.000000e+00 : f32
      %jit3A_2691 = arith.constant 0.000000e+00 : f32
      %broadcast_in_dim3A_2692 = vector.broadcast %jit3A_2690 : f32 to vector<8x128xf32>
      %broadcast_in_dim3A_2693 = vector.broadcast %jit3A_2691 : f32 to vector<8x128xf32>
      %select_n3A_2694 = arith.select %ge3A_2689, %broadcast_in_dim3A_2692, %broadcast_in_dim3A_2693 : vector<8x128xi1>, vector<8x128xf32>
      %add3A_2695 = arith.addf %add3A_2518, %select_n3A_2694 : vector<8x128xf32>
      %jit3A_2696 = arith.constant 0.000000e+00 : f32
      %broadcast_in_dim3A_2697 = vector.broadcast %jit3A_2696 : f32 to vector<8x128xf32>
      %select_n3A_2698 = arith.select %ge3A_2689, %select_n3A_2556, %broadcast_in_dim3A_2697 : vector<8x128xi1>, vector<8x128xf32>
      %add3A_2699 = arith.addf %add3A_2522, %select_n3A_2698 : vector<8x128xf32>
      %ge3A_2700 = arith.constant 1.000000e+01 : f32
      %ge3A_2701 = vector.broadcast %ge3A_2700 : f32 to vector<8x128xf32>
      %ge3A_2702 = arith.cmpf oge, %select_n3A_2569, %ge3A_2701 : vector<8x128xf32>
      %jit3A_2703 = arith.constant 1.000000e+00 : f32
      %jit3A_2704 = arith.constant 0.000000e+00 : f32
      %broadcast_in_dim3A_2705 = vector.broadcast %jit3A_2703 : f32 to vector<8x128xf32>
      %broadcast_in_dim3A_2706 = vector.broadcast %jit3A_2704 : f32 to vector<8x128xf32>
      %select_n3A_2707 = arith.select %ge3A_2702, %broadcast_in_dim3A_2705, %broadcast_in_dim3A_2706 : vector<8x128xi1>, vector<8x128xf32>
      %add3A_2708 = arith.addf %add3A_2531, %select_n3A_2707 : vector<8x128xf32>
      %mul3A_2709 = arith.constant 16 : i32
      %mul3A_2710 = arith.muli %scan3A_219, %mul3A_2709 : i32
      %add3A_2711 = arith.constant 14 : i32
      %add3A_2712 = arith.addi %mul3A_2710, %add3A_2711 : i32
      %mul3A_2713 = arith.constant 8 : i32
      %mul3A_2714 = arith.muli %add3A_2712, %mul3A_2713 : i32
      %get3A_2715 = arith.index_cast %mul3A_2714 : i32 to index
      %get3A_2716 = arith.constant 0 : index
      %get3A_2717 = vector.load %arg1[%get3A_2715, %get3A_2716] : memref<4096x128xf32, #tpu.memory_space<vmem>>, vector<8x128xf32>
      %get3A_2718 = arith.index_cast %mul3A_2714 : i32 to index
      %get3A_2719 = arith.constant 0 : index
      %get3A_2720 = vector.load %arg2[%get3A_2718, %get3A_2719] : memref<4096x128xf32, #tpu.memory_space<vmem>>, vector<8x128xf32>
      %sub3A_2721 = arith.subf %get3A_2717, %get3A_2720 : vector<8x128xf32>
      %abs3A_2722 = math.absf %sub3A_2721 : vector<8x128xf32>
      %lt3A_2723 = arith.constant 2.000000e-02 : f32
      %lt3A_2724 = vector.broadcast %lt3A_2723 : f32 to vector<8x128xf32>
      %lt3A_2725 = arith.cmpf olt, %abs3A_2722, %lt3A_2724 : vector<8x128xf32>
      %mul3A_2726 = arith.constant 2.500000e+01 : f32
      %mul3A_2727 = vector.broadcast %mul3A_2726 : f32 to vector<8x128xf32>
      %mul3A_2728 = arith.mulf %mul3A_2727, %abs3A_2722 : vector<8x128xf32>
      %mul3A_2729 = arith.mulf %mul3A_2728, %abs3A_2722 : vector<8x128xf32>
      %sub3A_2730 = arith.constant 0.00999999977 : f32
      %sub3A_2731 = vector.broadcast %sub3A_2730 : f32 to vector<8x128xf32>
      %sub3A_2732 = arith.subf %abs3A_2722, %sub3A_2731 : vector<8x128xf32>
      %select_n3A_2733 = arith.select %lt3A_2725, %mul3A_2729, %sub3A_2732 : vector<8x128xi1>, vector<8x128xf32>
      %tanh3A_2734 = math.tanh %get3A_2717 : vector<8x128xf32>
      %tanh3A_2735 = math.tanh %get3A_2720 : vector<8x128xf32>
      %sub3A_2736 = arith.subf %tanh3A_2734, %tanh3A_2735 : vector<8x128xf32>
      %abs3A_2737 = math.absf %sub3A_2736 : vector<8x128xf32>
      %mul3A_2738 = arith.constant 1.000000e+01 : f32
      %mul3A_2739 = vector.broadcast %mul3A_2738 : f32 to vector<8x128xf32>
      %mul3A_2740 = arith.mulf %abs3A_2737, %mul3A_2739 : vector<8x128xf32>
      %lt3A_2741 = arith.constant 0.000000e+00 : f32
      %lt3A_2742 = vector.broadcast %lt3A_2741 : f32 to vector<8x128xf32>
      %lt3A_2743 = arith.cmpf olt, %mul3A_2740, %lt3A_2742 : vector<8x128xf32>
      %ceil3A_2744 = math.ceil %mul3A_2740 : vector<8x128xf32>
      %floor3A_2745 = math.floor %mul3A_2740 : vector<8x128xf32>
      %select_n3A_2746 = arith.select %lt3A_2743, %ceil3A_2744, %floor3A_2745 : vector<8x128xi1>, vector<8x128xf32>
      %eq3A_2747 = arith.constant 0.000000e+00 : f32
      %eq3A_2748 = vector.broadcast %eq3A_2747 : f32 to vector<8x128xf32>
      %eq3A_2749 = arith.cmpf oeq, %select_n3A_2746, %eq3A_2748 : vector<8x128xf32>
      %jit3A_2750 = arith.constant 1.000000e+00 : f32
      %jit3A_2751 = arith.constant 0.000000e+00 : f32
      %broadcast_in_dim3A_2752 = vector.broadcast %jit3A_2750 : f32 to vector<8x128xf32>
      %broadcast_in_dim3A_2753 = vector.broadcast %jit3A_2751 : f32 to vector<8x128xf32>
      %select_n3A_2754 = arith.select %eq3A_2749, %broadcast_in_dim3A_2752, %broadcast_in_dim3A_2753 : vector<8x128xi1>, vector<8x128xf32>
      %add3A_2755 = arith.addf %add3A_2578, %select_n3A_2754 : vector<8x128xf32>
      %jit3A_2756 = arith.constant 0.000000e+00 : f32
      %broadcast_in_dim3A_2757 = vector.broadcast %jit3A_2756 : f32 to vector<8x128xf32>
      %select_n3A_2758 = arith.select %eq3A_2749, %select_n3A_2733, %broadcast_in_dim3A_2757 : vector<8x128xi1>, vector<8x128xf32>
      %add3A_2759 = arith.addf %add3A_2582, %select_n3A_2758 : vector<8x128xf32>
      %eq3A_2760 = arith.constant 1.000000e+00 : f32
      %eq3A_2761 = vector.broadcast %eq3A_2760 : f32 to vector<8x128xf32>
      %eq3A_2762 = arith.cmpf oeq, %select_n3A_2746, %eq3A_2761 : vector<8x128xf32>
      %jit3A_2763 = arith.constant 1.000000e+00 : f32
      %jit3A_2764 = arith.constant 0.000000e+00 : f32
      %broadcast_in_dim3A_2765 = vector.broadcast %jit3A_2763 : f32 to vector<8x128xf32>
      %broadcast_in_dim3A_2766 = vector.broadcast %jit3A_2764 : f32 to vector<8x128xf32>
      %select_n3A_2767 = arith.select %eq3A_2762, %broadcast_in_dim3A_2765, %broadcast_in_dim3A_2766 : vector<8x128xi1>, vector<8x128xf32>
      %add3A_2768 = arith.addf %add3A_2591, %select_n3A_2767 : vector<8x128xf32>
      %jit3A_2769 = arith.constant 0.000000e+00 : f32
      %broadcast_in_dim3A_2770 = vector.broadcast %jit3A_2769 : f32 to vector<8x128xf32>
      %select_n3A_2771 = arith.select %eq3A_2762, %select_n3A_2733, %broadcast_in_dim3A_2770 : vector<8x128xi1>, vector<8x128xf32>
      %add3A_2772 = arith.addf %add3A_2595, %select_n3A_2771 : vector<8x128xf32>
      %eq3A_2773 = arith.constant 2.000000e+00 : f32
      %eq3A_2774 = vector.broadcast %eq3A_2773 : f32 to vector<8x128xf32>
      %eq3A_2775 = arith.cmpf oeq, %select_n3A_2746, %eq3A_2774 : vector<8x128xf32>
      %jit3A_2776 = arith.constant 1.000000e+00 : f32
      %jit3A_2777 = arith.constant 0.000000e+00 : f32
      %broadcast_in_dim3A_2778 = vector.broadcast %jit3A_2776 : f32 to vector<8x128xf32>
      %broadcast_in_dim3A_2779 = vector.broadcast %jit3A_2777 : f32 to vector<8x128xf32>
      %select_n3A_2780 = arith.select %eq3A_2775, %broadcast_in_dim3A_2778, %broadcast_in_dim3A_2779 : vector<8x128xi1>, vector<8x128xf32>
      %add3A_2781 = arith.addf %add3A_2604, %select_n3A_2780 : vector<8x128xf32>
      %jit3A_2782 = arith.constant 0.000000e+00 : f32
      %broadcast_in_dim3A_2783 = vector.broadcast %jit3A_2782 : f32 to vector<8x128xf32>
      %select_n3A_2784 = arith.select %eq3A_2775, %select_n3A_2733, %broadcast_in_dim3A_2783 : vector<8x128xi1>, vector<8x128xf32>
      %add3A_2785 = arith.addf %add3A_2608, %select_n3A_2784 : vector<8x128xf32>
      %eq3A_2786 = arith.constant 3.000000e+00 : f32
      %eq3A_2787 = vector.broadcast %eq3A_2786 : f32 to vector<8x128xf32>
      %eq3A_2788 = arith.cmpf oeq, %select_n3A_2746, %eq3A_2787 : vector<8x128xf32>
      %jit3A_2789 = arith.constant 1.000000e+00 : f32
      %jit3A_2790 = arith.constant 0.000000e+00 : f32
      %broadcast_in_dim3A_2791 = vector.broadcast %jit3A_2789 : f32 to vector<8x128xf32>
      %broadcast_in_dim3A_2792 = vector.broadcast %jit3A_2790 : f32 to vector<8x128xf32>
      %select_n3A_2793 = arith.select %eq3A_2788, %broadcast_in_dim3A_2791, %broadcast_in_dim3A_2792 : vector<8x128xi1>, vector<8x128xf32>
      %add3A_2794 = arith.addf %add3A_2617, %select_n3A_2793 : vector<8x128xf32>
      %jit3A_2795 = arith.constant 0.000000e+00 : f32
      %broadcast_in_dim3A_2796 = vector.broadcast %jit3A_2795 : f32 to vector<8x128xf32>
      %select_n3A_2797 = arith.select %eq3A_2788, %select_n3A_2733, %broadcast_in_dim3A_2796 : vector<8x128xi1>, vector<8x128xf32>
      %add3A_2798 = arith.addf %add3A_2621, %select_n3A_2797 : vector<8x128xf32>
      %eq3A_2799 = arith.constant 4.000000e+00 : f32
      %eq3A_2800 = vector.broadcast %eq3A_2799 : f32 to vector<8x128xf32>
      %eq3A_2801 = arith.cmpf oeq, %select_n3A_2746, %eq3A_2800 : vector<8x128xf32>
      %jit3A_2802 = arith.constant 1.000000e+00 : f32
      %jit3A_2803 = arith.constant 0.000000e+00 : f32
      %broadcast_in_dim3A_2804 = vector.broadcast %jit3A_2802 : f32 to vector<8x128xf32>
      %broadcast_in_dim3A_2805 = vector.broadcast %jit3A_2803 : f32 to vector<8x128xf32>
      %select_n3A_2806 = arith.select %eq3A_2801, %broadcast_in_dim3A_2804, %broadcast_in_dim3A_2805 : vector<8x128xi1>, vector<8x128xf32>
      %add3A_2807 = arith.addf %add3A_2630, %select_n3A_2806 : vector<8x128xf32>
      %jit3A_2808 = arith.constant 0.000000e+00 : f32
      %broadcast_in_dim3A_2809 = vector.broadcast %jit3A_2808 : f32 to vector<8x128xf32>
      %select_n3A_2810 = arith.select %eq3A_2801, %select_n3A_2733, %broadcast_in_dim3A_2809 : vector<8x128xi1>, vector<8x128xf32>
      %add3A_2811 = arith.addf %add3A_2634, %select_n3A_2810 : vector<8x128xf32>
      %eq3A_2812 = arith.constant 5.000000e+00 : f32
      %eq3A_2813 = vector.broadcast %eq3A_2812 : f32 to vector<8x128xf32>
      %eq3A_2814 = arith.cmpf oeq, %select_n3A_2746, %eq3A_2813 : vector<8x128xf32>
      %jit3A_2815 = arith.constant 1.000000e+00 : f32
      %jit3A_2816 = arith.constant 0.000000e+00 : f32
      %broadcast_in_dim3A_2817 = vector.broadcast %jit3A_2815 : f32 to vector<8x128xf32>
      %broadcast_in_dim3A_2818 = vector.broadcast %jit3A_2816 : f32 to vector<8x128xf32>
      %select_n3A_2819 = arith.select %eq3A_2814, %broadcast_in_dim3A_2817, %broadcast_in_dim3A_2818 : vector<8x128xi1>, vector<8x128xf32>
      %add3A_2820 = arith.addf %add3A_2643, %select_n3A_2819 : vector<8x128xf32>
      %jit3A_2821 = arith.constant 0.000000e+00 : f32
      %broadcast_in_dim3A_2822 = vector.broadcast %jit3A_2821 : f32 to vector<8x128xf32>
      %select_n3A_2823 = arith.select %eq3A_2814, %select_n3A_2733, %broadcast_in_dim3A_2822 : vector<8x128xi1>, vector<8x128xf32>
      %add3A_2824 = arith.addf %add3A_2647, %select_n3A_2823 : vector<8x128xf32>
      %eq3A_2825 = arith.constant 6.000000e+00 : f32
      %eq3A_2826 = vector.broadcast %eq3A_2825 : f32 to vector<8x128xf32>
      %eq3A_2827 = arith.cmpf oeq, %select_n3A_2746, %eq3A_2826 : vector<8x128xf32>
      %jit3A_2828 = arith.constant 1.000000e+00 : f32
      %jit3A_2829 = arith.constant 0.000000e+00 : f32
      %broadcast_in_dim3A_2830 = vector.broadcast %jit3A_2828 : f32 to vector<8x128xf32>
      %broadcast_in_dim3A_2831 = vector.broadcast %jit3A_2829 : f32 to vector<8x128xf32>
      %select_n3A_2832 = arith.select %eq3A_2827, %broadcast_in_dim3A_2830, %broadcast_in_dim3A_2831 : vector<8x128xi1>, vector<8x128xf32>
      %add3A_2833 = arith.addf %add3A_2656, %select_n3A_2832 : vector<8x128xf32>
      %jit3A_2834 = arith.constant 0.000000e+00 : f32
      %broadcast_in_dim3A_2835 = vector.broadcast %jit3A_2834 : f32 to vector<8x128xf32>
      %select_n3A_2836 = arith.select %eq3A_2827, %select_n3A_2733, %broadcast_in_dim3A_2835 : vector<8x128xi1>, vector<8x128xf32>
      %add3A_2837 = arith.addf %add3A_2660, %select_n3A_2836 : vector<8x128xf32>
      %eq3A_2838 = arith.constant 7.000000e+00 : f32
      %eq3A_2839 = vector.broadcast %eq3A_2838 : f32 to vector<8x128xf32>
      %eq3A_2840 = arith.cmpf oeq, %select_n3A_2746, %eq3A_2839 : vector<8x128xf32>
      %jit3A_2841 = arith.constant 1.000000e+00 : f32
      %jit3A_2842 = arith.constant 0.000000e+00 : f32
      %broadcast_in_dim3A_2843 = vector.broadcast %jit3A_2841 : f32 to vector<8x128xf32>
      %broadcast_in_dim3A_2844 = vector.broadcast %jit3A_2842 : f32 to vector<8x128xf32>
      %select_n3A_2845 = arith.select %eq3A_2840, %broadcast_in_dim3A_2843, %broadcast_in_dim3A_2844 : vector<8x128xi1>, vector<8x128xf32>
      %add3A_2846 = arith.addf %add3A_2669, %select_n3A_2845 : vector<8x128xf32>
      %jit3A_2847 = arith.constant 0.000000e+00 : f32
      %broadcast_in_dim3A_2848 = vector.broadcast %jit3A_2847 : f32 to vector<8x128xf32>
      %select_n3A_2849 = arith.select %eq3A_2840, %select_n3A_2733, %broadcast_in_dim3A_2848 : vector<8x128xi1>, vector<8x128xf32>
      %add3A_2850 = arith.addf %add3A_2673, %select_n3A_2849 : vector<8x128xf32>
      %eq3A_2851 = arith.constant 8.000000e+00 : f32
      %eq3A_2852 = vector.broadcast %eq3A_2851 : f32 to vector<8x128xf32>
      %eq3A_2853 = arith.cmpf oeq, %select_n3A_2746, %eq3A_2852 : vector<8x128xf32>
      %jit3A_2854 = arith.constant 1.000000e+00 : f32
      %jit3A_2855 = arith.constant 0.000000e+00 : f32
      %broadcast_in_dim3A_2856 = vector.broadcast %jit3A_2854 : f32 to vector<8x128xf32>
      %broadcast_in_dim3A_2857 = vector.broadcast %jit3A_2855 : f32 to vector<8x128xf32>
      %select_n3A_2858 = arith.select %eq3A_2853, %broadcast_in_dim3A_2856, %broadcast_in_dim3A_2857 : vector<8x128xi1>, vector<8x128xf32>
      %add3A_2859 = arith.addf %add3A_2682, %select_n3A_2858 : vector<8x128xf32>
      %jit3A_2860 = arith.constant 0.000000e+00 : f32
      %broadcast_in_dim3A_2861 = vector.broadcast %jit3A_2860 : f32 to vector<8x128xf32>
      %select_n3A_2862 = arith.select %eq3A_2853, %select_n3A_2733, %broadcast_in_dim3A_2861 : vector<8x128xi1>, vector<8x128xf32>
      %add3A_2863 = arith.addf %add3A_2686, %select_n3A_2862 : vector<8x128xf32>
      %ge3A_2864 = arith.constant 9.000000e+00 : f32
      %ge3A_2865 = vector.broadcast %ge3A_2864 : f32 to vector<8x128xf32>
      %ge3A_2866 = arith.cmpf oge, %select_n3A_2746, %ge3A_2865 : vector<8x128xf32>
      %jit3A_2867 = arith.constant 1.000000e+00 : f32
      %jit3A_2868 = arith.constant 0.000000e+00 : f32
      %broadcast_in_dim3A_2869 = vector.broadcast %jit3A_2867 : f32 to vector<8x128xf32>
      %broadcast_in_dim3A_2870 = vector.broadcast %jit3A_2868 : f32 to vector<8x128xf32>
      %select_n3A_2871 = arith.select %ge3A_2866, %broadcast_in_dim3A_2869, %broadcast_in_dim3A_2870 : vector<8x128xi1>, vector<8x128xf32>
      %add3A_2872 = arith.addf %add3A_2695, %select_n3A_2871 : vector<8x128xf32>
      %jit3A_2873 = arith.constant 0.000000e+00 : f32
      %broadcast_in_dim3A_2874 = vector.broadcast %jit3A_2873 : f32 to vector<8x128xf32>
      %select_n3A_2875 = arith.select %ge3A_2866, %select_n3A_2733, %broadcast_in_dim3A_2874 : vector<8x128xi1>, vector<8x128xf32>
      %add3A_2876 = arith.addf %add3A_2699, %select_n3A_2875 : vector<8x128xf32>
      %ge3A_2877 = arith.constant 1.000000e+01 : f32
      %ge3A_2878 = vector.broadcast %ge3A_2877 : f32 to vector<8x128xf32>
      %ge3A_2879 = arith.cmpf oge, %select_n3A_2746, %ge3A_2878 : vector<8x128xf32>
      %jit3A_2880 = arith.constant 1.000000e+00 : f32
      %jit3A_2881 = arith.constant 0.000000e+00 : f32
      %broadcast_in_dim3A_2882 = vector.broadcast %jit3A_2880 : f32 to vector<8x128xf32>
      %broadcast_in_dim3A_2883 = vector.broadcast %jit3A_2881 : f32 to vector<8x128xf32>
      %select_n3A_2884 = arith.select %ge3A_2879, %broadcast_in_dim3A_2882, %broadcast_in_dim3A_2883 : vector<8x128xi1>, vector<8x128xf32>
      %add3A_2885 = arith.addf %add3A_2708, %select_n3A_2884 : vector<8x128xf32>
      %mul3A_2886 = arith.constant 16 : i32
      %mul3A_2887 = arith.muli %scan3A_219, %mul3A_2886 : i32
      %add3A_2888 = arith.constant 15 : i32
      %add3A_2889 = arith.addi %mul3A_2887, %add3A_2888 : i32
      %mul3A_2890 = arith.constant 8 : i32
      %mul3A_2891 = arith.muli %add3A_2889, %mul3A_2890 : i32
      %get3A_2892 = arith.index_cast %mul3A_2891 : i32 to index
      %get3A_2893 = arith.constant 0 : index
      %get3A_2894 = vector.load %arg1[%get3A_2892, %get3A_2893] : memref<4096x128xf32, #tpu.memory_space<vmem>>, vector<8x128xf32>
      %get3A_2895 = arith.index_cast %mul3A_2891 : i32 to index
      %get3A_2896 = arith.constant 0 : index
      %get3A_2897 = vector.load %arg2[%get3A_2895, %get3A_2896] : memref<4096x128xf32, #tpu.memory_space<vmem>>, vector<8x128xf32>
      %sub3A_2898 = arith.subf %get3A_2894, %get3A_2897 : vector<8x128xf32>
      %abs3A_2899 = math.absf %sub3A_2898 : vector<8x128xf32>
      %lt3A_2900 = arith.constant 2.000000e-02 : f32
      %lt3A_2901 = vector.broadcast %lt3A_2900 : f32 to vector<8x128xf32>
      %lt3A_2902 = arith.cmpf olt, %abs3A_2899, %lt3A_2901 : vector<8x128xf32>
      %mul3A_2903 = arith.constant 2.500000e+01 : f32
      %mul3A_2904 = vector.broadcast %mul3A_2903 : f32 to vector<8x128xf32>
      %mul3A_2905 = arith.mulf %mul3A_2904, %abs3A_2899 : vector<8x128xf32>
      %mul3A_2906 = arith.mulf %mul3A_2905, %abs3A_2899 : vector<8x128xf32>
      %sub3A_2907 = arith.constant 0.00999999977 : f32
      %sub3A_2908 = vector.broadcast %sub3A_2907 : f32 to vector<8x128xf32>
      %sub3A_2909 = arith.subf %abs3A_2899, %sub3A_2908 : vector<8x128xf32>
      %select_n3A_2910 = arith.select %lt3A_2902, %mul3A_2906, %sub3A_2909 : vector<8x128xi1>, vector<8x128xf32>
      %tanh3A_2911 = math.tanh %get3A_2894 : vector<8x128xf32>
      %tanh3A_2912 = math.tanh %get3A_2897 : vector<8x128xf32>
      %sub3A_2913 = arith.subf %tanh3A_2911, %tanh3A_2912 : vector<8x128xf32>
      %abs3A_2914 = math.absf %sub3A_2913 : vector<8x128xf32>
      %mul3A_2915 = arith.constant 1.000000e+01 : f32
      %mul3A_2916 = vector.broadcast %mul3A_2915 : f32 to vector<8x128xf32>
      %mul3A_2917 = arith.mulf %abs3A_2914, %mul3A_2916 : vector<8x128xf32>
      %lt3A_2918 = arith.constant 0.000000e+00 : f32
      %lt3A_2919 = vector.broadcast %lt3A_2918 : f32 to vector<8x128xf32>
      %lt3A_2920 = arith.cmpf olt, %mul3A_2917, %lt3A_2919 : vector<8x128xf32>
      %ceil3A_2921 = math.ceil %mul3A_2917 : vector<8x128xf32>
      %floor3A_2922 = math.floor %mul3A_2917 : vector<8x128xf32>
      %select_n3A_2923 = arith.select %lt3A_2920, %ceil3A_2921, %floor3A_2922 : vector<8x128xi1>, vector<8x128xf32>
      %eq3A_2924 = arith.constant 0.000000e+00 : f32
      %eq3A_2925 = vector.broadcast %eq3A_2924 : f32 to vector<8x128xf32>
      %eq3A_2926 = arith.cmpf oeq, %select_n3A_2923, %eq3A_2925 : vector<8x128xf32>
      %jit3A_2927 = arith.constant 1.000000e+00 : f32
      %jit3A_2928 = arith.constant 0.000000e+00 : f32
      %broadcast_in_dim3A_2929 = vector.broadcast %jit3A_2927 : f32 to vector<8x128xf32>
      %broadcast_in_dim3A_2930 = vector.broadcast %jit3A_2928 : f32 to vector<8x128xf32>
      %select_n3A_2931 = arith.select %eq3A_2926, %broadcast_in_dim3A_2929, %broadcast_in_dim3A_2930 : vector<8x128xi1>, vector<8x128xf32>
      %add3A_2932 = arith.addf %add3A_2755, %select_n3A_2931 : vector<8x128xf32>
      %jit3A_2933 = arith.constant 0.000000e+00 : f32
      %broadcast_in_dim3A_2934 = vector.broadcast %jit3A_2933 : f32 to vector<8x128xf32>
      %select_n3A_2935 = arith.select %eq3A_2926, %select_n3A_2910, %broadcast_in_dim3A_2934 : vector<8x128xi1>, vector<8x128xf32>
      %add3A_2936 = arith.addf %add3A_2759, %select_n3A_2935 : vector<8x128xf32>
      %eq3A_2937 = arith.constant 1.000000e+00 : f32
      %eq3A_2938 = vector.broadcast %eq3A_2937 : f32 to vector<8x128xf32>
      %eq3A_2939 = arith.cmpf oeq, %select_n3A_2923, %eq3A_2938 : vector<8x128xf32>
      %jit3A_2940 = arith.constant 1.000000e+00 : f32
      %jit3A_2941 = arith.constant 0.000000e+00 : f32
      %broadcast_in_dim3A_2942 = vector.broadcast %jit3A_2940 : f32 to vector<8x128xf32>
      %broadcast_in_dim3A_2943 = vector.broadcast %jit3A_2941 : f32 to vector<8x128xf32>
      %select_n3A_2944 = arith.select %eq3A_2939, %broadcast_in_dim3A_2942, %broadcast_in_dim3A_2943 : vector<8x128xi1>, vector<8x128xf32>
      %add3A_2945 = arith.addf %add3A_2768, %select_n3A_2944 : vector<8x128xf32>
      %jit3A_2946 = arith.constant 0.000000e+00 : f32
      %broadcast_in_dim3A_2947 = vector.broadcast %jit3A_2946 : f32 to vector<8x128xf32>
      %select_n3A_2948 = arith.select %eq3A_2939, %select_n3A_2910, %broadcast_in_dim3A_2947 : vector<8x128xi1>, vector<8x128xf32>
      %add3A_2949 = arith.addf %add3A_2772, %select_n3A_2948 : vector<8x128xf32>
      %eq3A_2950 = arith.constant 2.000000e+00 : f32
      %eq3A_2951 = vector.broadcast %eq3A_2950 : f32 to vector<8x128xf32>
      %eq3A_2952 = arith.cmpf oeq, %select_n3A_2923, %eq3A_2951 : vector<8x128xf32>
      %jit3A_2953 = arith.constant 1.000000e+00 : f32
      %jit3A_2954 = arith.constant 0.000000e+00 : f32
      %broadcast_in_dim3A_2955 = vector.broadcast %jit3A_2953 : f32 to vector<8x128xf32>
      %broadcast_in_dim3A_2956 = vector.broadcast %jit3A_2954 : f32 to vector<8x128xf32>
      %select_n3A_2957 = arith.select %eq3A_2952, %broadcast_in_dim3A_2955, %broadcast_in_dim3A_2956 : vector<8x128xi1>, vector<8x128xf32>
      %add3A_2958 = arith.addf %add3A_2781, %select_n3A_2957 : vector<8x128xf32>
      %jit3A_2959 = arith.constant 0.000000e+00 : f32
      %broadcast_in_dim3A_2960 = vector.broadcast %jit3A_2959 : f32 to vector<8x128xf32>
      %select_n3A_2961 = arith.select %eq3A_2952, %select_n3A_2910, %broadcast_in_dim3A_2960 : vector<8x128xi1>, vector<8x128xf32>
      %add3A_2962 = arith.addf %add3A_2785, %select_n3A_2961 : vector<8x128xf32>
      %eq3A_2963 = arith.constant 3.000000e+00 : f32
      %eq3A_2964 = vector.broadcast %eq3A_2963 : f32 to vector<8x128xf32>
      %eq3A_2965 = arith.cmpf oeq, %select_n3A_2923, %eq3A_2964 : vector<8x128xf32>
      %jit3A_2966 = arith.constant 1.000000e+00 : f32
      %jit3A_2967 = arith.constant 0.000000e+00 : f32
      %broadcast_in_dim3A_2968 = vector.broadcast %jit3A_2966 : f32 to vector<8x128xf32>
      %broadcast_in_dim3A_2969 = vector.broadcast %jit3A_2967 : f32 to vector<8x128xf32>
      %select_n3A_2970 = arith.select %eq3A_2965, %broadcast_in_dim3A_2968, %broadcast_in_dim3A_2969 : vector<8x128xi1>, vector<8x128xf32>
      %add3A_2971 = arith.addf %add3A_2794, %select_n3A_2970 : vector<8x128xf32>
      %jit3A_2972 = arith.constant 0.000000e+00 : f32
      %broadcast_in_dim3A_2973 = vector.broadcast %jit3A_2972 : f32 to vector<8x128xf32>
      %select_n3A_2974 = arith.select %eq3A_2965, %select_n3A_2910, %broadcast_in_dim3A_2973 : vector<8x128xi1>, vector<8x128xf32>
      %add3A_2975 = arith.addf %add3A_2798, %select_n3A_2974 : vector<8x128xf32>
      %eq3A_2976 = arith.constant 4.000000e+00 : f32
      %eq3A_2977 = vector.broadcast %eq3A_2976 : f32 to vector<8x128xf32>
      %eq3A_2978 = arith.cmpf oeq, %select_n3A_2923, %eq3A_2977 : vector<8x128xf32>
      %jit3A_2979 = arith.constant 1.000000e+00 : f32
      %jit3A_2980 = arith.constant 0.000000e+00 : f32
      %broadcast_in_dim3A_2981 = vector.broadcast %jit3A_2979 : f32 to vector<8x128xf32>
      %broadcast_in_dim3A_2982 = vector.broadcast %jit3A_2980 : f32 to vector<8x128xf32>
      %select_n3A_2983 = arith.select %eq3A_2978, %broadcast_in_dim3A_2981, %broadcast_in_dim3A_2982 : vector<8x128xi1>, vector<8x128xf32>
      %add3A_2984 = arith.addf %add3A_2807, %select_n3A_2983 : vector<8x128xf32>
      %jit3A_2985 = arith.constant 0.000000e+00 : f32
      %broadcast_in_dim3A_2986 = vector.broadcast %jit3A_2985 : f32 to vector<8x128xf32>
      %select_n3A_2987 = arith.select %eq3A_2978, %select_n3A_2910, %broadcast_in_dim3A_2986 : vector<8x128xi1>, vector<8x128xf32>
      %add3A_2988 = arith.addf %add3A_2811, %select_n3A_2987 : vector<8x128xf32>
      %eq3A_2989 = arith.constant 5.000000e+00 : f32
      %eq3A_2990 = vector.broadcast %eq3A_2989 : f32 to vector<8x128xf32>
      %eq3A_2991 = arith.cmpf oeq, %select_n3A_2923, %eq3A_2990 : vector<8x128xf32>
      %jit3A_2992 = arith.constant 1.000000e+00 : f32
      %jit3A_2993 = arith.constant 0.000000e+00 : f32
      %broadcast_in_dim3A_2994 = vector.broadcast %jit3A_2992 : f32 to vector<8x128xf32>
      %broadcast_in_dim3A_2995 = vector.broadcast %jit3A_2993 : f32 to vector<8x128xf32>
      %select_n3A_2996 = arith.select %eq3A_2991, %broadcast_in_dim3A_2994, %broadcast_in_dim3A_2995 : vector<8x128xi1>, vector<8x128xf32>
      %add3A_2997 = arith.addf %add3A_2820, %select_n3A_2996 : vector<8x128xf32>
      %jit3A_2998 = arith.constant 0.000000e+00 : f32
      %broadcast_in_dim3A_2999 = vector.broadcast %jit3A_2998 : f32 to vector<8x128xf32>
      %select_n3A_3000 = arith.select %eq3A_2991, %select_n3A_2910, %broadcast_in_dim3A_2999 : vector<8x128xi1>, vector<8x128xf32>
      %add3A_3001 = arith.addf %add3A_2824, %select_n3A_3000 : vector<8x128xf32>
      %eq3A_3002 = arith.constant 6.000000e+00 : f32
      %eq3A_3003 = vector.broadcast %eq3A_3002 : f32 to vector<8x128xf32>
      %eq3A_3004 = arith.cmpf oeq, %select_n3A_2923, %eq3A_3003 : vector<8x128xf32>
      %jit3A_3005 = arith.constant 1.000000e+00 : f32
      %jit3A_3006 = arith.constant 0.000000e+00 : f32
      %broadcast_in_dim3A_3007 = vector.broadcast %jit3A_3005 : f32 to vector<8x128xf32>
      %broadcast_in_dim3A_3008 = vector.broadcast %jit3A_3006 : f32 to vector<8x128xf32>
      %select_n3A_3009 = arith.select %eq3A_3004, %broadcast_in_dim3A_3007, %broadcast_in_dim3A_3008 : vector<8x128xi1>, vector<8x128xf32>
      %add3A_3010 = arith.addf %add3A_2833, %select_n3A_3009 : vector<8x128xf32>
      %jit3A_3011 = arith.constant 0.000000e+00 : f32
      %broadcast_in_dim3A_3012 = vector.broadcast %jit3A_3011 : f32 to vector<8x128xf32>
      %select_n3A_3013 = arith.select %eq3A_3004, %select_n3A_2910, %broadcast_in_dim3A_3012 : vector<8x128xi1>, vector<8x128xf32>
      %add3A_3014 = arith.addf %add3A_2837, %select_n3A_3013 : vector<8x128xf32>
      %eq3A_3015 = arith.constant 7.000000e+00 : f32
      %eq3A_3016 = vector.broadcast %eq3A_3015 : f32 to vector<8x128xf32>
      %eq3A_3017 = arith.cmpf oeq, %select_n3A_2923, %eq3A_3016 : vector<8x128xf32>
      %jit3A_3018 = arith.constant 1.000000e+00 : f32
      %jit3A_3019 = arith.constant 0.000000e+00 : f32
      %broadcast_in_dim3A_3020 = vector.broadcast %jit3A_3018 : f32 to vector<8x128xf32>
      %broadcast_in_dim3A_3021 = vector.broadcast %jit3A_3019 : f32 to vector<8x128xf32>
      %select_n3A_3022 = arith.select %eq3A_3017, %broadcast_in_dim3A_3020, %broadcast_in_dim3A_3021 : vector<8x128xi1>, vector<8x128xf32>
      %add3A_3023 = arith.addf %add3A_2846, %select_n3A_3022 : vector<8x128xf32>
      %jit3A_3024 = arith.constant 0.000000e+00 : f32
      %broadcast_in_dim3A_3025 = vector.broadcast %jit3A_3024 : f32 to vector<8x128xf32>
      %select_n3A_3026 = arith.select %eq3A_3017, %select_n3A_2910, %broadcast_in_dim3A_3025 : vector<8x128xi1>, vector<8x128xf32>
      %add3A_3027 = arith.addf %add3A_2850, %select_n3A_3026 : vector<8x128xf32>
      %eq3A_3028 = arith.constant 8.000000e+00 : f32
      %eq3A_3029 = vector.broadcast %eq3A_3028 : f32 to vector<8x128xf32>
      %eq3A_3030 = arith.cmpf oeq, %select_n3A_2923, %eq3A_3029 : vector<8x128xf32>
      %jit3A_3031 = arith.constant 1.000000e+00 : f32
      %jit3A_3032 = arith.constant 0.000000e+00 : f32
      %broadcast_in_dim3A_3033 = vector.broadcast %jit3A_3031 : f32 to vector<8x128xf32>
      %broadcast_in_dim3A_3034 = vector.broadcast %jit3A_3032 : f32 to vector<8x128xf32>
      %select_n3A_3035 = arith.select %eq3A_3030, %broadcast_in_dim3A_3033, %broadcast_in_dim3A_3034 : vector<8x128xi1>, vector<8x128xf32>
      %add3A_3036 = arith.addf %add3A_2859, %select_n3A_3035 : vector<8x128xf32>
      %jit3A_3037 = arith.constant 0.000000e+00 : f32
      %broadcast_in_dim3A_3038 = vector.broadcast %jit3A_3037 : f32 to vector<8x128xf32>
      %select_n3A_3039 = arith.select %eq3A_3030, %select_n3A_2910, %broadcast_in_dim3A_3038 : vector<8x128xi1>, vector<8x128xf32>
      %add3A_3040 = arith.addf %add3A_2863, %select_n3A_3039 : vector<8x128xf32>
      %ge3A_3041 = arith.constant 9.000000e+00 : f32
      %ge3A_3042 = vector.broadcast %ge3A_3041 : f32 to vector<8x128xf32>
      %ge3A_3043 = arith.cmpf oge, %select_n3A_2923, %ge3A_3042 : vector<8x128xf32>
      %jit3A_3044 = arith.constant 1.000000e+00 : f32
      %jit3A_3045 = arith.constant 0.000000e+00 : f32
      %broadcast_in_dim3A_3046 = vector.broadcast %jit3A_3044 : f32 to vector<8x128xf32>
      %broadcast_in_dim3A_3047 = vector.broadcast %jit3A_3045 : f32 to vector<8x128xf32>
      %select_n3A_3048 = arith.select %ge3A_3043, %broadcast_in_dim3A_3046, %broadcast_in_dim3A_3047 : vector<8x128xi1>, vector<8x128xf32>
      %add3A_3049 = arith.addf %add3A_2872, %select_n3A_3048 : vector<8x128xf32>
      %jit3A_3050 = arith.constant 0.000000e+00 : f32
      %broadcast_in_dim3A_3051 = vector.broadcast %jit3A_3050 : f32 to vector<8x128xf32>
      %select_n3A_3052 = arith.select %ge3A_3043, %select_n3A_2910, %broadcast_in_dim3A_3051 : vector<8x128xi1>, vector<8x128xf32>
      %add3A_3053 = arith.addf %add3A_2876, %select_n3A_3052 : vector<8x128xf32>
      %ge3A_3054 = arith.constant 1.000000e+01 : f32
      %ge3A_3055 = vector.broadcast %ge3A_3054 : f32 to vector<8x128xf32>
      %ge3A_3056 = arith.cmpf oge, %select_n3A_2923, %ge3A_3055 : vector<8x128xf32>
      %jit3A_3057 = arith.constant 1.000000e+00 : f32
      %jit3A_3058 = arith.constant 0.000000e+00 : f32
      %broadcast_in_dim3A_3059 = vector.broadcast %jit3A_3057 : f32 to vector<8x128xf32>
      %broadcast_in_dim3A_3060 = vector.broadcast %jit3A_3058 : f32 to vector<8x128xf32>
      %select_n3A_3061 = arith.select %ge3A_3056, %broadcast_in_dim3A_3059, %broadcast_in_dim3A_3060 : vector<8x128xi1>, vector<8x128xf32>
      %add3A_3062 = arith.addf %add3A_2885, %select_n3A_3061 : vector<8x128xf32>
      scf.yield %add3A_2932, %add3A_2945, %add3A_2958, %add3A_2971, %add3A_2984, %add3A_2997, %add3A_3010, %add3A_3023, %add3A_3036, %add3A_3049, %add3A_2936, %add3A_2949, %add3A_2962, %add3A_2975, %add3A_2988, %add3A_3001, %add3A_3014, %add3A_3027, %add3A_3040, %add3A_3053, %add3A_3062 : vector<8x128xf32>, vector<8x128xf32>, vector<8x128xf32>, vector<8x128xf32>, vector<8x128xf32>, vector<8x128xf32>, vector<8x128xf32>, vector<8x128xf32>, vector<8x128xf32>, vector<8x128xf32>, vector<8x128xf32>, vector<8x128xf32>, vector<8x128xf32>, vector<8x128xf32>, vector<8x128xf32>, vector<8x128xf32>, vector<8x128xf32>, vector<8x128xf32>, vector<8x128xf32>, vector<8x128xf32>, vector<8x128xf32>
    }
    %scan3A_7 = arith.constant 32 : i32
    %get3A = arith.constant 0 : index
    %get3A_8 = memref.load %arg4[%get3A] : memref<21xf32, #tpu.memory_space<smem>>
    %reduce_sum3A = vector.shape_cast %scan3A_6#0 : vector<8x128xf32> to vector<1x8x128xf32>
    %reduce_sum3A_9 = arith.constant dense<0.000000e+00> : vector<1xf32>
    %reduce_sum3A_10 = vector.multi_reduction <add>, %reduce_sum3A, %reduce_sum3A_9 [1, 2] : vector<1x8x128xf32> to vector<1xf32>
    %reduce_sum3A_11 = vector.shape_cast %reduce_sum3A_10 : vector<1xf32> to vector<1x1x1xf32>
    %reduce_sum3A_12 = vector.extract %reduce_sum3A_11[0, 0, 0] : f32 from vector<1x1x1xf32>
    %add3A = arith.addf %get3A_8, %reduce_sum3A_12 : f32
    %swap3A = arith.constant 0 : index
    %swap3A_13 = memref.load %arg4[%swap3A] : memref<21xf32, #tpu.memory_space<smem>>
    memref.store %add3A, %arg4[%swap3A] : memref<21xf32, #tpu.memory_space<smem>>
    %get3A_14 = arith.constant 10 : index
    %get3A_15 = memref.load %arg4[%get3A_14] : memref<21xf32, #tpu.memory_space<smem>>
    %reduce_sum3A_16 = vector.shape_cast %scan3A_6#10 : vector<8x128xf32> to vector<1x8x128xf32>
    %reduce_sum3A_17 = arith.constant dense<0.000000e+00> : vector<1xf32>
    %reduce_sum3A_18 = vector.multi_reduction <add>, %reduce_sum3A_16, %reduce_sum3A_17 [1, 2] : vector<1x8x128xf32> to vector<1xf32>
    %reduce_sum3A_19 = vector.shape_cast %reduce_sum3A_18 : vector<1xf32> to vector<1x1x1xf32>
    %reduce_sum3A_20 = vector.extract %reduce_sum3A_19[0, 0, 0] : f32 from vector<1x1x1xf32>
    %add3A_21 = arith.addf %get3A_15, %reduce_sum3A_20 : f32
    %swap3A_22 = arith.constant 10 : index
    %swap3A_23 = memref.load %arg4[%swap3A_22] : memref<21xf32, #tpu.memory_space<smem>>
    memref.store %add3A_21, %arg4[%swap3A_22] : memref<21xf32, #tpu.memory_space<smem>>
    %get3A_24 = arith.constant 1 : index
    %get3A_25 = memref.load %arg4[%get3A_24] : memref<21xf32, #tpu.memory_space<smem>>
    %reduce_sum3A_26 = vector.shape_cast %scan3A_6#1 : vector<8x128xf32> to vector<1x8x128xf32>
    %reduce_sum3A_27 = arith.constant dense<0.000000e+00> : vector<1xf32>
    %reduce_sum3A_28 = vector.multi_reduction <add>, %reduce_sum3A_26, %reduce_sum3A_27 [1, 2] : vector<1x8x128xf32> to vector<1xf32>
    %reduce_sum3A_29 = vector.shape_cast %reduce_sum3A_28 : vector<1xf32> to vector<1x1x1xf32>
    %reduce_sum3A_30 = vector.extract %reduce_sum3A_29[0, 0, 0] : f32 from vector<1x1x1xf32>
    %add3A_31 = arith.addf %get3A_25, %reduce_sum3A_30 : f32
    %swap3A_32 = arith.constant 1 : index
    %swap3A_33 = memref.load %arg4[%swap3A_32] : memref<21xf32, #tpu.memory_space<smem>>
    memref.store %add3A_31, %arg4[%swap3A_32] : memref<21xf32, #tpu.memory_space<smem>>
    %get3A_34 = arith.constant 11 : index
    %get3A_35 = memref.load %arg4[%get3A_34] : memref<21xf32, #tpu.memory_space<smem>>
    %reduce_sum3A_36 = vector.shape_cast %scan3A_6#11 : vector<8x128xf32> to vector<1x8x128xf32>
    %reduce_sum3A_37 = arith.constant dense<0.000000e+00> : vector<1xf32>
    %reduce_sum3A_38 = vector.multi_reduction <add>, %reduce_sum3A_36, %reduce_sum3A_37 [1, 2] : vector<1x8x128xf32> to vector<1xf32>
    %reduce_sum3A_39 = vector.shape_cast %reduce_sum3A_38 : vector<1xf32> to vector<1x1x1xf32>
    %reduce_sum3A_40 = vector.extract %reduce_sum3A_39[0, 0, 0] : f32 from vector<1x1x1xf32>
    %add3A_41 = arith.addf %get3A_35, %reduce_sum3A_40 : f32
    %swap3A_42 = arith.constant 11 : index
    %swap3A_43 = memref.load %arg4[%swap3A_42] : memref<21xf32, #tpu.memory_space<smem>>
    memref.store %add3A_41, %arg4[%swap3A_42] : memref<21xf32, #tpu.memory_space<smem>>
    %get3A_44 = arith.constant 2 : index
    %get3A_45 = memref.load %arg4[%get3A_44] : memref<21xf32, #tpu.memory_space<smem>>
    %reduce_sum3A_46 = vector.shape_cast %scan3A_6#2 : vector<8x128xf32> to vector<1x8x128xf32>
    %reduce_sum3A_47 = arith.constant dense<0.000000e+00> : vector<1xf32>
    %reduce_sum3A_48 = vector.multi_reduction <add>, %reduce_sum3A_46, %reduce_sum3A_47 [1, 2] : vector<1x8x128xf32> to vector<1xf32>
    %reduce_sum3A_49 = vector.shape_cast %reduce_sum3A_48 : vector<1xf32> to vector<1x1x1xf32>
    %reduce_sum3A_50 = vector.extract %reduce_sum3A_49[0, 0, 0] : f32 from vector<1x1x1xf32>
    %add3A_51 = arith.addf %get3A_45, %reduce_sum3A_50 : f32
    %swap3A_52 = arith.constant 2 : index
    %swap3A_53 = memref.load %arg4[%swap3A_52] : memref<21xf32, #tpu.memory_space<smem>>
    memref.store %add3A_51, %arg4[%swap3A_52] : memref<21xf32, #tpu.memory_space<smem>>
    %get3A_54 = arith.constant 12 : index
    %get3A_55 = memref.load %arg4[%get3A_54] : memref<21xf32, #tpu.memory_space<smem>>
    %reduce_sum3A_56 = vector.shape_cast %scan3A_6#12 : vector<8x128xf32> to vector<1x8x128xf32>
    %reduce_sum3A_57 = arith.constant dense<0.000000e+00> : vector<1xf32>
    %reduce_sum3A_58 = vector.multi_reduction <add>, %reduce_sum3A_56, %reduce_sum3A_57 [1, 2] : vector<1x8x128xf32> to vector<1xf32>
    %reduce_sum3A_59 = vector.shape_cast %reduce_sum3A_58 : vector<1xf32> to vector<1x1x1xf32>
    %reduce_sum3A_60 = vector.extract %reduce_sum3A_59[0, 0, 0] : f32 from vector<1x1x1xf32>
    %add3A_61 = arith.addf %get3A_55, %reduce_sum3A_60 : f32
    %swap3A_62 = arith.constant 12 : index
    %swap3A_63 = memref.load %arg4[%swap3A_62] : memref<21xf32, #tpu.memory_space<smem>>
    memref.store %add3A_61, %arg4[%swap3A_62] : memref<21xf32, #tpu.memory_space<smem>>
    %get3A_64 = arith.constant 3 : index
    %get3A_65 = memref.load %arg4[%get3A_64] : memref<21xf32, #tpu.memory_space<smem>>
    %reduce_sum3A_66 = vector.shape_cast %scan3A_6#3 : vector<8x128xf32> to vector<1x8x128xf32>
    %reduce_sum3A_67 = arith.constant dense<0.000000e+00> : vector<1xf32>
    %reduce_sum3A_68 = vector.multi_reduction <add>, %reduce_sum3A_66, %reduce_sum3A_67 [1, 2] : vector<1x8x128xf32> to vector<1xf32>
    %reduce_sum3A_69 = vector.shape_cast %reduce_sum3A_68 : vector<1xf32> to vector<1x1x1xf32>
    %reduce_sum3A_70 = vector.extract %reduce_sum3A_69[0, 0, 0] : f32 from vector<1x1x1xf32>
    %add3A_71 = arith.addf %get3A_65, %reduce_sum3A_70 : f32
    %swap3A_72 = arith.constant 3 : index
    %swap3A_73 = memref.load %arg4[%swap3A_72] : memref<21xf32, #tpu.memory_space<smem>>
    memref.store %add3A_71, %arg4[%swap3A_72] : memref<21xf32, #tpu.memory_space<smem>>
    %get3A_74 = arith.constant 13 : index
    %get3A_75 = memref.load %arg4[%get3A_74] : memref<21xf32, #tpu.memory_space<smem>>
    %reduce_sum3A_76 = vector.shape_cast %scan3A_6#13 : vector<8x128xf32> to vector<1x8x128xf32>
    %reduce_sum3A_77 = arith.constant dense<0.000000e+00> : vector<1xf32>
    %reduce_sum3A_78 = vector.multi_reduction <add>, %reduce_sum3A_76, %reduce_sum3A_77 [1, 2] : vector<1x8x128xf32> to vector<1xf32>
    %reduce_sum3A_79 = vector.shape_cast %reduce_sum3A_78 : vector<1xf32> to vector<1x1x1xf32>
    %reduce_sum3A_80 = vector.extract %reduce_sum3A_79[0, 0, 0] : f32 from vector<1x1x1xf32>
    %add3A_81 = arith.addf %get3A_75, %reduce_sum3A_80 : f32
    %swap3A_82 = arith.constant 13 : index
    %swap3A_83 = memref.load %arg4[%swap3A_82] : memref<21xf32, #tpu.memory_space<smem>>
    memref.store %add3A_81, %arg4[%swap3A_82] : memref<21xf32, #tpu.memory_space<smem>>
    %get3A_84 = arith.constant 4 : index
    %get3A_85 = memref.load %arg4[%get3A_84] : memref<21xf32, #tpu.memory_space<smem>>
    %reduce_sum3A_86 = vector.shape_cast %scan3A_6#4 : vector<8x128xf32> to vector<1x8x128xf32>
    %reduce_sum3A_87 = arith.constant dense<0.000000e+00> : vector<1xf32>
    %reduce_sum3A_88 = vector.multi_reduction <add>, %reduce_sum3A_86, %reduce_sum3A_87 [1, 2] : vector<1x8x128xf32> to vector<1xf32>
    %reduce_sum3A_89 = vector.shape_cast %reduce_sum3A_88 : vector<1xf32> to vector<1x1x1xf32>
    %reduce_sum3A_90 = vector.extract %reduce_sum3A_89[0, 0, 0] : f32 from vector<1x1x1xf32>
    %add3A_91 = arith.addf %get3A_85, %reduce_sum3A_90 : f32
    %swap3A_92 = arith.constant 4 : index
    %swap3A_93 = memref.load %arg4[%swap3A_92] : memref<21xf32, #tpu.memory_space<smem>>
    memref.store %add3A_91, %arg4[%swap3A_92] : memref<21xf32, #tpu.memory_space<smem>>
    %get3A_94 = arith.constant 14 : index
    %get3A_95 = memref.load %arg4[%get3A_94] : memref<21xf32, #tpu.memory_space<smem>>
    %reduce_sum3A_96 = vector.shape_cast %scan3A_6#14 : vector<8x128xf32> to vector<1x8x128xf32>
    %reduce_sum3A_97 = arith.constant dense<0.000000e+00> : vector<1xf32>
    %reduce_sum3A_98 = vector.multi_reduction <add>, %reduce_sum3A_96, %reduce_sum3A_97 [1, 2] : vector<1x8x128xf32> to vector<1xf32>
    %reduce_sum3A_99 = vector.shape_cast %reduce_sum3A_98 : vector<1xf32> to vector<1x1x1xf32>
    %reduce_sum3A_100 = vector.extract %reduce_sum3A_99[0, 0, 0] : f32 from vector<1x1x1xf32>
    %add3A_101 = arith.addf %get3A_95, %reduce_sum3A_100 : f32
    %swap3A_102 = arith.constant 14 : index
    %swap3A_103 = memref.load %arg4[%swap3A_102] : memref<21xf32, #tpu.memory_space<smem>>
    memref.store %add3A_101, %arg4[%swap3A_102] : memref<21xf32, #tpu.memory_space<smem>>
    %get3A_104 = arith.constant 5 : index
    %get3A_105 = memref.load %arg4[%get3A_104] : memref<21xf32, #tpu.memory_space<smem>>
    %reduce_sum3A_106 = vector.shape_cast %scan3A_6#5 : vector<8x128xf32> to vector<1x8x128xf32>
    %reduce_sum3A_107 = arith.constant dense<0.000000e+00> : vector<1xf32>
    %reduce_sum3A_108 = vector.multi_reduction <add>, %reduce_sum3A_106, %reduce_sum3A_107 [1, 2] : vector<1x8x128xf32> to vector<1xf32>
    %reduce_sum3A_109 = vector.shape_cast %reduce_sum3A_108 : vector<1xf32> to vector<1x1x1xf32>
    %reduce_sum3A_110 = vector.extract %reduce_sum3A_109[0, 0, 0] : f32 from vector<1x1x1xf32>
    %add3A_111 = arith.addf %get3A_105, %reduce_sum3A_110 : f32
    %swap3A_112 = arith.constant 5 : index
    %swap3A_113 = memref.load %arg4[%swap3A_112] : memref<21xf32, #tpu.memory_space<smem>>
    memref.store %add3A_111, %arg4[%swap3A_112] : memref<21xf32, #tpu.memory_space<smem>>
    %get3A_114 = arith.constant 15 : index
    %get3A_115 = memref.load %arg4[%get3A_114] : memref<21xf32, #tpu.memory_space<smem>>
    %reduce_sum3A_116 = vector.shape_cast %scan3A_6#15 : vector<8x128xf32> to vector<1x8x128xf32>
    %reduce_sum3A_117 = arith.constant dense<0.000000e+00> : vector<1xf32>
    %reduce_sum3A_118 = vector.multi_reduction <add>, %reduce_sum3A_116, %reduce_sum3A_117 [1, 2] : vector<1x8x128xf32> to vector<1xf32>
    %reduce_sum3A_119 = vector.shape_cast %reduce_sum3A_118 : vector<1xf32> to vector<1x1x1xf32>
    %reduce_sum3A_120 = vector.extract %reduce_sum3A_119[0, 0, 0] : f32 from vector<1x1x1xf32>
    %add3A_121 = arith.addf %get3A_115, %reduce_sum3A_120 : f32
    %swap3A_122 = arith.constant 15 : index
    %swap3A_123 = memref.load %arg4[%swap3A_122] : memref<21xf32, #tpu.memory_space<smem>>
    memref.store %add3A_121, %arg4[%swap3A_122] : memref<21xf32, #tpu.memory_space<smem>>
    %get3A_124 = arith.constant 6 : index
    %get3A_125 = memref.load %arg4[%get3A_124] : memref<21xf32, #tpu.memory_space<smem>>
    %reduce_sum3A_126 = vector.shape_cast %scan3A_6#6 : vector<8x128xf32> to vector<1x8x128xf32>
    %reduce_sum3A_127 = arith.constant dense<0.000000e+00> : vector<1xf32>
    %reduce_sum3A_128 = vector.multi_reduction <add>, %reduce_sum3A_126, %reduce_sum3A_127 [1, 2] : vector<1x8x128xf32> to vector<1xf32>
    %reduce_sum3A_129 = vector.shape_cast %reduce_sum3A_128 : vector<1xf32> to vector<1x1x1xf32>
    %reduce_sum3A_130 = vector.extract %reduce_sum3A_129[0, 0, 0] : f32 from vector<1x1x1xf32>
    %add3A_131 = arith.addf %get3A_125, %reduce_sum3A_130 : f32
    %swap3A_132 = arith.constant 6 : index
    %swap3A_133 = memref.load %arg4[%swap3A_132] : memref<21xf32, #tpu.memory_space<smem>>
    memref.store %add3A_131, %arg4[%swap3A_132] : memref<21xf32, #tpu.memory_space<smem>>
    %get3A_134 = arith.constant 16 : index
    %get3A_135 = memref.load %arg4[%get3A_134] : memref<21xf32, #tpu.memory_space<smem>>
    %reduce_sum3A_136 = vector.shape_cast %scan3A_6#16 : vector<8x128xf32> to vector<1x8x128xf32>
    %reduce_sum3A_137 = arith.constant dense<0.000000e+00> : vector<1xf32>
    %reduce_sum3A_138 = vector.multi_reduction <add>, %reduce_sum3A_136, %reduce_sum3A_137 [1, 2] : vector<1x8x128xf32> to vector<1xf32>
    %reduce_sum3A_139 = vector.shape_cast %reduce_sum3A_138 : vector<1xf32> to vector<1x1x1xf32>
    %reduce_sum3A_140 = vector.extract %reduce_sum3A_139[0, 0, 0] : f32 from vector<1x1x1xf32>
    %add3A_141 = arith.addf %get3A_135, %reduce_sum3A_140 : f32
    %swap3A_142 = arith.constant 16 : index
    %swap3A_143 = memref.load %arg4[%swap3A_142] : memref<21xf32, #tpu.memory_space<smem>>
    memref.store %add3A_141, %arg4[%swap3A_142] : memref<21xf32, #tpu.memory_space<smem>>
    %get3A_144 = arith.constant 7 : index
    %get3A_145 = memref.load %arg4[%get3A_144] : memref<21xf32, #tpu.memory_space<smem>>
    %reduce_sum3A_146 = vector.shape_cast %scan3A_6#7 : vector<8x128xf32> to vector<1x8x128xf32>
    %reduce_sum3A_147 = arith.constant dense<0.000000e+00> : vector<1xf32>
    %reduce_sum3A_148 = vector.multi_reduction <add>, %reduce_sum3A_146, %reduce_sum3A_147 [1, 2] : vector<1x8x128xf32> to vector<1xf32>
    %reduce_sum3A_149 = vector.shape_cast %reduce_sum3A_148 : vector<1xf32> to vector<1x1x1xf32>
    %reduce_sum3A_150 = vector.extract %reduce_sum3A_149[0, 0, 0] : f32 from vector<1x1x1xf32>
    %add3A_151 = arith.addf %get3A_145, %reduce_sum3A_150 : f32
    %swap3A_152 = arith.constant 7 : index
    %swap3A_153 = memref.load %arg4[%swap3A_152] : memref<21xf32, #tpu.memory_space<smem>>
    memref.store %add3A_151, %arg4[%swap3A_152] : memref<21xf32, #tpu.memory_space<smem>>
    %get3A_154 = arith.constant 17 : index
    %get3A_155 = memref.load %arg4[%get3A_154] : memref<21xf32, #tpu.memory_space<smem>>
    %reduce_sum3A_156 = vector.shape_cast %scan3A_6#17 : vector<8x128xf32> to vector<1x8x128xf32>
    %reduce_sum3A_157 = arith.constant dense<0.000000e+00> : vector<1xf32>
    %reduce_sum3A_158 = vector.multi_reduction <add>, %reduce_sum3A_156, %reduce_sum3A_157 [1, 2] : vector<1x8x128xf32> to vector<1xf32>
    %reduce_sum3A_159 = vector.shape_cast %reduce_sum3A_158 : vector<1xf32> to vector<1x1x1xf32>
    %reduce_sum3A_160 = vector.extract %reduce_sum3A_159[0, 0, 0] : f32 from vector<1x1x1xf32>
    %add3A_161 = arith.addf %get3A_155, %reduce_sum3A_160 : f32
    %swap3A_162 = arith.constant 17 : index
    %swap3A_163 = memref.load %arg4[%swap3A_162] : memref<21xf32, #tpu.memory_space<smem>>
    memref.store %add3A_161, %arg4[%swap3A_162] : memref<21xf32, #tpu.memory_space<smem>>
    %get3A_164 = arith.constant 8 : index
    %get3A_165 = memref.load %arg4[%get3A_164] : memref<21xf32, #tpu.memory_space<smem>>
    %reduce_sum3A_166 = vector.shape_cast %scan3A_6#8 : vector<8x128xf32> to vector<1x8x128xf32>
    %reduce_sum3A_167 = arith.constant dense<0.000000e+00> : vector<1xf32>
    %reduce_sum3A_168 = vector.multi_reduction <add>, %reduce_sum3A_166, %reduce_sum3A_167 [1, 2] : vector<1x8x128xf32> to vector<1xf32>
    %reduce_sum3A_169 = vector.shape_cast %reduce_sum3A_168 : vector<1xf32> to vector<1x1x1xf32>
    %reduce_sum3A_170 = vector.extract %reduce_sum3A_169[0, 0, 0] : f32 from vector<1x1x1xf32>
    %add3A_171 = arith.addf %get3A_165, %reduce_sum3A_170 : f32
    %swap3A_172 = arith.constant 8 : index
    %swap3A_173 = memref.load %arg4[%swap3A_172] : memref<21xf32, #tpu.memory_space<smem>>
    memref.store %add3A_171, %arg4[%swap3A_172] : memref<21xf32, #tpu.memory_space<smem>>
    %get3A_174 = arith.constant 18 : index
    %get3A_175 = memref.load %arg4[%get3A_174] : memref<21xf32, #tpu.memory_space<smem>>
    %reduce_sum3A_176 = vector.shape_cast %scan3A_6#18 : vector<8x128xf32> to vector<1x8x128xf32>
    %reduce_sum3A_177 = arith.constant dense<0.000000e+00> : vector<1xf32>
    %reduce_sum3A_178 = vector.multi_reduction <add>, %reduce_sum3A_176, %reduce_sum3A_177 [1, 2] : vector<1x8x128xf32> to vector<1xf32>
    %reduce_sum3A_179 = vector.shape_cast %reduce_sum3A_178 : vector<1xf32> to vector<1x1x1xf32>
    %reduce_sum3A_180 = vector.extract %reduce_sum3A_179[0, 0, 0] : f32 from vector<1x1x1xf32>
    %add3A_181 = arith.addf %get3A_175, %reduce_sum3A_180 : f32
    %swap3A_182 = arith.constant 18 : index
    %swap3A_183 = memref.load %arg4[%swap3A_182] : memref<21xf32, #tpu.memory_space<smem>>
    memref.store %add3A_181, %arg4[%swap3A_182] : memref<21xf32, #tpu.memory_space<smem>>
    %get3A_184 = arith.constant 9 : index
    %get3A_185 = memref.load %arg4[%get3A_184] : memref<21xf32, #tpu.memory_space<smem>>
    %reduce_sum3A_186 = vector.shape_cast %scan3A_6#9 : vector<8x128xf32> to vector<1x8x128xf32>
    %reduce_sum3A_187 = arith.constant dense<0.000000e+00> : vector<1xf32>
    %reduce_sum3A_188 = vector.multi_reduction <add>, %reduce_sum3A_186, %reduce_sum3A_187 [1, 2] : vector<1x8x128xf32> to vector<1xf32>
    %reduce_sum3A_189 = vector.shape_cast %reduce_sum3A_188 : vector<1xf32> to vector<1x1x1xf32>
    %reduce_sum3A_190 = vector.extract %reduce_sum3A_189[0, 0, 0] : f32 from vector<1x1x1xf32>
    %add3A_191 = arith.addf %get3A_185, %reduce_sum3A_190 : f32
    %swap3A_192 = arith.constant 9 : index
    %swap3A_193 = memref.load %arg4[%swap3A_192] : memref<21xf32, #tpu.memory_space<smem>>
    memref.store %add3A_191, %arg4[%swap3A_192] : memref<21xf32, #tpu.memory_space<smem>>
    %get3A_194 = arith.constant 19 : index
    %get3A_195 = memref.load %arg4[%get3A_194] : memref<21xf32, #tpu.memory_space<smem>>
    %reduce_sum3A_196 = vector.shape_cast %scan3A_6#19 : vector<8x128xf32> to vector<1x8x128xf32>
    %reduce_sum3A_197 = arith.constant dense<0.000000e+00> : vector<1xf32>
    %reduce_sum3A_198 = vector.multi_reduction <add>, %reduce_sum3A_196, %reduce_sum3A_197 [1, 2] : vector<1x8x128xf32> to vector<1xf32>
    %reduce_sum3A_199 = vector.shape_cast %reduce_sum3A_198 : vector<1xf32> to vector<1x1x1xf32>
    %reduce_sum3A_200 = vector.extract %reduce_sum3A_199[0, 0, 0] : f32 from vector<1x1x1xf32>
    %add3A_201 = arith.addf %get3A_195, %reduce_sum3A_200 : f32
    %swap3A_202 = arith.constant 19 : index
    %swap3A_203 = memref.load %arg4[%swap3A_202] : memref<21xf32, #tpu.memory_space<smem>>
    memref.store %add3A_201, %arg4[%swap3A_202] : memref<21xf32, #tpu.memory_space<smem>>
    %get3A_204 = arith.constant 20 : index
    %get3A_205 = memref.load %arg4[%get3A_204] : memref<21xf32, #tpu.memory_space<smem>>
    %reduce_sum3A_206 = vector.shape_cast %scan3A_6#20 : vector<8x128xf32> to vector<1x8x128xf32>
    %reduce_sum3A_207 = arith.constant dense<0.000000e+00> : vector<1xf32>
    %reduce_sum3A_208 = vector.multi_reduction <add>, %reduce_sum3A_206, %reduce_sum3A_207 [1, 2] : vector<1x8x128xf32> to vector<1xf32>
    %reduce_sum3A_209 = vector.shape_cast %reduce_sum3A_208 : vector<1xf32> to vector<1x1x1xf32>
    %reduce_sum3A_210 = vector.extract %reduce_sum3A_209[0, 0, 0] : f32 from vector<1x1x1xf32>
    %add3A_211 = arith.addf %get3A_205, %reduce_sum3A_210 : f32
    %swap3A_212 = arith.constant 20 : index
    %swap3A_213 = memref.load %arg4[%swap3A_212] : memref<21xf32, #tpu.memory_space<smem>>
    memref.store %add3A_211, %arg4[%swap3A_212] : memref<21xf32, #tpu.memory_space<smem>>
    %eq3A_214 = arith.constant 13 : i32
    %eq3A_215 = arith.cmpi eq, %arg0, %eq3A_214 : i32
    %convert_element_type3A_216 = arith.extui %eq3A_215 : i1 to i32
    %cond3A_217 = arith.constant 0 : i32
    %cond3A_218 = arith.cmpi ne, %convert_element_type3A_216, %cond3A_217 : i32
    scf.if %cond3A_218 {
      %get3A_219 = arith.constant 0 : index
      %get3A_220 = memref.load %arg4[%get3A_219] : memref<21xf32, #tpu.memory_space<smem>>
      %swap3A_221 = arith.constant 0 : index
      %swap3A_222 = memref.load %arg3[%swap3A_221] : memref<21xf32, #tpu.memory_space<smem>>
      memref.store %get3A_220, %arg3[%swap3A_221] : memref<21xf32, #tpu.memory_space<smem>>
      %get3A_223 = arith.constant 1 : index
      %get3A_224 = memref.load %arg4[%get3A_223] : memref<21xf32, #tpu.memory_space<smem>>
      %swap3A_225 = arith.constant 1 : index
      %swap3A_226 = memref.load %arg3[%swap3A_225] : memref<21xf32, #tpu.memory_space<smem>>
      memref.store %get3A_224, %arg3[%swap3A_225] : memref<21xf32, #tpu.memory_space<smem>>
      %get3A_227 = arith.constant 2 : index
      %get3A_228 = memref.load %arg4[%get3A_227] : memref<21xf32, #tpu.memory_space<smem>>
      %swap3A_229 = arith.constant 2 : index
      %swap3A_230 = memref.load %arg3[%swap3A_229] : memref<21xf32, #tpu.memory_space<smem>>
      memref.store %get3A_228, %arg3[%swap3A_229] : memref<21xf32, #tpu.memory_space<smem>>
      %get3A_231 = arith.constant 3 : index
      %get3A_232 = memref.load %arg4[%get3A_231] : memref<21xf32, #tpu.memory_space<smem>>
      %swap3A_233 = arith.constant 3 : index
      %swap3A_234 = memref.load %arg3[%swap3A_233] : memref<21xf32, #tpu.memory_space<smem>>
      memref.store %get3A_232, %arg3[%swap3A_233] : memref<21xf32, #tpu.memory_space<smem>>
      %get3A_235 = arith.constant 4 : index
      %get3A_236 = memref.load %arg4[%get3A_235] : memref<21xf32, #tpu.memory_space<smem>>
      %swap3A_237 = arith.constant 4 : index
      %swap3A_238 = memref.load %arg3[%swap3A_237] : memref<21xf32, #tpu.memory_space<smem>>
      memref.store %get3A_236, %arg3[%swap3A_237] : memref<21xf32, #tpu.memory_space<smem>>
      %get3A_239 = arith.constant 5 : index
      %get3A_240 = memref.load %arg4[%get3A_239] : memref<21xf32, #tpu.memory_space<smem>>
      %swap3A_241 = arith.constant 5 : index
      %swap3A_242 = memref.load %arg3[%swap3A_241] : memref<21xf32, #tpu.memory_space<smem>>
      memref.store %get3A_240, %arg3[%swap3A_241] : memref<21xf32, #tpu.memory_space<smem>>
      %get3A_243 = arith.constant 6 : index
      %get3A_244 = memref.load %arg4[%get3A_243] : memref<21xf32, #tpu.memory_space<smem>>
      %swap3A_245 = arith.constant 6 : index
      %swap3A_246 = memref.load %arg3[%swap3A_245] : memref<21xf32, #tpu.memory_space<smem>>
      memref.store %get3A_244, %arg3[%swap3A_245] : memref<21xf32, #tpu.memory_space<smem>>
      %get3A_247 = arith.constant 7 : index
      %get3A_248 = memref.load %arg4[%get3A_247] : memref<21xf32, #tpu.memory_space<smem>>
      %swap3A_249 = arith.constant 7 : index
      %swap3A_250 = memref.load %arg3[%swap3A_249] : memref<21xf32, #tpu.memory_space<smem>>
      memref.store %get3A_248, %arg3[%swap3A_249] : memref<21xf32, #tpu.memory_space<smem>>
      %get3A_251 = arith.constant 8 : index
      %get3A_252 = memref.load %arg4[%get3A_251] : memref<21xf32, #tpu.memory_space<smem>>
      %swap3A_253 = arith.constant 8 : index
      %swap3A_254 = memref.load %arg3[%swap3A_253] : memref<21xf32, #tpu.memory_space<smem>>
      memref.store %get3A_252, %arg3[%swap3A_253] : memref<21xf32, #tpu.memory_space<smem>>
      %get3A_255 = arith.constant 9 : index
      %get3A_256 = memref.load %arg4[%get3A_255] : memref<21xf32, #tpu.memory_space<smem>>
      %swap3A_257 = arith.constant 9 : index
      %swap3A_258 = memref.load %arg3[%swap3A_257] : memref<21xf32, #tpu.memory_space<smem>>
      memref.store %get3A_256, %arg3[%swap3A_257] : memref<21xf32, #tpu.memory_space<smem>>
      %get3A_259 = arith.constant 10 : index
      %get3A_260 = memref.load %arg4[%get3A_259] : memref<21xf32, #tpu.memory_space<smem>>
      %swap3A_261 = arith.constant 10 : index
      %swap3A_262 = memref.load %arg3[%swap3A_261] : memref<21xf32, #tpu.memory_space<smem>>
      memref.store %get3A_260, %arg3[%swap3A_261] : memref<21xf32, #tpu.memory_space<smem>>
      %get3A_263 = arith.constant 11 : index
      %get3A_264 = memref.load %arg4[%get3A_263] : memref<21xf32, #tpu.memory_space<smem>>
      %swap3A_265 = arith.constant 11 : index
      %swap3A_266 = memref.load %arg3[%swap3A_265] : memref<21xf32, #tpu.memory_space<smem>>
      memref.store %get3A_264, %arg3[%swap3A_265] : memref<21xf32, #tpu.memory_space<smem>>
      %get3A_267 = arith.constant 12 : index
      %get3A_268 = memref.load %arg4[%get3A_267] : memref<21xf32, #tpu.memory_space<smem>>
      %swap3A_269 = arith.constant 12 : index
      %swap3A_270 = memref.load %arg3[%swap3A_269] : memref<21xf32, #tpu.memory_space<smem>>
      memref.store %get3A_268, %arg3[%swap3A_269] : memref<21xf32, #tpu.memory_space<smem>>
      %get3A_271 = arith.constant 13 : index
      %get3A_272 = memref.load %arg4[%get3A_271] : memref<21xf32, #tpu.memory_space<smem>>
      %swap3A_273 = arith.constant 13 : index
      %swap3A_274 = memref.load %arg3[%swap3A_273] : memref<21xf32, #tpu.memory_space<smem>>
      memref.store %get3A_272, %arg3[%swap3A_273] : memref<21xf32, #tpu.memory_space<smem>>
      %get3A_275 = arith.constant 14 : index
      %get3A_276 = memref.load %arg4[%get3A_275] : memref<21xf32, #tpu.memory_space<smem>>
      %swap3A_277 = arith.constant 14 : index
      %swap3A_278 = memref.load %arg3[%swap3A_277] : memref<21xf32, #tpu.memory_space<smem>>
      memref.store %get3A_276, %arg3[%swap3A_277] : memref<21xf32, #tpu.memory_space<smem>>
      %get3A_279 = arith.constant 15 : index
      %get3A_280 = memref.load %arg4[%get3A_279] : memref<21xf32, #tpu.memory_space<smem>>
      %swap3A_281 = arith.constant 15 : index
      %swap3A_282 = memref.load %arg3[%swap3A_281] : memref<21xf32, #tpu.memory_space<smem>>
      memref.store %get3A_280, %arg3[%swap3A_281] : memref<21xf32, #tpu.memory_space<smem>>
      %get3A_283 = arith.constant 16 : index
      %get3A_284 = memref.load %arg4[%get3A_283] : memref<21xf32, #tpu.memory_space<smem>>
      %swap3A_285 = arith.constant 16 : index
      %swap3A_286 = memref.load %arg3[%swap3A_285] : memref<21xf32, #tpu.memory_space<smem>>
      memref.store %get3A_284, %arg3[%swap3A_285] : memref<21xf32, #tpu.memory_space<smem>>
      %get3A_287 = arith.constant 17 : index
      %get3A_288 = memref.load %arg4[%get3A_287] : memref<21xf32, #tpu.memory_space<smem>>
      %swap3A_289 = arith.constant 17 : index
      %swap3A_290 = memref.load %arg3[%swap3A_289] : memref<21xf32, #tpu.memory_space<smem>>
      memref.store %get3A_288, %arg3[%swap3A_289] : memref<21xf32, #tpu.memory_space<smem>>
      %get3A_291 = arith.constant 18 : index
      %get3A_292 = memref.load %arg4[%get3A_291] : memref<21xf32, #tpu.memory_space<smem>>
      %swap3A_293 = arith.constant 18 : index
      %swap3A_294 = memref.load %arg3[%swap3A_293] : memref<21xf32, #tpu.memory_space<smem>>
      memref.store %get3A_292, %arg3[%swap3A_293] : memref<21xf32, #tpu.memory_space<smem>>
      %get3A_295 = arith.constant 19 : index
      %get3A_296 = memref.load %arg4[%get3A_295] : memref<21xf32, #tpu.memory_space<smem>>
      %swap3A_297 = arith.constant 19 : index
      %swap3A_298 = memref.load %arg3[%swap3A_297] : memref<21xf32, #tpu.memory_space<smem>>
      memref.store %get3A_296, %arg3[%swap3A_297] : memref<21xf32, #tpu.memory_space<smem>>
      %get3A_299 = arith.constant 20 : index
      %get3A_300 = memref.load %arg4[%get3A_299] : memref<21xf32, #tpu.memory_space<smem>>
      %swap3A_301 = arith.constant 20 : index
      %swap3A_302 = memref.load %arg3[%swap3A_301] : memref<21xf32, #tpu.memory_space<smem>>
      memref.store %get3A_300, %arg3[%swap3A_301] : memref<21xf32, #tpu.memory_space<smem>>
    } else {
    }
    return
  }
  func.func @transform_0(%arg0: i32) -> (i32, i32) {
    %c0_i32 = arith.constant 0 : i32
    %c0_i32_0 = arith.constant 0 : i32
    return %arg0, %c0_i32 : i32, i32
  }
  func.func @transform_1(%arg0: i32) -> (i32, i32) {
    %c0_i32 = arith.constant 0 : i32
    %c0_i32_0 = arith.constant 0 : i32
    return %arg0, %c0_i32 : i32, i32
  }
  func.func @transform_2(%arg0: i32) -> i32 {
    %c0_i32 = arith.constant 0 : i32
    %c0_i32_0 = arith.constant 0 : i32
    return %c0_i32 : i32
  }
}

</mosaic_0001>

<sc_bundles>
// kernel: kernel.4.cloned.1.call-start
scs
__scs_entry_jumppad:
0x0: {  	(pc) =	sbr.rel $0x88, $3  }
0x1: {  	(tag) =	ssettag $0x0;
	lr =	simm.s32 $0x1  }
0x2: {  	[smem:$0x3F9F] =	sst lr;
	_ =	strace $0xD0000000  }
0x3: {  	_ = 	snop  }
0x4: {  	_ = 	snop  }
0x5: {  	_ = 	snop  }
0x6: {  	_ = 	snop  }
0x7: {  	_ = 	snop  }
__scs_overlays_trampoline_lowered:
0x8: {  	[smem:$0x3FAE] =	sst s0  }
0x9: {  	[smem:$0x3FAF] =	sst s1  }
0xa: {  	[smem:$0x3FB0] =	sst s2  }
0xb: {  	[smem:$0x3FB1] =	sst s3  }
0xc: {  	[smem:$0x3FB2] =	sst s4  }
0xd: {  	[smem:$0x3FB3] =	sst s5  }
0xe: {  	[smem:$0x3FB4] =	sst s6  }
0xf: {  	[smem:$0x3FB5] =	sst s7  }
0x10: {  	[smem:$0x3FB6] =	sst s8  }
0x11: {  	[smem:$0x3FB7] =	sst s9;
	s0 =	simm.s32 @!p0 $0x0  }
0x12: {  	s1 =	sld [smem:$0x3F9D];
	s0 =	simm.s32 @p0 $0x1  }
0x13: {  	[smem:$0x3FB8] =	sst s0;
	s0 =	simm.s32 @!p1 $0x0  }
0x14: {  	s2 =	sld [smem:$0x3F9C];
	s0 =	simm.s32 @p1 $0x1  }
0x15: {  	[smem:$0x3FB9] =	sst s0;
	s0 =	simm.s32 @!p2 $0x0  }
0x16: {  	s3 =	sld [smem:$0x3FDB];
	s0 =	simm.s32 @p2 $0x1  }
0x17: {  	s4 =	simm.s32 $0x1BF5;
	[smem:$0x3FBB] =	sst s0  }
0x18: {  	s0 =	sld [smem:$0x3F9E];
	_ =	swait.ge [sflag:s4], $0x0  }
0x19: {  	s7 =	sld [smem:$0x3F9F]  }
0x1a: {  	s8 =	sadd.s32 $0xFFFFE003, lr  }
0x1b: {  	s9 =	sadd.s32 $0xFFFFFEF7, lr;
	s5 =	simm.s32 $0xFFFFFFFF;
	p2 =	slt.u32 s8, $0xFFFFF086  }
0x1c: {  	p1 =	slt.u32 s9, $0xF7A;
	s5 =	simm.s32 @!p2 $0x0  }
0x1d: {  	s5 =	simm.s32 @p1 $0x1;
	p0 =	seq.s32 s7, s2  }
0x1e: {  	s7 =	smul.u32 @!p0 $0xF7A, s2;
	p2 =	seq.s32 @!p0 s5, $0x0  }
0x1f: {  	s9 =	smul.u32 $0xF7A, s1;
	s8 =	simm.s32 @!p0 $0x1BF5;
	p2 =	por !p2, p0  }
0x20: {  	[sflag:s8] =	ssyncset.s32 @!p0 $0xFFFFF086;
	s6 =	sadd.s32 @!p0 s3, s7;
	s7 =	simm.s32 @!p0 $0x108  }
0x21: {  	s3 =	sadd.s32 s3, s9;
	s6 =	sadd.s32 @!p0 $0x88, s6;
	s7 =	simm.s32 @p2 $0x1082  }
0x22: {  	[simem:s7], [sflag:s8] =	dma.local @!p0 [hbm:s6], $0xF7A  }
0x23: {  	s9 =	sor.u32 $0xD0000000, s2;
	s6 =	simm.s32 $0x108;
	_ =	swait.ge @!p0 [sflag:s8], $0x0  }
0x24: {  	s3 =	sadd.s32 $0x88, s3;
	s6 =	simm.s32 @!p1 $0x1082;
	[sflag:s4] =	ssyncset.s32 $0xFFFFF086  }
0x25: {  	[simem:s6], [sflag:s4] =	dma.local [hbm:s3], $0xF7A  }
0x26: {  	[smem:$0x3F9F] =	sst s1;
	(tag) =	ssettag s2;
	_ =	strace s9  }
0x27: {  	s1 =	sld [smem:$0x3FAF]  }
0x28: {  	s2 =	sld [smem:$0x3FB0]  }
0x29: {  	s4 =	sld [smem:$0x3FB2]  }
0x2a: {  	p0 =	seq.s32 s5, $0x0;
	s5 =	sld [smem:$0x3FB3]  }
0x2b: {  	s6 =	sld [smem:$0x3FB4]  }
0x2c: {  	s7 =	sld [smem:$0x3FB5]  }
0x2d: {  	s3 =	simm.s32 $0x108;
	s8 =	sld [smem:$0x3FB6]  }
0x2e: {  	s3 =	simm.s32 @!p0 $0x1082;
	s9 =	sld [smem:$0x3FB7]  }
0x2f: {  	lr =	sadd.s32 s0, s3;
	s0 =	sld [smem:$0x3FAE]  }
0x30: {  	s3 =	sld [smem:$0x3FB1]  }
0x31: {  	[smem:$0x3FBA] =	sst s10  }
0x32: {  	s10 =	sld [smem:$0x3FB8];
	_ =	sdelay $0x3  }
0x33: {  	p0 =	seq.s32 s10, $0x1;
	s10 =	sld [smem:$0x3FBA];
	_ =	sdelay $0x3  }
0x34: {  	[smem:$0x3FBA] =	sst s10  }
0x35: {  	s10 =	sld [smem:$0x3FB9];
	_ =	sdelay $0x3  }
0x36: {  	p1 =	seq.s32 s10, $0x1;
	s10 =	sld [smem:$0x3FBA];
	_ =	sdelay $0x3  }
0x37: {  	[smem:$0x3FBA] =	sst s10  }
0x38: {  	s10 =	sld [smem:$0x3FBB]  }
0x39: {  	_ = 	snop;
	(pc) =	sbr.ind lr, $3  }
0x3a: {  	_ = 	snop  }
0x3b: {  	_ = 	snop  }
0x3c: {  	p2 =	seq.s32 s10, $0x1;
	s10 =	sld [smem:$0x3FBA]  }
0x3d: {  	_ =	shalt  }
0x3e: {  	_ =	shalt  }
0x3f: {  	_ =	shalt  }
0x40: {  	_ =	shalt  }
0x41: {  	_ =	shalt  }
0x42: {  	_ =	shalt  }
0x43: {  	_ =	shalt  }
0x44: {  	_ =	shalt  }
0x45: {  	_ =	shalt  }
0x46: {  	_ =	shalt  }
0x47: {  	_ =	shalt  }
0x48: {  	_ =	shalt  }
0x49: {  	_ =	shalt  }
0x4a: {  	_ =	shalt  }
0x4b: {  	_ =	shalt  }
0x4c: {  	_ =	shalt  }
0x4d: {  	_ =	shalt  }
0x4e: {  	_ =	shalt  }
0x4f: {  	_ =	shalt  }
0x50: {  	_ =	shalt  }
0x51: {  	_ =	shalt  }
0x52: {  	_ =	shalt  }
0x53: {  	_ =	shalt  }
0x54: {  	_ =	shalt  }
0x55: {  	_ =	shalt  }
0x56: {  	_ =	shalt  }
0x57: {  	_ =	shalt  }
0x58: {  	_ =	shalt  }
0x59: {  	_ =	shalt  }
0x5a: {  	_ =	shalt  }
0x5b: {  	_ =	shalt  }
0x5c: {  	_ =	shalt  }
0x5d: {  	_ =	shalt  }
0x5e: {  	_ =	shalt  }
0x5f: {  	_ =	shalt  }
0x60: {  	_ =	shalt  }
0x61: {  	_ =	shalt  }
0x62: {  	_ =	shalt  }
0x63: {  	_ =	shalt  }
0x64: {  	_ =	shalt  }
0x65: {  	_ =	shalt  }
0x66: {  	_ =	shalt  }
0x67: {  	_ =	shalt  }
0x68: {  	_ =	shalt  }
0x69: {  	_ =	shalt  }
0x6a: {  	_ =	shalt  }
0x6b: {  	_ =	shalt  }
0x6c: {  	_ =	shalt  }
0x6d: {  	_ =	shalt  }
0x6e: {  	_ =	shalt  }
0x6f: {  	_ =	shalt  }
0x70: {  	_ =	shalt  }
0x71: {  	_ =	shalt  }
0x72: {  	_ =	shalt  }
0x73: {  	_ =	shalt  }
0x74: {  	_ =	shalt  }
0x75: {  	_ =	shalt  }
0x76: {  	_ =	shalt  }
0x77: {  	_ =	shalt  }
0x78: {  	_ =	shalt  }
0x79: {  	_ =	shalt  }
0x7a: {  	_ =	shalt  }
0x7b: {  	_ =	shalt  }
0x7c: {  	_ =	shalt  }
0x7d: {  	_ =	shalt  }
0x7e: {  	_ =	shalt  }
0x7f: {  	_ =	shalt  }
0x80: {  	_ =	shalt  }
0x81: {  	_ =	shalt  }
0x82: {  	_ =	shalt  }
0x83: {  	_ =	shalt  }
0x84: {  	_ =	shalt  }
0x85: {  	_ =	shalt  }
0x86: {  	_ =	shalt  }
0x87: {  	_ =	shalt  }
.Lfunc_end0:
.L_simem_size_0:
called_computation_lowered:
.L_overlay_start_0:
0x88: {  	s2 =	sld [smem:$0x3FD9]  }
0x89: {  	s3 =	sld [smem:$0x3FFE];
	_ =	sdelay $0x1  }
0x8a: {  	s1 =	srdreg.scid  }
0x8b: {  	s0 =	sand.u32 $0x1, s1  }
0x8c: {  	s16 =	sshll.u32 s0, $0xA;
	s2 =	sadd.s32 s3, s2  }
0x8d: {  	s2 =	sadd.s32 s2, s16  }
0x8e: {  	[smem:$0x3FC6] =	sst s2  }
0x8f: {  	_ = 	snop  }
0x90: {  	(tm) =	ssettm $0x1  }
0x91: {  	s17 =	sld [smem:$0x3FFB];
	_ =	sdelay $0x3  }
0x92: {  	_ =	strace s17  }
0x93: {  	s2 =	sld [smem:$0x3FFC];
	_ =	sdelay $0x3  }
0x94: {  	_ =	strace s2  }
0x95: {  	s2 =	sld [smem:$0x3FFD];
	_ =	sdelay $0x3  }
0x96: {  	_ =	strace s2  }
0x97: {  	_ =	strace $0x8FFFFFFF  }
0x98: {  	s18 =	sld [smem:$0x3FDB];
	_ =	sdelay $0x1  }
0x99: {  	s19 =	simm.s32 $_scs_section_size  }
0x9a: {  	s4 =	simm.s32 $_size__tile_overlayer_lowered;
	s5 =	simm.s32 $_tile_overlayer_lowered  }
0x9b: {  	s22 =	simm.s32 $0x1BFF;
	s21 =	sshll.u32 s5, $0x1;
	s2 =	sadd.s32 s19, s18  }
0x9c: {  	s6 =	simm.s32 $0x0;
	s20 =	sshll.u32 s4, $0x1;
	s4 =	sadd.s32 s21, s2  }
0x9d: {  	[timem:s6], [sflag:s22] =	dma.local [hbm:s4], s20  }
0x9e: {  	_ =	swait.ge [sflag:s22], s20  }
0x9f: {  	s3 =	ssub.s32 $0x0, s20;
	[sflag:s22] =	ssyncset.done $0x0  }
0xa0: {  	[sflag:s22] =	ssyncadd.s32 s3;
	_ =	sdelay $0x1  }
0xa1: {  	s23 =	simm.s32 $0x1B8B  }
0xa2: {  	_ =	swait.ge [sflag:s23], $0x1  }
0xa3: {  	[sflag:s23] =	ssyncset.done $0x0  }
0xa4: {  	s25 =	simm.s32 $0x1B8E;
	s24 =	sld [smem:$0x3FFE];
	[sflag:s23] =	ssyncadd.s32 $0xFFFFFFFF  }
0xa5: {  	s26 =	simm.s32 $execute0_lowered;
	[smem:$0x3FD2] =	sst s25  }
0xa6: {  	s4 =	sshll.u32 s26, $0x1;
	_ =	strace $0x80000046;
	[dreg:$0x1] =	wrdreg $0xFFFFFFFF  }
0xa7: {  	s28 =	simm.s32 $_size_execute0_lowered;
	s2 =	sadd.s32 s2, s4;
	[dreg:$0x0] =	wrdreg $0x0  }
0xa8: {  	s4 =	sshll.u32 s28, $0x1;
	[dreg:$0x2] =	wrdreg s2  }
0xa9: {  	[dreg:$0x3] =	wrdreg s4  }
0xaa: {  	[dreg:$0x4] =	wrdreg $0xC0  }
0xab: {  	_ =	task [dreg:s6], $0x5FFFF  }
0xac: {  	[dreg:$0x1] =	wrdreg $0xFFFFFFFF  }
0xad: {  	[dreg:$0x0] =	wrdreg $0x60  }
0xae: {  	[dreg:$0x2] =	wrdreg s24  }
0xaf: {  	[dreg:$0x3] =	wrdreg $0x9  }
0xb0: {  	_ =	task.clear_ibuf [dreg:s6], $0x4FFFF;
	_ =	strace $0x90000046  }
0xb1: {  	s29 =	simm.s32 $0x9;
	_ =	strace $0x80000048  }
0xb2: {  	_ =	swait.ge [sflag:s29], $0x1  }
0xb3: {  	[sflag:s29] =	ssyncadd.s32 $0xFFFFFFFF  }
0xb4: {  	_ =	strace $0x90000048  }
0xb5: {  	_ =	sfence  }
0xb6: {  	s30 =	sld [smem:$0x0];
	_ =	sdelay $0x2  }
0xb7: {  	s31 =	sshll.u32 s1, $0xD;
	s1 =	sshrl.u32 s1, $0x2  }
0xb8: {  	s3 =	sand.u32 $0x4000, s31;
	s1 =	sadd.s32 s1, s30  }
0xb9: {  	s0 =	sor.u32 s3, s0;
	s1 =	sshll.u32 s1, $0x11  }
0xba: {  	s0 =	sor.u32 s1, s0  }
0xbb: {  	s0 =	sadd.s32 $0x8F2B, s0  }
0xbc: {  	[sflag:s0] =	ssyncadd.remote.s32 $0x1  }
0xbd: {  	_ =	sfence.sel $0xFFFF  }
0xbe: {  	[dreg:$0x0] =	wrdreg $0xFFFFFFFF;
	(pc) =	sbr.abs _section_cstart, $3  }
0xbf: {  	[dreg:$0x1] =	wrdreg $0xFFFFFFFF  }
0xc0: {  	_ =	task.clear_ibuf [dreg:s6], $0x2FFFF;
	_ =	strace $0x9FFFFFFF  }
0xc1: {  	(tm) =	ssettm $0x7FFFFFFF  }
tec
execute0_lowered:
.L_overlay_start_1:
0x0: {  	(tag) =	ssettag $0x1  }
0x1: {  	s1 =	srdreg.scid  }
0x2: {  	s0 =	stileid.u32;
	s6 =	rddreg [dreg:$0x0]  }
0x3: {  	s11 =	simm.s32 $0x8000;
	s12 =	simm.s32 $0xC000;
	s13 =	simm.s32 $0x10000  }
0x4: {  	s14 =	simm.s32 $0x2;
	s15 =	simm.s32 $0x80;
	s16 =	simm.s32 $0x400  }
0x5: {  	s17 =	simm.s32 $0x3;
	s18 =	simm.s32 $0x0;
	s3 =	sand.u32 $0x1, s1  }
0x6: {  	s2 =	sshll.u32 s0, $0x1;
	s1 =	rddreg [dreg:$0x1];
	s5 =	sshrl.u32 s0, $0x2  }
0x7: {  	s30 =	sadd.s32 $0x20000, s6;
	s4 =	sor.u32 s3, s2;
	s2 =	simm.s32 $0x0  }
0x8: {  	s5 =	smul.u32 $0xC00, s5;
	s3 =	ssub.s32 $0x2, s3;
	s7 =	sshll.u32 s4, $0x7  }
0x9: {  	[smem:$0x7FF] =	sst s2;
	s31 =	sshrl.u32 s3, $0x1;
	s7 =	sand.u32 $0x380, s7  }
0xa: {  	s4 =	sshll.u32 s4, $0xC;
	_ =	strace $0x80000047;
	s5 =	sor.u32 s5, s7  }
0xb: {  	s9 =	ssub.s32 s3, s31;
	s3 =	sadd.s32 s30, s4;
	s5 =	sshrl.u32 s5, $0x3  }
0xc: {  	s10 =	sor.u32 $0x800, s4;
	s4 =	sadd.s32 s6, s4;
	s8 =	sadd.s32 s5, s6  }
0xd: {  	v0 =	vlaneseq.u32;
	s5 =	sadd.s32 s30, s10;
	s6 =	sadd.s32 s6, s10;
	s10 =	simm.s32 $0x1  }
0xe: {  	v1 =	vimm.f32 $0.0e+00;
	v2 =	vimm.f32 $1.000000000e+00;
	v3 =	vor.u32 $0xA0, v0;
	s7 =	sadd.s32 $0x40000, s8;
	s8 =	smax.u32 s9, $0x1;
	s9 =	simm.s32 $0x4000  }
.LBB2_1:
0xf: {  	[tilespmem:$0x10000] =	vst v1  }
0x10: {  	[tilespmem:$0x10010] =	vst v1  }
0x11: {  	[tilespmem:$0x10020] =	vst v1  }
0x12: {  	[tilespmem:$0x10030] =	vst v1  }
0x13: {  	[tilespmem:$0x10040] =	vst v1  }
0x14: {  	[tilespmem:$0x10050] =	vst v1  }
0x15: {  	[tilespmem:$0x10060] =	vst v1  }
0x16: {  	[tilespmem:$0x10070] =	vst v1  }
0x17: {  	[tilespmem:$0x10080] =	vst v1  }
0x18: {  	[tilespmem:$0x10090] =	vst v1  }
0x19: {  	[tilespmem:$0x100A0] =	vst v1  }
0x1a: {  	[tilespmem:$0x100B0] =	vst v1  }
0x1b: {  	[tilespmem:$0x100C0] =	vst v1  }
0x1c: {  	[tilespmem:$0x100D0] =	vst v1  }
0x1d: {  	[tilespmem:$0x100E0] =	vst v1  }
0x1e: {  	[tilespmem:$0x100F0] =	vst v1  }
0x1f: {  	[tilespmem:$0x10100] =	vst v1  }
0x20: {  	[tilespmem:$0x10110] =	vst v1  }
0x21: {  	[tilespmem:$0x10120] =	vst v1  }
0x22: {  	[tilespmem:$0x10130] =	vst v1  }
0x23: {  	[tilespmem:s2], [sflag:$0x1] =	stream.linear.gather [hbm4b:s3+s2], $0x4000, $0x38;
	[tilespmem:$0x10180] =	vst v63  }
0x24: {  	_ = 	snop  }
0x25: {  	[tilespmem:s9], [sflag:$0x1] =	stream.linear.gather [hbm4b:s4+s2], $0x4000, $0x38;
	[tilespmem:$0x10180] =	vst v63  }
0x26: {  	_ =	swait.ge [sflag:s10], $0x4000  }
0x27: {  	[sflag:s10] =	ssyncset.done $0x0  }
0x28: {  	[sflag:s10] =	ssyncadd.s32 $0xFFFFC000  }
0x29: {  	_ =	swait.ge [sflag:s10], $0x4000  }
0x2a: {  	[sflag:s10] =	ssyncset.done $0x0  }
0x2b: {  	[sflag:s10] =	ssyncadd.s32 $0xFFFFC000  }
0x2c: {  	[tilespmem:s11], [sflag:$0x2] =	stream.linear.gather [hbm4b:s5+s2], $0x4000, $0x38;
	[tilespmem:$0x10180] =	vst v63  }
0x2d: {  	s19 =	simm.s32 $0x0  }
0x2e: {  	[tilespmem:s12], [sflag:$0x2] =	stream.linear.gather [hbm4b:s6+s2], $0x4000, $0x38;
	[tilespmem:$0x10180] =	vst v63  }
.LBB2_2:
0x2f: {  	s20 =	sshra.s32 s19, $0x2  }
0x30: {  	v4 =	vld [tilespmem:s20+$0x0]  }
0x31: {  	v5 =	vld [tilespmem:s20+$0x4000];
	_ =	sdelay $0x3  }
0x32: {  	v6 =	vadd.f32 v4, v4  }
0x33: {  	v7 =	vadd.f32 v5, v5  }
0x34: {  	v6 =	vmin.f32 v6, $6.000000000e+01  }
0x35: {  	v7 =	vmin.f32 v7, $6.000000000e+01;
	v6 =	vmul.f32 $1.442695020e+00, v6  }
0x36: {  	v7 =	vmul.f32 $1.442695020e+00, v7  }
0x37: {  	(erf) = vpow2.f32 v6  }
0x38: {  	(erf) = vpow2.f32 v7;
	_ =	sdelay $0x7  }
0x39: {  	v6 =	vpop (erf)  }
0x3a: {  	v7 =	vpop (erf)  }
0x3b: {  	v8 =	vadd.f32 $1.000000000e+00, v6;
	v9 =	vadd.f32 $1.000000000e+00, v7;
	_ =	sdelay $0x1  }
0x3c: {  	v8 =	vmul.f32 v9, v8;
	_ =	sdelay $0x1  }
0x3d: {  	(erf) = vrcp.f32 v8;
	_ =	sdelay $0x4  }
0x3e: {  	v6 =	vsub.f32 v6, v7;
	_ =	sdelay $0x1  }
0x3f: {  	v6 =	vmul.f32 $2.000000000e+01, v6;
	_ =	sdelay $0x1  }
0x40: {  	v6 =	vand.u32 $0x7FFFFFFF, v6;
	v34 =	vpop (erf)  }
0x41: {  	v6 =	vmul.f32 v34, v6;
	_ =	sdelay $0x1  }
0x42: {  	v6 =	vtrunc.f32 v6  }
0x43: {  	v6 =	vcvt.f32.s32 v6;
	_ =	sdelay $0x1  }
0x44: {  	v4 =	vsub.f32 v4, v5;
	vm0 =	vlt.s32 v6, $0x9  }
0x45: {  	v5 =	vnsel vm0, $0x9, v6  }
0x46: {  	v4 =	vand.u32 $0x7FFFFFFF, v4;
	v5 =	vshll.u32 v5, $0x4  }
0x47: {  	v35 =	vmul.f32 $2.500000000e+01, v4;
	vm6 =	vlt.s32 v6, $0xA;
	v36 =	vadd.s32 v3, v5  }
0x48: {  	v5 =	vor.u32 v0, v5  }
0x49: {  	v38 =	vadd.f32 $-9.999999770e-03, v4;
	v37 =	vmul.f32 v35, v4  }
0x4a: {  	vm1 =	vlt.f32 v4, $1.999999960e-02  }
0x4b: {  	v4 =	vsel vm1, v37, v38  }
0x4c: {  	[tilespmem:v36+s13+$0x0] =	vst.idx.add.f32.msk $0xffff, v4  }
0x4d: {  	[tilespmem:v5+s13+$0x0] =	vst.idx.add.f32.msk vm6, v2  }
0x4e: {  	v4 =	vld [tilespmem:s20+$0x10]  }
0x4f: {  	v5 =	vld [tilespmem:s20+$0x4010];
	_ =	sdelay $0x3  }
0x50: {  	v39 =	vadd.f32 v4, v4  }
0x51: {  	v40 =	vadd.f32 v5, v5  }
0x52: {  	v6 =	vmin.f32 v39, $6.000000000e+01  }
0x53: {  	v7 =	vmin.f32 v40, $6.000000000e+01;
	v6 =	vmul.f32 $1.442695020e+00, v6  }
0x54: {  	v7 =	vmul.f32 $1.442695020e+00, v7  }
0x55: {  	(erf) = vpow2.f32 v6  }
0x56: {  	(erf) = vpow2.f32 v7;
	_ =	sdelay $0x7  }
0x57: {  	v6 =	vpop (erf)  }
0x58: {  	v7 =	vpop (erf)  }
0x59: {  	v41 =	vadd.f32 $1.000000000e+00, v6;
	v42 =	vadd.f32 $1.000000000e+00, v7;
	_ =	sdelay $0x1  }
0x5a: {  	v8 =	vmul.f32 v42, v41;
	_ =	sdelay $0x1  }
0x5b: {  	(erf) = vrcp.f32 v8;
	_ =	sdelay $0x4  }
0x5c: {  	v6 =	vsub.f32 v6, v7;
	_ =	sdelay $0x1  }
0x5d: {  	v6 =	vmul.f32 $2.000000000e+01, v6;
	_ =	sdelay $0x1  }
0x5e: {  	v6 =	vand.u32 $0x7FFFFFFF, v6;
	v43 =	vpop (erf)  }
0x5f: {  	v6 =	vmul.f32 v43, v6;
	_ =	sdelay $0x1  }
0x60: {  	v6 =	vtrunc.f32 v6  }
0x61: {  	v6 =	vcvt.f32.s32 v6;
	_ =	sdelay $0x1  }
0x62: {  	v4 =	vsub.f32 v4, v5;
	vm7 =	vlt.s32 v6, $0x9  }
0x63: {  	v5 =	vnsel vm7, $0x9, v6  }
0x64: {  	v4 =	vand.u32 $0x7FFFFFFF, v4;
	v5 =	vshll.u32 v5, $0x4  }
0x65: {  	v44 =	vmul.f32 $2.500000000e+01, v4;
	vm8 =	vlt.s32 v6, $0xA;
	v45 =	vadd.s32 v3, v5  }
0x66: {  	v5 =	vor.u32 v0, v5  }
0x67: {  	v47 =	vadd.f32 $-9.999999770e-03, v4;
	v46 =	vmul.f32 v44, v4  }
0x68: {  	vm9 =	vlt.f32 v4, $1.999999960e-02  }
0x69: {  	v4 =	vsel vm9, v46, v47  }
0x6a: {  	[tilespmem:v45+s13+$0x0] =	vst.idx.add.f32.msk $0xffff, v4  }
0x6b: {  	[tilespmem:v5+s13+$0x0] =	vst.idx.add.f32.msk vm8, v2  }
0x6c: {  	v4 =	vld [tilespmem:s20+$0x20]  }
0x6d: {  	v5 =	vld [tilespmem:s20+$0x4020];
	_ =	sdelay $0x3  }
0x6e: {  	v48 =	vadd.f32 v4, v4  }
0x6f: {  	v49 =	vadd.f32 v5, v5  }
0x70: {  	v6 =	vmin.f32 v48, $6.000000000e+01  }
0x71: {  	v7 =	vmin.f32 v49, $6.000000000e+01;
	v6 =	vmul.f32 $1.442695020e+00, v6  }
0x72: {  	v7 =	vmul.f32 $1.442695020e+00, v7  }
0x73: {  	(erf) = vpow2.f32 v6  }
0x74: {  	(erf) = vpow2.f32 v7;
	_ =	sdelay $0x7  }
0x75: {  	v6 =	vpop (erf)  }
0x76: {  	v7 =	vpop (erf)  }
0x77: {  	v50 =	vadd.f32 $1.000000000e+00, v6;
	v51 =	vadd.f32 $1.000000000e+00, v7;
	_ =	sdelay $0x1  }
0x78: {  	v8 =	vmul.f32 v51, v50;
	_ =	sdelay $0x1  }
0x79: {  	(erf) = vrcp.f32 v8;
	_ =	sdelay $0x4  }
0x7a: {  	v6 =	vsub.f32 v6, v7;
	_ =	sdelay $0x1  }
0x7b: {  	v6 =	vmul.f32 $2.000000000e+01, v6;
	_ =	sdelay $0x1  }
0x7c: {  	v6 =	vand.u32 $0x7FFFFFFF, v6;
	v52 =	vpop (erf)  }
0x7d: {  	v6 =	vmul.f32 v52, v6;
	_ =	sdelay $0x1  }
0x7e: {  	v6 =	vtrunc.f32 v6  }
0x7f: {  	v6 =	vcvt.f32.s32 v6;
	_ =	sdelay $0x1  }
0x80: {  	v4 =	vsub.f32 v4, v5;
	vm10 =	vlt.s32 v6, $0x9  }
0x81: {  	v5 =	vnsel vm10, $0x9, v6  }
0x82: {  	v4 =	vand.u32 $0x7FFFFFFF, v4;
	v5 =	vshll.u32 v5, $0x4  }
0x83: {  	v53 =	vmul.f32 $2.500000000e+01, v4;
	vm11 =	vlt.s32 v6, $0xA;
	v54 =	vadd.s32 v3, v5  }
0x84: {  	v5 =	vor.u32 v0, v5  }
0x85: {  	v56 =	vadd.f32 $-9.999999770e-03, v4;
	v55 =	vmul.f32 v53, v4  }
0x86: {  	vm12 =	vlt.f32 v4, $1.999999960e-02  }
0x87: {  	v4 =	vsel vm12, v55, v56  }
0x88: {  	[tilespmem:v54+s13+$0x0] =	vst.idx.add.f32.msk $0xffff, v4  }
0x89: {  	[tilespmem:v5+s13+$0x0] =	vst.idx.add.f32.msk vm11, v2  }
0x8a: {  	v4 =	vld [tilespmem:s20+$0x30]  }
0x8b: {  	v5 =	vld [tilespmem:s20+$0x4030];
	_ =	sdelay $0x3  }
0x8c: {  	v57 =	vadd.f32 v4, v4  }
0x8d: {  	v58 =	vadd.f32 v5, v5  }
0x8e: {  	v6 =	vmin.f32 v57, $6.000000000e+01  }
0x8f: {  	v7 =	vmin.f32 v58, $6.000000000e+01;
	v6 =	vmul.f32 $1.442695020e+00, v6  }
0x90: {  	v7 =	vmul.f32 $1.442695020e+00, v7  }
0x91: {  	(erf) = vpow2.f32 v6  }
0x92: {  	(erf) = vpow2.f32 v7;
	_ =	sdelay $0x7  }
0x93: {  	v6 =	vpop (erf)  }
0x94: {  	v7 =	vpop (erf)  }
0x95: {  	v59 =	vadd.f32 $1.000000000e+00, v6;
	v60 =	vadd.f32 $1.000000000e+00, v7;
	_ =	sdelay $0x1  }
0x96: {  	v8 =	vmul.f32 v60, v59;
	_ =	sdelay $0x1  }
0x97: {  	(erf) = vrcp.f32 v8;
	_ =	sdelay $0x4  }
0x98: {  	v6 =	vsub.f32 v6, v7;
	_ =	sdelay $0x1  }
0x99: {  	v6 =	vmul.f32 $2.000000000e+01, v6;
	_ =	sdelay $0x1  }
0x9a: {  	v6 =	vand.u32 $0x7FFFFFFF, v6;
	v61 =	vpop (erf)  }
0x9b: {  	v6 =	vmul.f32 v61, v6;
	_ =	sdelay $0x1  }
0x9c: {  	v6 =	vtrunc.f32 v6  }
0x9d: {  	v6 =	vcvt.f32.s32 v6;
	_ =	sdelay $0x1  }
0x9e: {  	v4 =	vsub.f32 v4, v5;
	vm13 =	vlt.s32 v6, $0x9  }
0x9f: {  	v5 =	vnsel vm13, $0x9, v6  }
0xa0: {  	v4 =	vand.u32 $0x7FFFFFFF, v4;
	v5 =	vshll.u32 v5, $0x4  }
0xa1: {  	v62 =	vmul.f32 $2.500000000e+01, v4;
	vm14 =	vlt.s32 v6, $0xA;
	v63 =	vadd.s32 v3, v5  }
0xa2: {  	v5 =	vor.u32 v0, v5  }
0xa3: {  	v10 =	vadd.f32 $-9.999999770e-03, v4;
	v9 =	vmul.f32 v62, v4  }
0xa4: {  	vm15 =	vlt.f32 v4, $1.999999960e-02  }
0xa5: {  	v4 =	vsel vm15, v9, v10  }
0xa6: {  	[tilespmem:v63+s13+$0x0] =	vst.idx.add.f32.msk $0xffff, v4  }
0xa7: {  	[tilespmem:v5+s13+$0x0] =	vst.idx.add.f32.msk vm14, v2  }
0xa8: {  	v4 =	vld [tilespmem:s20+$0x40]  }
0xa9: {  	v5 =	vld [tilespmem:s20+$0x4040];
	_ =	sdelay $0x3  }
0xaa: {  	v11 =	vadd.f32 v4, v4  }
0xab: {  	v12 =	vadd.f32 v5, v5  }
0xac: {  	v6 =	vmin.f32 v11, $6.000000000e+01  }
0xad: {  	v7 =	vmin.f32 v12, $6.000000000e+01;
	v6 =	vmul.f32 $1.442695020e+00, v6  }
0xae: {  	v7 =	vmul.f32 $1.442695020e+00, v7  }
0xaf: {  	(erf) = vpow2.f32 v6  }
0xb0: {  	(erf) = vpow2.f32 v7;
	_ =	sdelay $0x7  }
0xb1: {  	v6 =	vpop (erf)  }
0xb2: {  	v7 =	vpop (erf)  }
0xb3: {  	v13 =	vadd.f32 $1.000000000e+00, v6;
	v14 =	vadd.f32 $1.000000000e+00, v7;
	_ =	sdelay $0x1  }
0xb4: {  	v8 =	vmul.f32 v14, v13;
	_ =	sdelay $0x1  }
0xb5: {  	(erf) = vrcp.f32 v8;
	_ =	sdelay $0x4  }
0xb6: {  	v6 =	vsub.f32 v6, v7;
	_ =	sdelay $0x1  }
0xb7: {  	v6 =	vmul.f32 $2.000000000e+01, v6;
	_ =	sdelay $0x1  }
0xb8: {  	v6 =	vand.u32 $0x7FFFFFFF, v6;
	v15 =	vpop (erf)  }
0xb9: {  	v6 =	vmul.f32 v15, v6;
	_ =	sdelay $0x1  }
0xba: {  	v6 =	vtrunc.f32 v6  }
0xbb: {  	v6 =	vcvt.f32.s32 v6;
	_ =	sdelay $0x1  }
0xbc: {  	v4 =	vsub.f32 v4, v5;
	vm4 =	vlt.s32 v6, $0x9  }
0xbd: {  	v5 =	vnsel vm4, $0x9, v6  }
0xbe: {  	v4 =	vand.u32 $0x7FFFFFFF, v4;
	v5 =	vshll.u32 v5, $0x4  }
0xbf: {  	v16 =	vmul.f32 $2.500000000e+01, v4;
	vm5 =	vlt.s32 v6, $0xA;
	v17 =	vadd.s32 v3, v5  }
0xc0: {  	v5 =	vor.u32 v0, v5  }
0xc1: {  	v19 =	vadd.f32 $-9.999999770e-03, v4;
	v18 =	vmul.f32 v16, v4  }
0xc2: {  	vm6 =	vlt.f32 v4, $1.999999960e-02  }
0xc3: {  	v4 =	vsel vm6, v18, v19  }
0xc4: {  	[tilespmem:v17+s13+$0x0] =	vst.idx.add.f32.msk $0xffff, v4  }
0xc5: {  	[tilespmem:v5+s13+$0x0] =	vst.idx.add.f32.msk vm5, v2  }
0xc6: {  	v4 =	vld [tilespmem:s20+$0x50]  }
0xc7: {  	v5 =	vld [tilespmem:s20+$0x4050];
	_ =	sdelay $0x3  }
0xc8: {  	v20 =	vadd.f32 v4, v4  }
0xc9: {  	v21 =	vadd.f32 v5, v5  }
0xca: {  	v6 =	vmin.f32 v20, $6.000000000e+01  }
0xcb: {  	v7 =	vmin.f32 v21, $6.000000000e+01;
	v6 =	vmul.f32 $1.442695020e+00, v6  }
0xcc: {  	v7 =	vmul.f32 $1.442695020e+00, v7  }
0xcd: {  	(erf) = vpow2.f32 v6  }
0xce: {  	(erf) = vpow2.f32 v7;
	_ =	sdelay $0x7  }
0xcf: {  	v6 =	vpop (erf)  }
0xd0: {  	v7 =	vpop (erf)  }
0xd1: {  	v22 =	vadd.f32 $1.000000000e+00, v6;
	v23 =	vadd.f32 $1.000000000e+00, v7;
	_ =	sdelay $0x1  }
0xd2: {  	v8 =	vmul.f32 v23, v22;
	_ =	sdelay $0x1  }
0xd3: {  	(erf) = vrcp.f32 v8;
	_ =	sdelay $0x4  }
0xd4: {  	v6 =	vsub.f32 v6, v7;
	_ =	sdelay $0x1  }
0xd5: {  	v6 =	vmul.f32 $2.000000000e+01, v6;
	_ =	sdelay $0x1  }
0xd6: {  	v6 =	vand.u32 $0x7FFFFFFF, v6;
	v24 =	vpop (erf)  }
0xd7: {  	v6 =	vmul.f32 v24, v6;
	_ =	sdelay $0x1  }
0xd8: {  	v6 =	vtrunc.f32 v6  }
0xd9: {  	v6 =	vcvt.f32.s32 v6;
	_ =	sdelay $0x1  }
0xda: {  	v4 =	vsub.f32 v4, v5;
	vm7 =	vlt.s32 v6, $0x9  }
0xdb: {  	v5 =	vnsel vm7, $0x9, v6  }
0xdc: {  	v4 =	vand.u32 $0x7FFFFFFF, v4;
	v5 =	vshll.u32 v5, $0x4  }
0xdd: {  	v25 =	vmul.f32 $2.500000000e+01, v4;
	vm8 =	vlt.s32 v6, $0xA;
	v26 =	vadd.s32 v3, v5  }
0xde: {  	v5 =	vor.u32 v0, v5  }
0xdf: {  	v28 =	vadd.f32 $-9.999999770e-03, v4;
	v27 =	vmul.f32 v25, v4  }
0xe0: {  	vm9 =	vlt.f32 v4, $1.999999960e-02  }
0xe1: {  	v4 =	vsel vm9, v27, v28  }
0xe2: {  	[tilespmem:v26+s13+$0x0] =	vst.idx.add.f32.msk $0xffff, v4  }
0xe3: {  	[tilespmem:v5+s13+$0x0] =	vst.idx.add.f32.msk vm8, v2  }
0xe4: {  	v4 =	vld [tilespmem:s20+$0x60]  }
0xe5: {  	v5 =	vld [tilespmem:s20+$0x4060];
	_ =	sdelay $0x3  }
0xe6: {  	v29 =	vadd.f32 v4, v4  }
0xe7: {  	v30 =	vadd.f32 v5, v5  }
0xe8: {  	v6 =	vmin.f32 v29, $6.000000000e+01  }
0xe9: {  	v7 =	vmin.f32 v30, $6.000000000e+01;
	v6 =	vmul.f32 $1.442695020e+00, v6  }
0xea: {  	v7 =	vmul.f32 $1.442695020e+00, v7  }
0xeb: {  	(erf) = vpow2.f32 v6  }
0xec: {  	(erf) = vpow2.f32 v7;
	_ =	sdelay $0x7  }
0xed: {  	v6 =	vpop (erf)  }
0xee: {  	v7 =	vpop (erf)  }
0xef: {  	v31 =	vadd.f32 $1.000000000e+00, v6;
	v32 =	vadd.f32 $1.000000000e+00, v7;
	_ =	sdelay $0x1  }
0xf0: {  	v8 =	vmul.f32 v32, v31;
	_ =	sdelay $0x1  }
0xf1: {  	(erf) = vrcp.f32 v8;
	_ =	sdelay $0x4  }
0xf2: {  	v6 =	vsub.f32 v6, v7;
	_ =	sdelay $0x1  }
0xf3: {  	v6 =	vmul.f32 $2.000000000e+01, v6;
	_ =	sdelay $0x1  }
0xf4: {  	v6 =	vand.u32 $0x7FFFFFFF, v6;
	v33 =	vpop (erf)  }
0xf5: {  	v6 =	vmul.f32 v33, v6;
	_ =	sdelay $0x1  }
0xf6: {  	v6 =	vtrunc.f32 v6  }
0xf7: {  	v6 =	vcvt.f32.s32 v6;
	_ =	sdelay $0x1  }
0xf8: {  	v4 =	vsub.f32 v4, v5;
	vm10 =	vlt.s32 v6, $0x9  }
0xf9: {  	v5 =	vnsel vm10, $0x9, v6  }
0xfa: {  	v4 =	vand.u32 $0x7FFFFFFF, v4;
	v5 =	vshll.u32 v5, $0x4  }
0xfb: {  	v34 =	vmul.f32 $2.500000000e+01, v4;
	vm11 =	vlt.s32 v6, $0xA;
	v35 =	vadd.s32 v3, v5  }
0xfc: {  	v5 =	vor.u32 v0, v5  }
0xfd: {  	v37 =	vadd.f32 $-9.999999770e-03, v4;
	v36 =	vmul.f32 v34, v4  }
0xfe: {  	vm12 =	vlt.f32 v4, $1.999999960e-02  }
0xff: {  	v4 =	vsel vm12, v36, v37  }
0x100: {  	[tilespmem:v35+s13+$0x0] =	vst.idx.add.f32.msk $0xffff, v4  }
0x101: {  	[tilespmem:v5+s13+$0x0] =	vst.idx.add.f32.msk vm11, v2  }
0x102: {  	v4 =	vld [tilespmem:s20+$0x70]  }
0x103: {  	v5 =	vld [tilespmem:s20+$0x4070];
	_ =	sdelay $0x3  }
0x104: {  	v38 =	vadd.f32 v4, v4  }
0x105: {  	v39 =	vadd.f32 v5, v5  }
0x106: {  	v6 =	vmin.f32 v38, $6.000000000e+01  }
0x107: {  	v7 =	vmin.f32 v39, $6.000000000e+01;
	v6 =	vmul.f32 $1.442695020e+00, v6  }
0x108: {  	v7 =	vmul.f32 $1.442695020e+00, v7  }
0x109: {  	(erf) = vpow2.f32 v6  }
0x10a: {  	(erf) = vpow2.f32 v7;
	_ =	sdelay $0x7  }
0x10b: {  	v6 =	vpop (erf)  }
0x10c: {  	v7 =	vpop (erf)  }
0x10d: {  	v40 =	vadd.f32 $1.000000000e+00, v6;
	v41 =	vadd.f32 $1.000000000e+00, v7;
	_ =	sdelay $0x1  }
0x10e: {  	v8 =	vmul.f32 v41, v40;
	_ =	sdelay $0x1  }
0x10f: {  	(erf) = vrcp.f32 v8;
	_ =	sdelay $0x4  }
0x110: {  	v6 =	vsub.f32 v6, v7;
	_ =	sdelay $0x1  }
0x111: {  	v6 =	vmul.f32 $2.000000000e+01, v6;
	_ =	sdelay $0x1  }
0x112: {  	v6 =	vand.u32 $0x7FFFFFFF, v6;
	v42 =	vpop (erf)  }
0x113: {  	v6 =	vmul.f32 v42, v6;
	_ =	sdelay $0x1  }
0x114: {  	v6 =	vtrunc.f32 v6  }
0x115: {  	v6 =	vcvt.f32.s32 v6;
	_ =	sdelay $0x1  }
0x116: {  	v4 =	vsub.f32 v4, v5;
	vm13 =	vlt.s32 v6, $0x9  }
0x117: {  	v5 =	vnsel vm13, $0x9, v6  }
0x118: {  	v4 =	vand.u32 $0x7FFFFFFF, v4;
	v5 =	vshll.u32 v5, $0x4  }
0x119: {  	v43 =	vmul.f32 $2.500000000e+01, v4;
	vm14 =	vlt.s32 v6, $0xA;
	v44 =	vadd.s32 v3, v5  }
0x11a: {  	v5 =	vor.u32 v0, v5  }
0x11b: {  	v46 =	vadd.f32 $-9.999999770e-03, v4;
	v45 =	vmul.f32 v43, v4  }
0x11c: {  	vm15 =	vlt.f32 v4, $1.999999960e-02  }
0x11d: {  	v4 =	vsel vm15, v45, v46  }
0x11e: {  	[tilespmem:v44+s13+$0x0] =	vst.idx.add.f32.msk $0xffff, v4  }
0x11f: {  	[tilespmem:v5+s13+$0x0] =	vst.idx.add.f32.msk vm14, v2  }
0x120: {  	v4 =	vld [tilespmem:s20+$0x80]  }
0x121: {  	v5 =	vld [tilespmem:s20+$0x4080];
	_ =	sdelay $0x3  }
0x122: {  	v47 =	vadd.f32 v4, v4  }
0x123: {  	v48 =	vadd.f32 v5, v5  }
0x124: {  	v6 =	vmin.f32 v47, $6.000000000e+01  }
0x125: {  	v7 =	vmin.f32 v48, $6.000000000e+01;
	v6 =	vmul.f32 $1.442695020e+00, v6  }
0x126: {  	v7 =	vmul.f32 $1.442695020e+00, v7  }
0x127: {  	(erf) = vpow2.f32 v6  }
0x128: {  	(erf) = vpow2.f32 v7;
	_ =	sdelay $0x7  }
0x129: {  	v6 =	vpop (erf)  }
0x12a: {  	v7 =	vpop (erf)  }
0x12b: {  	v49 =	vadd.f32 $1.000000000e+00, v6;
	v50 =	vadd.f32 $1.000000000e+00, v7;
	_ =	sdelay $0x1  }
0x12c: {  	v8 =	vmul.f32 v50, v49;
	_ =	sdelay $0x1  }
0x12d: {  	(erf) = vrcp.f32 v8;
	_ =	sdelay $0x4  }
0x12e: {  	v6 =	vsub.f32 v6, v7;
	_ =	sdelay $0x1  }
0x12f: {  	v6 =	vmul.f32 $2.000000000e+01, v6;
	_ =	sdelay $0x1  }
0x130: {  	v6 =	vand.u32 $0x7FFFFFFF, v6;
	v51 =	vpop (erf)  }
0x131: {  	v6 =	vmul.f32 v51, v6;
	_ =	sdelay $0x1  }
0x132: {  	v6 =	vtrunc.f32 v6  }
0x133: {  	v6 =	vcvt.f32.s32 v6;
	_ =	sdelay $0x1  }
0x134: {  	v4 =	vsub.f32 v4, v5;
	vm4 =	vlt.s32 v6, $0x9  }
0x135: {  	v5 =	vnsel vm4, $0x9, v6  }
0x136: {  	v4 =	vand.u32 $0x7FFFFFFF, v4;
	v5 =	vshll.u32 v5, $0x4  }
0x137: {  	v52 =	vmul.f32 $2.500000000e+01, v4;
	vm5 =	vlt.s32 v6, $0xA;
	v53 =	vadd.s32 v3, v5  }
0x138: {  	v5 =	vor.u32 v0, v5  }
0x139: {  	v55 =	vadd.f32 $-9.999999770e-03, v4;
	v54 =	vmul.f32 v52, v4  }
0x13a: {  	vm6 =	vlt.f32 v4, $1.999999960e-02  }
0x13b: {  	v4 =	vsel vm6, v54, v55  }
0x13c: {  	[tilespmem:v53+s13+$0x0] =	vst.idx.add.f32.msk $0xffff, v4  }
0x13d: {  	[tilespmem:v5+s13+$0x0] =	vst.idx.add.f32.msk vm5, v2  }
0x13e: {  	v4 =	vld [tilespmem:s20+$0x90]  }
0x13f: {  	v5 =	vld [tilespmem:s20+$0x4090];
	_ =	sdelay $0x3  }
0x140: {  	v56 =	vadd.f32 v4, v4  }
0x141: {  	v57 =	vadd.f32 v5, v5  }
0x142: {  	v6 =	vmin.f32 v56, $6.000000000e+01  }
0x143: {  	v7 =	vmin.f32 v57, $6.000000000e+01;
	v6 =	vmul.f32 $1.442695020e+00, v6  }
0x144: {  	v7 =	vmul.f32 $1.442695020e+00, v7  }
0x145: {  	(erf) = vpow2.f32 v6  }
0x146: {  	(erf) = vpow2.f32 v7;
	_ =	sdelay $0x7  }
0x147: {  	v6 =	vpop (erf)  }
0x148: {  	v7 =	vpop (erf)  }
0x149: {  	v58 =	vadd.f32 $1.000000000e+00, v6;
	v59 =	vadd.f32 $1.000000000e+00, v7;
	_ =	sdelay $0x1  }
0x14a: {  	v8 =	vmul.f32 v59, v58;
	_ =	sdelay $0x1  }
0x14b: {  	(erf) = vrcp.f32 v8;
	_ =	sdelay $0x4  }
0x14c: {  	v6 =	vsub.f32 v6, v7;
	_ =	sdelay $0x1  }
0x14d: {  	v6 =	vmul.f32 $2.000000000e+01, v6;
	_ =	sdelay $0x1  }
0x14e: {  	v6 =	vand.u32 $0x7FFFFFFF, v6;
	v60 =	vpop (erf)  }
0x14f: {  	v6 =	vmul.f32 v60, v6;
	_ =	sdelay $0x1  }
0x150: {  	v6 =	vtrunc.f32 v6  }
0x151: {  	v6 =	vcvt.f32.s32 v6;
	_ =	sdelay $0x1  }
0x152: {  	v4 =	vsub.f32 v4, v5;
	vm7 =	vlt.s32 v6, $0x9  }
0x153: {  	v5 =	vnsel vm7, $0x9, v6  }
0x154: {  	v4 =	vand.u32 $0x7FFFFFFF, v4;
	v5 =	vshll.u32 v5, $0x4  }
0x155: {  	v61 =	vmul.f32 $2.500000000e+01, v4;
	vm8 =	vlt.s32 v6, $0xA;
	v62 =	vadd.s32 v3, v5  }
0x156: {  	v5 =	vor.u32 v0, v5  }
0x157: {  	v9 =	vadd.f32 $-9.999999770e-03, v4;
	v63 =	vmul.f32 v61, v4  }
0x158: {  	vm9 =	vlt.f32 v4, $1.999999960e-02  }
0x159: {  	v4 =	vsel vm9, v63, v9  }
0x15a: {  	[tilespmem:v62+s13+$0x0] =	vst.idx.add.f32.msk $0xffff, v4  }
0x15b: {  	[tilespmem:v5+s13+$0x0] =	vst.idx.add.f32.msk vm8, v2  }
0x15c: {  	v4 =	vld [tilespmem:s20+$0xA0]  }
0x15d: {  	v5 =	vld [tilespmem:s20+$0x40A0];
	_ =	sdelay $0x3  }
0x15e: {  	v10 =	vadd.f32 v4, v4  }
0x15f: {  	v11 =	vadd.f32 v5, v5  }
0x160: {  	v6 =	vmin.f32 v10, $6.000000000e+01  }
0x161: {  	v7 =	vmin.f32 v11, $6.000000000e+01;
	v6 =	vmul.f32 $1.442695020e+00, v6  }
0x162: {  	v7 =	vmul.f32 $1.442695020e+00, v7  }
0x163: {  	(erf) = vpow2.f32 v6  }
0x164: {  	(erf) = vpow2.f32 v7;
	_ =	sdelay $0x7  }
0x165: {  	v6 =	vpop (erf)  }
0x166: {  	v7 =	vpop (erf)  }
0x167: {  	v12 =	vadd.f32 $1.000000000e+00, v6;
	v13 =	vadd.f32 $1.000000000e+00, v7;
	_ =	sdelay $0x1  }
0x168: {  	v8 =	vmul.f32 v13, v12;
	_ =	sdelay $0x1  }
0x169: {  	(erf) = vrcp.f32 v8;
	_ =	sdelay $0x4  }
0x16a: {  	v6 =	vsub.f32 v6, v7;
	_ =	sdelay $0x1  }
0x16b: {  	v6 =	vmul.f32 $2.000000000e+01, v6;
	_ =	sdelay $0x1  }
0x16c: {  	v6 =	vand.u32 $0x7FFFFFFF, v6;
	v14 =	vpop (erf)  }
0x16d: {  	v6 =	vmul.f32 v14, v6;
	_ =	sdelay $0x1  }
0x16e: {  	v6 =	vtrunc.f32 v6  }
0x16f: {  	v6 =	vcvt.f32.s32 v6;
	_ =	sdelay $0x1  }
0x170: {  	v4 =	vsub.f32 v4, v5;
	vm10 =	vlt.s32 v6, $0x9  }
0x171: {  	v5 =	vnsel vm10, $0x9, v6  }
0x172: {  	v4 =	vand.u32 $0x7FFFFFFF, v4;
	v5 =	vshll.u32 v5, $0x4  }
0x173: {  	v15 =	vmul.f32 $2.500000000e+01, v4;
	vm11 =	vlt.s32 v6, $0xA;
	v16 =	vadd.s32 v3, v5  }
0x174: {  	v5 =	vor.u32 v0, v5  }
0x175: {  	v18 =	vadd.f32 $-9.999999770e-03, v4;
	v17 =	vmul.f32 v15, v4  }
0x176: {  	vm12 =	vlt.f32 v4, $1.999999960e-02  }
0x177: {  	v4 =	vsel vm12, v17, v18  }
0x178: {  	[tilespmem:v16+s13+$0x0] =	vst.idx.add.f32.msk $0xffff, v4  }
0x179: {  	[tilespmem:v5+s13+$0x0] =	vst.idx.add.f32.msk vm11, v2  }
0x17a: {  	v4 =	vld [tilespmem:s20+$0xB0]  }
0x17b: {  	v5 =	vld [tilespmem:s20+$0x40B0];
	_ =	sdelay $0x3  }
0x17c: {  	v19 =	vadd.f32 v4, v4  }
0x17d: {  	v20 =	vadd.f32 v5, v5  }
0x17e: {  	v6 =	vmin.f32 v19, $6.000000000e+01  }
0x17f: {  	v7 =	vmin.f32 v20, $6.000000000e+01;
	v6 =	vmul.f32 $1.442695020e+00, v6  }
0x180: {  	v7 =	vmul.f32 $1.442695020e+00, v7  }
0x181: {  	(erf) = vpow2.f32 v6  }
0x182: {  	(erf) = vpow2.f32 v7;
	_ =	sdelay $0x7  }
0x183: {  	v6 =	vpop (erf)  }
0x184: {  	v7 =	vpop (erf)  }
0x185: {  	v21 =	vadd.f32 $1.000000000e+00, v6;
	v22 =	vadd.f32 $1.000000000e+00, v7;
	_ =	sdelay $0x1  }
0x186: {  	v8 =	vmul.f32 v22, v21;
	_ =	sdelay $0x1  }
0x187: {  	(erf) = vrcp.f32 v8;
	_ =	sdelay $0x4  }
0x188: {  	v6 =	vsub.f32 v6, v7;
	_ =	sdelay $0x1  }
0x189: {  	v6 =	vmul.f32 $2.000000000e+01, v6;
	_ =	sdelay $0x1  }
0x18a: {  	v6 =	vand.u32 $0x7FFFFFFF, v6;
	v23 =	vpop (erf)  }
0x18b: {  	v6 =	vmul.f32 v23, v6;
	_ =	sdelay $0x1  }
0x18c: {  	v6 =	vtrunc.f32 v6  }
0x18d: {  	v6 =	vcvt.f32.s32 v6;
	_ =	sdelay $0x1  }
0x18e: {  	v4 =	vsub.f32 v4, v5;
	vm13 =	vlt.s32 v6, $0x9  }
0x18f: {  	v5 =	vnsel vm13, $0x9, v6  }
0x190: {  	v4 =	vand.u32 $0x7FFFFFFF, v4;
	v5 =	vshll.u32 v5, $0x4  }
0x191: {  	v24 =	vmul.f32 $2.500000000e+01, v4;
	vm14 =	vlt.s32 v6, $0xA;
	v25 =	vadd.s32 v3, v5  }
0x192: {  	v5 =	vor.u32 v0, v5  }
0x193: {  	v27 =	vadd.f32 $-9.999999770e-03, v4;
	v26 =	vmul.f32 v24, v4  }
0x194: {  	vm15 =	vlt.f32 v4, $1.999999960e-02  }
0x195: {  	v4 =	vsel vm15, v26, v27  }
0x196: {  	[tilespmem:v25+s13+$0x0] =	vst.idx.add.f32.msk $0xffff, v4  }
0x197: {  	[tilespmem:v5+s13+$0x0] =	vst.idx.add.f32.msk vm14, v2  }
0x198: {  	v4 =	vld [tilespmem:s20+$0xC0]  }
0x199: {  	v5 =	vld [tilespmem:s20+$0x40C0];
	_ =	sdelay $0x3  }
0x19a: {  	v28 =	vadd.f32 v4, v4  }
0x19b: {  	v29 =	vadd.f32 v5, v5  }
0x19c: {  	v6 =	vmin.f32 v28, $6.000000000e+01  }
0x19d: {  	v7 =	vmin.f32 v29, $6.000000000e+01;
	v6 =	vmul.f32 $1.442695020e+00, v6  }
0x19e: {  	v7 =	vmul.f32 $1.442695020e+00, v7  }
0x19f: {  	(erf) = vpow2.f32 v6  }
0x1a0: {  	(erf) = vpow2.f32 v7;
	_ =	sdelay $0x7  }
0x1a1: {  	v6 =	vpop (erf)  }
0x1a2: {  	v7 =	vpop (erf)  }
0x1a3: {  	v30 =	vadd.f32 $1.000000000e+00, v6;
	v31 =	vadd.f32 $1.000000000e+00, v7;
	_ =	sdelay $0x1  }
0x1a4: {  	v8 =	vmul.f32 v31, v30;
	_ =	sdelay $0x1  }
0x1a5: {  	(erf) = vrcp.f32 v8;
	_ =	sdelay $0x4  }
0x1a6: {  	v6 =	vsub.f32 v6, v7;
	_ =	sdelay $0x1  }
0x1a7: {  	v6 =	vmul.f32 $2.000000000e+01, v6;
	_ =	sdelay $0x1  }
0x1a8: {  	v6 =	vand.u32 $0x7FFFFFFF, v6;
	v32 =	vpop (erf)  }
0x1a9: {  	v6 =	vmul.f32 v32, v6;
	_ =	sdelay $0x1  }
0x1aa: {  	v6 =	vtrunc.f32 v6  }
0x1ab: {  	v6 =	vcvt.f32.s32 v6;
	_ =	sdelay $0x1  }
0x1ac: {  	v4 =	vsub.f32 v4, v5;
	vm4 =	vlt.s32 v6, $0x9  }
0x1ad: {  	v5 =	vnsel vm4, $0x9, v6  }
0x1ae: {  	v4 =	vand.u32 $0x7FFFFFFF, v4;
	v5 =	vshll.u32 v5, $0x4  }
0x1af: {  	v33 =	vmul.f32 $2.500000000e+01, v4;
	vm5 =	vlt.s32 v6, $0xA;
	v34 =	vadd.s32 v3, v5  }
0x1b0: {  	v5 =	vor.u32 v0, v5  }
0x1b1: {  	v36 =	vadd.f32 $-9.999999770e-03, v4;
	v35 =	vmul.f32 v33, v4  }
0x1b2: {  	vm6 =	vlt.f32 v4, $1.999999960e-02  }
0x1b3: {  	v4 =	vsel vm6, v35, v36  }
0x1b4: {  	[tilespmem:v34+s13+$0x0] =	vst.idx.add.f32.msk $0xffff, v4  }
0x1b5: {  	[tilespmem:v5+s13+$0x0] =	vst.idx.add.f32.msk vm5, v2  }
0x1b6: {  	v4 =	vld [tilespmem:s20+$0xD0]  }
0x1b7: {  	v5 =	vld [tilespmem:s20+$0x40D0];
	_ =	sdelay $0x3  }
0x1b8: {  	v37 =	vadd.f32 v4, v4  }
0x1b9: {  	v38 =	vadd.f32 v5, v5  }
0x1ba: {  	v6 =	vmin.f32 v37, $6.000000000e+01  }
0x1bb: {  	v7 =	vmin.f32 v38, $6.000000000e+01;
	v6 =	vmul.f32 $1.442695020e+00, v6  }
0x1bc: {  	v7 =	vmul.f32 $1.442695020e+00, v7  }
0x1bd: {  	(erf) = vpow2.f32 v6  }
0x1be: {  	(erf) = vpow2.f32 v7;
	_ =	sdelay $0x7  }
0x1bf: {  	v6 =	vpop (erf)  }
0x1c0: {  	v7 =	vpop (erf)  }
0x1c1: {  	v39 =	vadd.f32 $1.000000000e+00, v6;
	v40 =	vadd.f32 $1.000000000e+00, v7;
	_ =	sdelay $0x1  }
0x1c2: {  	v8 =	vmul.f32 v40, v39;
	_ =	sdelay $0x1  }
0x1c3: {  	(erf) = vrcp.f32 v8;
	_ =	sdelay $0x4  }
0x1c4: {  	v6 =	vsub.f32 v6, v7;
	_ =	sdelay $0x1  }
0x1c5: {  	v6 =	vmul.f32 $2.000000000e+01, v6;
	_ =	sdelay $0x1  }
0x1c6: {  	v6 =	vand.u32 $0x7FFFFFFF, v6;
	v41 =	vpop (erf)  }
0x1c7: {  	v6 =	vmul.f32 v41, v6;
	_ =	sdelay $0x1  }
0x1c8: {  	v6 =	vtrunc.f32 v6  }
0x1c9: {  	v6 =	vcvt.f32.s32 v6;
	_ =	sdelay $0x1  }
0x1ca: {  	v4 =	vsub.f32 v4, v5;
	vm7 =	vlt.s32 v6, $0x9  }
0x1cb: {  	v5 =	vnsel vm7, $0x9, v6  }
0x1cc: {  	v4 =	vand.u32 $0x7FFFFFFF, v4;
	v5 =	vshll.u32 v5, $0x4  }
0x1cd: {  	v42 =	vmul.f32 $2.500000000e+01, v4;
	vm8 =	vlt.s32 v6, $0xA;
	v43 =	vadd.s32 v3, v5  }
0x1ce: {  	v5 =	vor.u32 v0, v5  }
0x1cf: {  	v45 =	vadd.f32 $-9.999999770e-03, v4;
	v44 =	vmul.f32 v42, v4  }
0x1d0: {  	vm9 =	vlt.f32 v4, $1.999999960e-02  }
0x1d1: {  	v4 =	vsel vm9, v44, v45  }
0x1d2: {  	[tilespmem:v43+s13+$0x0] =	vst.idx.add.f32.msk $0xffff, v4  }
0x1d3: {  	[tilespmem:v5+s13+$0x0] =	vst.idx.add.f32.msk vm8, v2  }
0x1d4: {  	v4 =	vld [tilespmem:s20+$0xE0]  }
0x1d5: {  	v5 =	vld [tilespmem:s20+$0x40E0];
	_ =	sdelay $0x3  }
0x1d6: {  	v46 =	vadd.f32 v4, v4  }
0x1d7: {  	v47 =	vadd.f32 v5, v5  }
0x1d8: {  	v6 =	vmin.f32 v46, $6.000000000e+01  }
0x1d9: {  	v7 =	vmin.f32 v47, $6.000000000e+01;
	v6 =	vmul.f32 $1.442695020e+00, v6  }
0x1da: {  	v7 =	vmul.f32 $1.442695020e+00, v7  }
0x1db: {  	(erf) = vpow2.f32 v6  }
0x1dc: {  	(erf) = vpow2.f32 v7;
	_ =	sdelay $0x7  }
0x1dd: {  	v6 =	vpop (erf)  }
0x1de: {  	v7 =	vpop (erf)  }
0x1df: {  	v48 =	vadd.f32 $1.000000000e+00, v6;
	v49 =	vadd.f32 $1.000000000e+00, v7;
	_ =	sdelay $0x1  }
0x1e0: {  	v8 =	vmul.f32 v49, v48;
	_ =	sdelay $0x1  }
0x1e1: {  	(erf) = vrcp.f32 v8;
	_ =	sdelay $0x4  }
0x1e2: {  	v6 =	vsub.f32 v6, v7;
	_ =	sdelay $0x1  }
0x1e3: {  	v6 =	vmul.f32 $2.000000000e+01, v6;
	_ =	sdelay $0x1  }
0x1e4: {  	v6 =	vand.u32 $0x7FFFFFFF, v6;
	v50 =	vpop (erf)  }
0x1e5: {  	v6 =	vmul.f32 v50, v6;
	_ =	sdelay $0x1  }
0x1e6: {  	v6 =	vtrunc.f32 v6  }
0x1e7: {  	v6 =	vcvt.f32.s32 v6;
	_ =	sdelay $0x1  }
0x1e8: {  	v4 =	vsub.f32 v4, v5;
	vm10 =	vlt.s32 v6, $0x9  }
0x1e9: {  	v5 =	vnsel vm10, $0x9, v6  }
0x1ea: {  	v4 =	vand.u32 $0x7FFFFFFF, v4;
	v5 =	vshll.u32 v5, $0x4  }
0x1eb: {  	v51 =	vmul.f32 $2.500000000e+01, v4;
	vm11 =	vlt.s32 v6, $0xA;
	v52 =	vadd.s32 v3, v5  }
0x1ec: {  	v5 =	vor.u32 v0, v5  }
0x1ed: {  	v54 =	vadd.f32 $-9.999999770e-03, v4;
	v53 =	vmul.f32 v51, v4  }
0x1ee: {  	vm12 =	vlt.f32 v4, $1.999999960e-02  }
0x1ef: {  	v4 =	vsel vm12, v53, v54  }
0x1f0: {  	[tilespmem:v52+s13+$0x0] =	vst.idx.add.f32.msk $0xffff, v4  }
0x1f1: {  	[tilespmem:v5+s13+$0x0] =	vst.idx.add.f32.msk vm11, v2  }
0x1f2: {  	v4 =	vld [tilespmem:s20+$0xF0]  }
0x1f3: {  	v5 =	vld [tilespmem:s20+$0x40F0];
	_ =	sdelay $0x3  }
0x1f4: {  	v55 =	vadd.f32 v4, v4  }
0x1f5: {  	v56 =	vadd.f32 v5, v5  }
0x1f6: {  	v6 =	vmin.f32 v55, $6.000000000e+01  }
0x1f7: {  	v7 =	vmin.f32 v56, $6.000000000e+01;
	v6 =	vmul.f32 $1.442695020e+00, v6  }
0x1f8: {  	v7 =	vmul.f32 $1.442695020e+00, v7  }
0x1f9: {  	(erf) = vpow2.f32 v6  }
0x1fa: {  	(erf) = vpow2.f32 v7;
	_ =	sdelay $0x7  }
0x1fb: {  	v6 =	vpop (erf)  }
0x1fc: {  	v7 =	vpop (erf)  }
0x1fd: {  	v57 =	vadd.f32 $1.000000000e+00, v6;
	v58 =	vadd.f32 $1.000000000e+00, v7;
	_ =	sdelay $0x1  }
0x1fe: {  	v8 =	vmul.f32 v58, v57;
	_ =	sdelay $0x1  }
0x1ff: {  	(erf) = vrcp.f32 v8;
	_ =	sdelay $0x4  }
0x200: {  	v6 =	vsub.f32 v6, v7;
	_ =	sdelay $0x1  }
0x201: {  	v6 =	vmul.f32 $2.000000000e+01, v6;
	_ =	sdelay $0x1  }
0x202: {  	v6 =	vand.u32 $0x7FFFFFFF, v6;
	v59 =	vpop (erf)  }
0x203: {  	v6 =	vmul.f32 v59, v6;
	_ =	sdelay $0x1  }
0x204: {  	v6 =	vtrunc.f32 v6  }
0x205: {  	v6 =	vcvt.f32.s32 v6;
	_ =	sdelay $0x1  }
0x206: {  	v4 =	vsub.f32 v4, v5;
	vm13 =	vlt.s32 v6, $0x9  }
0x207: {  	v5 =	vnsel vm13, $0x9, v6  }
0x208: {  	v4 =	vand.u32 $0x7FFFFFFF, v4;
	v5 =	vshll.u32 v5, $0x4  }
0x209: {  	v60 =	vmul.f32 $2.500000000e+01, v4;
	vm14 =	vlt.s32 v6, $0xA;
	v61 =	vadd.s32 v3, v5  }
0x20a: {  	p0 =	sne.s32 s19, $0xFC00;
	v5 =	vor.u32 v0, v5  }
.Ltmp0:
0x20b: {  	v63 =	vadd.f32 $-9.999999770e-03, v4;
	v62 =	vmul.f32 v60, v4;
	(pc) =	sbr.rel @p0 .LBB2_2-.Ltmp0, $4  }
0x20c: {  	vm15 =	vlt.f32 v4, $1.999999960e-02  }
0x20d: {  	v4 =	vsel vm15, v62, v63  }
0x20e: {  	[tilespmem:v61+s13+$0x0] =	vst.idx.add.f32.msk $0xffff, v4  }
0x20f: {  	s19 =	sadd.s32 $0x400, s19;
	[tilespmem:v5+s13+$0x0] =	vst.idx.add.f32.msk vm14, v2  }
0x210: {  	_ =	swait.ge [sflag:s14], $0x4000  }
0x211: {  	[sflag:s14] =	ssyncset.done $0x0  }
0x212: {  	[sflag:s14] =	ssyncadd.s32 $0xFFFFC000  }
0x213: {  	_ =	swait.ge [sflag:s14], $0x4000  }
0x214: {  	[sflag:s14] =	ssyncset.done $0x0  }
0x215: {  	s19 =	simm.s32 $0x0;
	[sflag:s14] =	ssyncadd.s32 $0xFFFFC000  }
.LBB2_4:
0x216: {  	s20 =	sshra.s32 s19, $0x2  }
0x217: {  	v4 =	vld [tilespmem:s20+$0x8000]  }
0x218: {  	v5 =	vld [tilespmem:s20+$0xC000];
	_ =	sdelay $0x3  }
0x219: {  	v6 =	vadd.f32 v4, v4  }
0x21a: {  	v7 =	vadd.f32 v5, v5  }
0x21b: {  	v6 =	vmin.f32 v6, $6.000000000e+01  }
0x21c: {  	v7 =	vmin.f32 v7, $6.000000000e+01;
	v6 =	vmul.f32 $1.442695020e+00, v6  }
0x21d: {  	v7 =	vmul.f32 $1.442695020e+00, v7  }
0x21e: {  	(erf) = vpow2.f32 v6  }
0x21f: {  	(erf) = vpow2.f32 v7;
	_ =	sdelay $0x7  }
0x220: {  	v6 =	vpop (erf)  }
0x221: {  	v7 =	vpop (erf)  }
0x222: {  	v8 =	vadd.f32 $1.000000000e+00, v6;
	v9 =	vadd.f32 $1.000000000e+00, v7;
	_ =	sdelay $0x1  }
0x223: {  	v8 =	vmul.f32 v9, v8;
	_ =	sdelay $0x1  }
0x224: {  	(erf) = vrcp.f32 v8;
	_ =	sdelay $0x4  }
0x225: {  	v6 =	vsub.f32 v6, v7;
	_ =	sdelay $0x1  }
0x226: {  	v6 =	vmul.f32 $2.000000000e+01, v6;
	_ =	sdelay $0x1  }
0x227: {  	v6 =	vand.u32 $0x7FFFFFFF, v6;
	v34 =	vpop (erf)  }
0x228: {  	v6 =	vmul.f32 v34, v6;
	_ =	sdelay $0x1  }
0x229: {  	v6 =	vtrunc.f32 v6  }
0x22a: {  	v6 =	vcvt.f32.s32 v6;
	_ =	sdelay $0x1  }
0x22b: {  	v4 =	vsub.f32 v4, v5;
	vm0 =	vlt.s32 v6, $0x9  }
0x22c: {  	v5 =	vnsel vm0, $0x9, v6  }
0x22d: {  	v4 =	vand.u32 $0x7FFFFFFF, v4;
	v5 =	vshll.u32 v5, $0x4  }
0x22e: {  	v35 =	vmul.f32 $2.500000000e+01, v4;
	vm6 =	vlt.s32 v6, $0xA;
	v36 =	vadd.s32 v3, v5  }
0x22f: {  	v5 =	vor.u32 v0, v5  }
0x230: {  	v38 =	vadd.f32 $-9.999999770e-03, v4;
	v37 =	vmul.f32 v35, v4  }
0x231: {  	vm1 =	vlt.f32 v4, $1.999999960e-02  }
0x232: {  	v4 =	vsel vm1, v37, v38  }
0x233: {  	[tilespmem:v36+s13+$0x0] =	vst.idx.add.f32.msk $0xffff, v4  }
0x234: {  	[tilespmem:v5+s13+$0x0] =	vst.idx.add.f32.msk vm6, v2  }
0x235: {  	v4 =	vld [tilespmem:s20+$0x8010]  }
0x236: {  	v5 =	vld [tilespmem:s20+$0xC010];
	_ =	sdelay $0x3  }
0x237: {  	v39 =	vadd.f32 v4, v4  }
0x238: {  	v40 =	vadd.f32 v5, v5  }
0x239: {  	v6 =	vmin.f32 v39, $6.000000000e+01  }
0x23a: {  	v7 =	vmin.f32 v40, $6.000000000e+01;
	v6 =	vmul.f32 $1.442695020e+00, v6  }
0x23b: {  	v7 =	vmul.f32 $1.442695020e+00, v7  }
0x23c: {  	(erf) = vpow2.f32 v6  }
0x23d: {  	(erf) = vpow2.f32 v7;
	_ =	sdelay $0x7  }
0x23e: {  	v6 =	vpop (erf)  }
0x23f: {  	v7 =	vpop (erf)  }
0x240: {  	v41 =	vadd.f32 $1.000000000e+00, v6;
	v42 =	vadd.f32 $1.000000000e+00, v7;
	_ =	sdelay $0x1  }
0x241: {  	v8 =	vmul.f32 v42, v41;
	_ =	sdelay $0x1  }
0x242: {  	(erf) = vrcp.f32 v8;
	_ =	sdelay $0x4  }
0x243: {  	v6 =	vsub.f32 v6, v7;
	_ =	sdelay $0x1  }
0x244: {  	v6 =	vmul.f32 $2.000000000e+01, v6;
	_ =	sdelay $0x1  }
0x245: {  	v6 =	vand.u32 $0x7FFFFFFF, v6;
	v43 =	vpop (erf)  }
0x246: {  	v6 =	vmul.f32 v43, v6;
	_ =	sdelay $0x1  }
0x247: {  	v6 =	vtrunc.f32 v6  }
0x248: {  	v6 =	vcvt.f32.s32 v6;
	_ =	sdelay $0x1  }
0x249: {  	v4 =	vsub.f32 v4, v5;
	vm7 =	vlt.s32 v6, $0x9  }
0x24a: {  	v5 =	vnsel vm7, $0x9, v6  }
0x24b: {  	v4 =	vand.u32 $0x7FFFFFFF, v4;
	v5 =	vshll.u32 v5, $0x4  }
0x24c: {  	v44 =	vmul.f32 $2.500000000e+01, v4;
	vm8 =	vlt.s32 v6, $0xA;
	v45 =	vadd.s32 v3, v5  }
0x24d: {  	v5 =	vor.u32 v0, v5  }
0x24e: {  	v47 =	vadd.f32 $-9.999999770e-03, v4;
	v46 =	vmul.f32 v44, v4  }
0x24f: {  	vm9 =	vlt.f32 v4, $1.999999960e-02  }
0x250: {  	v4 =	vsel vm9, v46, v47  }
0x251: {  	[tilespmem:v45+s13+$0x0] =	vst.idx.add.f32.msk $0xffff, v4  }
0x252: {  	[tilespmem:v5+s13+$0x0] =	vst.idx.add.f32.msk vm8, v2  }
0x253: {  	v4 =	vld [tilespmem:s20+$0x8020]  }
0x254: {  	v5 =	vld [tilespmem:s20+$0xC020];
	_ =	sdelay $0x3  }
0x255: {  	v48 =	vadd.f32 v4, v4  }
0x256: {  	v49 =	vadd.f32 v5, v5  }
0x257: {  	v6 =	vmin.f32 v48, $6.000000000e+01  }
0x258: {  	v7 =	vmin.f32 v49, $6.000000000e+01;
	v6 =	vmul.f32 $1.442695020e+00, v6  }
0x259: {  	v7 =	vmul.f32 $1.442695020e+00, v7  }
0x25a: {  	(erf) = vpow2.f32 v6  }
0x25b: {  	(erf) = vpow2.f32 v7;
	_ =	sdelay $0x7  }
0x25c: {  	v6 =	vpop (erf)  }
0x25d: {  	v7 =	vpop (erf)  }
0x25e: {  	v50 =	vadd.f32 $1.000000000e+00, v6;
	v51 =	vadd.f32 $1.000000000e+00, v7;
	_ =	sdelay $0x1  }
0x25f: {  	v8 =	vmul.f32 v51, v50;
	_ =	sdelay $0x1  }
0x260: {  	(erf) = vrcp.f32 v8;
	_ =	sdelay $0x4  }
0x261: {  	v6 =	vsub.f32 v6, v7;
	_ =	sdelay $0x1  }
0x262: {  	v6 =	vmul.f32 $2.000000000e+01, v6;
	_ =	sdelay $0x1  }
0x263: {  	v6 =	vand.u32 $0x7FFFFFFF, v6;
	v52 =	vpop (erf)  }
0x264: {  	v6 =	vmul.f32 v52, v6;
	_ =	sdelay $0x1  }
0x265: {  	v6 =	vtrunc.f32 v6  }
0x266: {  	v6 =	vcvt.f32.s32 v6;
	_ =	sdelay $0x1  }
0x267: {  	v4 =	vsub.f32 v4, v5;
	vm10 =	vlt.s32 v6, $0x9  }
0x268: {  	v5 =	vnsel vm10, $0x9, v6  }
0x269: {  	v4 =	vand.u32 $0x7FFFFFFF, v4;
	v5 =	vshll.u32 v5, $0x4  }
0x26a: {  	v53 =	vmul.f32 $2.500000000e+01, v4;
	vm11 =	vlt.s32 v6, $0xA;
	v54 =	vadd.s32 v3, v5  }
0x26b: {  	v5 =	vor.u32 v0, v5  }
0x26c: {  	v56 =	vadd.f32 $-9.999999770e-03, v4;
	v55 =	vmul.f32 v53, v4  }
0x26d: {  	vm12 =	vlt.f32 v4, $1.999999960e-02  }
0x26e: {  	v4 =	vsel vm12, v55, v56  }
0x26f: {  	[tilespmem:v54+s13+$0x0] =	vst.idx.add.f32.msk $0xffff, v4  }
0x270: {  	[tilespmem:v5+s13+$0x0] =	vst.idx.add.f32.msk vm11, v2  }
0x271: {  	v4 =	vld [tilespmem:s20+$0x8030]  }
0x272: {  	v5 =	vld [tilespmem:s20+$0xC030];
	_ =	sdelay $0x3  }
0x273: {  	v57 =	vadd.f32 v4, v4  }
0x274: {  	v58 =	vadd.f32 v5, v5  }
0x275: {  	v6 =	vmin.f32 v57, $6.000000000e+01  }
0x276: {  	v7 =	vmin.f32 v58, $6.000000000e+01;
	v6 =	vmul.f32 $1.442695020e+00, v6  }
0x277: {  	v7 =	vmul.f32 $1.442695020e+00, v7  }
0x278: {  	(erf) = vpow2.f32 v6  }
0x279: {  	(erf) = vpow2.f32 v7;
	_ =	sdelay $0x7  }
0x27a: {  	v6 =	vpop (erf)  }
0x27b: {  	v7 =	vpop (erf)  }
0x27c: {  	v59 =	vadd.f32 $1.000000000e+00, v6;
	v60 =	vadd.f32 $1.000000000e+00, v7;
	_ =	sdelay $0x1  }
0x27d: {  	v8 =	vmul.f32 v60, v59;
	_ =	sdelay $0x1  }
0x27e: {  	(erf) = vrcp.f32 v8;
	_ =	sdelay $0x4  }
0x27f: {  	v6 =	vsub.f32 v6, v7;
	_ =	sdelay $0x1  }
0x280: {  	v6 =	vmul.f32 $2.000000000e+01, v6;
	_ =	sdelay $0x1  }
0x281: {  	v6 =	vand.u32 $0x7FFFFFFF, v6;
	v61 =	vpop (erf)  }
0x282: {  	v6 =	vmul.f32 v61, v6;
	_ =	sdelay $0x1  }
0x283: {  	v6 =	vtrunc.f32 v6  }
0x284: {  	v6 =	vcvt.f32.s32 v6;
	_ =	sdelay $0x1  }
0x285: {  	v4 =	vsub.f32 v4, v5;
	vm13 =	vlt.s32 v6, $0x9  }
0x286: {  	v5 =	vnsel vm13, $0x9, v6  }
0x287: {  	v4 =	vand.u32 $0x7FFFFFFF, v4;
	v5 =	vshll.u32 v5, $0x4  }
0x288: {  	v62 =	vmul.f32 $2.500000000e+01, v4;
	vm14 =	vlt.s32 v6, $0xA;
	v63 =	vadd.s32 v3, v5  }
0x289: {  	v5 =	vor.u32 v0, v5  }
0x28a: {  	v10 =	vadd.f32 $-9.999999770e-03, v4;
	v9 =	vmul.f32 v62, v4  }
0x28b: {  	vm15 =	vlt.f32 v4, $1.999999960e-02  }
0x28c: {  	v4 =	vsel vm15, v9, v10  }
0x28d: {  	[tilespmem:v63+s13+$0x0] =	vst.idx.add.f32.msk $0xffff, v4  }
0x28e: {  	[tilespmem:v5+s13+$0x0] =	vst.idx.add.f32.msk vm14, v2  }
0x28f: {  	v4 =	vld [tilespmem:s20+$0x8040]  }
0x290: {  	v5 =	vld [tilespmem:s20+$0xC040];
	_ =	sdelay $0x3  }
0x291: {  	v11 =	vadd.f32 v4, v4  }
0x292: {  	v12 =	vadd.f32 v5, v5  }
0x293: {  	v6 =	vmin.f32 v11, $6.000000000e+01  }
0x294: {  	v7 =	vmin.f32 v12, $6.000000000e+01;
	v6 =	vmul.f32 $1.442695020e+00, v6  }
0x295: {  	v7 =	vmul.f32 $1.442695020e+00, v7  }
0x296: {  	(erf) = vpow2.f32 v6  }
0x297: {  	(erf) = vpow2.f32 v7;
	_ =	sdelay $0x7  }
0x298: {  	v6 =	vpop (erf)  }
0x299: {  	v7 =	vpop (erf)  }
0x29a: {  	v13 =	vadd.f32 $1.000000000e+00, v6;
	v14 =	vadd.f32 $1.000000000e+00, v7;
	_ =	sdelay $0x1  }
0x29b: {  	v8 =	vmul.f32 v14, v13;
	_ =	sdelay $0x1  }
0x29c: {  	(erf) = vrcp.f32 v8;
	_ =	sdelay $0x4  }
0x29d: {  	v6 =	vsub.f32 v6, v7;
	_ =	sdelay $0x1  }
0x29e: {  	v6 =	vmul.f32 $2.000000000e+01, v6;
	_ =	sdelay $0x1  }
0x29f: {  	v6 =	vand.u32 $0x7FFFFFFF, v6;
	v15 =	vpop (erf)  }
0x2a0: {  	v6 =	vmul.f32 v15, v6;
	_ =	sdelay $0x1  }
0x2a1: {  	v6 =	vtrunc.f32 v6  }
0x2a2: {  	v6 =	vcvt.f32.s32 v6;
	_ =	sdelay $0x1  }
0x2a3: {  	v4 =	vsub.f32 v4, v5;
	vm4 =	vlt.s32 v6, $0x9  }
0x2a4: {  	v5 =	vnsel vm4, $0x9, v6  }
0x2a5: {  	v4 =	vand.u32 $0x7FFFFFFF, v4;
	v5 =	vshll.u32 v5, $0x4  }
0x2a6: {  	v16 =	vmul.f32 $2.500000000e+01, v4;
	vm5 =	vlt.s32 v6, $0xA;
	v17 =	vadd.s32 v3, v5  }
0x2a7: {  	v5 =	vor.u32 v0, v5  }
0x2a8: {  	v19 =	vadd.f32 $-9.999999770e-03, v4;
	v18 =	vmul.f32 v16, v4  }
0x2a9: {  	vm6 =	vlt.f32 v4, $1.999999960e-02  }
0x2aa: {  	v4 =	vsel vm6, v18, v19  }
0x2ab: {  	[tilespmem:v17+s13+$0x0] =	vst.idx.add.f32.msk $0xffff, v4  }
0x2ac: {  	[tilespmem:v5+s13+$0x0] =	vst.idx.add.f32.msk vm5, v2  }
0x2ad: {  	v4 =	vld [tilespmem:s20+$0x8050]  }
0x2ae: {  	v5 =	vld [tilespmem:s20+$0xC050];
	_ =	sdelay $0x3  }
0x2af: {  	v20 =	vadd.f32 v4, v4  }
0x2b0: {  	v21 =	vadd.f32 v5, v5  }
0x2b1: {  	v6 =	vmin.f32 v20, $6.000000000e+01  }
0x2b2: {  	v7 =	vmin.f32 v21, $6.000000000e+01;
	v6 =	vmul.f32 $1.442695020e+00, v6  }
0x2b3: {  	v7 =	vmul.f32 $1.442695020e+00, v7  }
0x2b4: {  	(erf) = vpow2.f32 v6  }
0x2b5: {  	(erf) = vpow2.f32 v7;
	_ =	sdelay $0x7  }
0x2b6: {  	v6 =	vpop (erf)  }
0x2b7: {  	v7 =	vpop (erf)  }
0x2b8: {  	v22 =	vadd.f32 $1.000000000e+00, v6;
	v23 =	vadd.f32 $1.000000000e+00, v7;
	_ =	sdelay $0x1  }
0x2b9: {  	v8 =	vmul.f32 v23, v22;
	_ =	sdelay $0x1  }
0x2ba: {  	(erf) = vrcp.f32 v8;
	_ =	sdelay $0x4  }
0x2bb: {  	v6 =	vsub.f32 v6, v7;
	_ =	sdelay $0x1  }
0x2bc: {  	v6 =	vmul.f32 $2.000000000e+01, v6;
	_ =	sdelay $0x1  }
0x2bd: {  	v6 =	vand.u32 $0x7FFFFFFF, v6;
	v24 =	vpop (erf)  }
0x2be: {  	v6 =	vmul.f32 v24, v6;
	_ =	sdelay $0x1  }
0x2bf: {  	v6 =	vtrunc.f32 v6  }
0x2c0: {  	v6 =	vcvt.f32.s32 v6;
	_ =	sdelay $0x1  }
0x2c1: {  	v4 =	vsub.f32 v4, v5;
	vm7 =	vlt.s32 v6, $0x9  }
0x2c2: {  	v5 =	vnsel vm7, $0x9, v6  }
0x2c3: {  	v4 =	vand.u32 $0x7FFFFFFF, v4;
	v5 =	vshll.u32 v5, $0x4  }
0x2c4: {  	v25 =	vmul.f32 $2.500000000e+01, v4;
	vm8 =	vlt.s32 v6, $0xA;
	v26 =	vadd.s32 v3, v5  }
0x2c5: {  	v5 =	vor.u32 v0, v5  }
0x2c6: {  	v28 =	vadd.f32 $-9.999999770e-03, v4;
	v27 =	vmul.f32 v25, v4  }
0x2c7: {  	vm9 =	vlt.f32 v4, $1.999999960e-02  }
0x2c8: {  	v4 =	vsel vm9, v27, v28  }
0x2c9: {  	[tilespmem:v26+s13+$0x0] =	vst.idx.add.f32.msk $0xffff, v4  }
0x2ca: {  	[tilespmem:v5+s13+$0x0] =	vst.idx.add.f32.msk vm8, v2  }
0x2cb: {  	v4 =	vld [tilespmem:s20+$0x8060]  }
0x2cc: {  	v5 =	vld [tilespmem:s20+$0xC060];
	_ =	sdelay $0x3  }
0x2cd: {  	v29 =	vadd.f32 v4, v4  }
0x2ce: {  	v30 =	vadd.f32 v5, v5  }
0x2cf: {  	v6 =	vmin.f32 v29, $6.000000000e+01  }
0x2d0: {  	v7 =	vmin.f32 v30, $6.000000000e+01;
	v6 =	vmul.f32 $1.442695020e+00, v6  }
0x2d1: {  	v7 =	vmul.f32 $1.442695020e+00, v7  }
0x2d2: {  	(erf) = vpow2.f32 v6  }
0x2d3: {  	(erf) = vpow2.f32 v7;
	_ =	sdelay $0x7  }
0x2d4: {  	v6 =	vpop (erf)  }
0x2d5: {  	v7 =	vpop (erf)  }
0x2d6: {  	v31 =	vadd.f32 $1.000000000e+00, v6;
	v32 =	vadd.f32 $1.000000000e+00, v7;
	_ =	sdelay $0x1  }
0x2d7: {  	v8 =	vmul.f32 v32, v31;
	_ =	sdelay $0x1  }
0x2d8: {  	(erf) = vrcp.f32 v8;
	_ =	sdelay $0x4  }
0x2d9: {  	v6 =	vsub.f32 v6, v7;
	_ =	sdelay $0x1  }
0x2da: {  	v6 =	vmul.f32 $2.000000000e+01, v6;
	_ =	sdelay $0x1  }
0x2db: {  	v6 =	vand.u32 $0x7FFFFFFF, v6;
	v33 =	vpop (erf)  }
0x2dc: {  	v6 =	vmul.f32 v33, v6;
	_ =	sdelay $0x1  }
0x2dd: {  	v6 =	vtrunc.f32 v6  }
0x2de: {  	v6 =	vcvt.f32.s32 v6;
	_ =	sdelay $0x1  }
0x2df: {  	v4 =	vsub.f32 v4, v5;
	vm10 =	vlt.s32 v6, $0x9  }
0x2e0: {  	v5 =	vnsel vm10, $0x9, v6  }
0x2e1: {  	v4 =	vand.u32 $0x7FFFFFFF, v4;
	v5 =	vshll.u32 v5, $0x4  }
0x2e2: {  	v34 =	vmul.f32 $2.500000000e+01, v4;
	vm11 =	vlt.s32 v6, $0xA;
	v35 =	vadd.s32 v3, v5  }
0x2e3: {  	v5 =	vor.u32 v0, v5  }
0x2e4: {  	v37 =	vadd.f32 $-9.999999770e-03, v4;
	v36 =	vmul.f32 v34, v4  }
0x2e5: {  	vm12 =	vlt.f32 v4, $1.999999960e-02  }
0x2e6: {  	v4 =	vsel vm12, v36, v37  }
0x2e7: {  	[tilespmem:v35+s13+$0x0] =	vst.idx.add.f32.msk $0xffff, v4  }
0x2e8: {  	[tilespmem:v5+s13+$0x0] =	vst.idx.add.f32.msk vm11, v2  }
0x2e9: {  	v4 =	vld [tilespmem:s20+$0x8070]  }
0x2ea: {  	v5 =	vld [tilespmem:s20+$0xC070];
	_ =	sdelay $0x3  }
0x2eb: {  	v38 =	vadd.f32 v4, v4  }
0x2ec: {  	v39 =	vadd.f32 v5, v5  }
0x2ed: {  	v6 =	vmin.f32 v38, $6.000000000e+01  }
0x2ee: {  	v7 =	vmin.f32 v39, $6.000000000e+01;
	v6 =	vmul.f32 $1.442695020e+00, v6  }
0x2ef: {  	v7 =	vmul.f32 $1.442695020e+00, v7  }
0x2f0: {  	(erf) = vpow2.f32 v6  }
0x2f1: {  	(erf) = vpow2.f32 v7;
	_ =	sdelay $0x7  }
0x2f2: {  	v6 =	vpop (erf)  }
0x2f3: {  	v7 =	vpop (erf)  }
0x2f4: {  	v40 =	vadd.f32 $1.000000000e+00, v6;
	v41 =	vadd.f32 $1.000000000e+00, v7;
	_ =	sdelay $0x1  }
0x2f5: {  	v8 =	vmul.f32 v41, v40;
	_ =	sdelay $0x1  }
0x2f6: {  	(erf) = vrcp.f32 v8;
	_ =	sdelay $0x4  }
0x2f7: {  	v6 =	vsub.f32 v6, v7;
	_ =	sdelay $0x1  }
0x2f8: {  	v6 =	vmul.f32 $2.000000000e+01, v6;
	_ =	sdelay $0x1  }
0x2f9: {  	v6 =	vand.u32 $0x7FFFFFFF, v6;
	v42 =	vpop (erf)  }
0x2fa: {  	v6 =	vmul.f32 v42, v6;
	_ =	sdelay $0x1  }
0x2fb: {  	v6 =	vtrunc.f32 v6  }
0x2fc: {  	v6 =	vcvt.f32.s32 v6;
	_ =	sdelay $0x1  }
0x2fd: {  	v4 =	vsub.f32 v4, v5;
	vm13 =	vlt.s32 v6, $0x9  }
0x2fe: {  	v5 =	vnsel vm13, $0x9, v6  }
0x2ff: {  	v4 =	vand.u32 $0x7FFFFFFF, v4;
	v5 =	vshll.u32 v5, $0x4  }
0x300: {  	v43 =	vmul.f32 $2.500000000e+01, v4;
	vm14 =	vlt.s32 v6, $0xA;
	v44 =	vadd.s32 v3, v5  }
0x301: {  	v5 =	vor.u32 v0, v5  }
0x302: {  	v46 =	vadd.f32 $-9.999999770e-03, v4;
	v45 =	vmul.f32 v43, v4  }
0x303: {  	vm15 =	vlt.f32 v4, $1.999999960e-02  }
0x304: {  	v4 =	vsel vm15, v45, v46  }
0x305: {  	[tilespmem:v44+s13+$0x0] =	vst.idx.add.f32.msk $0xffff, v4  }
0x306: {  	[tilespmem:v5+s13+$0x0] =	vst.idx.add.f32.msk vm14, v2  }
0x307: {  	v4 =	vld [tilespmem:s20+$0x8080]  }
0x308: {  	v5 =	vld [tilespmem:s20+$0xC080];
	_ =	sdelay $0x3  }
0x309: {  	v47 =	vadd.f32 v4, v4  }
0x30a: {  	v48 =	vadd.f32 v5, v5  }
0x30b: {  	v6 =	vmin.f32 v47, $6.000000000e+01  }
0x30c: {  	v7 =	vmin.f32 v48, $6.000000000e+01;
	v6 =	vmul.f32 $1.442695020e+00, v6  }
0x30d: {  	v7 =	vmul.f32 $1.442695020e+00, v7  }
0x30e: {  	(erf) = vpow2.f32 v6  }
0x30f: {  	(erf) = vpow2.f32 v7;
	_ =	sdelay $0x7  }
0x310: {  	v6 =	vpop (erf)  }
0x311: {  	v7 =	vpop (erf)  }
0x312: {  	v49 =	vadd.f32 $1.000000000e+00, v6;
	v50 =	vadd.f32 $1.000000000e+00, v7;
	_ =	sdelay $0x1  }
0x313: {  	v8 =	vmul.f32 v50, v49;
	_ =	sdelay $0x1  }
0x314: {  	(erf) = vrcp.f32 v8;
	_ =	sdelay $0x4  }
0x315: {  	v6 =	vsub.f32 v6, v7;
	_ =	sdelay $0x1  }
0x316: {  	v6 =	vmul.f32 $2.000000000e+01, v6;
	_ =	sdelay $0x1  }
0x317: {  	v6 =	vand.u32 $0x7FFFFFFF, v6;
	v51 =	vpop (erf)  }
0x318: {  	v6 =	vmul.f32 v51, v6;
	_ =	sdelay $0x1  }
0x319: {  	v6 =	vtrunc.f32 v6  }
0x31a: {  	v6 =	vcvt.f32.s32 v6;
	_ =	sdelay $0x1  }
0x31b: {  	v4 =	vsub.f32 v4, v5;
	vm4 =	vlt.s32 v6, $0x9  }
0x31c: {  	v5 =	vnsel vm4, $0x9, v6  }
0x31d: {  	v4 =	vand.u32 $0x7FFFFFFF, v4;
	v5 =	vshll.u32 v5, $0x4  }
0x31e: {  	v52 =	vmul.f32 $2.500000000e+01, v4;
	vm5 =	vlt.s32 v6, $0xA;
	v53 =	vadd.s32 v3, v5  }
0x31f: {  	v5 =	vor.u32 v0, v5  }
0x320: {  	v55 =	vadd.f32 $-9.999999770e-03, v4;
	v54 =	vmul.f32 v52, v4  }
0x321: {  	vm6 =	vlt.f32 v4, $1.999999960e-02  }
0x322: {  	v4 =	vsel vm6, v54, v55  }
0x323: {  	[tilespmem:v53+s13+$0x0] =	vst.idx.add.f32.msk $0xffff, v4  }
0x324: {  	[tilespmem:v5+s13+$0x0] =	vst.idx.add.f32.msk vm5, v2  }
0x325: {  	v4 =	vld [tilespmem:s20+$0x8090]  }
0x326: {  	v5 =	vld [tilespmem:s20+$0xC090];
	_ =	sdelay $0x3  }
0x327: {  	v56 =	vadd.f32 v4, v4  }
0x328: {  	v57 =	vadd.f32 v5, v5  }
0x329: {  	v6 =	vmin.f32 v56, $6.000000000e+01  }
0x32a: {  	v7 =	vmin.f32 v57, $6.000000000e+01;
	v6 =	vmul.f32 $1.442695020e+00, v6  }
0x32b: {  	v7 =	vmul.f32 $1.442695020e+00, v7  }
0x32c: {  	(erf) = vpow2.f32 v6  }
0x32d: {  	(erf) = vpow2.f32 v7;
	_ =	sdelay $0x7  }
0x32e: {  	v6 =	vpop (erf)  }
0x32f: {  	v7 =	vpop (erf)  }
0x330: {  	v58 =	vadd.f32 $1.000000000e+00, v6;
	v59 =	vadd.f32 $1.000000000e+00, v7;
	_ =	sdelay $0x1  }
0x331: {  	v8 =	vmul.f32 v59, v58;
	_ =	sdelay $0x1  }
0x332: {  	(erf) = vrcp.f32 v8;
	_ =	sdelay $0x4  }
0x333: {  	v6 =	vsub.f32 v6, v7;
	_ =	sdelay $0x1  }
0x334: {  	v6 =	vmul.f32 $2.000000000e+01, v6;
	_ =	sdelay $0x1  }
0x335: {  	v6 =	vand.u32 $0x7FFFFFFF, v6;
	v60 =	vpop (erf)  }
0x336: {  	v6 =	vmul.f32 v60, v6;
	_ =	sdelay $0x1  }
0x337: {  	v6 =	vtrunc.f32 v6  }
0x338: {  	v6 =	vcvt.f32.s32 v6;
	_ =	sdelay $0x1  }
0x339: {  	v4 =	vsub.f32 v4, v5;
	vm7 =	vlt.s32 v6, $0x9  }
0x33a: {  	v5 =	vnsel vm7, $0x9, v6  }
0x33b: {  	v4 =	vand.u32 $0x7FFFFFFF, v4;
	v5 =	vshll.u32 v5, $0x4  }
0x33c: {  	v61 =	vmul.f32 $2.500000000e+01, v4;
	vm8 =	vlt.s32 v6, $0xA;
	v62 =	vadd.s32 v3, v5  }
0x33d: {  	v5 =	vor.u32 v0, v5  }
0x33e: {  	v9 =	vadd.f32 $-9.999999770e-03, v4;
	v63 =	vmul.f32 v61, v4  }
0x33f: {  	vm9 =	vlt.f32 v4, $1.999999960e-02  }
0x340: {  	v4 =	vsel vm9, v63, v9  }
0x341: {  	[tilespmem:v62+s13+$0x0] =	vst.idx.add.f32.msk $0xffff, v4  }
0x342: {  	[tilespmem:v5+s13+$0x0] =	vst.idx.add.f32.msk vm8, v2  }
0x343: {  	v4 =	vld [tilespmem:s20+$0x80A0]  }
0x344: {  	v5 =	vld [tilespmem:s20+$0xC0A0];
	_ =	sdelay $0x3  }
0x345: {  	v10 =	vadd.f32 v4, v4  }
0x346: {  	v11 =	vadd.f32 v5, v5  }
0x347: {  	v6 =	vmin.f32 v10, $6.000000000e+01  }
0x348: {  	v7 =	vmin.f32 v11, $6.000000000e+01;
	v6 =	vmul.f32 $1.442695020e+00, v6  }
0x349: {  	v7 =	vmul.f32 $1.442695020e+00, v7  }
0x34a: {  	(erf) = vpow2.f32 v6  }
0x34b: {  	(erf) = vpow2.f32 v7;
	_ =	sdelay $0x7  }
0x34c: {  	v6 =	vpop (erf)  }
0x34d: {  	v7 =	vpop (erf)  }
0x34e: {  	v12 =	vadd.f32 $1.000000000e+00, v6;
	v13 =	vadd.f32 $1.000000000e+00, v7;
	_ =	sdelay $0x1  }
0x34f: {  	v8 =	vmul.f32 v13, v12;
	_ =	sdelay $0x1  }
0x350: {  	(erf) = vrcp.f32 v8;
	_ =	sdelay $0x4  }
0x351: {  	v6 =	vsub.f32 v6, v7;
	_ =	sdelay $0x1  }
0x352: {  	v6 =	vmul.f32 $2.000000000e+01, v6;
	_ =	sdelay $0x1  }
0x353: {  	v6 =	vand.u32 $0x7FFFFFFF, v6;
	v14 =	vpop (erf)  }
0x354: {  	v6 =	vmul.f32 v14, v6;
	_ =	sdelay $0x1  }
0x355: {  	v6 =	vtrunc.f32 v6  }
0x356: {  	v6 =	vcvt.f32.s32 v6;
	_ =	sdelay $0x1  }
0x357: {  	v4 =	vsub.f32 v4, v5;
	vm10 =	vlt.s32 v6, $0x9  }
0x358: {  	v5 =	vnsel vm10, $0x9, v6  }
0x359: {  	v4 =	vand.u32 $0x7FFFFFFF, v4;
	v5 =	vshll.u32 v5, $0x4  }
0x35a: {  	v15 =	vmul.f32 $2.500000000e+01, v4;
	vm11 =	vlt.s32 v6, $0xA;
	v16 =	vadd.s32 v3, v5  }
0x35b: {  	v5 =	vor.u32 v0, v5  }
0x35c: {  	v18 =	vadd.f32 $-9.999999770e-03, v4;
	v17 =	vmul.f32 v15, v4  }
0x35d: {  	vm12 =	vlt.f32 v4, $1.999999960e-02  }
0x35e: {  	v4 =	vsel vm12, v17, v18  }
0x35f: {  	[tilespmem:v16+s13+$0x0] =	vst.idx.add.f32.msk $0xffff, v4  }
0x360: {  	[tilespmem:v5+s13+$0x0] =	vst.idx.add.f32.msk vm11, v2  }
0x361: {  	v4 =	vld [tilespmem:s20+$0x80B0]  }
0x362: {  	v5 =	vld [tilespmem:s20+$0xC0B0];
	_ =	sdelay $0x3  }
0x363: {  	v19 =	vadd.f32 v4, v4  }
0x364: {  	v20 =	vadd.f32 v5, v5  }
0x365: {  	v6 =	vmin.f32 v19, $6.000000000e+01  }
0x366: {  	v7 =	vmin.f32 v20, $6.000000000e+01;
	v6 =	vmul.f32 $1.442695020e+00, v6  }
0x367: {  	v7 =	vmul.f32 $1.442695020e+00, v7  }
0x368: {  	(erf) = vpow2.f32 v6  }
0x369: {  	(erf) = vpow2.f32 v7;
	_ =	sdelay $0x7  }
0x36a: {  	v6 =	vpop (erf)  }
0x36b: {  	v7 =	vpop (erf)  }
0x36c: {  	v21 =	vadd.f32 $1.000000000e+00, v6;
	v22 =	vadd.f32 $1.000000000e+00, v7;
	_ =	sdelay $0x1  }
0x36d: {  	v8 =	vmul.f32 v22, v21;
	_ =	sdelay $0x1  }
0x36e: {  	(erf) = vrcp.f32 v8;
	_ =	sdelay $0x4  }
0x36f: {  	v6 =	vsub.f32 v6, v7;
	_ =	sdelay $0x1  }
0x370: {  	v6 =	vmul.f32 $2.000000000e+01, v6;
	_ =	sdelay $0x1  }
0x371: {  	v6 =	vand.u32 $0x7FFFFFFF, v6;
	v23 =	vpop (erf)  }
0x372: {  	v6 =	vmul.f32 v23, v6;
	_ =	sdelay $0x1  }
0x373: {  	v6 =	vtrunc.f32 v6  }
0x374: {  	v6 =	vcvt.f32.s32 v6;
	_ =	sdelay $0x1  }
0x375: {  	v4 =	vsub.f32 v4, v5;
	vm13 =	vlt.s32 v6, $0x9  }
0x376: {  	v5 =	vnsel vm13, $0x9, v6  }
0x377: {  	v4 =	vand.u32 $0x7FFFFFFF, v4;
	v5 =	vshll.u32 v5, $0x4  }
0x378: {  	v24 =	vmul.f32 $2.500000000e+01, v4;
	vm14 =	vlt.s32 v6, $0xA;
	v25 =	vadd.s32 v3, v5  }
0x379: {  	v5 =	vor.u32 v0, v5  }
0x37a: {  	v27 =	vadd.f32 $-9.999999770e-03, v4;
	v26 =	vmul.f32 v24, v4  }
0x37b: {  	vm15 =	vlt.f32 v4, $1.999999960e-02  }
0x37c: {  	v4 =	vsel vm15, v26, v27  }
0x37d: {  	[tilespmem:v25+s13+$0x0] =	vst.idx.add.f32.msk $0xffff, v4  }
0x37e: {  	[tilespmem:v5+s13+$0x0] =	vst.idx.add.f32.msk vm14, v2  }
0x37f: {  	v4 =	vld [tilespmem:s20+$0x80C0]  }
0x380: {  	v5 =	vld [tilespmem:s20+$0xC0C0];
	_ =	sdelay $0x3  }
0x381: {  	v28 =	vadd.f32 v4, v4  }
0x382: {  	v29 =	vadd.f32 v5, v5  }
0x383: {  	v6 =	vmin.f32 v28, $6.000000000e+01  }
0x384: {  	v7 =	vmin.f32 v29, $6.000000000e+01;
	v6 =	vmul.f32 $1.442695020e+00, v6  }
0x385: {  	v7 =	vmul.f32 $1.442695020e+00, v7  }
0x386: {  	(erf) = vpow2.f32 v6  }
0x387: {  	(erf) = vpow2.f32 v7;
	_ =	sdelay $0x7  }
0x388: {  	v6 =	vpop (erf)  }
0x389: {  	v7 =	vpop (erf)  }
0x38a: {  	v30 =	vadd.f32 $1.000000000e+00, v6;
	v31 =	vadd.f32 $1.000000000e+00, v7;
	_ =	sdelay $0x1  }
0x38b: {  	v8 =	vmul.f32 v31, v30;
	_ =	sdelay $0x1  }
0x38c: {  	(erf) = vrcp.f32 v8;
	_ =	sdelay $0x4  }
0x38d: {  	v6 =	vsub.f32 v6, v7;
	_ =	sdelay $0x1  }
0x38e: {  	v6 =	vmul.f32 $2.000000000e+01, v6;
	_ =	sdelay $0x1  }
0x38f: {  	v6 =	vand.u32 $0x7FFFFFFF, v6;
	v32 =	vpop (erf)  }
0x390: {  	v6 =	vmul.f32 v32, v6;
	_ =	sdelay $0x1  }
0x391: {  	v6 =	vtrunc.f32 v6  }
0x392: {  	v6 =	vcvt.f32.s32 v6;
	_ =	sdelay $0x1  }
0x393: {  	v4 =	vsub.f32 v4, v5;
	vm4 =	vlt.s32 v6, $0x9  }
0x394: {  	v5 =	vnsel vm4, $0x9, v6  }
0x395: {  	v4 =	vand.u32 $0x7FFFFFFF, v4;
	v5 =	vshll.u32 v5, $0x4  }
0x396: {  	v33 =	vmul.f32 $2.500000000e+01, v4;
	vm5 =	vlt.s32 v6, $0xA;
	v34 =	vadd.s32 v3, v5  }
0x397: {  	v5 =	vor.u32 v0, v5  }
0x398: {  	v36 =	vadd.f32 $-9.999999770e-03, v4;
	v35 =	vmul.f32 v33, v4  }
0x399: {  	vm6 =	vlt.f32 v4, $1.999999960e-02  }
0x39a: {  	v4 =	vsel vm6, v35, v36  }
0x39b: {  	[tilespmem:v34+s13+$0x0] =	vst.idx.add.f32.msk $0xffff, v4  }
0x39c: {  	[tilespmem:v5+s13+$0x0] =	vst.idx.add.f32.msk vm5, v2  }
0x39d: {  	v4 =	vld [tilespmem:s20+$0x80D0]  }
0x39e: {  	v5 =	vld [tilespmem:s20+$0xC0D0];
	_ =	sdelay $0x3  }
0x39f: {  	v37 =	vadd.f32 v4, v4  }
0x3a0: {  	v38 =	vadd.f32 v5, v5  }
0x3a1: {  	v6 =	vmin.f32 v37, $6.000000000e+01  }
0x3a2: {  	v7 =	vmin.f32 v38, $6.000000000e+01;
	v6 =	vmul.f32 $1.442695020e+00, v6  }
0x3a3: {  	v7 =	vmul.f32 $1.442695020e+00, v7  }
0x3a4: {  	(erf) = vpow2.f32 v6  }
0x3a5: {  	(erf) = vpow2.f32 v7;
	_ =	sdelay $0x7  }
0x3a6: {  	v6 =	vpop (erf)  }
0x3a7: {  	v7 =	vpop (erf)  }
0x3a8: {  	v39 =	vadd.f32 $1.000000000e+00, v6;
	v40 =	vadd.f32 $1.000000000e+00, v7;
	_ =	sdelay $0x1  }
0x3a9: {  	v8 =	vmul.f32 v40, v39;
	_ =	sdelay $0x1  }
0x3aa: {  	(erf) = vrcp.f32 v8;
	_ =	sdelay $0x4  }
0x3ab: {  	v6 =	vsub.f32 v6, v7;
	_ =	sdelay $0x1  }
0x3ac: {  	v6 =	vmul.f32 $2.000000000e+01, v6;
	_ =	sdelay $0x1  }
0x3ad: {  	v6 =	vand.u32 $0x7FFFFFFF, v6;
	v41 =	vpop (erf)  }
0x3ae: {  	v6 =	vmul.f32 v41, v6;
	_ =	sdelay $0x1  }
0x3af: {  	v6 =	vtrunc.f32 v6  }
0x3b0: {  	v6 =	vcvt.f32.s32 v6;
	_ =	sdelay $0x1  }
0x3b1: {  	v4 =	vsub.f32 v4, v5;
	vm7 =	vlt.s32 v6, $0x9  }
0x3b2: {  	v5 =	vnsel vm7, $0x9, v6  }
0x3b3: {  	v4 =	vand.u32 $0x7FFFFFFF, v4;
	v5 =	vshll.u32 v5, $0x4  }
0x3b4: {  	v42 =	vmul.f32 $2.500000000e+01, v4;
	vm8 =	vlt.s32 v6, $0xA;
	v43 =	vadd.s32 v3, v5  }
0x3b5: {  	v5 =	vor.u32 v0, v5  }
0x3b6: {  	v45 =	vadd.f32 $-9.999999770e-03, v4;
	v44 =	vmul.f32 v42, v4  }
0x3b7: {  	vm9 =	vlt.f32 v4, $1.999999960e-02  }
0x3b8: {  	v4 =	vsel vm9, v44, v45  }
0x3b9: {  	[tilespmem:v43+s13+$0x0] =	vst.idx.add.f32.msk $0xffff, v4  }
0x3ba: {  	[tilespmem:v5+s13+$0x0] =	vst.idx.add.f32.msk vm8, v2  }
0x3bb: {  	v4 =	vld [tilespmem:s20+$0x80E0]  }
0x3bc: {  	v5 =	vld [tilespmem:s20+$0xC0E0];
	_ =	sdelay $0x3  }
0x3bd: {  	v46 =	vadd.f32 v4, v4  }
0x3be: {  	v47 =	vadd.f32 v5, v5  }
0x3bf: {  	v6 =	vmin.f32 v46, $6.000000000e+01  }
0x3c0: {  	v7 =	vmin.f32 v47, $6.000000000e+01;
	v6 =	vmul.f32 $1.442695020e+00, v6  }
0x3c1: {  	v7 =	vmul.f32 $1.442695020e+00, v7  }
0x3c2: {  	(erf) = vpow2.f32 v6  }
0x3c3: {  	(erf) = vpow2.f32 v7;
	_ =	sdelay $0x7  }
0x3c4: {  	v6 =	vpop (erf)  }
0x3c5: {  	v7 =	vpop (erf)  }
0x3c6: {  	v48 =	vadd.f32 $1.000000000e+00, v6;
	v49 =	vadd.f32 $1.000000000e+00, v7;
	_ =	sdelay $0x1  }
0x3c7: {  	v8 =	vmul.f32 v49, v48;
	_ =	sdelay $0x1  }
0x3c8: {  	(erf) = vrcp.f32 v8;
	_ =	sdelay $0x4  }
0x3c9: {  	v6 =	vsub.f32 v6, v7;
	_ =	sdelay $0x1  }
0x3ca: {  	v6 =	vmul.f32 $2.000000000e+01, v6;
	_ =	sdelay $0x1  }
0x3cb: {  	v6 =	vand.u32 $0x7FFFFFFF, v6;
	v50 =	vpop (erf)  }
0x3cc: {  	v6 =	vmul.f32 v50, v6;
	_ =	sdelay $0x1  }
0x3cd: {  	v6 =	vtrunc.f32 v6  }
0x3ce: {  	v6 =	vcvt.f32.s32 v6;
	_ =	sdelay $0x1  }
0x3cf: {  	v4 =	vsub.f32 v4, v5;
	vm10 =	vlt.s32 v6, $0x9  }
0x3d0: {  	v5 =	vnsel vm10, $0x9, v6  }
0x3d1: {  	v4 =	vand.u32 $0x7FFFFFFF, v4;
	v5 =	vshll.u32 v5, $0x4  }
0x3d2: {  	v51 =	vmul.f32 $2.500000000e+01, v4;
	vm11 =	vlt.s32 v6, $0xA;
	v52 =	vadd.s32 v3, v5  }
0x3d3: {  	v5 =	vor.u32 v0, v5  }
0x3d4: {  	v54 =	vadd.f32 $-9.999999770e-03, v4;
	v53 =	vmul.f32 v51, v4  }
0x3d5: {  	vm12 =	vlt.f32 v4, $1.999999960e-02  }
0x3d6: {  	v4 =	vsel vm12, v53, v54  }
0x3d7: {  	[tilespmem:v52+s13+$0x0] =	vst.idx.add.f32.msk $0xffff, v4  }
0x3d8: {  	[tilespmem:v5+s13+$0x0] =	vst.idx.add.f32.msk vm11, v2  }
0x3d9: {  	v4 =	vld [tilespmem:s20+$0x80F0]  }
0x3da: {  	v5 =	vld [tilespmem:s20+$0xC0F0];
	_ =	sdelay $0x3  }
0x3db: {  	v55 =	vadd.f32 v4, v4  }
0x3dc: {  	v56 =	vadd.f32 v5, v5  }
0x3dd: {  	v6 =	vmin.f32 v55, $6.000000000e+01  }
0x3de: {  	v7 =	vmin.f32 v56, $6.000000000e+01;
	v6 =	vmul.f32 $1.442695020e+00, v6  }
0x3df: {  	v7 =	vmul.f32 $1.442695020e+00, v7  }
0x3e0: {  	(erf) = vpow2.f32 v6  }
0x3e1: {  	(erf) = vpow2.f32 v7;
	_ =	sdelay $0x7  }
0x3e2: {  	v6 =	vpop (erf)  }
0x3e3: {  	v7 =	vpop (erf)  }
0x3e4: {  	v57 =	vadd.f32 $1.000000000e+00, v6;
	v58 =	vadd.f32 $1.000000000e+00, v7;
	_ =	sdelay $0x1  }
0x3e5: {  	v8 =	vmul.f32 v58, v57;
	_ =	sdelay $0x1  }
0x3e6: {  	(erf) = vrcp.f32 v8;
	_ =	sdelay $0x4  }
0x3e7: {  	v6 =	vsub.f32 v6, v7;
	_ =	sdelay $0x1  }
0x3e8: {  	v6 =	vmul.f32 $2.000000000e+01, v6;
	_ =	sdelay $0x1  }
0x3e9: {  	v6 =	vand.u32 $0x7FFFFFFF, v6;
	v59 =	vpop (erf)  }
0x3ea: {  	v6 =	vmul.f32 v59, v6;
	_ =	sdelay $0x1  }
0x3eb: {  	v6 =	vtrunc.f32 v6  }
0x3ec: {  	v6 =	vcvt.f32.s32 v6;
	_ =	sdelay $0x1  }
0x3ed: {  	v4 =	vsub.f32 v4, v5;
	vm13 =	vlt.s32 v6, $0x9  }
0x3ee: {  	v5 =	vnsel vm13, $0x9, v6  }
0x3ef: {  	v4 =	vand.u32 $0x7FFFFFFF, v4;
	v5 =	vshll.u32 v5, $0x4  }
0x3f0: {  	v60 =	vmul.f32 $2.500000000e+01, v4;
	vm14 =	vlt.s32 v6, $0xA;
	v61 =	vadd.s32 v3, v5  }
0x3f1: {  	p0 =	sne.s32 s19, $0xFC00;
	v5 =	vor.u32 v0, v5  }
.Ltmp1:
0x3f2: {  	v63 =	vadd.f32 $-9.999999770e-03, v4;
	v62 =	vmul.f32 v60, v4;
	(pc) =	sbr.rel @p0 .LBB2_4-.Ltmp1, $4  }
0x3f3: {  	vm15 =	vlt.f32 v4, $1.999999960e-02  }
0x3f4: {  	v4 =	vsel vm15, v62, v63  }
0x3f5: {  	[tilespmem:v61+s13+$0x0] =	vst.idx.add.f32.msk $0xffff, v4  }
0x3f6: {  	s19 =	sadd.s32 $0x400, s19;
	[tilespmem:v5+s13+$0x0] =	vst.idx.add.f32.msk vm14, v2  }
0x3f7: {  	s18 =	sadd.s32 $0x1, s18  }
0x3f8: {  	p0 =	sne.s32 s18, s8  }
.Ltmp2:
0x3f9: {  	_ = 	snop;
	(pc) =	sbr.rel @p0 .LBB2_1-.Ltmp2, $4  }
0x3fa: {  	[hbm4b:s7+s15] =	stream.strided.scatter [tilespmem:s13], [sflag:$0x3], $0x180, s16, s15, $0x38;
	[tilespmem:$0x10180] =	vst v63  }
0x3fb: {  	_ =	swait.ge [sflag:s17], $0x180  }
0x3fc: {  	[sflag:s17] =	ssyncset.done $0x0  }
0x3fd: {  	[sflag:s17] =	ssyncadd.s32 $0xFFFFFE80  }
0x3fe: {  	_ =	sfence.sel $0x180000  }
0x3ff: {  	[bflag:$0x0] =	sbarrier.arrive $0xFFFF  }
0x400: {  	p0 =	sne.s32 s0, $0x0;
	_ =	strace $0x90000047  }
0x401: {  	s0 =	sadd.s32 @!p0 $0x100000, s1;
	[bflag:$0x2] =	sbarrier.arrive $0xFFFF  }
0x402: {  	[sflag:s0] =	ssyncadd.tile.s32 @!p0 $0x1;
	_ =	shalt  }
.Lfunc_end2:
_tile_overlayer_lowered:
.L_overlay_start_2:
0x403: {  	(tag) =	ssettag $0x2  }
0x404: {  	s0 =	rddreg [dreg:$0x0];
	s2 =	stileid.u32  }
0x405: {  	s1 =	rddreg [dreg:$0x1];
	p0 =	sne.s32 s2, $0x0  }
0x406: {  	s3 =	rddreg [dreg:$0x2];
	[bflag:$0x3] =	sbarrier.arrive $0xFFFF;
	s2 =	simm.s32 @!p0 $0x1C03  }
0x407: {  	[timem:s3], [sflag:s2] =	dma.local @!p0 [hbm:s0], s1  }
0x408: {  	s0 =	simm.s32 @!p0 $0x3  }
0x409: {  	_ =	swait.ge @!p0 [sflag:s0], s1  }
0x40a: {  	s1 =	ssub.s32 @!p0 $0x0, s1;
	[sflag:s0] =	ssyncset.done @!p0 $0x0  }
0x40b: {  	[sflag:s0] =	ssyncadd.s32 @!p0 s1  }
0x40c: {  	[bflag:$0x3] =	sbarrier.arrive $0xFFFF  }
0x40d: {  	_ =	shalt  }

</sc_bundles>
